<compile_context>
chip_gen: v7x
topology: tpu7x:2x2x1
jax: 0.10.2.dev20260603
libtpu: 0.0.44.dev20260713+nightly
codegen_flags: <defaults>
</compile_context>

<pallas_src>
import functools

import jax
import jax.numpy as jnp
from jax import lax
from jax.experimental import pallas as pl
from jax.experimental.pallas import tpu as pltpu
from jax.experimental.pallas import tpu_sc as plsc

N = 10000
E = 320000
INC = 128
OUTC = 128
K = 27
EPS = 1e-5

NC = 2
NS = 16
HALF = OUTC // NC
EPT = E // NS
CHUNK = 80
NCHUNK = EPT // CHUNK
NPASS = 2
NCHUNK_P = NCHUNK // NPASS
ACC_N = 10240
ROWS_PER_TILE = ACC_N // NS

GROUP = 5
NGROUP = NCHUNK_P // GROUP
NPAIR = (NGROUP - 2) // 2


def _xw_body(x_ref, w_ref, o_ref):
    o_ref[0] = jnp.dot(x_ref[...], w_ref[0], preferred_element_type=jnp.float32)


def _xw(x, W):
    return pl.pallas_call(
        _xw_body,
        grid=(K,),
        in_specs=[
            pl.BlockSpec((N, INC), lambda k: (0, 0)),
            pl.BlockSpec((1, INC, OUTC), lambda k: (k, 0, 0)),
        ],
        out_specs=pl.BlockSpec((1, N, OUTC), lambda k: (k, 0, 0)),
        out_shape=jax.ShapeDtypeStruct((K, N, OUTC), jnp.float32),
    )(x, W)


def _sc_body(table, gidx_h, dst_h, out_h, idx2, dst2, rows, acc, sem_g, sem_s):
    cid = lax.axis_index("c")
    sid = lax.axis_index("s")

    def _zero_row(r, _):
        for c in range(HALF // 16):
            rows[0, r, pl.ds(c * 16, 16)] = jnp.zeros((16,), jnp.float32)
        return 0

    lax.fori_loop(0, CHUNK, _zero_row, 0)
    for j in range(ROWS_PER_TILE // CHUNK):
        pltpu.sync_copy(
            rows.at[0], acc.at[pl.ds(sid * ROWS_PER_TILE + j * CHUNK, CHUNK), :]
        )
    plsc.subcore_barrier()

    def _fire_g(gi, bank):
        for b in range(GROUP):
            c = gi * GROUP + b
            pltpu.make_async_copy(table.at[idx2.at[c]], rows.at[bank * GROUP + b], sem_g).start()

    def _drain_g(gi, bank):
        for b in range(GROUP):
            c = gi * GROUP + b
            pltpu.make_async_copy(table.at[idx2.at[c]], rows.at[bank * GROUP + b], sem_g).wait()

    def _fire_s(gi, bank):
        for b in range(GROUP):
            c = gi * GROUP + b
            pltpu.async_copy(rows.at[bank * GROUP + b], acc.at[dst2.at[c]], sem_s, add=True)

    def _drain_s(gi, bank):
        for b in range(GROUP):
            c = gi * GROUP + b
            pltpu.make_async_copy(rows.at[bank * GROUP + b], acc.at[dst2.at[c]], sem_s).wait()

    def _pair(i, _):
        gi = 2 * i + 1
        _drain_g(gi, 1)
        _fire_s(gi, 1)
        _drain_s(gi - 1, 0)
        _fire_g(gi + 1, 0)
        gi2 = 2 * i + 2
        _drain_g(gi2, 0)
        _fire_s(gi2, 0)
        _drain_s(gi2 - 1, 1)
        _fire_g(gi2 + 1, 1)
        return 0

    for h in range(NPASS):
        pltpu.sync_copy(gidx_h.at[cid, sid, h], idx2)
        pltpu.sync_copy(dst_h.at[sid, h], dst2)

        _fire_g(0, 0)
        _drain_g(0, 0)
        _fire_s(0, 0)
        _fire_g(1, 1)

        lax.fori_loop(0, NPAIR, _pair, 0)

        for gi in range(2 * NPAIR + 1, NGROUP):
            p = gi % 2
            _drain_g(gi, p)
            _fire_s(gi, p)
            _drain_s(gi - 1, 1 - p)
            if gi + 1 < NGROUP:
                _fire_g(gi + 1, 1 - p)
        _drain_s(NGROUP - 1, (NGROUP - 1) % 2)

    plsc.subcore_barrier()

    for j in range(ROWS_PER_TILE // CHUNK):
        r0 = sid * ROWS_PER_TILE + j * CHUNK
        pltpu.sync_copy(acc.at[pl.ds(r0, CHUNK), :], out_h.at[cid, pl.ds(r0, CHUNK), :])


def _sc_scatter(table, gidx, dst):
    mesh = plsc.VectorSubcoreMesh(core_axis_name="c", subcore_axis_name="s")
    f = functools.partial(
        pl.kernel,
        mesh=mesh,
        compiler_params=pltpu.CompilerParams(use_tc_tiling_on_sc=False),
        out_type=jax.ShapeDtypeStruct((NC, ACC_N, HALF), jnp.float32),
        scratch_types=[
            pltpu.VMEM((NCHUNK_P, CHUNK), jnp.int32),
            pltpu.VMEM((NCHUNK_P, CHUNK), jnp.int32),
            pltpu.VMEM((2 * GROUP, CHUNK, HALF), jnp.float32),
            pltpu.VMEM_SHARED((ACC_N, HALF), jnp.float32),
            pltpu.SemaphoreType.DMA,
            pltpu.SemaphoreType.DMA,
        ],
    )(_sc_body)
    return f(table, gidx, dst)


def _bn_body(p_ref, g_ref, b_ref, o_ref):
    s = jnp.concatenate([p_ref[0], p_ref[1]], axis=1)
    mean = jnp.mean(s, axis=0, keepdims=True)
    d = s - mean
    var = jnp.mean(d * d, axis=0, keepdims=True)
    y = d * lax.rsqrt(var + EPS) * g_ref[...] + b_ref[...]
    o_ref[...] = jnp.maximum(y, 0.0)


def _bn(partials, gamma, beta):
    return pl.pallas_call(
        _bn_body,
        grid=(1,),
        in_specs=[
            pl.BlockSpec((NC, N, HALF), lambda i: (0, 0, 0)),
            pl.BlockSpec((1, OUTC), lambda i: (0, 0)),
            pl.BlockSpec((1, OUTC), lambda i: (0, 0)),
        ],
        out_specs=pl.BlockSpec((N, OUTC), lambda i: (0, 0)),
        out_shape=jax.ShapeDtypeStruct((N, OUTC), jnp.float32),
    )(partials, gamma, beta)


def kernel(x, edge_index, kernel_idx, W, gamma, beta):
    src = edge_index[0]
    dst = edge_index[1]
    gidx = kernel_idx.astype(jnp.int32) * N + src
    gidx2 = jnp.stack([2 * gidx, 2 * gidx + 1]).reshape(NC, NS, NPASS, NCHUNK_P, CHUNK)
    dst4 = dst.reshape(NS, NPASS, NCHUNK_P, CHUNK)
    xw = _xw(x, W)
    table = xw.reshape(K * N * NC, HALF)
    partials = _sc_scatter(table, gidx2, dst4)
    return _bn(partials, gamma.reshape(1, OUTC), beta.reshape(1, OUTC))

# --- scband reference (transcript-rebuilt; emitter-appended) ---
"""Pipeline reference for scband-basic-deconvolution-block-257698038140 (READ-ONLY COPY).

The authoritative reference and input builder live on the scoring server;
editing this copy changes nothing except your own understanding.
"""

import jax, jax.numpy as jnp
import numpy as np

N = 10000
E = 320000
INC = 128
OUTC = 128
K = 27  # 3x3x3 kernel volume
EPS = 1e-5


def setup_inputs(seed: int = 0) -> dict:
    key = jax.random.key(seed)
    k1, k2, k3, k4, k5, k6 = jax.random.split(key, 6)
    x = jax.random.normal(k1, (N, INC), dtype=jnp.float32)
    edge_index = jax.random.randint(k2, (2, E), 0, N, dtype=jnp.int32)
    kernel_idx = jax.random.randint(k3, (E,), 0, K, dtype=jnp.int32)
    # spnn.Conv3d(transposed=True) weight: one [INC, OUTC] matrix per kernel offset
    W = jax.random.normal(k4, (K, INC, OUTC), dtype=jnp.float32) * (1.0 / np.sqrt(INC * K))
    # spnn.BatchNorm(outc) affine params
    gamma = jnp.ones((OUTC,), dtype=jnp.float32)
    beta = jnp.zeros((OUTC,), dtype=jnp.float32)
    return {"x": x, "edge_index": edge_index, "kernel_idx": kernel_idx,
            "W": W, "gamma": gamma, "beta": beta}


def reference(x, edge_index, kernel_idx, W, gamma, beta):
    # Sparse transposed conv3d as kernel-mapped gather/scatter message passing:
    # for each edge e with kernel offset k(e): out[dst(e)] += x[src(e)] @ W[k(e)]
    src = edge_index[0]
    dst = edge_index[1]
    # transform features with every kernel matrix: [K, N, OUTC]
    xW = jnp.einsum('nd,kdo->kno', x, W)
    # per-edge gather selecting (kernel offset, source node)
    msg = xW[kernel_idx, src]  # [E, OUTC]
    # scatter-add into output nodes
    out = jax.ops.segment_sum(msg, dst, num_segments=N)  # [N, OUTC]
    # BatchNorm over the node (batch) dimension, training-mode statistics
    mean = jnp.mean(out, axis=0)
    var = jnp.var(out, axis=0)
    y = (out - mean) / jnp.sqrt(var + EPS) * gamma + beta
    # ReLU
    return jax.nn.relu(y)

if __name__ == "__main__":
    import jax
    _d = setup_inputs()
    print(jax.jit(kernel)(*tuple(_d.values())))

</pallas_src>

<mosaic_0001>
#map = affine_map<(d0, d1) -> (0, 0)>
#map1 = affine_map<(d0, d1) -> (0, 0, 0, 0, 0)>
#map2 = affine_map<(d0, d1) -> (0, 0, 0, 0)>
#map3 = affine_map<(d0, d1) -> (0, 0, 0)>
module attributes {stable_mosaic.version = 14 : i64} {
  func.func @_sc_body(%arg0: i32, %arg1: i32, %arg2: memref<540000x64xf32, #tpu.memory_space<hbm>>, %arg3: memref<2x16x2x125x80xi32, #tpu.memory_space<hbm>>, %arg4: memref<16x2x125x80xi32, #tpu.memory_space<hbm>>, %arg5: memref<2x10240x64xf32, #tpu.memory_space<hbm>>, %arg6: memref<125x80xi32, #tpu.memory_space<vmem>>, %arg7: memref<125x80xi32, #tpu.memory_space<vmem>>, %arg8: memref<10x80x64xf32, #tpu.memory_space<vmem>>, %arg9: memref<10240x64xf32, #tpu.memory_space<vmem_shared>>, %arg10: memref<!tpu.dma_semaphore, #tpu.memory_space<semaphore_mem>>, %arg11: memref<!tpu.dma_semaphore, #tpu.memory_space<semaphore_mem>>) attributes {dimension_semantics = [#tpu.dimension_semantics<core_parallel>, #tpu.dimension_semantics<subcore_parallel>], iteration_bounds = array<i64: 2, 16>, scalar_prefetch = 0 : i64, scratch_operands = 6 : i64, tpu.core_type = #tpu.core_type<sc_vector_subcore>, window_params = [{transform_indices = #map}, {transform_indices = #map1}, {transform_indices = #map2}, {transform_indices = #map3}]} {
    %scan3A = arith.constant 0 : i32
    %scan3A_0 = arith.constant 0 : i32
    %scan3A_1 = arith.constant 80 : i32
    %scan3A_2 = arith.addi %scan3A_0, %scan3A_1 : i32
    %scan3A_3 = arith.constant 1 : i32
    %scan3A_4 = scf.for %scan3A_1532 = %scan3A_0 to %scan3A_2 step %scan3A_3 iter_args(%scan3A_1533 = %scan3A) -> (i32)  : i32 {
      %broadcast_in_dim3A = arith.constant 0.000000e+00 : f32
      %broadcast_in_dim3A_1534 = vector.broadcast %broadcast_in_dim3A : f32 to vector<16xf32>
      %swap3A = arith.constant 0 : i32
      %swap3A_1535 = arith.index_cast %swap3A : i32 to index
      %swap3A_1536 = arith.index_cast %scan3A_1532 : i32 to index
      %swap3A_1537 = arith.constant 0 : index
      %swap3A_1538 = tpu.vector_load %arg8[%swap3A_1535, %swap3A_1536, %swap3A_1537] {strides = array<i32>} : memref<10x80x64xf32, #tpu.memory_space<vmem>>, vector<1x1x16xf32>,
      %swap3A_1539 = vector.shape_cast %swap3A_1538 : vector<1x1x16xf32> to vector<16xf32>
      %swap3A_1540 = vector.shape_cast %broadcast_in_dim3A_1534 : vector<16xf32> to vector<1x1x16xf32>
      tpu.vector_store %arg8[%swap3A_1535, %swap3A_1536, %swap3A_1537], %swap3A_1540 {strides = array<i32>} : memref<10x80x64xf32, #tpu.memory_space<vmem>>, vector<1x1x16xf32>,
      %broadcast_in_dim3A_1541 = arith.constant 0.000000e+00 : f32
      %broadcast_in_dim3A_1542 = vector.broadcast %broadcast_in_dim3A_1541 : f32 to vector<16xf32>
      %swap3A_1543 = arith.constant 0 : i32
      %swap3A_1544 = arith.index_cast %swap3A_1543 : i32 to index
      %swap3A_1545 = arith.index_cast %scan3A_1532 : i32 to index
      %swap3A_1546 = arith.constant 16 : index
      %swap3A_1547 = tpu.vector_load %arg8[%swap3A_1544, %swap3A_1545, %swap3A_1546] {strides = array<i32>} : memref<10x80x64xf32, #tpu.memory_space<vmem>>, vector<1x1x16xf32>,
      %swap3A_1548 = vector.shape_cast %swap3A_1547 : vector<1x1x16xf32> to vector<16xf32>
      %swap3A_1549 = vector.shape_cast %broadcast_in_dim3A_1542 : vector<16xf32> to vector<1x1x16xf32>
      tpu.vector_store %arg8[%swap3A_1544, %swap3A_1545, %swap3A_1546], %swap3A_1549 {strides = array<i32>} : memref<10x80x64xf32, #tpu.memory_space<vmem>>, vector<1x1x16xf32>,
      %broadcast_in_dim3A_1550 = arith.constant 0.000000e+00 : f32
      %broadcast_in_dim3A_1551 = vector.broadcast %broadcast_in_dim3A_1550 : f32 to vector<16xf32>
      %swap3A_1552 = arith.constant 0 : i32
      %swap3A_1553 = arith.index_cast %swap3A_1552 : i32 to index
      %swap3A_1554 = arith.index_cast %scan3A_1532 : i32 to index
      %swap3A_1555 = arith.constant 32 : index
      %swap3A_1556 = tpu.vector_load %arg8[%swap3A_1553, %swap3A_1554, %swap3A_1555] {strides = array<i32>} : memref<10x80x64xf32, #tpu.memory_space<vmem>>, vector<1x1x16xf32>,
      %swap3A_1557 = vector.shape_cast %swap3A_1556 : vector<1x1x16xf32> to vector<16xf32>
      %swap3A_1558 = vector.shape_cast %broadcast_in_dim3A_1551 : vector<16xf32> to vector<1x1x16xf32>
      tpu.vector_store %arg8[%swap3A_1553, %swap3A_1554, %swap3A_1555], %swap3A_1558 {strides = array<i32>} : memref<10x80x64xf32, #tpu.memory_space<vmem>>, vector<1x1x16xf32>,
      %broadcast_in_dim3A_1559 = arith.constant 0.000000e+00 : f32
      %broadcast_in_dim3A_1560 = vector.broadcast %broadcast_in_dim3A_1559 : f32 to vector<16xf32>
      %swap3A_1561 = arith.constant 0 : i32
      %swap3A_1562 = arith.index_cast %swap3A_1561 : i32 to index
      %swap3A_1563 = arith.index_cast %scan3A_1532 : i32 to index
      %swap3A_1564 = arith.constant 48 : index
      %swap3A_1565 = tpu.vector_load %arg8[%swap3A_1562, %swap3A_1563, %swap3A_1564] {strides = array<i32>} : memref<10x80x64xf32, #tpu.memory_space<vmem>>, vector<1x1x16xf32>,
      %swap3A_1566 = vector.shape_cast %swap3A_1565 : vector<1x1x16xf32> to vector<16xf32>
      %swap3A_1567 = vector.shape_cast %broadcast_in_dim3A_1560 : vector<16xf32> to vector<1x1x16xf32>
      tpu.vector_store %arg8[%swap3A_1562, %swap3A_1563, %swap3A_1564], %swap3A_1567 {strides = array<i32>} : memref<10x80x64xf32, #tpu.memory_space<vmem>>, vector<1x1x16xf32>,
      %scan3A_1568 = arith.constant 0 : i32
      scf.yield %scan3A_1568 : i32
    }
    %scan3A_5 = arith.constant 80 : i32
    %mul3A = arith.constant 640 : i32
    %mul3A_6 = arith.muli %arg1, %mul3A : i32
    %add3A = arith.constant 0 : i32
    %add3A_7 = arith.addi %mul3A_6, %add3A : i32
    %run_scoped3A = arith.constant 0 : i32
    "tpu.region"() ({
      %run_scoped3A_1532 = tpu.sem_alloc : memref<!tpu.dma_semaphore, #tpu.memory_space<semaphore_mem>>
      %dma_start3A_1533 = arith.constant 0 : i32
      %dma_start3A_1534 = arith.constant 0 : i32
      %dma_start3A_1535 = tpu.memref_slice %arg8[%run_scoped3A, %dma_start3A_1533, %dma_start3A_1534] : memref<10x80x64xf32, #tpu.memory_space<vmem>> -> memref<1x80x64xf32, #tpu.memory_space<vmem>>
      %dma_start3A_1536 = tpu.memref_squeeze %dma_start3A_1535 : memref<1x80x64xf32, #tpu.memory_space<vmem>> -> memref<80x64xf32, #tpu.memory_space<vmem>>
      %dma_start3A_1537 = arith.constant 0 : i32
      %dma_start3A_1538 = tpu.memref_slice %arg9[%add3A_7, %dma_start3A_1537] : memref<10240x64xf32, #tpu.memory_space<vmem_shared>> -> memref<80x64xf32, #tpu.memory_space<vmem_shared>>
      %dma_start3A_1539 = arith.constant 0 : i32
      %dma_start3A_1540 = tpu.memref_slice %arg9[%add3A_7, %dma_start3A_1539] : memref<10240x64xf32, #tpu.memory_space<vmem_shared>> -> memref<80x64xf32, #tpu.memory_space<vmem_shared>>
      %dma_start3A_1541 = arith.constant 0 : i32
      %dma_start3A_1542 = arith.constant 0 : i32
      %dma_start3A_1543 = tpu.memref_slice %arg8[%run_scoped3A, %dma_start3A_1541, %dma_start3A_1542] : memref<10x80x64xf32, #tpu.memory_space<vmem>> -> memref<1x80x64xf32, #tpu.memory_space<vmem>>
      %dma_start3A_1544 = tpu.memref_squeeze %dma_start3A_1543 : memref<1x80x64xf32, #tpu.memory_space<vmem>> -> memref<80x64xf32, #tpu.memory_space<vmem>>
      tpu.enqueue_dma source(%dma_start3A_1544 : memref<80x64xf32, #tpu.memory_space<vmem>>) target(%dma_start3A_1540 : memref<80x64xf32, #tpu.memory_space<vmem_shared>>) target_semaphore(%run_scoped3A_1532 : memref<!tpu.dma_semaphore, #tpu.memory_space<semaphore_mem>>)
      %dma_wait3A_1545 = arith.constant 0 : i32
      %dma_wait3A_1546 = arith.constant 0 : i32
      %dma_wait3A_1547 = tpu.memref_slice %arg8[%run_scoped3A, %dma_wait3A_1545, %dma_wait3A_1546] : memref<10x80x64xf32, #tpu.memory_space<vmem>> -> memref<1x80x64xf32, #tpu.memory_space<vmem>>
      %dma_wait3A_1548 = tpu.memref_squeeze %dma_wait3A_1547 : memref<1x80x64xf32, #tpu.memory_space<vmem>> -> memref<80x64xf32, #tpu.memory_space<vmem>>
      %dma_wait3A_1549 = arith.constant 0 : i32
      %dma_wait3A_1550 = tpu.memref_slice %arg9[%add3A_7, %dma_wait3A_1549] : memref<10240x64xf32, #tpu.memory_space<vmem_shared>> -> memref<80x64xf32, #tpu.memory_space<vmem_shared>>
      %dma_wait3A_1551 = arith.constant 0 : i32
      %dma_wait3A_1552 = tpu.memref_slice %arg9[%add3A_7, %dma_wait3A_1551] : memref<10240x64xf32, #tpu.memory_space<vmem_shared>> -> memref<80x64xf32, #tpu.memory_space<vmem_shared>>
      %dma_wait3A_1553 = arith.constant 0 : i32
      %dma_wait3A_1554 = arith.constant 0 : i32
      %dma_wait3A_1555 = tpu.memref_slice %arg8[%run_scoped3A, %dma_wait3A_1553, %dma_wait3A_1554] : memref<10x80x64xf32, #tpu.memory_space<vmem>> -> memref<1x80x64xf32, #tpu.memory_space<vmem>>
      %dma_wait3A_1556 = tpu.memref_squeeze %dma_wait3A_1555 : memref<1x80x64xf32, #tpu.memory_space<vmem>> -> memref<80x64xf32, #tpu.memory_space<vmem>>
      tpu.wait_dma2 semaphore(%run_scoped3A_1532 : memref<!tpu.dma_semaphore, #tpu.memory_space<semaphore_mem>>) src(%dma_wait3A_1556 : memref<80x64xf32, #tpu.memory_space<vmem>>) dst(%dma_wait3A_1552 : memref<80x64xf32, #tpu.memory_space<vmem_shared>>)
      tpu.yield
    }) : () -> ()
    %mul3A_8 = arith.constant 640 : i32
    %mul3A_9 = arith.muli %arg1, %mul3A_8 : i32
    %add3A_10 = arith.constant 80 : i32
    %add3A_11 = arith.addi %mul3A_9, %add3A_10 : i32
    %run_scoped3A_12 = arith.constant 0 : i32
    "tpu.region"() ({
      %run_scoped3A_1532 = tpu.sem_alloc : memref<!tpu.dma_semaphore, #tpu.memory_space<semaphore_mem>>
      %dma_start3A_1533 = arith.constant 0 : i32
      %dma_start3A_1534 = arith.constant 0 : i32
      %dma_start3A_1535 = tpu.memref_slice %arg8[%run_scoped3A_12, %dma_start3A_1533, %dma_start3A_1534] : memref<10x80x64xf32, #tpu.memory_space<vmem>> -> memref<1x80x64xf32, #tpu.memory_space<vmem>>
      %dma_start3A_1536 = tpu.memref_squeeze %dma_start3A_1535 : memref<1x80x64xf32, #tpu.memory_space<vmem>> -> memref<80x64xf32, #tpu.memory_space<vmem>>
      %dma_start3A_1537 = arith.constant 0 : i32
      %dma_start3A_1538 = tpu.memref_slice %arg9[%add3A_11, %dma_start3A_1537] : memref<10240x64xf32, #tpu.memory_space<vmem_shared>> -> memref<80x64xf32, #tpu.memory_space<vmem_shared>>
      %dma_start3A_1539 = arith.constant 0 : i32
      %dma_start3A_1540 = tpu.memref_slice %arg9[%add3A_11, %dma_start3A_1539] : memref<10240x64xf32, #tpu.memory_space<vmem_shared>> -> memref<80x64xf32, #tpu.memory_space<vmem_shared>>
      %dma_start3A_1541 = arith.constant 0 : i32
      %dma_start3A_1542 = arith.constant 0 : i32
      %dma_start3A_1543 = tpu.memref_slice %arg8[%run_scoped3A_12, %dma_start3A_1541, %dma_start3A_1542] : memref<10x80x64xf32, #tpu.memory_space<vmem>> -> memref<1x80x64xf32, #tpu.memory_space<vmem>>
      %dma_start3A_1544 = tpu.memref_squeeze %dma_start3A_1543 : memref<1x80x64xf32, #tpu.memory_space<vmem>> -> memref<80x64xf32, #tpu.memory_space<vmem>>
      tpu.enqueue_dma source(%dma_start3A_1544 : memref<80x64xf32, #tpu.memory_space<vmem>>) target(%dma_start3A_1540 : memref<80x64xf32, #tpu.memory_space<vmem_shared>>) target_semaphore(%run_scoped3A_1532 : memref<!tpu.dma_semaphore, #tpu.memory_space<semaphore_mem>>)
      %dma_wait3A_1545 = arith.constant 0 : i32
      %dma_wait3A_1546 = arith.constant 0 : i32
      %dma_wait3A_1547 = tpu.memref_slice %arg8[%run_scoped3A_12, %dma_wait3A_1545, %dma_wait3A_1546] : memref<10x80x64xf32, #tpu.memory_space<vmem>> -> memref<1x80x64xf32, #tpu.memory_space<vmem>>
      %dma_wait3A_1548 = tpu.memref_squeeze %dma_wait3A_1547 : memref<1x80x64xf32, #tpu.memory_space<vmem>> -> memref<80x64xf32, #tpu.memory_space<vmem>>
      %dma_wait3A_1549 = arith.constant 0 : i32
      %dma_wait3A_1550 = tpu.memref_slice %arg9[%add3A_11, %dma_wait3A_1549] : memref<10240x64xf32, #tpu.memory_space<vmem_shared>> -> memref<80x64xf32, #tpu.memory_space<vmem_shared>>
      %dma_wait3A_1551 = arith.constant 0 : i32
      %dma_wait3A_1552 = tpu.memref_slice %arg9[%add3A_11, %dma_wait3A_1551] : memref<10240x64xf32, #tpu.memory_space<vmem_shared>> -> memref<80x64xf32, #tpu.memory_space<vmem_shared>>
      %dma_wait3A_1553 = arith.constant 0 : i32
      %dma_wait3A_1554 = arith.constant 0 : i32
      %dma_wait3A_1555 = tpu.memref_slice %arg8[%run_scoped3A_12, %dma_wait3A_1553, %dma_wait3A_1554] : memref<10x80x64xf32, #tpu.memory_space<vmem>> -> memref<1x80x64xf32, #tpu.memory_space<vmem>>
      %dma_wait3A_1556 = tpu.memref_squeeze %dma_wait3A_1555 : memref<1x80x64xf32, #tpu.memory_space<vmem>> -> memref<80x64xf32, #tpu.memory_space<vmem>>
      tpu.wait_dma2 semaphore(%run_scoped3A_1532 : memref<!tpu.dma_semaphore, #tpu.memory_space<semaphore_mem>>) src(%dma_wait3A_1556 : memref<80x64xf32, #tpu.memory_space<vmem>>) dst(%dma_wait3A_1552 : memref<80x64xf32, #tpu.memory_space<vmem_shared>>)
      tpu.yield
    }) : () -> ()
    %mul3A_13 = arith.constant 640 : i32
    %mul3A_14 = arith.muli %arg1, %mul3A_13 : i32
    %add3A_15 = arith.constant 160 : i32
    %add3A_16 = arith.addi %mul3A_14, %add3A_15 : i32
    %run_scoped3A_17 = arith.constant 0 : i32
    "tpu.region"() ({
      %run_scoped3A_1532 = tpu.sem_alloc : memref<!tpu.dma_semaphore, #tpu.memory_space<semaphore_mem>>
      %dma_start3A_1533 = arith.constant 0 : i32
      %dma_start3A_1534 = arith.constant 0 : i32
      %dma_start3A_1535 = tpu.memref_slice %arg8[%run_scoped3A_17, %dma_start3A_1533, %dma_start3A_1534] : memref<10x80x64xf32, #tpu.memory_space<vmem>> -> memref<1x80x64xf32, #tpu.memory_space<vmem>>
      %dma_start3A_1536 = tpu.memref_squeeze %dma_start3A_1535 : memref<1x80x64xf32, #tpu.memory_space<vmem>> -> memref<80x64xf32, #tpu.memory_space<vmem>>
      %dma_start3A_1537 = arith.constant 0 : i32
      %dma_start3A_1538 = tpu.memref_slice %arg9[%add3A_16, %dma_start3A_1537] : memref<10240x64xf32, #tpu.memory_space<vmem_shared>> -> memref<80x64xf32, #tpu.memory_space<vmem_shared>>
      %dma_start3A_1539 = arith.constant 0 : i32
      %dma_start3A_1540 = tpu.memref_slice %arg9[%add3A_16, %dma_start3A_1539] : memref<10240x64xf32, #tpu.memory_space<vmem_shared>> -> memref<80x64xf32, #tpu.memory_space<vmem_shared>>
      %dma_start3A_1541 = arith.constant 0 : i32
      %dma_start3A_1542 = arith.constant 0 : i32
      %dma_start3A_1543 = tpu.memref_slice %arg8[%run_scoped3A_17, %dma_start3A_1541, %dma_start3A_1542] : memref<10x80x64xf32, #tpu.memory_space<vmem>> -> memref<1x80x64xf32, #tpu.memory_space<vmem>>
      %dma_start3A_1544 = tpu.memref_squeeze %dma_start3A_1543 : memref<1x80x64xf32, #tpu.memory_space<vmem>> -> memref<80x64xf32, #tpu.memory_space<vmem>>
      tpu.enqueue_dma source(%dma_start3A_1544 : memref<80x64xf32, #tpu.memory_space<vmem>>) target(%dma_start3A_1540 : memref<80x64xf32, #tpu.memory_space<vmem_shared>>) target_semaphore(%run_scoped3A_1532 : memref<!tpu.dma_semaphore, #tpu.memory_space<semaphore_mem>>)
      %dma_wait3A_1545 = arith.constant 0 : i32
      %dma_wait3A_1546 = arith.constant 0 : i32
      %dma_wait3A_1547 = tpu.memref_slice %arg8[%run_scoped3A_17, %dma_wait3A_1545, %dma_wait3A_1546] : memref<10x80x64xf32, #tpu.memory_space<vmem>> -> memref<1x80x64xf32, #tpu.memory_space<vmem>>
      %dma_wait3A_1548 = tpu.memref_squeeze %dma_wait3A_1547 : memref<1x80x64xf32, #tpu.memory_space<vmem>> -> memref<80x64xf32, #tpu.memory_space<vmem>>
      %dma_wait3A_1549 = arith.constant 0 : i32
      %dma_wait3A_1550 = tpu.memref_slice %arg9[%add3A_16, %dma_wait3A_1549] : memref<10240x64xf32, #tpu.memory_space<vmem_shared>> -> memref<80x64xf32, #tpu.memory_space<vmem_shared>>
      %dma_wait3A_1551 = arith.constant 0 : i32
      %dma_wait3A_1552 = tpu.memref_slice %arg9[%add3A_16, %dma_wait3A_1551] : memref<10240x64xf32, #tpu.memory_space<vmem_shared>> -> memref<80x64xf32, #tpu.memory_space<vmem_shared>>
      %dma_wait3A_1553 = arith.constant 0 : i32
      %dma_wait3A_1554 = arith.constant 0 : i32
      %dma_wait3A_1555 = tpu.memref_slice %arg8[%run_scoped3A_17, %dma_wait3A_1553, %dma_wait3A_1554] : memref<10x80x64xf32, #tpu.memory_space<vmem>> -> memref<1x80x64xf32, #tpu.memory_space<vmem>>
      %dma_wait3A_1556 = tpu.memref_squeeze %dma_wait3A_1555 : memref<1x80x64xf32, #tpu.memory_space<vmem>> -> memref<80x64xf32, #tpu.memory_space<vmem>>
      tpu.wait_dma2 semaphore(%run_scoped3A_1532 : memref<!tpu.dma_semaphore, #tpu.memory_space<semaphore_mem>>) src(%dma_wait3A_1556 : memref<80x64xf32, #tpu.memory_space<vmem>>) dst(%dma_wait3A_1552 : memref<80x64xf32, #tpu.memory_space<vmem_shared>>)
      tpu.yield
    }) : () -> ()
    %mul3A_18 = arith.constant 640 : i32
    %mul3A_19 = arith.muli %arg1, %mul3A_18 : i32
    %add3A_20 = arith.constant 240 : i32
    %add3A_21 = arith.addi %mul3A_19, %add3A_20 : i32
    %run_scoped3A_22 = arith.constant 0 : i32
    "tpu.region"() ({
      %run_scoped3A_1532 = tpu.sem_alloc : memref<!tpu.dma_semaphore, #tpu.memory_space<semaphore_mem>>
      %dma_start3A_1533 = arith.constant 0 : i32
      %dma_start3A_1534 = arith.constant 0 : i32
      %dma_start3A_1535 = tpu.memref_slice %arg8[%run_scoped3A_22, %dma_start3A_1533, %dma_start3A_1534] : memref<10x80x64xf32, #tpu.memory_space<vmem>> -> memref<1x80x64xf32, #tpu.memory_space<vmem>>
      %dma_start3A_1536 = tpu.memref_squeeze %dma_start3A_1535 : memref<1x80x64xf32, #tpu.memory_space<vmem>> -> memref<80x64xf32, #tpu.memory_space<vmem>>
      %dma_start3A_1537 = arith.constant 0 : i32
      %dma_start3A_1538 = tpu.memref_slice %arg9[%add3A_21, %dma_start3A_1537] : memref<10240x64xf32, #tpu.memory_space<vmem_shared>> -> memref<80x64xf32, #tpu.memory_space<vmem_shared>>
      %dma_start3A_1539 = arith.constant 0 : i32
      %dma_start3A_1540 = tpu.memref_slice %arg9[%add3A_21, %dma_start3A_1539] : memref<10240x64xf32, #tpu.memory_space<vmem_shared>> -> memref<80x64xf32, #tpu.memory_space<vmem_shared>>
      %dma_start3A_1541 = arith.constant 0 : i32
      %dma_start3A_1542 = arith.constant 0 : i32
      %dma_start3A_1543 = tpu.memref_slice %arg8[%run_scoped3A_22, %dma_start3A_1541, %dma_start3A_1542] : memref<10x80x64xf32, #tpu.memory_space<vmem>> -> memref<1x80x64xf32, #tpu.memory_space<vmem>>
      %dma_start3A_1544 = tpu.memref_squeeze %dma_start3A_1543 : memref<1x80x64xf32, #tpu.memory_space<vmem>> -> memref<80x64xf32, #tpu.memory_space<vmem>>
      tpu.enqueue_dma source(%dma_start3A_1544 : memref<80x64xf32, #tpu.memory_space<vmem>>) target(%dma_start3A_1540 : memref<80x64xf32, #tpu.memory_space<vmem_shared>>) target_semaphore(%run_scoped3A_1532 : memref<!tpu.dma_semaphore, #tpu.memory_space<semaphore_mem>>)
      %dma_wait3A_1545 = arith.constant 0 : i32
      %dma_wait3A_1546 = arith.constant 0 : i32
      %dma_wait3A_1547 = tpu.memref_slice %arg8[%run_scoped3A_22, %dma_wait3A_1545, %dma_wait3A_1546] : memref<10x80x64xf32, #tpu.memory_space<vmem>> -> memref<1x80x64xf32, #tpu.memory_space<vmem>>
      %dma_wait3A_1548 = tpu.memref_squeeze %dma_wait3A_1547 : memref<1x80x64xf32, #tpu.memory_space<vmem>> -> memref<80x64xf32, #tpu.memory_space<vmem>>
      %dma_wait3A_1549 = arith.constant 0 : i32
      %dma_wait3A_1550 = tpu.memref_slice %arg9[%add3A_21, %dma_wait3A_1549] : memref<10240x64xf32, #tpu.memory_space<vmem_shared>> -> memref<80x64xf32, #tpu.memory_space<vmem_shared>>
      %dma_wait3A_1551 = arith.constant 0 : i32
      %dma_wait3A_1552 = tpu.memref_slice %arg9[%add3A_21, %dma_wait3A_1551] : memref<10240x64xf32, #tpu.memory_space<vmem_shared>> -> memref<80x64xf32, #tpu.memory_space<vmem_shared>>
      %dma_wait3A_1553 = arith.constant 0 : i32
      %dma_wait3A_1554 = arith.constant 0 : i32
      %dma_wait3A_1555 = tpu.memref_slice %arg8[%run_scoped3A_22, %dma_wait3A_1553, %dma_wait3A_1554] : memref<10x80x64xf32, #tpu.memory_space<vmem>> -> memref<1x80x64xf32, #tpu.memory_space<vmem>>
      %dma_wait3A_1556 = tpu.memref_squeeze %dma_wait3A_1555 : memref<1x80x64xf32, #tpu.memory_space<vmem>> -> memref<80x64xf32, #tpu.memory_space<vmem>>
      tpu.wait_dma2 semaphore(%run_scoped3A_1532 : memref<!tpu.dma_semaphore, #tpu.memory_space<semaphore_mem>>) src(%dma_wait3A_1556 : memref<80x64xf32, #tpu.memory_space<vmem>>) dst(%dma_wait3A_1552 : memref<80x64xf32, #tpu.memory_space<vmem_shared>>)
      tpu.yield
    }) : () -> ()
    %mul3A_23 = arith.constant 640 : i32
    %mul3A_24 = arith.muli %arg1, %mul3A_23 : i32
    %add3A_25 = arith.constant 320 : i32
    %add3A_26 = arith.addi %mul3A_24, %add3A_25 : i32
    %run_scoped3A_27 = arith.constant 0 : i32
    "tpu.region"() ({
      %run_scoped3A_1532 = tpu.sem_alloc : memref<!tpu.dma_semaphore, #tpu.memory_space<semaphore_mem>>
      %dma_start3A_1533 = arith.constant 0 : i32
      %dma_start3A_1534 = arith.constant 0 : i32
      %dma_start3A_1535 = tpu.memref_slice %arg8[%run_scoped3A_27, %dma_start3A_1533, %dma_start3A_1534] : memref<10x80x64xf32, #tpu.memory_space<vmem>> -> memref<1x80x64xf32, #tpu.memory_space<vmem>>
      %dma_start3A_1536 = tpu.memref_squeeze %dma_start3A_1535 : memref<1x80x64xf32, #tpu.memory_space<vmem>> -> memref<80x64xf32, #tpu.memory_space<vmem>>
      %dma_start3A_1537 = arith.constant 0 : i32
      %dma_start3A_1538 = tpu.memref_slice %arg9[%add3A_26, %dma_start3A_1537] : memref<10240x64xf32, #tpu.memory_space<vmem_shared>> -> memref<80x64xf32, #tpu.memory_space<vmem_shared>>
      %dma_start3A_1539 = arith.constant 0 : i32
      %dma_start3A_1540 = tpu.memref_slice %arg9[%add3A_26, %dma_start3A_1539] : memref<10240x64xf32, #tpu.memory_space<vmem_shared>> -> memref<80x64xf32, #tpu.memory_space<vmem_shared>>
      %dma_start3A_1541 = arith.constant 0 : i32
      %dma_start3A_1542 = arith.constant 0 : i32
      %dma_start3A_1543 = tpu.memref_slice %arg8[%run_scoped3A_27, %dma_start3A_1541, %dma_start3A_1542] : memref<10x80x64xf32, #tpu.memory_space<vmem>> -> memref<1x80x64xf32, #tpu.memory_space<vmem>>
      %dma_start3A_1544 = tpu.memref_squeeze %dma_start3A_1543 : memref<1x80x64xf32, #tpu.memory_space<vmem>> -> memref<80x64xf32, #tpu.memory_space<vmem>>
      tpu.enqueue_dma source(%dma_start3A_1544 : memref<80x64xf32, #tpu.memory_space<vmem>>) target(%dma_start3A_1540 : memref<80x64xf32, #tpu.memory_space<vmem_shared>>) target_semaphore(%run_scoped3A_1532 : memref<!tpu.dma_semaphore, #tpu.memory_space<semaphore_mem>>)
      %dma_wait3A_1545 = arith.constant 0 : i32
      %dma_wait3A_1546 = arith.constant 0 : i32
      %dma_wait3A_1547 = tpu.memref_slice %arg8[%run_scoped3A_27, %dma_wait3A_1545, %dma_wait3A_1546] : memref<10x80x64xf32, #tpu.memory_space<vmem>> -> memref<1x80x64xf32, #tpu.memory_space<vmem>>
      %dma_wait3A_1548 = tpu.memref_squeeze %dma_wait3A_1547 : memref<1x80x64xf32, #tpu.memory_space<vmem>> -> memref<80x64xf32, #tpu.memory_space<vmem>>
      %dma_wait3A_1549 = arith.constant 0 : i32
      %dma_wait3A_1550 = tpu.memref_slice %arg9[%add3A_26, %dma_wait3A_1549] : memref<10240x64xf32, #tpu.memory_space<vmem_shared>> -> memref<80x64xf32, #tpu.memory_space<vmem_shared>>
      %dma_wait3A_1551 = arith.constant 0 : i32
      %dma_wait3A_1552 = tpu.memref_slice %arg9[%add3A_26, %dma_wait3A_1551] : memref<10240x64xf32, #tpu.memory_space<vmem_shared>> -> memref<80x64xf32, #tpu.memory_space<vmem_shared>>
      %dma_wait3A_1553 = arith.constant 0 : i32
      %dma_wait3A_1554 = arith.constant 0 : i32
      %dma_wait3A_1555 = tpu.memref_slice %arg8[%run_scoped3A_27, %dma_wait3A_1553, %dma_wait3A_1554] : memref<10x80x64xf32, #tpu.memory_space<vmem>> -> memref<1x80x64xf32, #tpu.memory_space<vmem>>
      %dma_wait3A_1556 = tpu.memref_squeeze %dma_wait3A_1555 : memref<1x80x64xf32, #tpu.memory_space<vmem>> -> memref<80x64xf32, #tpu.memory_space<vmem>>
      tpu.wait_dma2 semaphore(%run_scoped3A_1532 : memref<!tpu.dma_semaphore, #tpu.memory_space<semaphore_mem>>) src(%dma_wait3A_1556 : memref<80x64xf32, #tpu.memory_space<vmem>>) dst(%dma_wait3A_1552 : memref<80x64xf32, #tpu.memory_space<vmem_shared>>)
      tpu.yield
    }) : () -> ()
    %mul3A_28 = arith.constant 640 : i32
    %mul3A_29 = arith.muli %arg1, %mul3A_28 : i32
    %add3A_30 = arith.constant 400 : i32
    %add3A_31 = arith.addi %mul3A_29, %add3A_30 : i32
    %run_scoped3A_32 = arith.constant 0 : i32
    "tpu.region"() ({
      %run_scoped3A_1532 = tpu.sem_alloc : memref<!tpu.dma_semaphore, #tpu.memory_space<semaphore_mem>>
      %dma_start3A_1533 = arith.constant 0 : i32
      %dma_start3A_1534 = arith.constant 0 : i32
      %dma_start3A_1535 = tpu.memref_slice %arg8[%run_scoped3A_32, %dma_start3A_1533, %dma_start3A_1534] : memref<10x80x64xf32, #tpu.memory_space<vmem>> -> memref<1x80x64xf32, #tpu.memory_space<vmem>>
      %dma_start3A_1536 = tpu.memref_squeeze %dma_start3A_1535 : memref<1x80x64xf32, #tpu.memory_space<vmem>> -> memref<80x64xf32, #tpu.memory_space<vmem>>
      %dma_start3A_1537 = arith.constant 0 : i32
      %dma_start3A_1538 = tpu.memref_slice %arg9[%add3A_31, %dma_start3A_1537] : memref<10240x64xf32, #tpu.memory_space<vmem_shared>> -> memref<80x64xf32, #tpu.memory_space<vmem_shared>>
      %dma_start3A_1539 = arith.constant 0 : i32
      %dma_start3A_1540 = tpu.memref_slice %arg9[%add3A_31, %dma_start3A_1539] : memref<10240x64xf32, #tpu.memory_space<vmem_shared>> -> memref<80x64xf32, #tpu.memory_space<vmem_shared>>
      %dma_start3A_1541 = arith.constant 0 : i32
      %dma_start3A_1542 = arith.constant 0 : i32
      %dma_start3A_1543 = tpu.memref_slice %arg8[%run_scoped3A_32, %dma_start3A_1541, %dma_start3A_1542] : memref<10x80x64xf32, #tpu.memory_space<vmem>> -> memref<1x80x64xf32, #tpu.memory_space<vmem>>
      %dma_start3A_1544 = tpu.memref_squeeze %dma_start3A_1543 : memref<1x80x64xf32, #tpu.memory_space<vmem>> -> memref<80x64xf32, #tpu.memory_space<vmem>>
      tpu.enqueue_dma source(%dma_start3A_1544 : memref<80x64xf32, #tpu.memory_space<vmem>>) target(%dma_start3A_1540 : memref<80x64xf32, #tpu.memory_space<vmem_shared>>) target_semaphore(%run_scoped3A_1532 : memref<!tpu.dma_semaphore, #tpu.memory_space<semaphore_mem>>)
      %dma_wait3A_1545 = arith.constant 0 : i32
      %dma_wait3A_1546 = arith.constant 0 : i32
      %dma_wait3A_1547 = tpu.memref_slice %arg8[%run_scoped3A_32, %dma_wait3A_1545, %dma_wait3A_1546] : memref<10x80x64xf32, #tpu.memory_space<vmem>> -> memref<1x80x64xf32, #tpu.memory_space<vmem>>
      %dma_wait3A_1548 = tpu.memref_squeeze %dma_wait3A_1547 : memref<1x80x64xf32, #tpu.memory_space<vmem>> -> memref<80x64xf32, #tpu.memory_space<vmem>>
      %dma_wait3A_1549 = arith.constant 0 : i32
      %dma_wait3A_1550 = tpu.memref_slice %arg9[%add3A_31, %dma_wait3A_1549] : memref<10240x64xf32, #tpu.memory_space<vmem_shared>> -> memref<80x64xf32, #tpu.memory_space<vmem_shared>>
      %dma_wait3A_1551 = arith.constant 0 : i32
      %dma_wait3A_1552 = tpu.memref_slice %arg9[%add3A_31, %dma_wait3A_1551] : memref<10240x64xf32, #tpu.memory_space<vmem_shared>> -> memref<80x64xf32, #tpu.memory_space<vmem_shared>>
      %dma_wait3A_1553 = arith.constant 0 : i32
      %dma_wait3A_1554 = arith.constant 0 : i32
      %dma_wait3A_1555 = tpu.memref_slice %arg8[%run_scoped3A_32, %dma_wait3A_1553, %dma_wait3A_1554] : memref<10x80x64xf32, #tpu.memory_space<vmem>> -> memref<1x80x64xf32, #tpu.memory_space<vmem>>
      %dma_wait3A_1556 = tpu.memref_squeeze %dma_wait3A_1555 : memref<1x80x64xf32, #tpu.memory_space<vmem>> -> memref<80x64xf32, #tpu.memory_space<vmem>>
      tpu.wait_dma2 semaphore(%run_scoped3A_1532 : memref<!tpu.dma_semaphore, #tpu.memory_space<semaphore_mem>>) src(%dma_wait3A_1556 : memref<80x64xf32, #tpu.memory_space<vmem>>) dst(%dma_wait3A_1552 : memref<80x64xf32, #tpu.memory_space<vmem_shared>>)
      tpu.yield
    }) : () -> ()
    %mul3A_33 = arith.constant 640 : i32
    %mul3A_34 = arith.muli %arg1, %mul3A_33 : i32
    %add3A_35 = arith.constant 480 : i32
    %add3A_36 = arith.addi %mul3A_34, %add3A_35 : i32
    %run_scoped3A_37 = arith.constant 0 : i32
    "tpu.region"() ({
      %run_scoped3A_1532 = tpu.sem_alloc : memref<!tpu.dma_semaphore, #tpu.memory_space<semaphore_mem>>
      %dma_start3A_1533 = arith.constant 0 : i32
      %dma_start3A_1534 = arith.constant 0 : i32
      %dma_start3A_1535 = tpu.memref_slice %arg8[%run_scoped3A_37, %dma_start3A_1533, %dma_start3A_1534] : memref<10x80x64xf32, #tpu.memory_space<vmem>> -> memref<1x80x64xf32, #tpu.memory_space<vmem>>
      %dma_start3A_1536 = tpu.memref_squeeze %dma_start3A_1535 : memref<1x80x64xf32, #tpu.memory_space<vmem>> -> memref<80x64xf32, #tpu.memory_space<vmem>>
      %dma_start3A_1537 = arith.constant 0 : i32
      %dma_start3A_1538 = tpu.memref_slice %arg9[%add3A_36, %dma_start3A_1537] : memref<10240x64xf32, #tpu.memory_space<vmem_shared>> -> memref<80x64xf32, #tpu.memory_space<vmem_shared>>
      %dma_start3A_1539 = arith.constant 0 : i32
      %dma_start3A_1540 = tpu.memref_slice %arg9[%add3A_36, %dma_start3A_1539] : memref<10240x64xf32, #tpu.memory_space<vmem_shared>> -> memref<80x64xf32, #tpu.memory_space<vmem_shared>>
      %dma_start3A_1541 = arith.constant 0 : i32
      %dma_start3A_1542 = arith.constant 0 : i32
      %dma_start3A_1543 = tpu.memref_slice %arg8[%run_scoped3A_37, %dma_start3A_1541, %dma_start3A_1542] : memref<10x80x64xf32, #tpu.memory_space<vmem>> -> memref<1x80x64xf32, #tpu.memory_space<vmem>>
      %dma_start3A_1544 = tpu.memref_squeeze %dma_start3A_1543 : memref<1x80x64xf32, #tpu.memory_space<vmem>> -> memref<80x64xf32, #tpu.memory_space<vmem>>
      tpu.enqueue_dma source(%dma_start3A_1544 : memref<80x64xf32, #tpu.memory_space<vmem>>) target(%dma_start3A_1540 : memref<80x64xf32, #tpu.memory_space<vmem_shared>>) target_semaphore(%run_scoped3A_1532 : memref<!tpu.dma_semaphore, #tpu.memory_space<semaphore_mem>>)
      %dma_wait3A_1545 = arith.constant 0 : i32
      %dma_wait3A_1546 = arith.constant 0 : i32
      %dma_wait3A_1547 = tpu.memref_slice %arg8[%run_scoped3A_37, %dma_wait3A_1545, %dma_wait3A_1546] : memref<10x80x64xf32, #tpu.memory_space<vmem>> -> memref<1x80x64xf32, #tpu.memory_space<vmem>>
      %dma_wait3A_1548 = tpu.memref_squeeze %dma_wait3A_1547 : memref<1x80x64xf32, #tpu.memory_space<vmem>> -> memref<80x64xf32, #tpu.memory_space<vmem>>
      %dma_wait3A_1549 = arith.constant 0 : i32
      %dma_wait3A_1550 = tpu.memref_slice %arg9[%add3A_36, %dma_wait3A_1549] : memref<10240x64xf32, #tpu.memory_space<vmem_shared>> -> memref<80x64xf32, #tpu.memory_space<vmem_shared>>
      %dma_wait3A_1551 = arith.constant 0 : i32
      %dma_wait3A_1552 = tpu.memref_slice %arg9[%add3A_36, %dma_wait3A_1551] : memref<10240x64xf32, #tpu.memory_space<vmem_shared>> -> memref<80x64xf32, #tpu.memory_space<vmem_shared>>
      %dma_wait3A_1553 = arith.constant 0 : i32
      %dma_wait3A_1554 = arith.constant 0 : i32
      %dma_wait3A_1555 = tpu.memref_slice %arg8[%run_scoped3A_37, %dma_wait3A_1553, %dma_wait3A_1554] : memref<10x80x64xf32, #tpu.memory_space<vmem>> -> memref<1x80x64xf32, #tpu.memory_space<vmem>>
      %dma_wait3A_1556 = tpu.memref_squeeze %dma_wait3A_1555 : memref<1x80x64xf32, #tpu.memory_space<vmem>> -> memref<80x64xf32, #tpu.memory_space<vmem>>
      tpu.wait_dma2 semaphore(%run_scoped3A_1532 : memref<!tpu.dma_semaphore, #tpu.memory_space<semaphore_mem>>) src(%dma_wait3A_1556 : memref<80x64xf32, #tpu.memory_space<vmem>>) dst(%dma_wait3A_1552 : memref<80x64xf32, #tpu.memory_space<vmem_shared>>)
      tpu.yield
    }) : () -> ()
    %mul3A_38 = arith.constant 640 : i32
    %mul3A_39 = arith.muli %arg1, %mul3A_38 : i32
    %add3A_40 = arith.constant 560 : i32
    %add3A_41 = arith.addi %mul3A_39, %add3A_40 : i32
    %run_scoped3A_42 = arith.constant 0 : i32
    "tpu.region"() ({
      %run_scoped3A_1532 = tpu.sem_alloc : memref<!tpu.dma_semaphore, #tpu.memory_space<semaphore_mem>>
      %dma_start3A_1533 = arith.constant 0 : i32
      %dma_start3A_1534 = arith.constant 0 : i32
      %dma_start3A_1535 = tpu.memref_slice %arg8[%run_scoped3A_42, %dma_start3A_1533, %dma_start3A_1534] : memref<10x80x64xf32, #tpu.memory_space<vmem>> -> memref<1x80x64xf32, #tpu.memory_space<vmem>>
      %dma_start3A_1536 = tpu.memref_squeeze %dma_start3A_1535 : memref<1x80x64xf32, #tpu.memory_space<vmem>> -> memref<80x64xf32, #tpu.memory_space<vmem>>
      %dma_start3A_1537 = arith.constant 0 : i32
      %dma_start3A_1538 = tpu.memref_slice %arg9[%add3A_41, %dma_start3A_1537] : memref<10240x64xf32, #tpu.memory_space<vmem_shared>> -> memref<80x64xf32, #tpu.memory_space<vmem_shared>>
      %dma_start3A_1539 = arith.constant 0 : i32
      %dma_start3A_1540 = tpu.memref_slice %arg9[%add3A_41, %dma_start3A_1539] : memref<10240x64xf32, #tpu.memory_space<vmem_shared>> -> memref<80x64xf32, #tpu.memory_space<vmem_shared>>
      %dma_start3A_1541 = arith.constant 0 : i32
      %dma_start3A_1542 = arith.constant 0 : i32
      %dma_start3A_1543 = tpu.memref_slice %arg8[%run_scoped3A_42, %dma_start3A_1541, %dma_start3A_1542] : memref<10x80x64xf32, #tpu.memory_space<vmem>> -> memref<1x80x64xf32, #tpu.memory_space<vmem>>
      %dma_start3A_1544 = tpu.memref_squeeze %dma_start3A_1543 : memref<1x80x64xf32, #tpu.memory_space<vmem>> -> memref<80x64xf32, #tpu.memory_space<vmem>>
      tpu.enqueue_dma source(%dma_start3A_1544 : memref<80x64xf32, #tpu.memory_space<vmem>>) target(%dma_start3A_1540 : memref<80x64xf32, #tpu.memory_space<vmem_shared>>) target_semaphore(%run_scoped3A_1532 : memref<!tpu.dma_semaphore, #tpu.memory_space<semaphore_mem>>)
      %dma_wait3A_1545 = arith.constant 0 : i32
      %dma_wait3A_1546 = arith.constant 0 : i32
      %dma_wait3A_1547 = tpu.memref_slice %arg8[%run_scoped3A_42, %dma_wait3A_1545, %dma_wait3A_1546] : memref<10x80x64xf32, #tpu.memory_space<vmem>> -> memref<1x80x64xf32, #tpu.memory_space<vmem>>
      %dma_wait3A_1548 = tpu.memref_squeeze %dma_wait3A_1547 : memref<1x80x64xf32, #tpu.memory_space<vmem>> -> memref<80x64xf32, #tpu.memory_space<vmem>>
      %dma_wait3A_1549 = arith.constant 0 : i32
      %dma_wait3A_1550 = tpu.memref_slice %arg9[%add3A_41, %dma_wait3A_1549] : memref<10240x64xf32, #tpu.memory_space<vmem_shared>> -> memref<80x64xf32, #tpu.memory_space<vmem_shared>>
      %dma_wait3A_1551 = arith.constant 0 : i32
      %dma_wait3A_1552 = tpu.memref_slice %arg9[%add3A_41, %dma_wait3A_1551] : memref<10240x64xf32, #tpu.memory_space<vmem_shared>> -> memref<80x64xf32, #tpu.memory_space<vmem_shared>>
      %dma_wait3A_1553 = arith.constant 0 : i32
      %dma_wait3A_1554 = arith.constant 0 : i32
      %dma_wait3A_1555 = tpu.memref_slice %arg8[%run_scoped3A_42, %dma_wait3A_1553, %dma_wait3A_1554] : memref<10x80x64xf32, #tpu.memory_space<vmem>> -> memref<1x80x64xf32, #tpu.memory_space<vmem>>
      %dma_wait3A_1556 = tpu.memref_squeeze %dma_wait3A_1555 : memref<1x80x64xf32, #tpu.memory_space<vmem>> -> memref<80x64xf32, #tpu.memory_space<vmem>>
      tpu.wait_dma2 semaphore(%run_scoped3A_1532 : memref<!tpu.dma_semaphore, #tpu.memory_space<semaphore_mem>>) src(%dma_wait3A_1556 : memref<80x64xf32, #tpu.memory_space<vmem>>) dst(%dma_wait3A_1552 : memref<80x64xf32, #tpu.memory_space<vmem_shared>>)
      tpu.yield
    }) : () -> ()
    %barrier3A = arith.constant 0 : index
    tpu.barrier barrier_id(%barrier3A)
    %run_scoped3A_43 = arith.constant 0 : i32
    "tpu.region"() ({
      %run_scoped3A_1532 = tpu.sem_alloc : memref<!tpu.dma_semaphore, #tpu.memory_space<semaphore_mem>>
      %dma_start3A_1533 = arith.constant 0 : i32
      %dma_start3A_1534 = arith.constant 0 : i32
      %dma_start3A_1535 = tpu.memref_slice %arg3[%arg0, %arg1, %run_scoped3A_43, %dma_start3A_1533, %dma_start3A_1534] : memref<2x16x2x125x80xi32, #tpu.memory_space<hbm>> -> memref<1x1x1x125x80xi32, #tpu.memory_space<hbm>>
      %dma_start3A_1536 = tpu.memref_squeeze %dma_start3A_1535 : memref<1x1x1x125x80xi32, #tpu.memory_space<hbm>> -> memref<125x80xi32, #tpu.memory_space<hbm>>
      %dma_start3A_1537 = arith.constant 0 : i32
      %dma_start3A_1538 = arith.constant 0 : i32
      %dma_start3A_1539 = tpu.memref_slice %arg3[%arg0, %arg1, %run_scoped3A_43, %dma_start3A_1537, %dma_start3A_1538] : memref<2x16x2x125x80xi32, #tpu.memory_space<hbm>> -> memref<1x1x1x125x80xi32, #tpu.memory_space<hbm>>
      %dma_start3A_1540 = tpu.memref_squeeze %dma_start3A_1539 : memref<1x1x1x125x80xi32, #tpu.memory_space<hbm>> -> memref<125x80xi32, #tpu.memory_space<hbm>>
      tpu.enqueue_dma source(%dma_start3A_1540 : memref<125x80xi32, #tpu.memory_space<hbm>>) target(%arg6 : memref<125x80xi32, #tpu.memory_space<vmem>>) target_semaphore(%run_scoped3A_1532 : memref<!tpu.dma_semaphore, #tpu.memory_space<semaphore_mem>>)
      %dma_wait3A_1541 = arith.constant 0 : i32
      %dma_wait3A_1542 = arith.constant 0 : i32
      %dma_wait3A_1543 = tpu.memref_slice %arg3[%arg0, %arg1, %run_scoped3A_43, %dma_wait3A_1541, %dma_wait3A_1542] : memref<2x16x2x125x80xi32, #tpu.memory_space<hbm>> -> memref<1x1x1x125x80xi32, #tpu.memory_space<hbm>>
      %dma_wait3A_1544 = tpu.memref_squeeze %dma_wait3A_1543 : memref<1x1x1x125x80xi32, #tpu.memory_space<hbm>> -> memref<125x80xi32, #tpu.memory_space<hbm>>
      %dma_wait3A_1545 = arith.constant 0 : i32
      %dma_wait3A_1546 = arith.constant 0 : i32
      %dma_wait3A_1547 = tpu.memref_slice %arg3[%arg0, %arg1, %run_scoped3A_43, %dma_wait3A_1545, %dma_wait3A_1546] : memref<2x16x2x125x80xi32, #tpu.memory_space<hbm>> -> memref<1x1x1x125x80xi32, #tpu.memory_space<hbm>>
      %dma_wait3A_1548 = tpu.memref_squeeze %dma_wait3A_1547 : memref<1x1x1x125x80xi32, #tpu.memory_space<hbm>> -> memref<125x80xi32, #tpu.memory_space<hbm>>
      tpu.wait_dma2 semaphore(%run_scoped3A_1532 : memref<!tpu.dma_semaphore, #tpu.memory_space<semaphore_mem>>) src(%dma_wait3A_1548 : memref<125x80xi32, #tpu.memory_space<hbm>>) dst(%arg6 : memref<125x80xi32, #tpu.memory_space<vmem>>)
      tpu.yield
    }) : () -> ()
    %run_scoped3A_44 = arith.constant 0 : i32
    "tpu.region"() ({
      %run_scoped3A_1532 = tpu.sem_alloc : memref<!tpu.dma_semaphore, #tpu.memory_space<semaphore_mem>>
      %dma_start3A_1533 = arith.constant 0 : i32
      %dma_start3A_1534 = arith.constant 0 : i32
      %dma_start3A_1535 = tpu.memref_slice %arg4[%arg1, %run_scoped3A_44, %dma_start3A_1533, %dma_start3A_1534] : memref<16x2x125x80xi32, #tpu.memory_space<hbm>> -> memref<1x1x125x80xi32, #tpu.memory_space<hbm>>
      %dma_start3A_1536 = tpu.memref_squeeze %dma_start3A_1535 : memref<1x1x125x80xi32, #tpu.memory_space<hbm>> -> memref<125x80xi32, #tpu.memory_space<hbm>>
      %dma_start3A_1537 = arith.constant 0 : i32
      %dma_start3A_1538 = arith.constant 0 : i32
      %dma_start3A_1539 = tpu.memref_slice %arg4[%arg1, %run_scoped3A_44, %dma_start3A_1537, %dma_start3A_1538] : memref<16x2x125x80xi32, #tpu.memory_space<hbm>> -> memref<1x1x125x80xi32, #tpu.memory_space<hbm>>
      %dma_start3A_1540 = tpu.memref_squeeze %dma_start3A_1539 : memref<1x1x125x80xi32, #tpu.memory_space<hbm>> -> memref<125x80xi32, #tpu.memory_space<hbm>>
      tpu.enqueue_dma source(%dma_start3A_1540 : memref<125x80xi32, #tpu.memory_space<hbm>>) target(%arg7 : memref<125x80xi32, #tpu.memory_space<vmem>>) target_semaphore(%run_scoped3A_1532 : memref<!tpu.dma_semaphore, #tpu.memory_space<semaphore_mem>>)
      %dma_wait3A_1541 = arith.constant 0 : i32
      %dma_wait3A_1542 = arith.constant 0 : i32
      %dma_wait3A_1543 = tpu.memref_slice %arg4[%arg1, %run_scoped3A_44, %dma_wait3A_1541, %dma_wait3A_1542] : memref<16x2x125x80xi32, #tpu.memory_space<hbm>> -> memref<1x1x125x80xi32, #tpu.memory_space<hbm>>
      %dma_wait3A_1544 = tpu.memref_squeeze %dma_wait3A_1543 : memref<1x1x125x80xi32, #tpu.memory_space<hbm>> -> memref<125x80xi32, #tpu.memory_space<hbm>>
      %dma_wait3A_1545 = arith.constant 0 : i32
      %dma_wait3A_1546 = arith.constant 0 : i32
      %dma_wait3A_1547 = tpu.memref_slice %arg4[%arg1, %run_scoped3A_44, %dma_wait3A_1545, %dma_wait3A_1546] : memref<16x2x125x80xi32, #tpu.memory_space<hbm>> -> memref<1x1x125x80xi32, #tpu.memory_space<hbm>>
      %dma_wait3A_1548 = tpu.memref_squeeze %dma_wait3A_1547 : memref<1x1x125x80xi32, #tpu.memory_space<hbm>> -> memref<125x80xi32, #tpu.memory_space<hbm>>
      tpu.wait_dma2 semaphore(%run_scoped3A_1532 : memref<!tpu.dma_semaphore, #tpu.memory_space<semaphore_mem>>) src(%dma_wait3A_1548 : memref<125x80xi32, #tpu.memory_space<hbm>>) dst(%arg7 : memref<125x80xi32, #tpu.memory_space<vmem>>)
      tpu.yield
    }) : () -> ()
    %dma_start3A = arith.constant 0 : i32
    %dma_start3A_45 = arith.constant 0 : i32
    %dma_start3A_46 = arith.constant 0 : i32
    %dma_start3A_47 = arith.constant 0 : i32
    %dma_start3A_48 = tpu.memref_slice %arg8[%dma_start3A_45, %dma_start3A_46, %dma_start3A_47] : memref<10x80x64xf32, #tpu.memory_space<vmem>> -> memref<1x80x64xf32, #tpu.memory_space<vmem>>
    %dma_start3A_49 = tpu.memref_squeeze %dma_start3A_48 : memref<1x80x64xf32, #tpu.memory_space<vmem>> -> memref<80x64xf32, #tpu.memory_space<vmem>>
    %dma_start3A_50 = arith.constant 0 : i32
    %dma_start3A_51 = tpu.memref_slice %arg6[%dma_start3A, %dma_start3A_50] : memref<125x80xi32, #tpu.memory_space<vmem>> -> memref<1x80xi32, #tpu.memory_space<vmem>>
    %dma_start3A_52 = tpu.memref_squeeze %dma_start3A_51 : memref<1x80xi32, #tpu.memory_space<vmem>> -> memref<80xi32, #tpu.memory_space<vmem>>
    %dma_start3A_53 = arith.constant 0 : i32
    %dma_start3A_54 = arith.constant 0 : i32
    %dma_start3A_55 = tpu.memref_slice %arg2[%dma_start3A_53, %dma_start3A_54] : memref<540000x64xf32, #tpu.memory_space<hbm>> -> memref<540000x64xf32, #tpu.memory_space<hbm>>
    tpu.enqueue_indirect_dma source(%dma_start3A_55 : memref<540000x64xf32, #tpu.memory_space<hbm>>) target(%dma_start3A_49 : memref<80x64xf32, #tpu.memory_space<vmem>>) offsets(%dma_start3A_52 : memref<80xi32, #tpu.memory_space<vmem>>) semaphore(%arg10 : memref<!tpu.dma_semaphore, #tpu.memory_space<semaphore_mem>>)
    %dma_start3A_56 = arith.constant 1 : i32
    %dma_start3A_57 = arith.constant 1 : i32
    %dma_start3A_58 = arith.constant 0 : i32
    %dma_start3A_59 = arith.constant 0 : i32
    %dma_start3A_60 = tpu.memref_slice %arg8[%dma_start3A_57, %dma_start3A_58, %dma_start3A_59] : memref<10x80x64xf32, #tpu.memory_space<vmem>> -> memref<1x80x64xf32, #tpu.memory_space<vmem>>
    %dma_start3A_61 = tpu.memref_squeeze %dma_start3A_60 : memref<1x80x64xf32, #tpu.memory_space<vmem>> -> memref<80x64xf32, #tpu.memory_space<vmem>>
    %dma_start3A_62 = arith.constant 0 : i32
    %dma_start3A_63 = tpu.memref_slice %arg6[%dma_start3A_56, %dma_start3A_62] : memref<125x80xi32, #tpu.memory_space<vmem>> -> memref<1x80xi32, #tpu.memory_space<vmem>>
    %dma_start3A_64 = tpu.memref_squeeze %dma_start3A_63 : memref<1x80xi32, #tpu.memory_space<vmem>> -> memref<80xi32, #tpu.memory_space<vmem>>
    %dma_start3A_65 = arith.constant 0 : i32
    %dma_start3A_66 = arith.constant 0 : i32
    %dma_start3A_67 = tpu.memref_slice %arg2[%dma_start3A_65, %dma_start3A_66] : memref<540000x64xf32, #tpu.memory_space<hbm>> -> memref<540000x64xf32, #tpu.memory_space<hbm>>
    tpu.enqueue_indirect_dma source(%dma_start3A_67 : memref<540000x64xf32, #tpu.memory_space<hbm>>) target(%dma_start3A_61 : memref<80x64xf32, #tpu.memory_space<vmem>>) offsets(%dma_start3A_64 : memref<80xi32, #tpu.memory_space<vmem>>) semaphore(%arg10 : memref<!tpu.dma_semaphore, #tpu.memory_space<semaphore_mem>>)
    %dma_start3A_68 = arith.constant 2 : i32
    %dma_start3A_69 = arith.constant 2 : i32
    %dma_start3A_70 = arith.constant 0 : i32
    %dma_start3A_71 = arith.constant 0 : i32
    %dma_start3A_72 = tpu.memref_slice %arg8[%dma_start3A_69, %dma_start3A_70, %dma_start3A_71] : memref<10x80x64xf32, #tpu.memory_space<vmem>> -> memref<1x80x64xf32, #tpu.memory_space<vmem>>
    %dma_start3A_73 = tpu.memref_squeeze %dma_start3A_72 : memref<1x80x64xf32, #tpu.memory_space<vmem>> -> memref<80x64xf32, #tpu.memory_space<vmem>>
    %dma_start3A_74 = arith.constant 0 : i32
    %dma_start3A_75 = tpu.memref_slice %arg6[%dma_start3A_68, %dma_start3A_74] : memref<125x80xi32, #tpu.memory_space<vmem>> -> memref<1x80xi32, #tpu.memory_space<vmem>>
    %dma_start3A_76 = tpu.memref_squeeze %dma_start3A_75 : memref<1x80xi32, #tpu.memory_space<vmem>> -> memref<80xi32, #tpu.memory_space<vmem>>
    %dma_start3A_77 = arith.constant 0 : i32
    %dma_start3A_78 = arith.constant 0 : i32
    %dma_start3A_79 = tpu.memref_slice %arg2[%dma_start3A_77, %dma_start3A_78] : memref<540000x64xf32, #tpu.memory_space<hbm>> -> memref<540000x64xf32, #tpu.memory_space<hbm>>
    tpu.enqueue_indirect_dma source(%dma_start3A_79 : memref<540000x64xf32, #tpu.memory_space<hbm>>) target(%dma_start3A_73 : memref<80x64xf32, #tpu.memory_space<vmem>>) offsets(%dma_start3A_76 : memref<80xi32, #tpu.memory_space<vmem>>) semaphore(%arg10 : memref<!tpu.dma_semaphore, #tpu.memory_space<semaphore_mem>>)
    %dma_start3A_80 = arith.constant 3 : i32
    %dma_start3A_81 = arith.constant 3 : i32
    %dma_start3A_82 = arith.constant 0 : i32
    %dma_start3A_83 = arith.constant 0 : i32
    %dma_start3A_84 = tpu.memref_slice %arg8[%dma_start3A_81, %dma_start3A_82, %dma_start3A_83] : memref<10x80x64xf32, #tpu.memory_space<vmem>> -> memref<1x80x64xf32, #tpu.memory_space<vmem>>
    %dma_start3A_85 = tpu.memref_squeeze %dma_start3A_84 : memref<1x80x64xf32, #tpu.memory_space<vmem>> -> memref<80x64xf32, #tpu.memory_space<vmem>>
    %dma_start3A_86 = arith.constant 0 : i32
    %dma_start3A_87 = tpu.memref_slice %arg6[%dma_start3A_80, %dma_start3A_86] : memref<125x80xi32, #tpu.memory_space<vmem>> -> memref<1x80xi32, #tpu.memory_space<vmem>>
    %dma_start3A_88 = tpu.memref_squeeze %dma_start3A_87 : memref<1x80xi32, #tpu.memory_space<vmem>> -> memref<80xi32, #tpu.memory_space<vmem>>
    %dma_start3A_89 = arith.constant 0 : i32
    %dma_start3A_90 = arith.constant 0 : i32
    %dma_start3A_91 = tpu.memref_slice %arg2[%dma_start3A_89, %dma_start3A_90] : memref<540000x64xf32, #tpu.memory_space<hbm>> -> memref<540000x64xf32, #tpu.memory_space<hbm>>
    tpu.enqueue_indirect_dma source(%dma_start3A_91 : memref<540000x64xf32, #tpu.memory_space<hbm>>) target(%dma_start3A_85 : memref<80x64xf32, #tpu.memory_space<vmem>>) offsets(%dma_start3A_88 : memref<80xi32, #tpu.memory_space<vmem>>) semaphore(%arg10 : memref<!tpu.dma_semaphore, #tpu.memory_space<semaphore_mem>>)
    %dma_start3A_92 = arith.constant 4 : i32
    %dma_start3A_93 = arith.constant 4 : i32
    %dma_start3A_94 = arith.constant 0 : i32
    %dma_start3A_95 = arith.constant 0 : i32
    %dma_start3A_96 = tpu.memref_slice %arg8[%dma_start3A_93, %dma_start3A_94, %dma_start3A_95] : memref<10x80x64xf32, #tpu.memory_space<vmem>> -> memref<1x80x64xf32, #tpu.memory_space<vmem>>
    %dma_start3A_97 = tpu.memref_squeeze %dma_start3A_96 : memref<1x80x64xf32, #tpu.memory_space<vmem>> -> memref<80x64xf32, #tpu.memory_space<vmem>>
    %dma_start3A_98 = arith.constant 0 : i32
    %dma_start3A_99 = tpu.memref_slice %arg6[%dma_start3A_92, %dma_start3A_98] : memref<125x80xi32, #tpu.memory_space<vmem>> -> memref<1x80xi32, #tpu.memory_space<vmem>>
    %dma_start3A_100 = tpu.memref_squeeze %dma_start3A_99 : memref<1x80xi32, #tpu.memory_space<vmem>> -> memref<80xi32, #tpu.memory_space<vmem>>
    %dma_start3A_101 = arith.constant 0 : i32
    %dma_start3A_102 = arith.constant 0 : i32
    %dma_start3A_103 = tpu.memref_slice %arg2[%dma_start3A_101, %dma_start3A_102] : memref<540000x64xf32, #tpu.memory_space<hbm>> -> memref<540000x64xf32, #tpu.memory_space<hbm>>
    tpu.enqueue_indirect_dma source(%dma_start3A_103 : memref<540000x64xf32, #tpu.memory_space<hbm>>) target(%dma_start3A_97 : memref<80x64xf32, #tpu.memory_space<vmem>>) offsets(%dma_start3A_100 : memref<80xi32, #tpu.memory_space<vmem>>) semaphore(%arg10 : memref<!tpu.dma_semaphore, #tpu.memory_space<semaphore_mem>>)
    %dma_wait3A = arith.constant 0 : i32
    %dma_wait3A_104 = arith.constant 0 : i32
    %dma_wait3A_105 = arith.constant 0 : i32
    %dma_wait3A_106 = arith.constant 0 : i32
    %dma_wait3A_107 = tpu.memref_slice %arg8[%dma_wait3A_104, %dma_wait3A_105, %dma_wait3A_106] : memref<10x80x64xf32, #tpu.memory_space<vmem>> -> memref<1x80x64xf32, #tpu.memory_space<vmem>>
    %dma_wait3A_108 = tpu.memref_squeeze %dma_wait3A_107 : memref<1x80x64xf32, #tpu.memory_space<vmem>> -> memref<80x64xf32, #tpu.memory_space<vmem>>
    %dma_wait3A_109 = arith.constant 0 : i32
    %dma_wait3A_110 = tpu.memref_slice %arg6[%dma_wait3A, %dma_wait3A_109] : memref<125x80xi32, #tpu.memory_space<vmem>> -> memref<1x80xi32, #tpu.memory_space<vmem>>
    %dma_wait3A_111 = tpu.memref_squeeze %dma_wait3A_110 : memref<1x80xi32, #tpu.memory_space<vmem>> -> memref<80xi32, #tpu.memory_space<vmem>>
    %dma_wait3A_112 = arith.constant 0 : i32
    %dma_wait3A_113 = arith.constant 0 : i32
    %dma_wait3A_114 = tpu.memref_slice %arg2[%dma_wait3A_112, %dma_wait3A_113] : memref<540000x64xf32, #tpu.memory_space<hbm>> -> memref<540000x64xf32, #tpu.memory_space<hbm>>
    tpu.wait_indirect_dma semaphore(%arg10 : memref<!tpu.dma_semaphore, #tpu.memory_space<semaphore_mem>>) src(%dma_wait3A_114 : memref<540000x64xf32, #tpu.memory_space<hbm>>) dst(%dma_wait3A_108 : memref<80x64xf32, #tpu.memory_space<vmem>>)
    %dma_wait3A_115 = arith.constant 1 : i32
    %dma_wait3A_116 = arith.constant 1 : i32
    %dma_wait3A_117 = arith.constant 0 : i32
    %dma_wait3A_118 = arith.constant 0 : i32
    %dma_wait3A_119 = tpu.memref_slice %arg8[%dma_wait3A_116, %dma_wait3A_117, %dma_wait3A_118] : memref<10x80x64xf32, #tpu.memory_space<vmem>> -> memref<1x80x64xf32, #tpu.memory_space<vmem>>
    %dma_wait3A_120 = tpu.memref_squeeze %dma_wait3A_119 : memref<1x80x64xf32, #tpu.memory_space<vmem>> -> memref<80x64xf32, #tpu.memory_space<vmem>>
    %dma_wait3A_121 = arith.constant 0 : i32
    %dma_wait3A_122 = tpu.memref_slice %arg6[%dma_wait3A_115, %dma_wait3A_121] : memref<125x80xi32, #tpu.memory_space<vmem>> -> memref<1x80xi32, #tpu.memory_space<vmem>>
    %dma_wait3A_123 = tpu.memref_squeeze %dma_wait3A_122 : memref<1x80xi32, #tpu.memory_space<vmem>> -> memref<80xi32, #tpu.memory_space<vmem>>
    %dma_wait3A_124 = arith.constant 0 : i32
    %dma_wait3A_125 = arith.constant 0 : i32
    %dma_wait3A_126 = tpu.memref_slice %arg2[%dma_wait3A_124, %dma_wait3A_125] : memref<540000x64xf32, #tpu.memory_space<hbm>> -> memref<540000x64xf32, #tpu.memory_space<hbm>>
    tpu.wait_indirect_dma semaphore(%arg10 : memref<!tpu.dma_semaphore, #tpu.memory_space<semaphore_mem>>) src(%dma_wait3A_126 : memref<540000x64xf32, #tpu.memory_space<hbm>>) dst(%dma_wait3A_120 : memref<80x64xf32, #tpu.memory_space<vmem>>)
    %dma_wait3A_127 = arith.constant 2 : i32
    %dma_wait3A_128 = arith.constant 2 : i32
    %dma_wait3A_129 = arith.constant 0 : i32
    %dma_wait3A_130 = arith.constant 0 : i32
    %dma_wait3A_131 = tpu.memref_slice %arg8[%dma_wait3A_128, %dma_wait3A_129, %dma_wait3A_130] : memref<10x80x64xf32, #tpu.memory_space<vmem>> -> memref<1x80x64xf32, #tpu.memory_space<vmem>>
    %dma_wait3A_132 = tpu.memref_squeeze %dma_wait3A_131 : memref<1x80x64xf32, #tpu.memory_space<vmem>> -> memref<80x64xf32, #tpu.memory_space<vmem>>
    %dma_wait3A_133 = arith.constant 0 : i32
    %dma_wait3A_134 = tpu.memref_slice %arg6[%dma_wait3A_127, %dma_wait3A_133] : memref<125x80xi32, #tpu.memory_space<vmem>> -> memref<1x80xi32, #tpu.memory_space<vmem>>
    %dma_wait3A_135 = tpu.memref_squeeze %dma_wait3A_134 : memref<1x80xi32, #tpu.memory_space<vmem>> -> memref<80xi32, #tpu.memory_space<vmem>>
    %dma_wait3A_136 = arith.constant 0 : i32
    %dma_wait3A_137 = arith.constant 0 : i32
    %dma_wait3A_138 = tpu.memref_slice %arg2[%dma_wait3A_136, %dma_wait3A_137] : memref<540000x64xf32, #tpu.memory_space<hbm>> -> memref<540000x64xf32, #tpu.memory_space<hbm>>
    tpu.wait_indirect_dma semaphore(%arg10 : memref<!tpu.dma_semaphore, #tpu.memory_space<semaphore_mem>>) src(%dma_wait3A_138 : memref<540000x64xf32, #tpu.memory_space<hbm>>) dst(%dma_wait3A_132 : memref<80x64xf32, #tpu.memory_space<vmem>>)
    %dma_wait3A_139 = arith.constant 3 : i32
    %dma_wait3A_140 = arith.constant 3 : i32
    %dma_wait3A_141 = arith.constant 0 : i32
    %dma_wait3A_142 = arith.constant 0 : i32
    %dma_wait3A_143 = tpu.memref_slice %arg8[%dma_wait3A_140, %dma_wait3A_141, %dma_wait3A_142] : memref<10x80x64xf32, #tpu.memory_space<vmem>> -> memref<1x80x64xf32, #tpu.memory_space<vmem>>
    %dma_wait3A_144 = tpu.memref_squeeze %dma_wait3A_143 : memref<1x80x64xf32, #tpu.memory_space<vmem>> -> memref<80x64xf32, #tpu.memory_space<vmem>>
    %dma_wait3A_145 = arith.constant 0 : i32
    %dma_wait3A_146 = tpu.memref_slice %arg6[%dma_wait3A_139, %dma_wait3A_145] : memref<125x80xi32, #tpu.memory_space<vmem>> -> memref<1x80xi32, #tpu.memory_space<vmem>>
    %dma_wait3A_147 = tpu.memref_squeeze %dma_wait3A_146 : memref<1x80xi32, #tpu.memory_space<vmem>> -> memref<80xi32, #tpu.memory_space<vmem>>
    %dma_wait3A_148 = arith.constant 0 : i32
    %dma_wait3A_149 = arith.constant 0 : i32
    %dma_wait3A_150 = tpu.memref_slice %arg2[%dma_wait3A_148, %dma_wait3A_149] : memref<540000x64xf32, #tpu.memory_space<hbm>> -> memref<540000x64xf32, #tpu.memory_space<hbm>>
    tpu.wait_indirect_dma semaphore(%arg10 : memref<!tpu.dma_semaphore, #tpu.memory_space<semaphore_mem>>) src(%dma_wait3A_150 : memref<540000x64xf32, #tpu.memory_space<hbm>>) dst(%dma_wait3A_144 : memref<80x64xf32, #tpu.memory_space<vmem>>)
    %dma_wait3A_151 = arith.constant 4 : i32
    %dma_wait3A_152 = arith.constant 4 : i32
    %dma_wait3A_153 = arith.constant 0 : i32
    %dma_wait3A_154 = arith.constant 0 : i32
    %dma_wait3A_155 = tpu.memref_slice %arg8[%dma_wait3A_152, %dma_wait3A_153, %dma_wait3A_154] : memref<10x80x64xf32, #tpu.memory_space<vmem>> -> memref<1x80x64xf32, #tpu.memory_space<vmem>>
    %dma_wait3A_156 = tpu.memref_squeeze %dma_wait3A_155 : memref<1x80x64xf32, #tpu.memory_space<vmem>> -> memref<80x64xf32, #tpu.memory_space<vmem>>
    %dma_wait3A_157 = arith.constant 0 : i32
    %dma_wait3A_158 = tpu.memref_slice %arg6[%dma_wait3A_151, %dma_wait3A_157] : memref<125x80xi32, #tpu.memory_space<vmem>> -> memref<1x80xi32, #tpu.memory_space<vmem>>
    %dma_wait3A_159 = tpu.memref_squeeze %dma_wait3A_158 : memref<1x80xi32, #tpu.memory_space<vmem>> -> memref<80xi32, #tpu.memory_space<vmem>>
    %dma_wait3A_160 = arith.constant 0 : i32
    %dma_wait3A_161 = arith.constant 0 : i32
    %dma_wait3A_162 = tpu.memref_slice %arg2[%dma_wait3A_160, %dma_wait3A_161] : memref<540000x64xf32, #tpu.memory_space<hbm>> -> memref<540000x64xf32, #tpu.memory_space<hbm>>
    tpu.wait_indirect_dma semaphore(%arg10 : memref<!tpu.dma_semaphore, #tpu.memory_space<semaphore_mem>>) src(%dma_wait3A_162 : memref<540000x64xf32, #tpu.memory_space<hbm>>) dst(%dma_wait3A_156 : memref<80x64xf32, #tpu.memory_space<vmem>>)
    %dma_start3A_163 = arith.constant 0 : i32
    %dma_start3A_164 = arith.constant 0 : i32
    %dma_start3A_165 = arith.constant 0 : i32
    %dma_start3A_166 = arith.constant 0 : i32
    %dma_start3A_167 = tpu.memref_slice %arg8[%dma_start3A_163, %dma_start3A_165, %dma_start3A_166] : memref<10x80x64xf32, #tpu.memory_space<vmem>> -> memref<1x80x64xf32, #tpu.memory_space<vmem>>
    %dma_start3A_168 = tpu.memref_squeeze %dma_start3A_167 : memref<1x80x64xf32, #tpu.memory_space<vmem>> -> memref<80x64xf32, #tpu.memory_space<vmem>>
    %dma_start3A_169 = arith.constant 0 : i32
    %dma_start3A_170 = tpu.memref_slice %arg7[%dma_start3A_164, %dma_start3A_169] : memref<125x80xi32, #tpu.memory_space<vmem>> -> memref<1x80xi32, #tpu.memory_space<vmem>>
    %dma_start3A_171 = tpu.memref_squeeze %dma_start3A_170 : memref<1x80xi32, #tpu.memory_space<vmem>> -> memref<80xi32, #tpu.memory_space<vmem>>
    %dma_start3A_172 = arith.constant 0 : i32
    %dma_start3A_173 = arith.constant 0 : i32
    %dma_start3A_174 = tpu.memref_slice %arg9[%dma_start3A_172, %dma_start3A_173] : memref<10240x64xf32, #tpu.memory_space<vmem_shared>> -> memref<10240x64xf32, #tpu.memory_space<vmem_shared>>
    tpu.enqueue_indirect_dma source(%dma_start3A_168 : memref<80x64xf32, #tpu.memory_space<vmem>>) target(%dma_start3A_174 : memref<10240x64xf32, #tpu.memory_space<vmem_shared>>) offsets(%dma_start3A_171 : memref<80xi32, #tpu.memory_space<vmem>>) semaphore(%arg11 : memref<!tpu.dma_semaphore, #tpu.memory_space<semaphore_mem>>) {add = true}
    %dma_start3A_175 = arith.constant 1 : i32
    %dma_start3A_176 = arith.constant 1 : i32
    %dma_start3A_177 = arith.constant 0 : i32
    %dma_start3A_178 = arith.constant 0 : i32
    %dma_start3A_179 = tpu.memref_slice %arg8[%dma_start3A_175, %dma_start3A_177, %dma_start3A_178] : memref<10x80x64xf32, #tpu.memory_space<vmem>> -> memref<1x80x64xf32, #tpu.memory_space<vmem>>
    %dma_start3A_180 = tpu.memref_squeeze %dma_start3A_179 : memref<1x80x64xf32, #tpu.memory_space<vmem>> -> memref<80x64xf32, #tpu.memory_space<vmem>>
    %dma_start3A_181 = arith.constant 0 : i32
    %dma_start3A_182 = tpu.memref_slice %arg7[%dma_start3A_176, %dma_start3A_181] : memref<125x80xi32, #tpu.memory_space<vmem>> -> memref<1x80xi32, #tpu.memory_space<vmem>>
    %dma_start3A_183 = tpu.memref_squeeze %dma_start3A_182 : memref<1x80xi32, #tpu.memory_space<vmem>> -> memref<80xi32, #tpu.memory_space<vmem>>
    %dma_start3A_184 = arith.constant 0 : i32
    %dma_start3A_185 = arith.constant 0 : i32
    %dma_start3A_186 = tpu.memref_slice %arg9[%dma_start3A_184, %dma_start3A_185] : memref<10240x64xf32, #tpu.memory_space<vmem_shared>> -> memref<10240x64xf32, #tpu.memory_space<vmem_shared>>
    tpu.enqueue_indirect_dma source(%dma_start3A_180 : memref<80x64xf32, #tpu.memory_space<vmem>>) target(%dma_start3A_186 : memref<10240x64xf32, #tpu.memory_space<vmem_shared>>) offsets(%dma_start3A_183 : memref<80xi32, #tpu.memory_space<vmem>>) semaphore(%arg11 : memref<!tpu.dma_semaphore, #tpu.memory_space<semaphore_mem>>) {add = true}
    %dma_start3A_187 = arith.constant 2 : i32
    %dma_start3A_188 = arith.constant 2 : i32
    %dma_start3A_189 = arith.constant 0 : i32
    %dma_start3A_190 = arith.constant 0 : i32
    %dma_start3A_191 = tpu.memref_slice %arg8[%dma_start3A_187, %dma_start3A_189, %dma_start3A_190] : memref<10x80x64xf32, #tpu.memory_space<vmem>> -> memref<1x80x64xf32, #tpu.memory_space<vmem>>
    %dma_start3A_192 = tpu.memref_squeeze %dma_start3A_191 : memref<1x80x64xf32, #tpu.memory_space<vmem>> -> memref<80x64xf32, #tpu.memory_space<vmem>>
    %dma_start3A_193 = arith.constant 0 : i32
    %dma_start3A_194 = tpu.memref_slice %arg7[%dma_start3A_188, %dma_start3A_193] : memref<125x80xi32, #tpu.memory_space<vmem>> -> memref<1x80xi32, #tpu.memory_space<vmem>>
    %dma_start3A_195 = tpu.memref_squeeze %dma_start3A_194 : memref<1x80xi32, #tpu.memory_space<vmem>> -> memref<80xi32, #tpu.memory_space<vmem>>
    %dma_start3A_196 = arith.constant 0 : i32
    %dma_start3A_197 = arith.constant 0 : i32
    %dma_start3A_198 = tpu.memref_slice %arg9[%dma_start3A_196, %dma_start3A_197] : memref<10240x64xf32, #tpu.memory_space<vmem_shared>> -> memref<10240x64xf32, #tpu.memory_space<vmem_shared>>
    tpu.enqueue_indirect_dma source(%dma_start3A_192 : memref<80x64xf32, #tpu.memory_space<vmem>>) target(%dma_start3A_198 : memref<10240x64xf32, #tpu.memory_space<vmem_shared>>) offsets(%dma_start3A_195 : memref<80xi32, #tpu.memory_space<vmem>>) semaphore(%arg11 : memref<!tpu.dma_semaphore, #tpu.memory_space<semaphore_mem>>) {add = true}
    %dma_start3A_199 = arith.constant 3 : i32
    %dma_start3A_200 = arith.constant 3 : i32
    %dma_start3A_201 = arith.constant 0 : i32
    %dma_start3A_202 = arith.constant 0 : i32
    %dma_start3A_203 = tpu.memref_slice %arg8[%dma_start3A_199, %dma_start3A_201, %dma_start3A_202] : memref<10x80x64xf32, #tpu.memory_space<vmem>> -> memref<1x80x64xf32, #tpu.memory_space<vmem>>
    %dma_start3A_204 = tpu.memref_squeeze %dma_start3A_203 : memref<1x80x64xf32, #tpu.memory_space<vmem>> -> memref<80x64xf32, #tpu.memory_space<vmem>>
    %dma_start3A_205 = arith.constant 0 : i32
    %dma_start3A_206 = tpu.memref_slice %arg7[%dma_start3A_200, %dma_start3A_205] : memref<125x80xi32, #tpu.memory_space<vmem>> -> memref<1x80xi32, #tpu.memory_space<vmem>>
    %dma_start3A_207 = tpu.memref_squeeze %dma_start3A_206 : memref<1x80xi32, #tpu.memory_space<vmem>> -> memref<80xi32, #tpu.memory_space<vmem>>
    %dma_start3A_208 = arith.constant 0 : i32
    %dma_start3A_209 = arith.constant 0 : i32
    %dma_start3A_210 = tpu.memref_slice %arg9[%dma_start3A_208, %dma_start3A_209] : memref<10240x64xf32, #tpu.memory_space<vmem_shared>> -> memref<10240x64xf32, #tpu.memory_space<vmem_shared>>
    tpu.enqueue_indirect_dma source(%dma_start3A_204 : memref<80x64xf32, #tpu.memory_space<vmem>>) target(%dma_start3A_210 : memref<10240x64xf32, #tpu.memory_space<vmem_shared>>) offsets(%dma_start3A_207 : memref<80xi32, #tpu.memory_space<vmem>>) semaphore(%arg11 : memref<!tpu.dma_semaphore, #tpu.memory_space<semaphore_mem>>) {add = true}
    %dma_start3A_211 = arith.constant 4 : i32
    %dma_start3A_212 = arith.constant 4 : i32
    %dma_start3A_213 = arith.constant 0 : i32
    %dma_start3A_214 = arith.constant 0 : i32
    %dma_start3A_215 = tpu.memref_slice %arg8[%dma_start3A_211, %dma_start3A_213, %dma_start3A_214] : memref<10x80x64xf32, #tpu.memory_space<vmem>> -> memref<1x80x64xf32, #tpu.memory_space<vmem>>
    %dma_start3A_216 = tpu.memref_squeeze %dma_start3A_215 : memref<1x80x64xf32, #tpu.memory_space<vmem>> -> memref<80x64xf32, #tpu.memory_space<vmem>>
    %dma_start3A_217 = arith.constant 0 : i32
    %dma_start3A_218 = tpu.memref_slice %arg7[%dma_start3A_212, %dma_start3A_217] : memref<125x80xi32, #tpu.memory_space<vmem>> -> memref<1x80xi32, #tpu.memory_space<vmem>>
    %dma_start3A_219 = tpu.memref_squeeze %dma_start3A_218 : memref<1x80xi32, #tpu.memory_space<vmem>> -> memref<80xi32, #tpu.memory_space<vmem>>
    %dma_start3A_220 = arith.constant 0 : i32
    %dma_start3A_221 = arith.constant 0 : i32
    %dma_start3A_222 = tpu.memref_slice %arg9[%dma_start3A_220, %dma_start3A_221] : memref<10240x64xf32, #tpu.memory_space<vmem_shared>> -> memref<10240x64xf32, #tpu.memory_space<vmem_shared>>
    tpu.enqueue_indirect_dma source(%dma_start3A_216 : memref<80x64xf32, #tpu.memory_space<vmem>>) target(%dma_start3A_222 : memref<10240x64xf32, #tpu.memory_space<vmem_shared>>) offsets(%dma_start3A_219 : memref<80xi32, #tpu.memory_space<vmem>>) semaphore(%arg11 : memref<!tpu.dma_semaphore, #tpu.memory_space<semaphore_mem>>) {add = true}
    %dma_start3A_223 = arith.constant 5 : i32
    %dma_start3A_224 = arith.constant 5 : i32
    %dma_start3A_225 = arith.constant 0 : i32
    %dma_start3A_226 = arith.constant 0 : i32
    %dma_start3A_227 = tpu.memref_slice %arg8[%dma_start3A_224, %dma_start3A_225, %dma_start3A_226] : memref<10x80x64xf32, #tpu.memory_space<vmem>> -> memref<1x80x64xf32, #tpu.memory_space<vmem>>
    %dma_start3A_228 = tpu.memref_squeeze %dma_start3A_227 : memref<1x80x64xf32, #tpu.memory_space<vmem>> -> memref<80x64xf32, #tpu.memory_space<vmem>>
    %dma_start3A_229 = arith.constant 0 : i32
    %dma_start3A_230 = tpu.memref_slice %arg6[%dma_start3A_223, %dma_start3A_229] : memref<125x80xi32, #tpu.memory_space<vmem>> -> memref<1x80xi32, #tpu.memory_space<vmem>>
    %dma_start3A_231 = tpu.memref_squeeze %dma_start3A_230 : memref<1x80xi32, #tpu.memory_space<vmem>> -> memref<80xi32, #tpu.memory_space<vmem>>
    %dma_start3A_232 = arith.constant 0 : i32
    %dma_start3A_233 = arith.constant 0 : i32
    %dma_start3A_234 = tpu.memref_slice %arg2[%dma_start3A_232, %dma_start3A_233] : memref<540000x64xf32, #tpu.memory_space<hbm>> -> memref<540000x64xf32, #tpu.memory_space<hbm>>
    tpu.enqueue_indirect_dma source(%dma_start3A_234 : memref<540000x64xf32, #tpu.memory_space<hbm>>) target(%dma_start3A_228 : memref<80x64xf32, #tpu.memory_space<vmem>>) offsets(%dma_start3A_231 : memref<80xi32, #tpu.memory_space<vmem>>) semaphore(%arg10 : memref<!tpu.dma_semaphore, #tpu.memory_space<semaphore_mem>>)
    %dma_start3A_235 = arith.constant 6 : i32
    %dma_start3A_236 = arith.constant 6 : i32
    %dma_start3A_237 = arith.constant 0 : i32
    %dma_start3A_238 = arith.constant 0 : i32
    %dma_start3A_239 = tpu.memref_slice %arg8[%dma_start3A_236, %dma_start3A_237, %dma_start3A_238] : memref<10x80x64xf32, #tpu.memory_space<vmem>> -> memref<1x80x64xf32, #tpu.memory_space<vmem>>
    %dma_start3A_240 = tpu.memref_squeeze %dma_start3A_239 : memref<1x80x64xf32, #tpu.memory_space<vmem>> -> memref<80x64xf32, #tpu.memory_space<vmem>>
    %dma_start3A_241 = arith.constant 0 : i32
    %dma_start3A_242 = tpu.memref_slice %arg6[%dma_start3A_235, %dma_start3A_241] : memref<125x80xi32, #tpu.memory_space<vmem>> -> memref<1x80xi32, #tpu.memory_space<vmem>>
    %dma_start3A_243 = tpu.memref_squeeze %dma_start3A_242 : memref<1x80xi32, #tpu.memory_space<vmem>> -> memref<80xi32, #tpu.memory_space<vmem>>
    %dma_start3A_244 = arith.constant 0 : i32
    %dma_start3A_245 = arith.constant 0 : i32
    %dma_start3A_246 = tpu.memref_slice %arg2[%dma_start3A_244, %dma_start3A_245] : memref<540000x64xf32, #tpu.memory_space<hbm>> -> memref<540000x64xf32, #tpu.memory_space<hbm>>
    tpu.enqueue_indirect_dma source(%dma_start3A_246 : memref<540000x64xf32, #tpu.memory_space<hbm>>) target(%dma_start3A_240 : memref<80x64xf32, #tpu.memory_space<vmem>>) offsets(%dma_start3A_243 : memref<80xi32, #tpu.memory_space<vmem>>) semaphore(%arg10 : memref<!tpu.dma_semaphore, #tpu.memory_space<semaphore_mem>>)
    %dma_start3A_247 = arith.constant 7 : i32
    %dma_start3A_248 = arith.constant 7 : i32
    %dma_start3A_249 = arith.constant 0 : i32
    %dma_start3A_250 = arith.constant 0 : i32
    %dma_start3A_251 = tpu.memref_slice %arg8[%dma_start3A_248, %dma_start3A_249, %dma_start3A_250] : memref<10x80x64xf32, #tpu.memory_space<vmem>> -> memref<1x80x64xf32, #tpu.memory_space<vmem>>
    %dma_start3A_252 = tpu.memref_squeeze %dma_start3A_251 : memref<1x80x64xf32, #tpu.memory_space<vmem>> -> memref<80x64xf32, #tpu.memory_space<vmem>>
    %dma_start3A_253 = arith.constant 0 : i32
    %dma_start3A_254 = tpu.memref_slice %arg6[%dma_start3A_247, %dma_start3A_253] : memref<125x80xi32, #tpu.memory_space<vmem>> -> memref<1x80xi32, #tpu.memory_space<vmem>>
    %dma_start3A_255 = tpu.memref_squeeze %dma_start3A_254 : memref<1x80xi32, #tpu.memory_space<vmem>> -> memref<80xi32, #tpu.memory_space<vmem>>
    %dma_start3A_256 = arith.constant 0 : i32
    %dma_start3A_257 = arith.constant 0 : i32
    %dma_start3A_258 = tpu.memref_slice %arg2[%dma_start3A_256, %dma_start3A_257] : memref<540000x64xf32, #tpu.memory_space<hbm>> -> memref<540000x64xf32, #tpu.memory_space<hbm>>
    tpu.enqueue_indirect_dma source(%dma_start3A_258 : memref<540000x64xf32, #tpu.memory_space<hbm>>) target(%dma_start3A_252 : memref<80x64xf32, #tpu.memory_space<vmem>>) offsets(%dma_start3A_255 : memref<80xi32, #tpu.memory_space<vmem>>) semaphore(%arg10 : memref<!tpu.dma_semaphore, #tpu.memory_space<semaphore_mem>>)
    %dma_start3A_259 = arith.constant 8 : i32
    %dma_start3A_260 = arith.constant 8 : i32
    %dma_start3A_261 = arith.constant 0 : i32
    %dma_start3A_262 = arith.constant 0 : i32
    %dma_start3A_263 = tpu.memref_slice %arg8[%dma_start3A_260, %dma_start3A_261, %dma_start3A_262] : memref<10x80x64xf32, #tpu.memory_space<vmem>> -> memref<1x80x64xf32, #tpu.memory_space<vmem>>
    %dma_start3A_264 = tpu.memref_squeeze %dma_start3A_263 : memref<1x80x64xf32, #tpu.memory_space<vmem>> -> memref<80x64xf32, #tpu.memory_space<vmem>>
    %dma_start3A_265 = arith.constant 0 : i32
    %dma_start3A_266 = tpu.memref_slice %arg6[%dma_start3A_259, %dma_start3A_265] : memref<125x80xi32, #tpu.memory_space<vmem>> -> memref<1x80xi32, #tpu.memory_space<vmem>>
    %dma_start3A_267 = tpu.memref_squeeze %dma_start3A_266 : memref<1x80xi32, #tpu.memory_space<vmem>> -> memref<80xi32, #tpu.memory_space<vmem>>
    %dma_start3A_268 = arith.constant 0 : i32
    %dma_start3A_269 = arith.constant 0 : i32
    %dma_start3A_270 = tpu.memref_slice %arg2[%dma_start3A_268, %dma_start3A_269] : memref<540000x64xf32, #tpu.memory_space<hbm>> -> memref<540000x64xf32, #tpu.memory_space<hbm>>
    tpu.enqueue_indirect_dma source(%dma_start3A_270 : memref<540000x64xf32, #tpu.memory_space<hbm>>) target(%dma_start3A_264 : memref<80x64xf32, #tpu.memory_space<vmem>>) offsets(%dma_start3A_267 : memref<80xi32, #tpu.memory_space<vmem>>) semaphore(%arg10 : memref<!tpu.dma_semaphore, #tpu.memory_space<semaphore_mem>>)
    %dma_start3A_271 = arith.constant 9 : i32
    %dma_start3A_272 = arith.constant 9 : i32
    %dma_start3A_273 = arith.constant 0 : i32
    %dma_start3A_274 = arith.constant 0 : i32
    %dma_start3A_275 = tpu.memref_slice %arg8[%dma_start3A_272, %dma_start3A_273, %dma_start3A_274] : memref<10x80x64xf32, #tpu.memory_space<vmem>> -> memref<1x80x64xf32, #tpu.memory_space<vmem>>
    %dma_start3A_276 = tpu.memref_squeeze %dma_start3A_275 : memref<1x80x64xf32, #tpu.memory_space<vmem>> -> memref<80x64xf32, #tpu.memory_space<vmem>>
    %dma_start3A_277 = arith.constant 0 : i32
    %dma_start3A_278 = tpu.memref_slice %arg6[%dma_start3A_271, %dma_start3A_277] : memref<125x80xi32, #tpu.memory_space<vmem>> -> memref<1x80xi32, #tpu.memory_space<vmem>>
    %dma_start3A_279 = tpu.memref_squeeze %dma_start3A_278 : memref<1x80xi32, #tpu.memory_space<vmem>> -> memref<80xi32, #tpu.memory_space<vmem>>
    %dma_start3A_280 = arith.constant 0 : i32
    %dma_start3A_281 = arith.constant 0 : i32
    %dma_start3A_282 = tpu.memref_slice %arg2[%dma_start3A_280, %dma_start3A_281] : memref<540000x64xf32, #tpu.memory_space<hbm>> -> memref<540000x64xf32, #tpu.memory_space<hbm>>
    tpu.enqueue_indirect_dma source(%dma_start3A_282 : memref<540000x64xf32, #tpu.memory_space<hbm>>) target(%dma_start3A_276 : memref<80x64xf32, #tpu.memory_space<vmem>>) offsets(%dma_start3A_279 : memref<80xi32, #tpu.memory_space<vmem>>) semaphore(%arg10 : memref<!tpu.dma_semaphore, #tpu.memory_space<semaphore_mem>>)
    %scan3A_283 = arith.constant 0 : i32
    %scan3A_284 = arith.constant 0 : i32
    %scan3A_285 = arith.constant 11 : i32
    %scan3A_286 = arith.addi %scan3A_284, %scan3A_285 : i32
    %scan3A_287 = arith.constant 1 : i32
    %scan3A_288 = scf.for %scan3A_1532 = %scan3A_284 to %scan3A_286 step %scan3A_287 iter_args(%scan3A_1533 = %scan3A_283) -> (i32)  : i32 {
      %mul3A_1534 = arith.constant 2 : i32
      %mul3A_1535 = arith.muli %mul3A_1534, %scan3A_1532 : i32
      %add3A_1536 = arith.constant 1 : i32
      %add3A_1537 = arith.addi %mul3A_1535, %add3A_1536 : i32
      %mul3A_1538 = arith.constant 5 : i32
      %mul3A_1539 = arith.muli %add3A_1537, %mul3A_1538 : i32
      %add3A_1540 = arith.constant 0 : i32
      %add3A_1541 = arith.addi %mul3A_1539, %add3A_1540 : i32
      %dma_wait3A_1542 = arith.constant 5 : i32
      %dma_wait3A_1543 = arith.constant 0 : i32
      %dma_wait3A_1544 = arith.constant 0 : i32
      %dma_wait3A_1545 = tpu.memref_slice %arg8[%dma_wait3A_1542, %dma_wait3A_1543, %dma_wait3A_1544] : memref<10x80x64xf32, #tpu.memory_space<vmem>> -> memref<1x80x64xf32, #tpu.memory_space<vmem>>
      %dma_wait3A_1546 = tpu.memref_squeeze %dma_wait3A_1545 : memref<1x80x64xf32, #tpu.memory_space<vmem>> -> memref<80x64xf32, #tpu.memory_space<vmem>>
      %dma_wait3A_1547 = arith.constant 0 : i32
      %dma_wait3A_1548 = tpu.memref_slice %arg6[%add3A_1541, %dma_wait3A_1547] : memref<125x80xi32, #tpu.memory_space<vmem>> -> memref<1x80xi32, #tpu.memory_space<vmem>>
      %dma_wait3A_1549 = tpu.memref_squeeze %dma_wait3A_1548 : memref<1x80xi32, #tpu.memory_space<vmem>> -> memref<80xi32, #tpu.memory_space<vmem>>
      %dma_wait3A_1550 = arith.constant 0 : i32
      %dma_wait3A_1551 = arith.constant 0 : i32
      %dma_wait3A_1552 = tpu.memref_slice %arg2[%dma_wait3A_1550, %dma_wait3A_1551] : memref<540000x64xf32, #tpu.memory_space<hbm>> -> memref<540000x64xf32, #tpu.memory_space<hbm>>
      tpu.wait_indirect_dma semaphore(%arg10 : memref<!tpu.dma_semaphore, #tpu.memory_space<semaphore_mem>>) src(%dma_wait3A_1552 : memref<540000x64xf32, #tpu.memory_space<hbm>>) dst(%dma_wait3A_1546 : memref<80x64xf32, #tpu.memory_space<vmem>>)
      %mul3A_1553 = arith.constant 5 : i32
      %mul3A_1554 = arith.muli %add3A_1537, %mul3A_1553 : i32
      %add3A_1555 = arith.constant 1 : i32
      %add3A_1556 = arith.addi %mul3A_1554, %add3A_1555 : i32
      %dma_wait3A_1557 = arith.constant 6 : i32
      %dma_wait3A_1558 = arith.constant 0 : i32
      %dma_wait3A_1559 = arith.constant 0 : i32
      %dma_wait3A_1560 = tpu.memref_slice %arg8[%dma_wait3A_1557, %dma_wait3A_1558, %dma_wait3A_1559] : memref<10x80x64xf32, #tpu.memory_space<vmem>> -> memref<1x80x64xf32, #tpu.memory_space<vmem>>
      %dma_wait3A_1561 = tpu.memref_squeeze %dma_wait3A_1560 : memref<1x80x64xf32, #tpu.memory_space<vmem>> -> memref<80x64xf32, #tpu.memory_space<vmem>>
      %dma_wait3A_1562 = arith.constant 0 : i32
      %dma_wait3A_1563 = tpu.memref_slice %arg6[%add3A_1556, %dma_wait3A_1562] : memref<125x80xi32, #tpu.memory_space<vmem>> -> memref<1x80xi32, #tpu.memory_space<vmem>>
      %dma_wait3A_1564 = tpu.memref_squeeze %dma_wait3A_1563 : memref<1x80xi32, #tpu.memory_space<vmem>> -> memref<80xi32, #tpu.memory_space<vmem>>
      %dma_wait3A_1565 = arith.constant 0 : i32
      %dma_wait3A_1566 = arith.constant 0 : i32
      %dma_wait3A_1567 = tpu.memref_slice %arg2[%dma_wait3A_1565, %dma_wait3A_1566] : memref<540000x64xf32, #tpu.memory_space<hbm>> -> memref<540000x64xf32, #tpu.memory_space<hbm>>
      tpu.wait_indirect_dma semaphore(%arg10 : memref<!tpu.dma_semaphore, #tpu.memory_space<semaphore_mem>>) src(%dma_wait3A_1567 : memref<540000x64xf32, #tpu.memory_space<hbm>>) dst(%dma_wait3A_1561 : memref<80x64xf32, #tpu.memory_space<vmem>>)
      %mul3A_1568 = arith.constant 5 : i32
      %mul3A_1569 = arith.muli %add3A_1537, %mul3A_1568 : i32
      %add3A_1570 = arith.constant 2 : i32
      %add3A_1571 = arith.addi %mul3A_1569, %add3A_1570 : i32
      %dma_wait3A_1572 = arith.constant 7 : i32
      %dma_wait3A_1573 = arith.constant 0 : i32
      %dma_wait3A_1574 = arith.constant 0 : i32
      %dma_wait3A_1575 = tpu.memref_slice %arg8[%dma_wait3A_1572, %dma_wait3A_1573, %dma_wait3A_1574] : memref<10x80x64xf32, #tpu.memory_space<vmem>> -> memref<1x80x64xf32, #tpu.memory_space<vmem>>
      %dma_wait3A_1576 = tpu.memref_squeeze %dma_wait3A_1575 : memref<1x80x64xf32, #tpu.memory_space<vmem>> -> memref<80x64xf32, #tpu.memory_space<vmem>>
      %dma_wait3A_1577 = arith.constant 0 : i32
      %dma_wait3A_1578 = tpu.memref_slice %arg6[%add3A_1571, %dma_wait3A_1577] : memref<125x80xi32, #tpu.memory_space<vmem>> -> memref<1x80xi32, #tpu.memory_space<vmem>>
      %dma_wait3A_1579 = tpu.memref_squeeze %dma_wait3A_1578 : memref<1x80xi32, #tpu.memory_space<vmem>> -> memref<80xi32, #tpu.memory_space<vmem>>
      %dma_wait3A_1580 = arith.constant 0 : i32
      %dma_wait3A_1581 = arith.constant 0 : i32
      %dma_wait3A_1582 = tpu.memref_slice %arg2[%dma_wait3A_1580, %dma_wait3A_1581] : memref<540000x64xf32, #tpu.memory_space<hbm>> -> memref<540000x64xf32, #tpu.memory_space<hbm>>
      tpu.wait_indirect_dma semaphore(%arg10 : memref<!tpu.dma_semaphore, #tpu.memory_space<semaphore_mem>>) src(%dma_wait3A_1582 : memref<540000x64xf32, #tpu.memory_space<hbm>>) dst(%dma_wait3A_1576 : memref<80x64xf32, #tpu.memory_space<vmem>>)
      %mul3A_1583 = arith.constant 5 : i32
      %mul3A_1584 = arith.muli %add3A_1537, %mul3A_1583 : i32
      %add3A_1585 = arith.constant 3 : i32
      %add3A_1586 = arith.addi %mul3A_1584, %add3A_1585 : i32
      %dma_wait3A_1587 = arith.constant 8 : i32
      %dma_wait3A_1588 = arith.constant 0 : i32
      %dma_wait3A_1589 = arith.constant 0 : i32
      %dma_wait3A_1590 = tpu.memref_slice %arg8[%dma_wait3A_1587, %dma_wait3A_1588, %dma_wait3A_1589] : memref<10x80x64xf32, #tpu.memory_space<vmem>> -> memref<1x80x64xf32, #tpu.memory_space<vmem>>
      %dma_wait3A_1591 = tpu.memref_squeeze %dma_wait3A_1590 : memref<1x80x64xf32, #tpu.memory_space<vmem>> -> memref<80x64xf32, #tpu.memory_space<vmem>>
      %dma_wait3A_1592 = arith.constant 0 : i32
      %dma_wait3A_1593 = tpu.memref_slice %arg6[%add3A_1586, %dma_wait3A_1592] : memref<125x80xi32, #tpu.memory_space<vmem>> -> memref<1x80xi32, #tpu.memory_space<vmem>>
      %dma_wait3A_1594 = tpu.memref_squeeze %dma_wait3A_1593 : memref<1x80xi32, #tpu.memory_space<vmem>> -> memref<80xi32, #tpu.memory_space<vmem>>
      %dma_wait3A_1595 = arith.constant 0 : i32
      %dma_wait3A_1596 = arith.constant 0 : i32
      %dma_wait3A_1597 = tpu.memref_slice %arg2[%dma_wait3A_1595, %dma_wait3A_1596] : memref<540000x64xf32, #tpu.memory_space<hbm>> -> memref<540000x64xf32, #tpu.memory_space<hbm>>
      tpu.wait_indirect_dma semaphore(%arg10 : memref<!tpu.dma_semaphore, #tpu.memory_space<semaphore_mem>>) src(%dma_wait3A_1597 : memref<540000x64xf32, #tpu.memory_space<hbm>>) dst(%dma_wait3A_1591 : memref<80x64xf32, #tpu.memory_space<vmem>>)
      %mul3A_1598 = arith.constant 5 : i32
      %mul3A_1599 = arith.muli %add3A_1537, %mul3A_1598 : i32
      %add3A_1600 = arith.constant 4 : i32
      %add3A_1601 = arith.addi %mul3A_1599, %add3A_1600 : i32
      %dma_wait3A_1602 = arith.constant 9 : i32
      %dma_wait3A_1603 = arith.constant 0 : i32
      %dma_wait3A_1604 = arith.constant 0 : i32
      %dma_wait3A_1605 = tpu.memref_slice %arg8[%dma_wait3A_1602, %dma_wait3A_1603, %dma_wait3A_1604] : memref<10x80x64xf32, #tpu.memory_space<vmem>> -> memref<1x80x64xf32, #tpu.memory_space<vmem>>
      %dma_wait3A_1606 = tpu.memref_squeeze %dma_wait3A_1605 : memref<1x80x64xf32, #tpu.memory_space<vmem>> -> memref<80x64xf32, #tpu.memory_space<vmem>>
      %dma_wait3A_1607 = arith.constant 0 : i32
      %dma_wait3A_1608 = tpu.memref_slice %arg6[%add3A_1601, %dma_wait3A_1607] : memref<125x80xi32, #tpu.memory_space<vmem>> -> memref<1x80xi32, #tpu.memory_space<vmem>>
      %dma_wait3A_1609 = tpu.memref_squeeze %dma_wait3A_1608 : memref<1x80xi32, #tpu.memory_space<vmem>> -> memref<80xi32, #tpu.memory_space<vmem>>
      %dma_wait3A_1610 = arith.constant 0 : i32
      %dma_wait3A_1611 = arith.constant 0 : i32
      %dma_wait3A_1612 = tpu.memref_slice %arg2[%dma_wait3A_1610, %dma_wait3A_1611] : memref<540000x64xf32, #tpu.memory_space<hbm>> -> memref<540000x64xf32, #tpu.memory_space<hbm>>
      tpu.wait_indirect_dma semaphore(%arg10 : memref<!tpu.dma_semaphore, #tpu.memory_space<semaphore_mem>>) src(%dma_wait3A_1612 : memref<540000x64xf32, #tpu.memory_space<hbm>>) dst(%dma_wait3A_1606 : memref<80x64xf32, #tpu.memory_space<vmem>>)
      %mul3A_1613 = arith.constant 5 : i32
      %mul3A_1614 = arith.muli %add3A_1537, %mul3A_1613 : i32
      %add3A_1615 = arith.constant 0 : i32
      %add3A_1616 = arith.addi %mul3A_1614, %add3A_1615 : i32
      %dma_start3A_1617 = arith.constant 5 : i32
      %dma_start3A_1618 = arith.constant 0 : i32
      %dma_start3A_1619 = arith.constant 0 : i32
      %dma_start3A_1620 = tpu.memref_slice %arg8[%dma_start3A_1617, %dma_start3A_1618, %dma_start3A_1619] : memref<10x80x64xf32, #tpu.memory_space<vmem>> -> memref<1x80x64xf32, #tpu.memory_space<vmem>>
      %dma_start3A_1621 = tpu.memref_squeeze %dma_start3A_1620 : memref<1x80x64xf32, #tpu.memory_space<vmem>> -> memref<80x64xf32, #tpu.memory_space<vmem>>
      %dma_start3A_1622 = arith.constant 0 : i32
      %dma_start3A_1623 = tpu.memref_slice %arg7[%add3A_1616, %dma_start3A_1622] : memref<125x80xi32, #tpu.memory_space<vmem>> -> memref<1x80xi32, #tpu.memory_space<vmem>>
      %dma_start3A_1624 = tpu.memref_squeeze %dma_start3A_1623 : memref<1x80xi32, #tpu.memory_space<vmem>> -> memref<80xi32, #tpu.memory_space<vmem>>
      %dma_start3A_1625 = arith.constant 0 : i32
      %dma_start3A_1626 = arith.constant 0 : i32
      %dma_start3A_1627 = tpu.memref_slice %arg9[%dma_start3A_1625, %dma_start3A_1626] : memref<10240x64xf32, #tpu.memory_space<vmem_shared>> -> memref<10240x64xf32, #tpu.memory_space<vmem_shared>>
      tpu.enqueue_indirect_dma source(%dma_start3A_1621 : memref<80x64xf32, #tpu.memory_space<vmem>>) target(%dma_start3A_1627 : memref<10240x64xf32, #tpu.memory_space<vmem_shared>>) offsets(%dma_start3A_1624 : memref<80xi32, #tpu.memory_space<vmem>>) semaphore(%arg11 : memref<!tpu.dma_semaphore, #tpu.memory_space<semaphore_mem>>) {add = true}
      %mul3A_1628 = arith.constant 5 : i32
      %mul3A_1629 = arith.muli %add3A_1537, %mul3A_1628 : i32
      %add3A_1630 = arith.constant 1 : i32
      %add3A_1631 = arith.addi %mul3A_1629, %add3A_1630 : i32
      %dma_start3A_1632 = arith.constant 6 : i32
      %dma_start3A_1633 = arith.constant 0 : i32
      %dma_start3A_1634 = arith.constant 0 : i32
      %dma_start3A_1635 = tpu.memref_slice %arg8[%dma_start3A_1632, %dma_start3A_1633, %dma_start3A_1634] : memref<10x80x64xf32, #tpu.memory_space<vmem>> -> memref<1x80x64xf32, #tpu.memory_space<vmem>>
      %dma_start3A_1636 = tpu.memref_squeeze %dma_start3A_1635 : memref<1x80x64xf32, #tpu.memory_space<vmem>> -> memref<80x64xf32, #tpu.memory_space<vmem>>
      %dma_start3A_1637 = arith.constant 0 : i32
      %dma_start3A_1638 = tpu.memref_slice %arg7[%add3A_1631, %dma_start3A_1637] : memref<125x80xi32, #tpu.memory_space<vmem>> -> memref<1x80xi32, #tpu.memory_space<vmem>>
      %dma_start3A_1639 = tpu.memref_squeeze %dma_start3A_1638 : memref<1x80xi32, #tpu.memory_space<vmem>> -> memref<80xi32, #tpu.memory_space<vmem>>
      %dma_start3A_1640 = arith.constant 0 : i32
      %dma_start3A_1641 = arith.constant 0 : i32
      %dma_start3A_1642 = tpu.memref_slice %arg9[%dma_start3A_1640, %dma_start3A_1641] : memref<10240x64xf32, #tpu.memory_space<vmem_shared>> -> memref<10240x64xf32, #tpu.memory_space<vmem_shared>>
      tpu.enqueue_indirect_dma source(%dma_start3A_1636 : memref<80x64xf32, #tpu.memory_space<vmem>>) target(%dma_start3A_1642 : memref<10240x64xf32, #tpu.memory_space<vmem_shared>>) offsets(%dma_start3A_1639 : memref<80xi32, #tpu.memory_space<vmem>>) semaphore(%arg11 : memref<!tpu.dma_semaphore, #tpu.memory_space<semaphore_mem>>) {add = true}
      %mul3A_1643 = arith.constant 5 : i32
      %mul3A_1644 = arith.muli %add3A_1537, %mul3A_1643 : i32
      %add3A_1645 = arith.constant 2 : i32
      %add3A_1646 = arith.addi %mul3A_1644, %add3A_1645 : i32
      %dma_start3A_1647 = arith.constant 7 : i32
      %dma_start3A_1648 = arith.constant 0 : i32
      %dma_start3A_1649 = arith.constant 0 : i32
      %dma_start3A_1650 = tpu.memref_slice %arg8[%dma_start3A_1647, %dma_start3A_1648, %dma_start3A_1649] : memref<10x80x64xf32, #tpu.memory_space<vmem>> -> memref<1x80x64xf32, #tpu.memory_space<vmem>>
      %dma_start3A_1651 = tpu.memref_squeeze %dma_start3A_1650 : memref<1x80x64xf32, #tpu.memory_space<vmem>> -> memref<80x64xf32, #tpu.memory_space<vmem>>
      %dma_start3A_1652 = arith.constant 0 : i32
      %dma_start3A_1653 = tpu.memref_slice %arg7[%add3A_1646, %dma_start3A_1652] : memref<125x80xi32, #tpu.memory_space<vmem>> -> memref<1x80xi32, #tpu.memory_space<vmem>>
      %dma_start3A_1654 = tpu.memref_squeeze %dma_start3A_1653 : memref<1x80xi32, #tpu.memory_space<vmem>> -> memref<80xi32, #tpu.memory_space<vmem>>
      %dma_start3A_1655 = arith.constant 0 : i32
      %dma_start3A_1656 = arith.constant 0 : i32
      %dma_start3A_1657 = tpu.memref_slice %arg9[%dma_start3A_1655, %dma_start3A_1656] : memref<10240x64xf32, #tpu.memory_space<vmem_shared>> -> memref<10240x64xf32, #tpu.memory_space<vmem_shared>>
      tpu.enqueue_indirect_dma source(%dma_start3A_1651 : memref<80x64xf32, #tpu.memory_space<vmem>>) target(%dma_start3A_1657 : memref<10240x64xf32, #tpu.memory_space<vmem_shared>>) offsets(%dma_start3A_1654 : memref<80xi32, #tpu.memory_space<vmem>>) semaphore(%arg11 : memref<!tpu.dma_semaphore, #tpu.memory_space<semaphore_mem>>) {add = true}
      %mul3A_1658 = arith.constant 5 : i32
      %mul3A_1659 = arith.muli %add3A_1537, %mul3A_1658 : i32
      %add3A_1660 = arith.constant 3 : i32
      %add3A_1661 = arith.addi %mul3A_1659, %add3A_1660 : i32
      %dma_start3A_1662 = arith.constant 8 : i32
      %dma_start3A_1663 = arith.constant 0 : i32
      %dma_start3A_1664 = arith.constant 0 : i32
      %dma_start3A_1665 = tpu.memref_slice %arg8[%dma_start3A_1662, %dma_start3A_1663, %dma_start3A_1664] : memref<10x80x64xf32, #tpu.memory_space<vmem>> -> memref<1x80x64xf32, #tpu.memory_space<vmem>>
      %dma_start3A_1666 = tpu.memref_squeeze %dma_start3A_1665 : memref<1x80x64xf32, #tpu.memory_space<vmem>> -> memref<80x64xf32, #tpu.memory_space<vmem>>
      %dma_start3A_1667 = arith.constant 0 : i32
      %dma_start3A_1668 = tpu.memref_slice %arg7[%add3A_1661, %dma_start3A_1667] : memref<125x80xi32, #tpu.memory_space<vmem>> -> memref<1x80xi32, #tpu.memory_space<vmem>>
      %dma_start3A_1669 = tpu.memref_squeeze %dma_start3A_1668 : memref<1x80xi32, #tpu.memory_space<vmem>> -> memref<80xi32, #tpu.memory_space<vmem>>
      %dma_start3A_1670 = arith.constant 0 : i32
      %dma_start3A_1671 = arith.constant 0 : i32
      %dma_start3A_1672 = tpu.memref_slice %arg9[%dma_start3A_1670, %dma_start3A_1671] : memref<10240x64xf32, #tpu.memory_space<vmem_shared>> -> memref<10240x64xf32, #tpu.memory_space<vmem_shared>>
      tpu.enqueue_indirect_dma source(%dma_start3A_1666 : memref<80x64xf32, #tpu.memory_space<vmem>>) target(%dma_start3A_1672 : memref<10240x64xf32, #tpu.memory_space<vmem_shared>>) offsets(%dma_start3A_1669 : memref<80xi32, #tpu.memory_space<vmem>>) semaphore(%arg11 : memref<!tpu.dma_semaphore, #tpu.memory_space<semaphore_mem>>) {add = true}
      %mul3A_1673 = arith.constant 5 : i32
      %mul3A_1674 = arith.muli %add3A_1537, %mul3A_1673 : i32
      %add3A_1675 = arith.constant 4 : i32
      %add3A_1676 = arith.addi %mul3A_1674, %add3A_1675 : i32
      %dma_start3A_1677 = arith.constant 9 : i32
      %dma_start3A_1678 = arith.constant 0 : i32
      %dma_start3A_1679 = arith.constant 0 : i32
      %dma_start3A_1680 = tpu.memref_slice %arg8[%dma_start3A_1677, %dma_start3A_1678, %dma_start3A_1679] : memref<10x80x64xf32, #tpu.memory_space<vmem>> -> memref<1x80x64xf32, #tpu.memory_space<vmem>>
      %dma_start3A_1681 = tpu.memref_squeeze %dma_start3A_1680 : memref<1x80x64xf32, #tpu.memory_space<vmem>> -> memref<80x64xf32, #tpu.memory_space<vmem>>
      %dma_start3A_1682 = arith.constant 0 : i32
      %dma_start3A_1683 = tpu.memref_slice %arg7[%add3A_1676, %dma_start3A_1682] : memref<125x80xi32, #tpu.memory_space<vmem>> -> memref<1x80xi32, #tpu.memory_space<vmem>>
      %dma_start3A_1684 = tpu.memref_squeeze %dma_start3A_1683 : memref<1x80xi32, #tpu.memory_space<vmem>> -> memref<80xi32, #tpu.memory_space<vmem>>
      %dma_start3A_1685 = arith.constant 0 : i32
      %dma_start3A_1686 = arith.constant 0 : i32
      %dma_start3A_1687 = tpu.memref_slice %arg9[%dma_start3A_1685, %dma_start3A_1686] : memref<10240x64xf32, #tpu.memory_space<vmem_shared>> -> memref<10240x64xf32, #tpu.memory_space<vmem_shared>>
      tpu.enqueue_indirect_dma source(%dma_start3A_1681 : memref<80x64xf32, #tpu.memory_space<vmem>>) target(%dma_start3A_1687 : memref<10240x64xf32, #tpu.memory_space<vmem_shared>>) offsets(%dma_start3A_1684 : memref<80xi32, #tpu.memory_space<vmem>>) semaphore(%arg11 : memref<!tpu.dma_semaphore, #tpu.memory_space<semaphore_mem>>) {add = true}
      %sub3A = arith.constant 1 : i32
      %sub3A_1688 = arith.subi %add3A_1537, %sub3A : i32
      %mul3A_1689 = arith.constant 5 : i32
      %mul3A_1690 = arith.muli %sub3A_1688, %mul3A_1689 : i32
      %add3A_1691 = arith.constant 0 : i32
      %add3A_1692 = arith.addi %mul3A_1690, %add3A_1691 : i32
      %dma_wait3A_1693 = arith.constant 0 : i32
      %dma_wait3A_1694 = arith.constant 0 : i32
      %dma_wait3A_1695 = arith.constant 0 : i32
      %dma_wait3A_1696 = tpu.memref_slice %arg8[%dma_wait3A_1693, %dma_wait3A_1694, %dma_wait3A_1695] : memref<10x80x64xf32, #tpu.memory_space<vmem>> -> memref<1x80x64xf32, #tpu.memory_space<vmem>>
      %dma_wait3A_1697 = tpu.memref_squeeze %dma_wait3A_1696 : memref<1x80x64xf32, #tpu.memory_space<vmem>> -> memref<80x64xf32, #tpu.memory_space<vmem>>
      %dma_wait3A_1698 = arith.constant 0 : i32
      %dma_wait3A_1699 = tpu.memref_slice %arg7[%add3A_1692, %dma_wait3A_1698] : memref<125x80xi32, #tpu.memory_space<vmem>> -> memref<1x80xi32, #tpu.memory_space<vmem>>
      %dma_wait3A_1700 = tpu.memref_squeeze %dma_wait3A_1699 : memref<1x80xi32, #tpu.memory_space<vmem>> -> memref<80xi32, #tpu.memory_space<vmem>>
      %dma_wait3A_1701 = arith.constant 0 : i32
      %dma_wait3A_1702 = arith.constant 0 : i32
      %dma_wait3A_1703 = tpu.memref_slice %arg9[%dma_wait3A_1701, %dma_wait3A_1702] : memref<10240x64xf32, #tpu.memory_space<vmem_shared>> -> memref<10240x64xf32, #tpu.memory_space<vmem_shared>>
      tpu.wait_indirect_dma semaphore(%arg11 : memref<!tpu.dma_semaphore, #tpu.memory_space<semaphore_mem>>) src(%dma_wait3A_1697 : memref<80x64xf32, #tpu.memory_space<vmem>>) dst(%dma_wait3A_1703 : memref<10240x64xf32, #tpu.memory_space<vmem_shared>>)
      %mul3A_1704 = arith.constant 5 : i32
      %mul3A_1705 = arith.muli %sub3A_1688, %mul3A_1704 : i32
      %add3A_1706 = arith.constant 1 : i32
      %add3A_1707 = arith.addi %mul3A_1705, %add3A_1706 : i32
      %dma_wait3A_1708 = arith.constant 1 : i32
      %dma_wait3A_1709 = arith.constant 0 : i32
      %dma_wait3A_1710 = arith.constant 0 : i32
      %dma_wait3A_1711 = tpu.memref_slice %arg8[%dma_wait3A_1708, %dma_wait3A_1709, %dma_wait3A_1710] : memref<10x80x64xf32, #tpu.memory_space<vmem>> -> memref<1x80x64xf32, #tpu.memory_space<vmem>>
      %dma_wait3A_1712 = tpu.memref_squeeze %dma_wait3A_1711 : memref<1x80x64xf32, #tpu.memory_space<vmem>> -> memref<80x64xf32, #tpu.memory_space<vmem>>
      %dma_wait3A_1713 = arith.constant 0 : i32
      %dma_wait3A_1714 = tpu.memref_slice %arg7[%add3A_1707, %dma_wait3A_1713] : memref<125x80xi32, #tpu.memory_space<vmem>> -> memref<1x80xi32, #tpu.memory_space<vmem>>
      %dma_wait3A_1715 = tpu.memref_squeeze %dma_wait3A_1714 : memref<1x80xi32, #tpu.memory_space<vmem>> -> memref<80xi32, #tpu.memory_space<vmem>>
      %dma_wait3A_1716 = arith.constant 0 : i32
      %dma_wait3A_1717 = arith.constant 0 : i32
      %dma_wait3A_1718 = tpu.memref_slice %arg9[%dma_wait3A_1716, %dma_wait3A_1717] : memref<10240x64xf32, #tpu.memory_space<vmem_shared>> -> memref<10240x64xf32, #tpu.memory_space<vmem_shared>>
      tpu.wait_indirect_dma semaphore(%arg11 : memref<!tpu.dma_semaphore, #tpu.memory_space<semaphore_mem>>) src(%dma_wait3A_1712 : memref<80x64xf32, #tpu.memory_space<vmem>>) dst(%dma_wait3A_1718 : memref<10240x64xf32, #tpu.memory_space<vmem_shared>>)
      %mul3A_1719 = arith.constant 5 : i32
      %mul3A_1720 = arith.muli %sub3A_1688, %mul3A_1719 : i32
      %add3A_1721 = arith.constant 2 : i32
      %add3A_1722 = arith.addi %mul3A_1720, %add3A_1721 : i32
      %dma_wait3A_1723 = arith.constant 2 : i32
      %dma_wait3A_1724 = arith.constant 0 : i32
      %dma_wait3A_1725 = arith.constant 0 : i32
      %dma_wait3A_1726 = tpu.memref_slice %arg8[%dma_wait3A_1723, %dma_wait3A_1724, %dma_wait3A_1725] : memref<10x80x64xf32, #tpu.memory_space<vmem>> -> memref<1x80x64xf32, #tpu.memory_space<vmem>>
      %dma_wait3A_1727 = tpu.memref_squeeze %dma_wait3A_1726 : memref<1x80x64xf32, #tpu.memory_space<vmem>> -> memref<80x64xf32, #tpu.memory_space<vmem>>
      %dma_wait3A_1728 = arith.constant 0 : i32
      %dma_wait3A_1729 = tpu.memref_slice %arg7[%add3A_1722, %dma_wait3A_1728] : memref<125x80xi32, #tpu.memory_space<vmem>> -> memref<1x80xi32, #tpu.memory_space<vmem>>
      %dma_wait3A_1730 = tpu.memref_squeeze %dma_wait3A_1729 : memref<1x80xi32, #tpu.memory_space<vmem>> -> memref<80xi32, #tpu.memory_space<vmem>>
      %dma_wait3A_1731 = arith.constant 0 : i32
      %dma_wait3A_1732 = arith.constant 0 : i32
      %dma_wait3A_1733 = tpu.memref_slice %arg9[%dma_wait3A_1731, %dma_wait3A_1732] : memref<10240x64xf32, #tpu.memory_space<vmem_shared>> -> memref<10240x64xf32, #tpu.memory_space<vmem_shared>>
      tpu.wait_indirect_dma semaphore(%arg11 : memref<!tpu.dma_semaphore, #tpu.memory_space<semaphore_mem>>) src(%dma_wait3A_1727 : memref<80x64xf32, #tpu.memory_space<vmem>>) dst(%dma_wait3A_1733 : memref<10240x64xf32, #tpu.memory_space<vmem_shared>>)
      %mul3A_1734 = arith.constant 5 : i32
      %mul3A_1735 = arith.muli %sub3A_1688, %mul3A_1734 : i32
      %add3A_1736 = arith.constant 3 : i32
      %add3A_1737 = arith.addi %mul3A_1735, %add3A_1736 : i32
      %dma_wait3A_1738 = arith.constant 3 : i32
      %dma_wait3A_1739 = arith.constant 0 : i32
      %dma_wait3A_1740 = arith.constant 0 : i32
      %dma_wait3A_1741 = tpu.memref_slice %arg8[%dma_wait3A_1738, %dma_wait3A_1739, %dma_wait3A_1740] : memref<10x80x64xf32, #tpu.memory_space<vmem>> -> memref<1x80x64xf32, #tpu.memory_space<vmem>>
      %dma_wait3A_1742 = tpu.memref_squeeze %dma_wait3A_1741 : memref<1x80x64xf32, #tpu.memory_space<vmem>> -> memref<80x64xf32, #tpu.memory_space<vmem>>
      %dma_wait3A_1743 = arith.constant 0 : i32
      %dma_wait3A_1744 = tpu.memref_slice %arg7[%add3A_1737, %dma_wait3A_1743] : memref<125x80xi32, #tpu.memory_space<vmem>> -> memref<1x80xi32, #tpu.memory_space<vmem>>
      %dma_wait3A_1745 = tpu.memref_squeeze %dma_wait3A_1744 : memref<1x80xi32, #tpu.memory_space<vmem>> -> memref<80xi32, #tpu.memory_space<vmem>>
      %dma_wait3A_1746 = arith.constant 0 : i32
      %dma_wait3A_1747 = arith.constant 0 : i32
      %dma_wait3A_1748 = tpu.memref_slice %arg9[%dma_wait3A_1746, %dma_wait3A_1747] : memref<10240x64xf32, #tpu.memory_space<vmem_shared>> -> memref<10240x64xf32, #tpu.memory_space<vmem_shared>>
      tpu.wait_indirect_dma semaphore(%arg11 : memref<!tpu.dma_semaphore, #tpu.memory_space<semaphore_mem>>) src(%dma_wait3A_1742 : memref<80x64xf32, #tpu.memory_space<vmem>>) dst(%dma_wait3A_1748 : memref<10240x64xf32, #tpu.memory_space<vmem_shared>>)
      %mul3A_1749 = arith.constant 5 : i32
      %mul3A_1750 = arith.muli %sub3A_1688, %mul3A_1749 : i32
      %add3A_1751 = arith.constant 4 : i32
      %add3A_1752 = arith.addi %mul3A_1750, %add3A_1751 : i32
      %dma_wait3A_1753 = arith.constant 4 : i32
      %dma_wait3A_1754 = arith.constant 0 : i32
      %dma_wait3A_1755 = arith.constant 0 : i32
      %dma_wait3A_1756 = tpu.memref_slice %arg8[%dma_wait3A_1753, %dma_wait3A_1754, %dma_wait3A_1755] : memref<10x80x64xf32, #tpu.memory_space<vmem>> -> memref<1x80x64xf32, #tpu.memory_space<vmem>>
      %dma_wait3A_1757 = tpu.memref_squeeze %dma_wait3A_1756 : memref<1x80x64xf32, #tpu.memory_space<vmem>> -> memref<80x64xf32, #tpu.memory_space<vmem>>
      %dma_wait3A_1758 = arith.constant 0 : i32
      %dma_wait3A_1759 = tpu.memref_slice %arg7[%add3A_1752, %dma_wait3A_1758] : memref<125x80xi32, #tpu.memory_space<vmem>> -> memref<1x80xi32, #tpu.memory_space<vmem>>
      %dma_wait3A_1760 = tpu.memref_squeeze %dma_wait3A_1759 : memref<1x80xi32, #tpu.memory_space<vmem>> -> memref<80xi32, #tpu.memory_space<vmem>>
      %dma_wait3A_1761 = arith.constant 0 : i32
      %dma_wait3A_1762 = arith.constant 0 : i32
      %dma_wait3A_1763 = tpu.memref_slice %arg9[%dma_wait3A_1761, %dma_wait3A_1762] : memref<10240x64xf32, #tpu.memory_space<vmem_shared>> -> memref<10240x64xf32, #tpu.memory_space<vmem_shared>>
      tpu.wait_indirect_dma semaphore(%arg11 : memref<!tpu.dma_semaphore, #tpu.memory_space<semaphore_mem>>) src(%dma_wait3A_1757 : memref<80x64xf32, #tpu.memory_space<vmem>>) dst(%dma_wait3A_1763 : memref<10240x64xf32, #tpu.memory_space<vmem_shared>>)
      %add3A_1764 = arith.constant 1 : i32
      %add3A_1765 = arith.addi %add3A_1537, %add3A_1764 : i32
      %mul3A_1766 = arith.constant 5 : i32
      %mul3A_1767 = arith.muli %add3A_1765, %mul3A_1766 : i32
      %add3A_1768 = arith.constant 0 : i32
      %add3A_1769 = arith.addi %mul3A_1767, %add3A_1768 : i32
      %dma_start3A_1770 = arith.constant 0 : i32
      %dma_start3A_1771 = arith.constant 0 : i32
      %dma_start3A_1772 = arith.constant 0 : i32
      %dma_start3A_1773 = tpu.memref_slice %arg8[%dma_start3A_1770, %dma_start3A_1771, %dma_start3A_1772] : memref<10x80x64xf32, #tpu.memory_space<vmem>> -> memref<1x80x64xf32, #tpu.memory_space<vmem>>
      %dma_start3A_1774 = tpu.memref_squeeze %dma_start3A_1773 : memref<1x80x64xf32, #tpu.memory_space<vmem>> -> memref<80x64xf32, #tpu.memory_space<vmem>>
      %dma_start3A_1775 = arith.constant 0 : i32
      %dma_start3A_1776 = tpu.memref_slice %arg6[%add3A_1769, %dma_start3A_1775] : memref<125x80xi32, #tpu.memory_space<vmem>> -> memref<1x80xi32, #tpu.memory_space<vmem>>
      %dma_start3A_1777 = tpu.memref_squeeze %dma_start3A_1776 : memref<1x80xi32, #tpu.memory_space<vmem>> -> memref<80xi32, #tpu.memory_space<vmem>>
      %dma_start3A_1778 = arith.constant 0 : i32
      %dma_start3A_1779 = arith.constant 0 : i32
      %dma_start3A_1780 = tpu.memref_slice %arg2[%dma_start3A_1778, %dma_start3A_1779] : memref<540000x64xf32, #tpu.memory_space<hbm>> -> memref<540000x64xf32, #tpu.memory_space<hbm>>
      tpu.enqueue_indirect_dma source(%dma_start3A_1780 : memref<540000x64xf32, #tpu.memory_space<hbm>>) target(%dma_start3A_1774 : memref<80x64xf32, #tpu.memory_space<vmem>>) offsets(%dma_start3A_1777 : memref<80xi32, #tpu.memory_space<vmem>>) semaphore(%arg10 : memref<!tpu.dma_semaphore, #tpu.memory_space<semaphore_mem>>)
      %mul3A_1781 = arith.constant 5 : i32
      %mul3A_1782 = arith.muli %add3A_1765, %mul3A_1781 : i32
      %add3A_1783 = arith.constant 1 : i32
      %add3A_1784 = arith.addi %mul3A_1782, %add3A_1783 : i32
      %dma_start3A_1785 = arith.constant 1 : i32
      %dma_start3A_1786 = arith.constant 0 : i32
      %dma_start3A_1787 = arith.constant 0 : i32
      %dma_start3A_1788 = tpu.memref_slice %arg8[%dma_start3A_1785, %dma_start3A_1786, %dma_start3A_1787] : memref<10x80x64xf32, #tpu.memory_space<vmem>> -> memref<1x80x64xf32, #tpu.memory_space<vmem>>
      %dma_start3A_1789 = tpu.memref_squeeze %dma_start3A_1788 : memref<1x80x64xf32, #tpu.memory_space<vmem>> -> memref<80x64xf32, #tpu.memory_space<vmem>>
      %dma_start3A_1790 = arith.constant 0 : i32
      %dma_start3A_1791 = tpu.memref_slice %arg6[%add3A_1784, %dma_start3A_1790] : memref<125x80xi32, #tpu.memory_space<vmem>> -> memref<1x80xi32, #tpu.memory_space<vmem>>
      %dma_start3A_1792 = tpu.memref_squeeze %dma_start3A_1791 : memref<1x80xi32, #tpu.memory_space<vmem>> -> memref<80xi32, #tpu.memory_space<vmem>>
      %dma_start3A_1793 = arith.constant 0 : i32
      %dma_start3A_1794 = arith.constant 0 : i32
      %dma_start3A_1795 = tpu.memref_slice %arg2[%dma_start3A_1793, %dma_start3A_1794] : memref<540000x64xf32, #tpu.memory_space<hbm>> -> memref<540000x64xf32, #tpu.memory_space<hbm>>
      tpu.enqueue_indirect_dma source(%dma_start3A_1795 : memref<540000x64xf32, #tpu.memory_space<hbm>>) target(%dma_start3A_1789 : memref<80x64xf32, #tpu.memory_space<vmem>>) offsets(%dma_start3A_1792 : memref<80xi32, #tpu.memory_space<vmem>>) semaphore(%arg10 : memref<!tpu.dma_semaphore, #tpu.memory_space<semaphore_mem>>)
      %mul3A_1796 = arith.constant 5 : i32
      %mul3A_1797 = arith.muli %add3A_1765, %mul3A_1796 : i32
      %add3A_1798 = arith.constant 2 : i32
      %add3A_1799 = arith.addi %mul3A_1797, %add3A_1798 : i32
      %dma_start3A_1800 = arith.constant 2 : i32
      %dma_start3A_1801 = arith.constant 0 : i32
      %dma_start3A_1802 = arith.constant 0 : i32
      %dma_start3A_1803 = tpu.memref_slice %arg8[%dma_start3A_1800, %dma_start3A_1801, %dma_start3A_1802] : memref<10x80x64xf32, #tpu.memory_space<vmem>> -> memref<1x80x64xf32, #tpu.memory_space<vmem>>
      %dma_start3A_1804 = tpu.memref_squeeze %dma_start3A_1803 : memref<1x80x64xf32, #tpu.memory_space<vmem>> -> memref<80x64xf32, #tpu.memory_space<vmem>>
      %dma_start3A_1805 = arith.constant 0 : i32
      %dma_start3A_1806 = tpu.memref_slice %arg6[%add3A_1799, %dma_start3A_1805] : memref<125x80xi32, #tpu.memory_space<vmem>> -> memref<1x80xi32, #tpu.memory_space<vmem>>
      %dma_start3A_1807 = tpu.memref_squeeze %dma_start3A_1806 : memref<1x80xi32, #tpu.memory_space<vmem>> -> memref<80xi32, #tpu.memory_space<vmem>>
      %dma_start3A_1808 = arith.constant 0 : i32
      %dma_start3A_1809 = arith.constant 0 : i32
      %dma_start3A_1810 = tpu.memref_slice %arg2[%dma_start3A_1808, %dma_start3A_1809] : memref<540000x64xf32, #tpu.memory_space<hbm>> -> memref<540000x64xf32, #tpu.memory_space<hbm>>
      tpu.enqueue_indirect_dma source(%dma_start3A_1810 : memref<540000x64xf32, #tpu.memory_space<hbm>>) target(%dma_start3A_1804 : memref<80x64xf32, #tpu.memory_space<vmem>>) offsets(%dma_start3A_1807 : memref<80xi32, #tpu.memory_space<vmem>>) semaphore(%arg10 : memref<!tpu.dma_semaphore, #tpu.memory_space<semaphore_mem>>)
      %mul3A_1811 = arith.constant 5 : i32
      %mul3A_1812 = arith.muli %add3A_1765, %mul3A_1811 : i32
      %add3A_1813 = arith.constant 3 : i32
      %add3A_1814 = arith.addi %mul3A_1812, %add3A_1813 : i32
      %dma_start3A_1815 = arith.constant 3 : i32
      %dma_start3A_1816 = arith.constant 0 : i32
      %dma_start3A_1817 = arith.constant 0 : i32
      %dma_start3A_1818 = tpu.memref_slice %arg8[%dma_start3A_1815, %dma_start3A_1816, %dma_start3A_1817] : memref<10x80x64xf32, #tpu.memory_space<vmem>> -> memref<1x80x64xf32, #tpu.memory_space<vmem>>
      %dma_start3A_1819 = tpu.memref_squeeze %dma_start3A_1818 : memref<1x80x64xf32, #tpu.memory_space<vmem>> -> memref<80x64xf32, #tpu.memory_space<vmem>>
      %dma_start3A_1820 = arith.constant 0 : i32
      %dma_start3A_1821 = tpu.memref_slice %arg6[%add3A_1814, %dma_start3A_1820] : memref<125x80xi32, #tpu.memory_space<vmem>> -> memref<1x80xi32, #tpu.memory_space<vmem>>
      %dma_start3A_1822 = tpu.memref_squeeze %dma_start3A_1821 : memref<1x80xi32, #tpu.memory_space<vmem>> -> memref<80xi32, #tpu.memory_space<vmem>>
      %dma_start3A_1823 = arith.constant 0 : i32
      %dma_start3A_1824 = arith.constant 0 : i32
      %dma_start3A_1825 = tpu.memref_slice %arg2[%dma_start3A_1823, %dma_start3A_1824] : memref<540000x64xf32, #tpu.memory_space<hbm>> -> memref<540000x64xf32, #tpu.memory_space<hbm>>
      tpu.enqueue_indirect_dma source(%dma_start3A_1825 : memref<540000x64xf32, #tpu.memory_space<hbm>>) target(%dma_start3A_1819 : memref<80x64xf32, #tpu.memory_space<vmem>>) offsets(%dma_start3A_1822 : memref<80xi32, #tpu.memory_space<vmem>>) semaphore(%arg10 : memref<!tpu.dma_semaphore, #tpu.memory_space<semaphore_mem>>)
      %mul3A_1826 = arith.constant 5 : i32
      %mul3A_1827 = arith.muli %add3A_1765, %mul3A_1826 : i32
      %add3A_1828 = arith.constant 4 : i32
      %add3A_1829 = arith.addi %mul3A_1827, %add3A_1828 : i32
      %dma_start3A_1830 = arith.constant 4 : i32
      %dma_start3A_1831 = arith.constant 0 : i32
      %dma_start3A_1832 = arith.constant 0 : i32
      %dma_start3A_1833 = tpu.memref_slice %arg8[%dma_start3A_1830, %dma_start3A_1831, %dma_start3A_1832] : memref<10x80x64xf32, #tpu.memory_space<vmem>> -> memref<1x80x64xf32, #tpu.memory_space<vmem>>
      %dma_start3A_1834 = tpu.memref_squeeze %dma_start3A_1833 : memref<1x80x64xf32, #tpu.memory_space<vmem>> -> memref<80x64xf32, #tpu.memory_space<vmem>>
      %dma_start3A_1835 = arith.constant 0 : i32
      %dma_start3A_1836 = tpu.memref_slice %arg6[%add3A_1829, %dma_start3A_1835] : memref<125x80xi32, #tpu.memory_space<vmem>> -> memref<1x80xi32, #tpu.memory_space<vmem>>
      %dma_start3A_1837 = tpu.memref_squeeze %dma_start3A_1836 : memref<1x80xi32, #tpu.memory_space<vmem>> -> memref<80xi32, #tpu.memory_space<vmem>>
      %dma_start3A_1838 = arith.constant 0 : i32
      %dma_start3A_1839 = arith.constant 0 : i32
      %dma_start3A_1840 = tpu.memref_slice %arg2[%dma_start3A_1838, %dma_start3A_1839] : memref<540000x64xf32, #tpu.memory_space<hbm>> -> memref<540000x64xf32, #tpu.memory_space<hbm>>
      tpu.enqueue_indirect_dma source(%dma_start3A_1840 : memref<540000x64xf32, #tpu.memory_space<hbm>>) target(%dma_start3A_1834 : memref<80x64xf32, #tpu.memory_space<vmem>>) offsets(%dma_start3A_1837 : memref<80xi32, #tpu.memory_space<vmem>>) semaphore(%arg10 : memref<!tpu.dma_semaphore, #tpu.memory_space<semaphore_mem>>)
      %mul3A_1841 = arith.constant 2 : i32
      %mul3A_1842 = arith.muli %mul3A_1841, %scan3A_1532 : i32
      %add3A_1843 = arith.constant 2 : i32
      %add3A_1844 = arith.addi %mul3A_1842, %add3A_1843 : i32
      %mul3A_1845 = arith.constant 5 : i32
      %mul3A_1846 = arith.muli %add3A_1844, %mul3A_1845 : i32
      %add3A_1847 = arith.constant 0 : i32
      %add3A_1848 = arith.addi %mul3A_1846, %add3A_1847 : i32
      %dma_wait3A_1849 = arith.constant 0 : i32
      %dma_wait3A_1850 = arith.constant 0 : i32
      %dma_wait3A_1851 = arith.constant 0 : i32
      %dma_wait3A_1852 = tpu.memref_slice %arg8[%dma_wait3A_1849, %dma_wait3A_1850, %dma_wait3A_1851] : memref<10x80x64xf32, #tpu.memory_space<vmem>> -> memref<1x80x64xf32, #tpu.memory_space<vmem>>
      %dma_wait3A_1853 = tpu.memref_squeeze %dma_wait3A_1852 : memref<1x80x64xf32, #tpu.memory_space<vmem>> -> memref<80x64xf32, #tpu.memory_space<vmem>>
      %dma_wait3A_1854 = arith.constant 0 : i32
      %dma_wait3A_1855 = tpu.memref_slice %arg6[%add3A_1848, %dma_wait3A_1854] : memref<125x80xi32, #tpu.memory_space<vmem>> -> memref<1x80xi32, #tpu.memory_space<vmem>>
      %dma_wait3A_1856 = tpu.memref_squeeze %dma_wait3A_1855 : memref<1x80xi32, #tpu.memory_space<vmem>> -> memref<80xi32, #tpu.memory_space<vmem>>
      %dma_wait3A_1857 = arith.constant 0 : i32
      %dma_wait3A_1858 = arith.constant 0 : i32
      %dma_wait3A_1859 = tpu.memref_slice %arg2[%dma_wait3A_1857, %dma_wait3A_1858] : memref<540000x64xf32, #tpu.memory_space<hbm>> -> memref<540000x64xf32, #tpu.memory_space<hbm>>
      tpu.wait_indirect_dma semaphore(%arg10 : memref<!tpu.dma_semaphore, #tpu.memory_space<semaphore_mem>>) src(%dma_wait3A_1859 : memref<540000x64xf32, #tpu.memory_space<hbm>>) dst(%dma_wait3A_1853 : memref<80x64xf32, #tpu.memory_space<vmem>>)
      %mul3A_1860 = arith.constant 5 : i32
      %mul3A_1861 = arith.muli %add3A_1844, %mul3A_1860 : i32
      %add3A_1862 = arith.constant 1 : i32
      %add3A_1863 = arith.addi %mul3A_1861, %add3A_1862 : i32
      %dma_wait3A_1864 = arith.constant 1 : i32
      %dma_wait3A_1865 = arith.constant 0 : i32
      %dma_wait3A_1866 = arith.constant 0 : i32
      %dma_wait3A_1867 = tpu.memref_slice %arg8[%dma_wait3A_1864, %dma_wait3A_1865, %dma_wait3A_1866] : memref<10x80x64xf32, #tpu.memory_space<vmem>> -> memref<1x80x64xf32, #tpu.memory_space<vmem>>
      %dma_wait3A_1868 = tpu.memref_squeeze %dma_wait3A_1867 : memref<1x80x64xf32, #tpu.memory_space<vmem>> -> memref<80x64xf32, #tpu.memory_space<vmem>>
      %dma_wait3A_1869 = arith.constant 0 : i32
      %dma_wait3A_1870 = tpu.memref_slice %arg6[%add3A_1863, %dma_wait3A_1869] : memref<125x80xi32, #tpu.memory_space<vmem>> -> memref<1x80xi32, #tpu.memory_space<vmem>>
      %dma_wait3A_1871 = tpu.memref_squeeze %dma_wait3A_1870 : memref<1x80xi32, #tpu.memory_space<vmem>> -> memref<80xi32, #tpu.memory_space<vmem>>
      %dma_wait3A_1872 = arith.constant 0 : i32
      %dma_wait3A_1873 = arith.constant 0 : i32
      %dma_wait3A_1874 = tpu.memref_slice %arg2[%dma_wait3A_1872, %dma_wait3A_1873] : memref<540000x64xf32, #tpu.memory_space<hbm>> -> memref<540000x64xf32, #tpu.memory_space<hbm>>
      tpu.wait_indirect_dma semaphore(%arg10 : memref<!tpu.dma_semaphore, #tpu.memory_space<semaphore_mem>>) src(%dma_wait3A_1874 : memref<540000x64xf32, #tpu.memory_space<hbm>>) dst(%dma_wait3A_1868 : memref<80x64xf32, #tpu.memory_space<vmem>>)
      %mul3A_1875 = arith.constant 5 : i32
      %mul3A_1876 = arith.muli %add3A_1844, %mul3A_1875 : i32
      %add3A_1877 = arith.constant 2 : i32
      %add3A_1878 = arith.addi %mul3A_1876, %add3A_1877 : i32
      %dma_wait3A_1879 = arith.constant 2 : i32
      %dma_wait3A_1880 = arith.constant 0 : i32
      %dma_wait3A_1881 = arith.constant 0 : i32
      %dma_wait3A_1882 = tpu.memref_slice %arg8[%dma_wait3A_1879, %dma_wait3A_1880, %dma_wait3A_1881] : memref<10x80x64xf32, #tpu.memory_space<vmem>> -> memref<1x80x64xf32, #tpu.memory_space<vmem>>
      %dma_wait3A_1883 = tpu.memref_squeeze %dma_wait3A_1882 : memref<1x80x64xf32, #tpu.memory_space<vmem>> -> memref<80x64xf32, #tpu.memory_space<vmem>>
      %dma_wait3A_1884 = arith.constant 0 : i32
      %dma_wait3A_1885 = tpu.memref_slice %arg6[%add3A_1878, %dma_wait3A_1884] : memref<125x80xi32, #tpu.memory_space<vmem>> -> memref<1x80xi32, #tpu.memory_space<vmem>>
      %dma_wait3A_1886 = tpu.memref_squeeze %dma_wait3A_1885 : memref<1x80xi32, #tpu.memory_space<vmem>> -> memref<80xi32, #tpu.memory_space<vmem>>
      %dma_wait3A_1887 = arith.constant 0 : i32
      %dma_wait3A_1888 = arith.constant 0 : i32
      %dma_wait3A_1889 = tpu.memref_slice %arg2[%dma_wait3A_1887, %dma_wait3A_1888] : memref<540000x64xf32, #tpu.memory_space<hbm>> -> memref<540000x64xf32, #tpu.memory_space<hbm>>
      tpu.wait_indirect_dma semaphore(%arg10 : memref<!tpu.dma_semaphore, #tpu.memory_space<semaphore_mem>>) src(%dma_wait3A_1889 : memref<540000x64xf32, #tpu.memory_space<hbm>>) dst(%dma_wait3A_1883 : memref<80x64xf32, #tpu.memory_space<vmem>>)
      %mul3A_1890 = arith.constant 5 : i32
      %mul3A_1891 = arith.muli %add3A_1844, %mul3A_1890 : i32
      %add3A_1892 = arith.constant 3 : i32
      %add3A_1893 = arith.addi %mul3A_1891, %add3A_1892 : i32
      %dma_wait3A_1894 = arith.constant 3 : i32
      %dma_wait3A_1895 = arith.constant 0 : i32
      %dma_wait3A_1896 = arith.constant 0 : i32
      %dma_wait3A_1897 = tpu.memref_slice %arg8[%dma_wait3A_1894, %dma_wait3A_1895, %dma_wait3A_1896] : memref<10x80x64xf32, #tpu.memory_space<vmem>> -> memref<1x80x64xf32, #tpu.memory_space<vmem>>
      %dma_wait3A_1898 = tpu.memref_squeeze %dma_wait3A_1897 : memref<1x80x64xf32, #tpu.memory_space<vmem>> -> memref<80x64xf32, #tpu.memory_space<vmem>>
      %dma_wait3A_1899 = arith.constant 0 : i32
      %dma_wait3A_1900 = tpu.memref_slice %arg6[%add3A_1893, %dma_wait3A_1899] : memref<125x80xi32, #tpu.memory_space<vmem>> -> memref<1x80xi32, #tpu.memory_space<vmem>>
      %dma_wait3A_1901 = tpu.memref_squeeze %dma_wait3A_1900 : memref<1x80xi32, #tpu.memory_space<vmem>> -> memref<80xi32, #tpu.memory_space<vmem>>
      %dma_wait3A_1902 = arith.constant 0 : i32
      %dma_wait3A_1903 = arith.constant 0 : i32
      %dma_wait3A_1904 = tpu.memref_slice %arg2[%dma_wait3A_1902, %dma_wait3A_1903] : memref<540000x64xf32, #tpu.memory_space<hbm>> -> memref<540000x64xf32, #tpu.memory_space<hbm>>
      tpu.wait_indirect_dma semaphore(%arg10 : memref<!tpu.dma_semaphore, #tpu.memory_space<semaphore_mem>>) src(%dma_wait3A_1904 : memref<540000x64xf32, #tpu.memory_space<hbm>>) dst(%dma_wait3A_1898 : memref<80x64xf32, #tpu.memory_space<vmem>>)
      %mul3A_1905 = arith.constant 5 : i32
      %mul3A_1906 = arith.muli %add3A_1844, %mul3A_1905 : i32
      %add3A_1907 = arith.constant 4 : i32
      %add3A_1908 = arith.addi %mul3A_1906, %add3A_1907 : i32
      %dma_wait3A_1909 = arith.constant 4 : i32
      %dma_wait3A_1910 = arith.constant 0 : i32
      %dma_wait3A_1911 = arith.constant 0 : i32
      %dma_wait3A_1912 = tpu.memref_slice %arg8[%dma_wait3A_1909, %dma_wait3A_1910, %dma_wait3A_1911] : memref<10x80x64xf32, #tpu.memory_space<vmem>> -> memref<1x80x64xf32, #tpu.memory_space<vmem>>
      %dma_wait3A_1913 = tpu.memref_squeeze %dma_wait3A_1912 : memref<1x80x64xf32, #tpu.memory_space<vmem>> -> memref<80x64xf32, #tpu.memory_space<vmem>>
      %dma_wait3A_1914 = arith.constant 0 : i32
      %dma_wait3A_1915 = tpu.memref_slice %arg6[%add3A_1908, %dma_wait3A_1914] : memref<125x80xi32, #tpu.memory_space<vmem>> -> memref<1x80xi32, #tpu.memory_space<vmem>>
      %dma_wait3A_1916 = tpu.memref_squeeze %dma_wait3A_1915 : memref<1x80xi32, #tpu.memory_space<vmem>> -> memref<80xi32, #tpu.memory_space<vmem>>
      %dma_wait3A_1917 = arith.constant 0 : i32
      %dma_wait3A_1918 = arith.constant 0 : i32
      %dma_wait3A_1919 = tpu.memref_slice %arg2[%dma_wait3A_1917, %dma_wait3A_1918] : memref<540000x64xf32, #tpu.memory_space<hbm>> -> memref<540000x64xf32, #tpu.memory_space<hbm>>
      tpu.wait_indirect_dma semaphore(%arg10 : memref<!tpu.dma_semaphore, #tpu.memory_space<semaphore_mem>>) src(%dma_wait3A_1919 : memref<540000x64xf32, #tpu.memory_space<hbm>>) dst(%dma_wait3A_1913 : memref<80x64xf32, #tpu.memory_space<vmem>>)
      %mul3A_1920 = arith.constant 5 : i32
      %mul3A_1921 = arith.muli %add3A_1844, %mul3A_1920 : i32
      %add3A_1922 = arith.constant 0 : i32
      %add3A_1923 = arith.addi %mul3A_1921, %add3A_1922 : i32
      %dma_start3A_1924 = arith.constant 0 : i32
      %dma_start3A_1925 = arith.constant 0 : i32
      %dma_start3A_1926 = arith.constant 0 : i32
      %dma_start3A_1927 = tpu.memref_slice %arg8[%dma_start3A_1924, %dma_start3A_1925, %dma_start3A_1926] : memref<10x80x64xf32, #tpu.memory_space<vmem>> -> memref<1x80x64xf32, #tpu.memory_space<vmem>>
      %dma_start3A_1928 = tpu.memref_squeeze %dma_start3A_1927 : memref<1x80x64xf32, #tpu.memory_space<vmem>> -> memref<80x64xf32, #tpu.memory_space<vmem>>
      %dma_start3A_1929 = arith.constant 0 : i32
      %dma_start3A_1930 = tpu.memref_slice %arg7[%add3A_1923, %dma_start3A_1929] : memref<125x80xi32, #tpu.memory_space<vmem>> -> memref<1x80xi32, #tpu.memory_space<vmem>>
      %dma_start3A_1931 = tpu.memref_squeeze %dma_start3A_1930 : memref<1x80xi32, #tpu.memory_space<vmem>> -> memref<80xi32, #tpu.memory_space<vmem>>
      %dma_start3A_1932 = arith.constant 0 : i32
      %dma_start3A_1933 = arith.constant 0 : i32
      %dma_start3A_1934 = tpu.memref_slice %arg9[%dma_start3A_1932, %dma_start3A_1933] : memref<10240x64xf32, #tpu.memory_space<vmem_shared>> -> memref<10240x64xf32, #tpu.memory_space<vmem_shared>>
      tpu.enqueue_indirect_dma source(%dma_start3A_1928 : memref<80x64xf32, #tpu.memory_space<vmem>>) target(%dma_start3A_1934 : memref<10240x64xf32, #tpu.memory_space<vmem_shared>>) offsets(%dma_start3A_1931 : memref<80xi32, #tpu.memory_space<vmem>>) semaphore(%arg11 : memref<!tpu.dma_semaphore, #tpu.memory_space<semaphore_mem>>) {add = true}
      %mul3A_1935 = arith.constant 5 : i32
      %mul3A_1936 = arith.muli %add3A_1844, %mul3A_1935 : i32
      %add3A_1937 = arith.constant 1 : i32
      %add3A_1938 = arith.addi %mul3A_1936, %add3A_1937 : i32
      %dma_start3A_1939 = arith.constant 1 : i32
      %dma_start3A_1940 = arith.constant 0 : i32
      %dma_start3A_1941 = arith.constant 0 : i32
      %dma_start3A_1942 = tpu.memref_slice %arg8[%dma_start3A_1939, %dma_start3A_1940, %dma_start3A_1941] : memref<10x80x64xf32, #tpu.memory_space<vmem>> -> memref<1x80x64xf32, #tpu.memory_space<vmem>>
      %dma_start3A_1943 = tpu.memref_squeeze %dma_start3A_1942 : memref<1x80x64xf32, #tpu.memory_space<vmem>> -> memref<80x64xf32, #tpu.memory_space<vmem>>
      %dma_start3A_1944 = arith.constant 0 : i32
      %dma_start3A_1945 = tpu.memref_slice %arg7[%add3A_1938, %dma_start3A_1944] : memref<125x80xi32, #tpu.memory_space<vmem>> -> memref<1x80xi32, #tpu.memory_space<vmem>>
      %dma_start3A_1946 = tpu.memref_squeeze %dma_start3A_1945 : memref<1x80xi32, #tpu.memory_space<vmem>> -> memref<80xi32, #tpu.memory_space<vmem>>
      %dma_start3A_1947 = arith.constant 0 : i32
      %dma_start3A_1948 = arith.constant 0 : i32
      %dma_start3A_1949 = tpu.memref_slice %arg9[%dma_start3A_1947, %dma_start3A_1948] : memref<10240x64xf32, #tpu.memory_space<vmem_shared>> -> memref<10240x64xf32, #tpu.memory_space<vmem_shared>>
      tpu.enqueue_indirect_dma source(%dma_start3A_1943 : memref<80x64xf32, #tpu.memory_space<vmem>>) target(%dma_start3A_1949 : memref<10240x64xf32, #tpu.memory_space<vmem_shared>>) offsets(%dma_start3A_1946 : memref<80xi32, #tpu.memory_space<vmem>>) semaphore(%arg11 : memref<!tpu.dma_semaphore, #tpu.memory_space<semaphore_mem>>) {add = true}
      %mul3A_1950 = arith.constant 5 : i32
      %mul3A_1951 = arith.muli %add3A_1844, %mul3A_1950 : i32
      %add3A_1952 = arith.constant 2 : i32
      %add3A_1953 = arith.addi %mul3A_1951, %add3A_1952 : i32
      %dma_start3A_1954 = arith.constant 2 : i32
      %dma_start3A_1955 = arith.constant 0 : i32
      %dma_start3A_1956 = arith.constant 0 : i32
      %dma_start3A_1957 = tpu.memref_slice %arg8[%dma_start3A_1954, %dma_start3A_1955, %dma_start3A_1956] : memref<10x80x64xf32, #tpu.memory_space<vmem>> -> memref<1x80x64xf32, #tpu.memory_space<vmem>>
      %dma_start3A_1958 = tpu.memref_squeeze %dma_start3A_1957 : memref<1x80x64xf32, #tpu.memory_space<vmem>> -> memref<80x64xf32, #tpu.memory_space<vmem>>
      %dma_start3A_1959 = arith.constant 0 : i32
      %dma_start3A_1960 = tpu.memref_slice %arg7[%add3A_1953, %dma_start3A_1959] : memref<125x80xi32, #tpu.memory_space<vmem>> -> memref<1x80xi32, #tpu.memory_space<vmem>>
      %dma_start3A_1961 = tpu.memref_squeeze %dma_start3A_1960 : memref<1x80xi32, #tpu.memory_space<vmem>> -> memref<80xi32, #tpu.memory_space<vmem>>
      %dma_start3A_1962 = arith.constant 0 : i32
      %dma_start3A_1963 = arith.constant 0 : i32
      %dma_start3A_1964 = tpu.memref_slice %arg9[%dma_start3A_1962, %dma_start3A_1963] : memref<10240x64xf32, #tpu.memory_space<vmem_shared>> -> memref<10240x64xf32, #tpu.memory_space<vmem_shared>>
      tpu.enqueue_indirect_dma source(%dma_start3A_1958 : memref<80x64xf32, #tpu.memory_space<vmem>>) target(%dma_start3A_1964 : memref<10240x64xf32, #tpu.memory_space<vmem_shared>>) offsets(%dma_start3A_1961 : memref<80xi32, #tpu.memory_space<vmem>>) semaphore(%arg11 : memref<!tpu.dma_semaphore, #tpu.memory_space<semaphore_mem>>) {add = true}
      %mul3A_1965 = arith.constant 5 : i32
      %mul3A_1966 = arith.muli %add3A_1844, %mul3A_1965 : i32
      %add3A_1967 = arith.constant 3 : i32
      %add3A_1968 = arith.addi %mul3A_1966, %add3A_1967 : i32
      %dma_start3A_1969 = arith.constant 3 : i32
      %dma_start3A_1970 = arith.constant 0 : i32
      %dma_start3A_1971 = arith.constant 0 : i32
      %dma_start3A_1972 = tpu.memref_slice %arg8[%dma_start3A_1969, %dma_start3A_1970, %dma_start3A_1971] : memref<10x80x64xf32, #tpu.memory_space<vmem>> -> memref<1x80x64xf32, #tpu.memory_space<vmem>>
      %dma_start3A_1973 = tpu.memref_squeeze %dma_start3A_1972 : memref<1x80x64xf32, #tpu.memory_space<vmem>> -> memref<80x64xf32, #tpu.memory_space<vmem>>
      %dma_start3A_1974 = arith.constant 0 : i32
      %dma_start3A_1975 = tpu.memref_slice %arg7[%add3A_1968, %dma_start3A_1974] : memref<125x80xi32, #tpu.memory_space<vmem>> -> memref<1x80xi32, #tpu.memory_space<vmem>>
      %dma_start3A_1976 = tpu.memref_squeeze %dma_start3A_1975 : memref<1x80xi32, #tpu.memory_space<vmem>> -> memref<80xi32, #tpu.memory_space<vmem>>
      %dma_start3A_1977 = arith.constant 0 : i32
      %dma_start3A_1978 = arith.constant 0 : i32
      %dma_start3A_1979 = tpu.memref_slice %arg9[%dma_start3A_1977, %dma_start3A_1978] : memref<10240x64xf32, #tpu.memory_space<vmem_shared>> -> memref<10240x64xf32, #tpu.memory_space<vmem_shared>>
      tpu.enqueue_indirect_dma source(%dma_start3A_1973 : memref<80x64xf32, #tpu.memory_space<vmem>>) target(%dma_start3A_1979 : memref<10240x64xf32, #tpu.memory_space<vmem_shared>>) offsets(%dma_start3A_1976 : memref<80xi32, #tpu.memory_space<vmem>>) semaphore(%arg11 : memref<!tpu.dma_semaphore, #tpu.memory_space<semaphore_mem>>) {add = true}
      %mul3A_1980 = arith.constant 5 : i32
      %mul3A_1981 = arith.muli %add3A_1844, %mul3A_1980 : i32
      %add3A_1982 = arith.constant 4 : i32
      %add3A_1983 = arith.addi %mul3A_1981, %add3A_1982 : i32
      %dma_start3A_1984 = arith.constant 4 : i32
      %dma_start3A_1985 = arith.constant 0 : i32
      %dma_start3A_1986 = arith.constant 0 : i32
      %dma_start3A_1987 = tpu.memref_slice %arg8[%dma_start3A_1984, %dma_start3A_1985, %dma_start3A_1986] : memref<10x80x64xf32, #tpu.memory_space<vmem>> -> memref<1x80x64xf32, #tpu.memory_space<vmem>>
      %dma_start3A_1988 = tpu.memref_squeeze %dma_start3A_1987 : memref<1x80x64xf32, #tpu.memory_space<vmem>> -> memref<80x64xf32, #tpu.memory_space<vmem>>
      %dma_start3A_1989 = arith.constant 0 : i32
      %dma_start3A_1990 = tpu.memref_slice %arg7[%add3A_1983, %dma_start3A_1989] : memref<125x80xi32, #tpu.memory_space<vmem>> -> memref<1x80xi32, #tpu.memory_space<vmem>>
      %dma_start3A_1991 = tpu.memref_squeeze %dma_start3A_1990 : memref<1x80xi32, #tpu.memory_space<vmem>> -> memref<80xi32, #tpu.memory_space<vmem>>
      %dma_start3A_1992 = arith.constant 0 : i32
      %dma_start3A_1993 = arith.constant 0 : i32
      %dma_start3A_1994 = tpu.memref_slice %arg9[%dma_start3A_1992, %dma_start3A_1993] : memref<10240x64xf32, #tpu.memory_space<vmem_shared>> -> memref<10240x64xf32, #tpu.memory_space<vmem_shared>>
      tpu.enqueue_indirect_dma source(%dma_start3A_1988 : memref<80x64xf32, #tpu.memory_space<vmem>>) target(%dma_start3A_1994 : memref<10240x64xf32, #tpu.memory_space<vmem_shared>>) offsets(%dma_start3A_1991 : memref<80xi32, #tpu.memory_space<vmem>>) semaphore(%arg11 : memref<!tpu.dma_semaphore, #tpu.memory_space<semaphore_mem>>) {add = true}
      %sub3A_1995 = arith.constant 1 : i32
      %sub3A_1996 = arith.subi %add3A_1844, %sub3A_1995 : i32
      %mul3A_1997 = arith.constant 5 : i32
      %mul3A_1998 = arith.muli %sub3A_1996, %mul3A_1997 : i32
      %add3A_1999 = arith.constant 0 : i32
      %add3A_2000 = arith.addi %mul3A_1998, %add3A_1999 : i32
      %dma_wait3A_2001 = arith.constant 5 : i32
      %dma_wait3A_2002 = arith.constant 0 : i32
      %dma_wait3A_2003 = arith.constant 0 : i32
      %dma_wait3A_2004 = tpu.memref_slice %arg8[%dma_wait3A_2001, %dma_wait3A_2002, %dma_wait3A_2003] : memref<10x80x64xf32, #tpu.memory_space<vmem>> -> memref<1x80x64xf32, #tpu.memory_space<vmem>>
      %dma_wait3A_2005 = tpu.memref_squeeze %dma_wait3A_2004 : memref<1x80x64xf32, #tpu.memory_space<vmem>> -> memref<80x64xf32, #tpu.memory_space<vmem>>
      %dma_wait3A_2006 = arith.constant 0 : i32
      %dma_wait3A_2007 = tpu.memref_slice %arg7[%add3A_2000, %dma_wait3A_2006] : memref<125x80xi32, #tpu.memory_space<vmem>> -> memref<1x80xi32, #tpu.memory_space<vmem>>
      %dma_wait3A_2008 = tpu.memref_squeeze %dma_wait3A_2007 : memref<1x80xi32, #tpu.memory_space<vmem>> -> memref<80xi32, #tpu.memory_space<vmem>>
      %dma_wait3A_2009 = arith.constant 0 : i32
      %dma_wait3A_2010 = arith.constant 0 : i32
      %dma_wait3A_2011 = tpu.memref_slice %arg9[%dma_wait3A_2009, %dma_wait3A_2010] : memref<10240x64xf32, #tpu.memory_space<vmem_shared>> -> memref<10240x64xf32, #tpu.memory_space<vmem_shared>>
      tpu.wait_indirect_dma semaphore(%arg11 : memref<!tpu.dma_semaphore, #tpu.memory_space<semaphore_mem>>) src(%dma_wait3A_2005 : memref<80x64xf32, #tpu.memory_space<vmem>>) dst(%dma_wait3A_2011 : memref<10240x64xf32, #tpu.memory_space<vmem_shared>>)
      %mul3A_2012 = arith.constant 5 : i32
      %mul3A_2013 = arith.muli %sub3A_1996, %mul3A_2012 : i32
      %add3A_2014 = arith.constant 1 : i32
      %add3A_2015 = arith.addi %mul3A_2013, %add3A_2014 : i32
      %dma_wait3A_2016 = arith.constant 6 : i32
      %dma_wait3A_2017 = arith.constant 0 : i32
      %dma_wait3A_2018 = arith.constant 0 : i32
      %dma_wait3A_2019 = tpu.memref_slice %arg8[%dma_wait3A_2016, %dma_wait3A_2017, %dma_wait3A_2018] : memref<10x80x64xf32, #tpu.memory_space<vmem>> -> memref<1x80x64xf32, #tpu.memory_space<vmem>>
      %dma_wait3A_2020 = tpu.memref_squeeze %dma_wait3A_2019 : memref<1x80x64xf32, #tpu.memory_space<vmem>> -> memref<80x64xf32, #tpu.memory_space<vmem>>
      %dma_wait3A_2021 = arith.constant 0 : i32
      %dma_wait3A_2022 = tpu.memref_slice %arg7[%add3A_2015, %dma_wait3A_2021] : memref<125x80xi32, #tpu.memory_space<vmem>> -> memref<1x80xi32, #tpu.memory_space<vmem>>
      %dma_wait3A_2023 = tpu.memref_squeeze %dma_wait3A_2022 : memref<1x80xi32, #tpu.memory_space<vmem>> -> memref<80xi32, #tpu.memory_space<vmem>>
      %dma_wait3A_2024 = arith.constant 0 : i32
      %dma_wait3A_2025 = arith.constant 0 : i32
      %dma_wait3A_2026 = tpu.memref_slice %arg9[%dma_wait3A_2024, %dma_wait3A_2025] : memref<10240x64xf32, #tpu.memory_space<vmem_shared>> -> memref<10240x64xf32, #tpu.memory_space<vmem_shared>>
      tpu.wait_indirect_dma semaphore(%arg11 : memref<!tpu.dma_semaphore, #tpu.memory_space<semaphore_mem>>) src(%dma_wait3A_2020 : memref<80x64xf32, #tpu.memory_space<vmem>>) dst(%dma_wait3A_2026 : memref<10240x64xf32, #tpu.memory_space<vmem_shared>>)
      %mul3A_2027 = arith.constant 5 : i32
      %mul3A_2028 = arith.muli %sub3A_1996, %mul3A_2027 : i32
      %add3A_2029 = arith.constant 2 : i32
      %add3A_2030 = arith.addi %mul3A_2028, %add3A_2029 : i32
      %dma_wait3A_2031 = arith.constant 7 : i32
      %dma_wait3A_2032 = arith.constant 0 : i32
      %dma_wait3A_2033 = arith.constant 0 : i32
      %dma_wait3A_2034 = tpu.memref_slice %arg8[%dma_wait3A_2031, %dma_wait3A_2032, %dma_wait3A_2033] : memref<10x80x64xf32, #tpu.memory_space<vmem>> -> memref<1x80x64xf32, #tpu.memory_space<vmem>>
      %dma_wait3A_2035 = tpu.memref_squeeze %dma_wait3A_2034 : memref<1x80x64xf32, #tpu.memory_space<vmem>> -> memref<80x64xf32, #tpu.memory_space<vmem>>
      %dma_wait3A_2036 = arith.constant 0 : i32
      %dma_wait3A_2037 = tpu.memref_slice %arg7[%add3A_2030, %dma_wait3A_2036] : memref<125x80xi32, #tpu.memory_space<vmem>> -> memref<1x80xi32, #tpu.memory_space<vmem>>
      %dma_wait3A_2038 = tpu.memref_squeeze %dma_wait3A_2037 : memref<1x80xi32, #tpu.memory_space<vmem>> -> memref<80xi32, #tpu.memory_space<vmem>>
      %dma_wait3A_2039 = arith.constant 0 : i32
      %dma_wait3A_2040 = arith.constant 0 : i32
      %dma_wait3A_2041 = tpu.memref_slice %arg9[%dma_wait3A_2039, %dma_wait3A_2040] : memref<10240x64xf32, #tpu.memory_space<vmem_shared>> -> memref<10240x64xf32, #tpu.memory_space<vmem_shared>>
      tpu.wait_indirect_dma semaphore(%arg11 : memref<!tpu.dma_semaphore, #tpu.memory_space<semaphore_mem>>) src(%dma_wait3A_2035 : memref<80x64xf32, #tpu.memory_space<vmem>>) dst(%dma_wait3A_2041 : memref<10240x64xf32, #tpu.memory_space<vmem_shared>>)
      %mul3A_2042 = arith.constant 5 : i32
      %mul3A_2043 = arith.muli %sub3A_1996, %mul3A_2042 : i32
      %add3A_2044 = arith.constant 3 : i32
      %add3A_2045 = arith.addi %mul3A_2043, %add3A_2044 : i32
      %dma_wait3A_2046 = arith.constant 8 : i32
      %dma_wait3A_2047 = arith.constant 0 : i32
      %dma_wait3A_2048 = arith.constant 0 : i32
      %dma_wait3A_2049 = tpu.memref_slice %arg8[%dma_wait3A_2046, %dma_wait3A_2047, %dma_wait3A_2048] : memref<10x80x64xf32, #tpu.memory_space<vmem>> -> memref<1x80x64xf32, #tpu.memory_space<vmem>>
      %dma_wait3A_2050 = tpu.memref_squeeze %dma_wait3A_2049 : memref<1x80x64xf32, #tpu.memory_space<vmem>> -> memref<80x64xf32, #tpu.memory_space<vmem>>
      %dma_wait3A_2051 = arith.constant 0 : i32
      %dma_wait3A_2052 = tpu.memref_slice %arg7[%add3A_2045, %dma_wait3A_2051] : memref<125x80xi32, #tpu.memory_space<vmem>> -> memref<1x80xi32, #tpu.memory_space<vmem>>
      %dma_wait3A_2053 = tpu.memref_squeeze %dma_wait3A_2052 : memref<1x80xi32, #tpu.memory_space<vmem>> -> memref<80xi32, #tpu.memory_space<vmem>>
      %dma_wait3A_2054 = arith.constant 0 : i32
      %dma_wait3A_2055 = arith.constant 0 : i32
      %dma_wait3A_2056 = tpu.memref_slice %arg9[%dma_wait3A_2054, %dma_wait3A_2055] : memref<10240x64xf32, #tpu.memory_space<vmem_shared>> -> memref<10240x64xf32, #tpu.memory_space<vmem_shared>>
      tpu.wait_indirect_dma semaphore(%arg11 : memref<!tpu.dma_semaphore, #tpu.memory_space<semaphore_mem>>) src(%dma_wait3A_2050 : memref<80x64xf32, #tpu.memory_space<vmem>>) dst(%dma_wait3A_2056 : memref<10240x64xf32, #tpu.memory_space<vmem_shared>>)
      %mul3A_2057 = arith.constant 5 : i32
      %mul3A_2058 = arith.muli %sub3A_1996, %mul3A_2057 : i32
      %add3A_2059 = arith.constant 4 : i32
      %add3A_2060 = arith.addi %mul3A_2058, %add3A_2059 : i32
      %dma_wait3A_2061 = arith.constant 9 : i32
      %dma_wait3A_2062 = arith.constant 0 : i32
      %dma_wait3A_2063 = arith.constant 0 : i32
      %dma_wait3A_2064 = tpu.memref_slice %arg8[%dma_wait3A_2061, %dma_wait3A_2062, %dma_wait3A_2063] : memref<10x80x64xf32, #tpu.memory_space<vmem>> -> memref<1x80x64xf32, #tpu.memory_space<vmem>>
      %dma_wait3A_2065 = tpu.memref_squeeze %dma_wait3A_2064 : memref<1x80x64xf32, #tpu.memory_space<vmem>> -> memref<80x64xf32, #tpu.memory_space<vmem>>
      %dma_wait3A_2066 = arith.constant 0 : i32
      %dma_wait3A_2067 = tpu.memref_slice %arg7[%add3A_2060, %dma_wait3A_2066] : memref<125x80xi32, #tpu.memory_space<vmem>> -> memref<1x80xi32, #tpu.memory_space<vmem>>
      %dma_wait3A_2068 = tpu.memref_squeeze %dma_wait3A_2067 : memref<1x80xi32, #tpu.memory_space<vmem>> -> memref<80xi32, #tpu.memory_space<vmem>>
      %dma_wait3A_2069 = arith.constant 0 : i32
      %dma_wait3A_2070 = arith.constant 0 : i32
      %dma_wait3A_2071 = tpu.memref_slice %arg9[%dma_wait3A_2069, %dma_wait3A_2070] : memref<10240x64xf32, #tpu.memory_space<vmem_shared>> -> memref<10240x64xf32, #tpu.memory_space<vmem_shared>>
      tpu.wait_indirect_dma semaphore(%arg11 : memref<!tpu.dma_semaphore, #tpu.memory_space<semaphore_mem>>) src(%dma_wait3A_2065 : memref<80x64xf32, #tpu.memory_space<vmem>>) dst(%dma_wait3A_2071 : memref<10240x64xf32, #tpu.memory_space<vmem_shared>>)
      %add3A_2072 = arith.constant 1 : i32
      %add3A_2073 = arith.addi %add3A_1844, %add3A_2072 : i32
      %mul3A_2074 = arith.constant 5 : i32
      %mul3A_2075 = arith.muli %add3A_2073, %mul3A_2074 : i32
      %add3A_2076 = arith.constant 0 : i32
      %add3A_2077 = arith.addi %mul3A_2075, %add3A_2076 : i32
      %dma_start3A_2078 = arith.constant 5 : i32
      %dma_start3A_2079 = arith.constant 0 : i32
      %dma_start3A_2080 = arith.constant 0 : i32
      %dma_start3A_2081 = tpu.memref_slice %arg8[%dma_start3A_2078, %dma_start3A_2079, %dma_start3A_2080] : memref<10x80x64xf32, #tpu.memory_space<vmem>> -> memref<1x80x64xf32, #tpu.memory_space<vmem>>
      %dma_start3A_2082 = tpu.memref_squeeze %dma_start3A_2081 : memref<1x80x64xf32, #tpu.memory_space<vmem>> -> memref<80x64xf32, #tpu.memory_space<vmem>>
      %dma_start3A_2083 = arith.constant 0 : i32
      %dma_start3A_2084 = tpu.memref_slice %arg6[%add3A_2077, %dma_start3A_2083] : memref<125x80xi32, #tpu.memory_space<vmem>> -> memref<1x80xi32, #tpu.memory_space<vmem>>
      %dma_start3A_2085 = tpu.memref_squeeze %dma_start3A_2084 : memref<1x80xi32, #tpu.memory_space<vmem>> -> memref<80xi32, #tpu.memory_space<vmem>>
      %dma_start3A_2086 = arith.constant 0 : i32
      %dma_start3A_2087 = arith.constant 0 : i32
      %dma_start3A_2088 = tpu.memref_slice %arg2[%dma_start3A_2086, %dma_start3A_2087] : memref<540000x64xf32, #tpu.memory_space<hbm>> -> memref<540000x64xf32, #tpu.memory_space<hbm>>
      tpu.enqueue_indirect_dma source(%dma_start3A_2088 : memref<540000x64xf32, #tpu.memory_space<hbm>>) target(%dma_start3A_2082 : memref<80x64xf32, #tpu.memory_space<vmem>>) offsets(%dma_start3A_2085 : memref<80xi32, #tpu.memory_space<vmem>>) semaphore(%arg10 : memref<!tpu.dma_semaphore, #tpu.memory_space<semaphore_mem>>)
      %mul3A_2089 = arith.constant 5 : i32
      %mul3A_2090 = arith.muli %add3A_2073, %mul3A_2089 : i32
      %add3A_2091 = arith.constant 1 : i32
      %add3A_2092 = arith.addi %mul3A_2090, %add3A_2091 : i32
      %dma_start3A_2093 = arith.constant 6 : i32
      %dma_start3A_2094 = arith.constant 0 : i32
      %dma_start3A_2095 = arith.constant 0 : i32
      %dma_start3A_2096 = tpu.memref_slice %arg8[%dma_start3A_2093, %dma_start3A_2094, %dma_start3A_2095] : memref<10x80x64xf32, #tpu.memory_space<vmem>> -> memref<1x80x64xf32, #tpu.memory_space<vmem>>
      %dma_start3A_2097 = tpu.memref_squeeze %dma_start3A_2096 : memref<1x80x64xf32, #tpu.memory_space<vmem>> -> memref<80x64xf32, #tpu.memory_space<vmem>>
      %dma_start3A_2098 = arith.constant 0 : i32
      %dma_start3A_2099 = tpu.memref_slice %arg6[%add3A_2092, %dma_start3A_2098] : memref<125x80xi32, #tpu.memory_space<vmem>> -> memref<1x80xi32, #tpu.memory_space<vmem>>
      %dma_start3A_2100 = tpu.memref_squeeze %dma_start3A_2099 : memref<1x80xi32, #tpu.memory_space<vmem>> -> memref<80xi32, #tpu.memory_space<vmem>>
      %dma_start3A_2101 = arith.constant 0 : i32
      %dma_start3A_2102 = arith.constant 0 : i32
      %dma_start3A_2103 = tpu.memref_slice %arg2[%dma_start3A_2101, %dma_start3A_2102] : memref<540000x64xf32, #tpu.memory_space<hbm>> -> memref<540000x64xf32, #tpu.memory_space<hbm>>
      tpu.enqueue_indirect_dma source(%dma_start3A_2103 : memref<540000x64xf32, #tpu.memory_space<hbm>>) target(%dma_start3A_2097 : memref<80x64xf32, #tpu.memory_space<vmem>>) offsets(%dma_start3A_2100 : memref<80xi32, #tpu.memory_space<vmem>>) semaphore(%arg10 : memref<!tpu.dma_semaphore, #tpu.memory_space<semaphore_mem>>)
      %mul3A_2104 = arith.constant 5 : i32
      %mul3A_2105 = arith.muli %add3A_2073, %mul3A_2104 : i32
      %add3A_2106 = arith.constant 2 : i32
      %add3A_2107 = arith.addi %mul3A_2105, %add3A_2106 : i32
      %dma_start3A_2108 = arith.constant 7 : i32
      %dma_start3A_2109 = arith.constant 0 : i32
      %dma_start3A_2110 = arith.constant 0 : i32
      %dma_start3A_2111 = tpu.memref_slice %arg8[%dma_start3A_2108, %dma_start3A_2109, %dma_start3A_2110] : memref<10x80x64xf32, #tpu.memory_space<vmem>> -> memref<1x80x64xf32, #tpu.memory_space<vmem>>
      %dma_start3A_2112 = tpu.memref_squeeze %dma_start3A_2111 : memref<1x80x64xf32, #tpu.memory_space<vmem>> -> memref<80x64xf32, #tpu.memory_space<vmem>>
      %dma_start3A_2113 = arith.constant 0 : i32
      %dma_start3A_2114 = tpu.memref_slice %arg6[%add3A_2107, %dma_start3A_2113] : memref<125x80xi32, #tpu.memory_space<vmem>> -> memref<1x80xi32, #tpu.memory_space<vmem>>
      %dma_start3A_2115 = tpu.memref_squeeze %dma_start3A_2114 : memref<1x80xi32, #tpu.memory_space<vmem>> -> memref<80xi32, #tpu.memory_space<vmem>>
      %dma_start3A_2116 = arith.constant 0 : i32
      %dma_start3A_2117 = arith.constant 0 : i32
      %dma_start3A_2118 = tpu.memref_slice %arg2[%dma_start3A_2116, %dma_start3A_2117] : memref<540000x64xf32, #tpu.memory_space<hbm>> -> memref<540000x64xf32, #tpu.memory_space<hbm>>
      tpu.enqueue_indirect_dma source(%dma_start3A_2118 : memref<540000x64xf32, #tpu.memory_space<hbm>>) target(%dma_start3A_2112 : memref<80x64xf32, #tpu.memory_space<vmem>>) offsets(%dma_start3A_2115 : memref<80xi32, #tpu.memory_space<vmem>>) semaphore(%arg10 : memref<!tpu.dma_semaphore, #tpu.memory_space<semaphore_mem>>)
      %mul3A_2119 = arith.constant 5 : i32
      %mul3A_2120 = arith.muli %add3A_2073, %mul3A_2119 : i32
      %add3A_2121 = arith.constant 3 : i32
      %add3A_2122 = arith.addi %mul3A_2120, %add3A_2121 : i32
      %dma_start3A_2123 = arith.constant 8 : i32
      %dma_start3A_2124 = arith.constant 0 : i32
      %dma_start3A_2125 = arith.constant 0 : i32
      %dma_start3A_2126 = tpu.memref_slice %arg8[%dma_start3A_2123, %dma_start3A_2124, %dma_start3A_2125] : memref<10x80x64xf32, #tpu.memory_space<vmem>> -> memref<1x80x64xf32, #tpu.memory_space<vmem>>
      %dma_start3A_2127 = tpu.memref_squeeze %dma_start3A_2126 : memref<1x80x64xf32, #tpu.memory_space<vmem>> -> memref<80x64xf32, #tpu.memory_space<vmem>>
      %dma_start3A_2128 = arith.constant 0 : i32
      %dma_start3A_2129 = tpu.memref_slice %arg6[%add3A_2122, %dma_start3A_2128] : memref<125x80xi32, #tpu.memory_space<vmem>> -> memref<1x80xi32, #tpu.memory_space<vmem>>
      %dma_start3A_2130 = tpu.memref_squeeze %dma_start3A_2129 : memref<1x80xi32, #tpu.memory_space<vmem>> -> memref<80xi32, #tpu.memory_space<vmem>>
      %dma_start3A_2131 = arith.constant 0 : i32
      %dma_start3A_2132 = arith.constant 0 : i32
      %dma_start3A_2133 = tpu.memref_slice %arg2[%dma_start3A_2131, %dma_start3A_2132] : memref<540000x64xf32, #tpu.memory_space<hbm>> -> memref<540000x64xf32, #tpu.memory_space<hbm>>
      tpu.enqueue_indirect_dma source(%dma_start3A_2133 : memref<540000x64xf32, #tpu.memory_space<hbm>>) target(%dma_start3A_2127 : memref<80x64xf32, #tpu.memory_space<vmem>>) offsets(%dma_start3A_2130 : memref<80xi32, #tpu.memory_space<vmem>>) semaphore(%arg10 : memref<!tpu.dma_semaphore, #tpu.memory_space<semaphore_mem>>)
      %mul3A_2134 = arith.constant 5 : i32
      %mul3A_2135 = arith.muli %add3A_2073, %mul3A_2134 : i32
      %add3A_2136 = arith.constant 4 : i32
      %add3A_2137 = arith.addi %mul3A_2135, %add3A_2136 : i32
      %dma_start3A_2138 = arith.constant 9 : i32
      %dma_start3A_2139 = arith.constant 0 : i32
      %dma_start3A_2140 = arith.constant 0 : i32
      %dma_start3A_2141 = tpu.memref_slice %arg8[%dma_start3A_2138, %dma_start3A_2139, %dma_start3A_2140] : memref<10x80x64xf32, #tpu.memory_space<vmem>> -> memref<1x80x64xf32, #tpu.memory_space<vmem>>
      %dma_start3A_2142 = tpu.memref_squeeze %dma_start3A_2141 : memref<1x80x64xf32, #tpu.memory_space<vmem>> -> memref<80x64xf32, #tpu.memory_space<vmem>>
      %dma_start3A_2143 = arith.constant 0 : i32
      %dma_start3A_2144 = tpu.memref_slice %arg6[%add3A_2137, %dma_start3A_2143] : memref<125x80xi32, #tpu.memory_space<vmem>> -> memref<1x80xi32, #tpu.memory_space<vmem>>
      %dma_start3A_2145 = tpu.memref_squeeze %dma_start3A_2144 : memref<1x80xi32, #tpu.memory_space<vmem>> -> memref<80xi32, #tpu.memory_space<vmem>>
      %dma_start3A_2146 = arith.constant 0 : i32
      %dma_start3A_2147 = arith.constant 0 : i32
      %dma_start3A_2148 = tpu.memref_slice %arg2[%dma_start3A_2146, %dma_start3A_2147] : memref<540000x64xf32, #tpu.memory_space<hbm>> -> memref<540000x64xf32, #tpu.memory_space<hbm>>
      tpu.enqueue_indirect_dma source(%dma_start3A_2148 : memref<540000x64xf32, #tpu.memory_space<hbm>>) target(%dma_start3A_2142 : memref<80x64xf32, #tpu.memory_space<vmem>>) offsets(%dma_start3A_2145 : memref<80xi32, #tpu.memory_space<vmem>>) semaphore(%arg10 : memref<!tpu.dma_semaphore, #tpu.memory_space<semaphore_mem>>)
      %scan3A_2149 = arith.constant 0 : i32
      scf.yield %scan3A_2149 : i32
    }
    %scan3A_289 = arith.constant 11 : i32
    %dma_wait3A_290 = arith.constant 115 : i32
    %dma_wait3A_291 = arith.constant 5 : i32
    %dma_wait3A_292 = arith.constant 0 : i32
    %dma_wait3A_293 = arith.constant 0 : i32
    %dma_wait3A_294 = tpu.memref_slice %arg8[%dma_wait3A_291, %dma_wait3A_292, %dma_wait3A_293] : memref<10x80x64xf32, #tpu.memory_space<vmem>> -> memref<1x80x64xf32, #tpu.memory_space<vmem>>
    %dma_wait3A_295 = tpu.memref_squeeze %dma_wait3A_294 : memref<1x80x64xf32, #tpu.memory_space<vmem>> -> memref<80x64xf32, #tpu.memory_space<vmem>>
    %dma_wait3A_296 = arith.constant 0 : i32
    %dma_wait3A_297 = tpu.memref_slice %arg6[%dma_wait3A_290, %dma_wait3A_296] : memref<125x80xi32, #tpu.memory_space<vmem>> -> memref<1x80xi32, #tpu.memory_space<vmem>>
    %dma_wait3A_298 = tpu.memref_squeeze %dma_wait3A_297 : memref<1x80xi32, #tpu.memory_space<vmem>> -> memref<80xi32, #tpu.memory_space<vmem>>
    %dma_wait3A_299 = arith.constant 0 : i32
    %dma_wait3A_300 = arith.constant 0 : i32
    %dma_wait3A_301 = tpu.memref_slice %arg2[%dma_wait3A_299, %dma_wait3A_300] : memref<540000x64xf32, #tpu.memory_space<hbm>> -> memref<540000x64xf32, #tpu.memory_space<hbm>>
    tpu.wait_indirect_dma semaphore(%arg10 : memref<!tpu.dma_semaphore, #tpu.memory_space<semaphore_mem>>) src(%dma_wait3A_301 : memref<540000x64xf32, #tpu.memory_space<hbm>>) dst(%dma_wait3A_295 : memref<80x64xf32, #tpu.memory_space<vmem>>)
    %dma_wait3A_302 = arith.constant 116 : i32
    %dma_wait3A_303 = arith.constant 6 : i32
    %dma_wait3A_304 = arith.constant 0 : i32
    %dma_wait3A_305 = arith.constant 0 : i32
    %dma_wait3A_306 = tpu.memref_slice %arg8[%dma_wait3A_303, %dma_wait3A_304, %dma_wait3A_305] : memref<10x80x64xf32, #tpu.memory_space<vmem>> -> memref<1x80x64xf32, #tpu.memory_space<vmem>>
    %dma_wait3A_307 = tpu.memref_squeeze %dma_wait3A_306 : memref<1x80x64xf32, #tpu.memory_space<vmem>> -> memref<80x64xf32, #tpu.memory_space<vmem>>
    %dma_wait3A_308 = arith.constant 0 : i32
    %dma_wait3A_309 = tpu.memref_slice %arg6[%dma_wait3A_302, %dma_wait3A_308] : memref<125x80xi32, #tpu.memory_space<vmem>> -> memref<1x80xi32, #tpu.memory_space<vmem>>
    %dma_wait3A_310 = tpu.memref_squeeze %dma_wait3A_309 : memref<1x80xi32, #tpu.memory_space<vmem>> -> memref<80xi32, #tpu.memory_space<vmem>>
    %dma_wait3A_311 = arith.constant 0 : i32
    %dma_wait3A_312 = arith.constant 0 : i32
    %dma_wait3A_313 = tpu.memref_slice %arg2[%dma_wait3A_311, %dma_wait3A_312] : memref<540000x64xf32, #tpu.memory_space<hbm>> -> memref<540000x64xf32, #tpu.memory_space<hbm>>
    tpu.wait_indirect_dma semaphore(%arg10 : memref<!tpu.dma_semaphore, #tpu.memory_space<semaphore_mem>>) src(%dma_wait3A_313 : memref<540000x64xf32, #tpu.memory_space<hbm>>) dst(%dma_wait3A_307 : memref<80x64xf32, #tpu.memory_space<vmem>>)
    %dma_wait3A_314 = arith.constant 117 : i32
    %dma_wait3A_315 = arith.constant 7 : i32
    %dma_wait3A_316 = arith.constant 0 : i32
    %dma_wait3A_317 = arith.constant 0 : i32
    %dma_wait3A_318 = tpu.memref_slice %arg8[%dma_wait3A_315, %dma_wait3A_316, %dma_wait3A_317] : memref<10x80x64xf32, #tpu.memory_space<vmem>> -> memref<1x80x64xf32, #tpu.memory_space<vmem>>
    %dma_wait3A_319 = tpu.memref_squeeze %dma_wait3A_318 : memref<1x80x64xf32, #tpu.memory_space<vmem>> -> memref<80x64xf32, #tpu.memory_space<vmem>>
    %dma_wait3A_320 = arith.constant 0 : i32
    %dma_wait3A_321 = tpu.memref_slice %arg6[%dma_wait3A_314, %dma_wait3A_320] : memref<125x80xi32, #tpu.memory_space<vmem>> -> memref<1x80xi32, #tpu.memory_space<vmem>>
    %dma_wait3A_322 = tpu.memref_squeeze %dma_wait3A_321 : memref<1x80xi32, #tpu.memory_space<vmem>> -> memref<80xi32, #tpu.memory_space<vmem>>
    %dma_wait3A_323 = arith.constant 0 : i32
    %dma_wait3A_324 = arith.constant 0 : i32
    %dma_wait3A_325 = tpu.memref_slice %arg2[%dma_wait3A_323, %dma_wait3A_324] : memref<540000x64xf32, #tpu.memory_space<hbm>> -> memref<540000x64xf32, #tpu.memory_space<hbm>>
    tpu.wait_indirect_dma semaphore(%arg10 : memref<!tpu.dma_semaphore, #tpu.memory_space<semaphore_mem>>) src(%dma_wait3A_325 : memref<540000x64xf32, #tpu.memory_space<hbm>>) dst(%dma_wait3A_319 : memref<80x64xf32, #tpu.memory_space<vmem>>)
    %dma_wait3A_326 = arith.constant 118 : i32
    %dma_wait3A_327 = arith.constant 8 : i32
    %dma_wait3A_328 = arith.constant 0 : i32
    %dma_wait3A_329 = arith.constant 0 : i32
    %dma_wait3A_330 = tpu.memref_slice %arg8[%dma_wait3A_327, %dma_wait3A_328, %dma_wait3A_329] : memref<10x80x64xf32, #tpu.memory_space<vmem>> -> memref<1x80x64xf32, #tpu.memory_space<vmem>>
    %dma_wait3A_331 = tpu.memref_squeeze %dma_wait3A_330 : memref<1x80x64xf32, #tpu.memory_space<vmem>> -> memref<80x64xf32, #tpu.memory_space<vmem>>
    %dma_wait3A_332 = arith.constant 0 : i32
    %dma_wait3A_333 = tpu.memref_slice %arg6[%dma_wait3A_326, %dma_wait3A_332] : memref<125x80xi32, #tpu.memory_space<vmem>> -> memref<1x80xi32, #tpu.memory_space<vmem>>
    %dma_wait3A_334 = tpu.memref_squeeze %dma_wait3A_333 : memref<1x80xi32, #tpu.memory_space<vmem>> -> memref<80xi32, #tpu.memory_space<vmem>>
    %dma_wait3A_335 = arith.constant 0 : i32
    %dma_wait3A_336 = arith.constant 0 : i32
    %dma_wait3A_337 = tpu.memref_slice %arg2[%dma_wait3A_335, %dma_wait3A_336] : memref<540000x64xf32, #tpu.memory_space<hbm>> -> memref<540000x64xf32, #tpu.memory_space<hbm>>
    tpu.wait_indirect_dma semaphore(%arg10 : memref<!tpu.dma_semaphore, #tpu.memory_space<semaphore_mem>>) src(%dma_wait3A_337 : memref<540000x64xf32, #tpu.memory_space<hbm>>) dst(%dma_wait3A_331 : memref<80x64xf32, #tpu.memory_space<vmem>>)
    %dma_wait3A_338 = arith.constant 119 : i32
    %dma_wait3A_339 = arith.constant 9 : i32
    %dma_wait3A_340 = arith.constant 0 : i32
    %dma_wait3A_341 = arith.constant 0 : i32
    %dma_wait3A_342 = tpu.memref_slice %arg8[%dma_wait3A_339, %dma_wait3A_340, %dma_wait3A_341] : memref<10x80x64xf32, #tpu.memory_space<vmem>> -> memref<1x80x64xf32, #tpu.memory_space<vmem>>
    %dma_wait3A_343 = tpu.memref_squeeze %dma_wait3A_342 : memref<1x80x64xf32, #tpu.memory_space<vmem>> -> memref<80x64xf32, #tpu.memory_space<vmem>>
    %dma_wait3A_344 = arith.constant 0 : i32
    %dma_wait3A_345 = tpu.memref_slice %arg6[%dma_wait3A_338, %dma_wait3A_344] : memref<125x80xi32, #tpu.memory_space<vmem>> -> memref<1x80xi32, #tpu.memory_space<vmem>>
    %dma_wait3A_346 = tpu.memref_squeeze %dma_wait3A_345 : memref<1x80xi32, #tpu.memory_space<vmem>> -> memref<80xi32, #tpu.memory_space<vmem>>
    %dma_wait3A_347 = arith.constant 0 : i32
    %dma_wait3A_348 = arith.constant 0 : i32
    %dma_wait3A_349 = tpu.memref_slice %arg2[%dma_wait3A_347, %dma_wait3A_348] : memref<540000x64xf32, #tpu.memory_space<hbm>> -> memref<540000x64xf32, #tpu.memory_space<hbm>>
    tpu.wait_indirect_dma semaphore(%arg10 : memref<!tpu.dma_semaphore, #tpu.memory_space<semaphore_mem>>) src(%dma_wait3A_349 : memref<540000x64xf32, #tpu.memory_space<hbm>>) dst(%dma_wait3A_343 : memref<80x64xf32, #tpu.memory_space<vmem>>)
    %dma_start3A_350 = arith.constant 5 : i32
    %dma_start3A_351 = arith.constant 115 : i32
    %dma_start3A_352 = arith.constant 0 : i32
    %dma_start3A_353 = arith.constant 0 : i32
    %dma_start3A_354 = tpu.memref_slice %arg8[%dma_start3A_350, %dma_start3A_352, %dma_start3A_353] : memref<10x80x64xf32, #tpu.memory_space<vmem>> -> memref<1x80x64xf32, #tpu.memory_space<vmem>>
    %dma_start3A_355 = tpu.memref_squeeze %dma_start3A_354 : memref<1x80x64xf32, #tpu.memory_space<vmem>> -> memref<80x64xf32, #tpu.memory_space<vmem>>
    %dma_start3A_356 = arith.constant 0 : i32
    %dma_start3A_357 = tpu.memref_slice %arg7[%dma_start3A_351, %dma_start3A_356] : memref<125x80xi32, #tpu.memory_space<vmem>> -> memref<1x80xi32, #tpu.memory_space<vmem>>
    %dma_start3A_358 = tpu.memref_squeeze %dma_start3A_357 : memref<1x80xi32, #tpu.memory_space<vmem>> -> memref<80xi32, #tpu.memory_space<vmem>>
    %dma_start3A_359 = arith.constant 0 : i32
    %dma_start3A_360 = arith.constant 0 : i32
    %dma_start3A_361 = tpu.memref_slice %arg9[%dma_start3A_359, %dma_start3A_360] : memref<10240x64xf32, #tpu.memory_space<vmem_shared>> -> memref<10240x64xf32, #tpu.memory_space<vmem_shared>>
    tpu.enqueue_indirect_dma source(%dma_start3A_355 : memref<80x64xf32, #tpu.memory_space<vmem>>) target(%dma_start3A_361 : memref<10240x64xf32, #tpu.memory_space<vmem_shared>>) offsets(%dma_start3A_358 : memref<80xi32, #tpu.memory_space<vmem>>) semaphore(%arg11 : memref<!tpu.dma_semaphore, #tpu.memory_space<semaphore_mem>>) {add = true}
    %dma_start3A_362 = arith.constant 6 : i32
    %dma_start3A_363 = arith.constant 116 : i32
    %dma_start3A_364 = arith.constant 0 : i32
    %dma_start3A_365 = arith.constant 0 : i32
    %dma_start3A_366 = tpu.memref_slice %arg8[%dma_start3A_362, %dma_start3A_364, %dma_start3A_365] : memref<10x80x64xf32, #tpu.memory_space<vmem>> -> memref<1x80x64xf32, #tpu.memory_space<vmem>>
    %dma_start3A_367 = tpu.memref_squeeze %dma_start3A_366 : memref<1x80x64xf32, #tpu.memory_space<vmem>> -> memref<80x64xf32, #tpu.memory_space<vmem>>
    %dma_start3A_368 = arith.constant 0 : i32
    %dma_start3A_369 = tpu.memref_slice %arg7[%dma_start3A_363, %dma_start3A_368] : memref<125x80xi32, #tpu.memory_space<vmem>> -> memref<1x80xi32, #tpu.memory_space<vmem>>
    %dma_start3A_370 = tpu.memref_squeeze %dma_start3A_369 : memref<1x80xi32, #tpu.memory_space<vmem>> -> memref<80xi32, #tpu.memory_space<vmem>>
    %dma_start3A_371 = arith.constant 0 : i32
    %dma_start3A_372 = arith.constant 0 : i32
    %dma_start3A_373 = tpu.memref_slice %arg9[%dma_start3A_371, %dma_start3A_372] : memref<10240x64xf32, #tpu.memory_space<vmem_shared>> -> memref<10240x64xf32, #tpu.memory_space<vmem_shared>>
    tpu.enqueue_indirect_dma source(%dma_start3A_367 : memref<80x64xf32, #tpu.memory_space<vmem>>) target(%dma_start3A_373 : memref<10240x64xf32, #tpu.memory_space<vmem_shared>>) offsets(%dma_start3A_370 : memref<80xi32, #tpu.memory_space<vmem>>) semaphore(%arg11 : memref<!tpu.dma_semaphore, #tpu.memory_space<semaphore_mem>>) {add = true}
    %dma_start3A_374 = arith.constant 7 : i32
    %dma_start3A_375 = arith.constant 117 : i32
    %dma_start3A_376 = arith.constant 0 : i32
    %dma_start3A_377 = arith.constant 0 : i32
    %dma_start3A_378 = tpu.memref_slice %arg8[%dma_start3A_374, %dma_start3A_376, %dma_start3A_377] : memref<10x80x64xf32, #tpu.memory_space<vmem>> -> memref<1x80x64xf32, #tpu.memory_space<vmem>>
    %dma_start3A_379 = tpu.memref_squeeze %dma_start3A_378 : memref<1x80x64xf32, #tpu.memory_space<vmem>> -> memref<80x64xf32, #tpu.memory_space<vmem>>
    %dma_start3A_380 = arith.constant 0 : i32
    %dma_start3A_381 = tpu.memref_slice %arg7[%dma_start3A_375, %dma_start3A_380] : memref<125x80xi32, #tpu.memory_space<vmem>> -> memref<1x80xi32, #tpu.memory_space<vmem>>
    %dma_start3A_382 = tpu.memref_squeeze %dma_start3A_381 : memref<1x80xi32, #tpu.memory_space<vmem>> -> memref<80xi32, #tpu.memory_space<vmem>>
    %dma_start3A_383 = arith.constant 0 : i32
    %dma_start3A_384 = arith.constant 0 : i32
    %dma_start3A_385 = tpu.memref_slice %arg9[%dma_start3A_383, %dma_start3A_384] : memref<10240x64xf32, #tpu.memory_space<vmem_shared>> -> memref<10240x64xf32, #tpu.memory_space<vmem_shared>>
    tpu.enqueue_indirect_dma source(%dma_start3A_379 : memref<80x64xf32, #tpu.memory_space<vmem>>) target(%dma_start3A_385 : memref<10240x64xf32, #tpu.memory_space<vmem_shared>>) offsets(%dma_start3A_382 : memref<80xi32, #tpu.memory_space<vmem>>) semaphore(%arg11 : memref<!tpu.dma_semaphore, #tpu.memory_space<semaphore_mem>>) {add = true}
    %dma_start3A_386 = arith.constant 8 : i32
    %dma_start3A_387 = arith.constant 118 : i32
    %dma_start3A_388 = arith.constant 0 : i32
    %dma_start3A_389 = arith.constant 0 : i32
    %dma_start3A_390 = tpu.memref_slice %arg8[%dma_start3A_386, %dma_start3A_388, %dma_start3A_389] : memref<10x80x64xf32, #tpu.memory_space<vmem>> -> memref<1x80x64xf32, #tpu.memory_space<vmem>>
    %dma_start3A_391 = tpu.memref_squeeze %dma_start3A_390 : memref<1x80x64xf32, #tpu.memory_space<vmem>> -> memref<80x64xf32, #tpu.memory_space<vmem>>
    %dma_start3A_392 = arith.constant 0 : i32
    %dma_start3A_393 = tpu.memref_slice %arg7[%dma_start3A_387, %dma_start3A_392] : memref<125x80xi32, #tpu.memory_space<vmem>> -> memref<1x80xi32, #tpu.memory_space<vmem>>
    %dma_start3A_394 = tpu.memref_squeeze %dma_start3A_393 : memref<1x80xi32, #tpu.memory_space<vmem>> -> memref<80xi32, #tpu.memory_space<vmem>>
    %dma_start3A_395 = arith.constant 0 : i32
    %dma_start3A_396 = arith.constant 0 : i32
    %dma_start3A_397 = tpu.memref_slice %arg9[%dma_start3A_395, %dma_start3A_396] : memref<10240x64xf32, #tpu.memory_space<vmem_shared>> -> memref<10240x64xf32, #tpu.memory_space<vmem_shared>>
    tpu.enqueue_indirect_dma source(%dma_start3A_391 : memref<80x64xf32, #tpu.memory_space<vmem>>) target(%dma_start3A_397 : memref<10240x64xf32, #tpu.memory_space<vmem_shared>>) offsets(%dma_start3A_394 : memref<80xi32, #tpu.memory_space<vmem>>) semaphore(%arg11 : memref<!tpu.dma_semaphore, #tpu.memory_space<semaphore_mem>>) {add = true}
    %dma_start3A_398 = arith.constant 9 : i32
    %dma_start3A_399 = arith.constant 119 : i32
    %dma_start3A_400 = arith.constant 0 : i32
    %dma_start3A_401 = arith.constant 0 : i32
    %dma_start3A_402 = tpu.memref_slice %arg8[%dma_start3A_398, %dma_start3A_400, %dma_start3A_401] : memref<10x80x64xf32, #tpu.memory_space<vmem>> -> memref<1x80x64xf32, #tpu.memory_space<vmem>>
    %dma_start3A_403 = tpu.memref_squeeze %dma_start3A_402 : memref<1x80x64xf32, #tpu.memory_space<vmem>> -> memref<80x64xf32, #tpu.memory_space<vmem>>
    %dma_start3A_404 = arith.constant 0 : i32
    %dma_start3A_405 = tpu.memref_slice %arg7[%dma_start3A_399, %dma_start3A_404] : memref<125x80xi32, #tpu.memory_space<vmem>> -> memref<1x80xi32, #tpu.memory_space<vmem>>
    %dma_start3A_406 = tpu.memref_squeeze %dma_start3A_405 : memref<1x80xi32, #tpu.memory_space<vmem>> -> memref<80xi32, #tpu.memory_space<vmem>>
    %dma_start3A_407 = arith.constant 0 : i32
    %dma_start3A_408 = arith.constant 0 : i32
    %dma_start3A_409 = tpu.memref_slice %arg9[%dma_start3A_407, %dma_start3A_408] : memref<10240x64xf32, #tpu.memory_space<vmem_shared>> -> memref<10240x64xf32, #tpu.memory_space<vmem_shared>>
    tpu.enqueue_indirect_dma source(%dma_start3A_403 : memref<80x64xf32, #tpu.memory_space<vmem>>) target(%dma_start3A_409 : memref<10240x64xf32, #tpu.memory_space<vmem_shared>>) offsets(%dma_start3A_406 : memref<80xi32, #tpu.memory_space<vmem>>) semaphore(%arg11 : memref<!tpu.dma_semaphore, #tpu.memory_space<semaphore_mem>>) {add = true}
    %dma_wait3A_410 = arith.constant 0 : i32
    %dma_wait3A_411 = arith.constant 110 : i32
    %dma_wait3A_412 = arith.constant 0 : i32
    %dma_wait3A_413 = arith.constant 0 : i32
    %dma_wait3A_414 = tpu.memref_slice %arg8[%dma_wait3A_410, %dma_wait3A_412, %dma_wait3A_413] : memref<10x80x64xf32, #tpu.memory_space<vmem>> -> memref<1x80x64xf32, #tpu.memory_space<vmem>>
    %dma_wait3A_415 = tpu.memref_squeeze %dma_wait3A_414 : memref<1x80x64xf32, #tpu.memory_space<vmem>> -> memref<80x64xf32, #tpu.memory_space<vmem>>
    %dma_wait3A_416 = arith.constant 0 : i32
    %dma_wait3A_417 = tpu.memref_slice %arg7[%dma_wait3A_411, %dma_wait3A_416] : memref<125x80xi32, #tpu.memory_space<vmem>> -> memref<1x80xi32, #tpu.memory_space<vmem>>
    %dma_wait3A_418 = tpu.memref_squeeze %dma_wait3A_417 : memref<1x80xi32, #tpu.memory_space<vmem>> -> memref<80xi32, #tpu.memory_space<vmem>>
    %dma_wait3A_419 = arith.constant 0 : i32
    %dma_wait3A_420 = arith.constant 0 : i32
    %dma_wait3A_421 = tpu.memref_slice %arg9[%dma_wait3A_419, %dma_wait3A_420] : memref<10240x64xf32, #tpu.memory_space<vmem_shared>> -> memref<10240x64xf32, #tpu.memory_space<vmem_shared>>
    tpu.wait_indirect_dma semaphore(%arg11 : memref<!tpu.dma_semaphore, #tpu.memory_space<semaphore_mem>>) src(%dma_wait3A_415 : memref<80x64xf32, #tpu.memory_space<vmem>>) dst(%dma_wait3A_421 : memref<10240x64xf32, #tpu.memory_space<vmem_shared>>)
    %dma_wait3A_422 = arith.constant 1 : i32
    %dma_wait3A_423 = arith.constant 111 : i32
    %dma_wait3A_424 = arith.constant 0 : i32
    %dma_wait3A_425 = arith.constant 0 : i32
    %dma_wait3A_426 = tpu.memref_slice %arg8[%dma_wait3A_422, %dma_wait3A_424, %dma_wait3A_425] : memref<10x80x64xf32, #tpu.memory_space<vmem>> -> memref<1x80x64xf32, #tpu.memory_space<vmem>>
    %dma_wait3A_427 = tpu.memref_squeeze %dma_wait3A_426 : memref<1x80x64xf32, #tpu.memory_space<vmem>> -> memref<80x64xf32, #tpu.memory_space<vmem>>
    %dma_wait3A_428 = arith.constant 0 : i32
    %dma_wait3A_429 = tpu.memref_slice %arg7[%dma_wait3A_423, %dma_wait3A_428] : memref<125x80xi32, #tpu.memory_space<vmem>> -> memref<1x80xi32, #tpu.memory_space<vmem>>
    %dma_wait3A_430 = tpu.memref_squeeze %dma_wait3A_429 : memref<1x80xi32, #tpu.memory_space<vmem>> -> memref<80xi32, #tpu.memory_space<vmem>>
    %dma_wait3A_431 = arith.constant 0 : i32
    %dma_wait3A_432 = arith.constant 0 : i32
    %dma_wait3A_433 = tpu.memref_slice %arg9[%dma_wait3A_431, %dma_wait3A_432] : memref<10240x64xf32, #tpu.memory_space<vmem_shared>> -> memref<10240x64xf32, #tpu.memory_space<vmem_shared>>
    tpu.wait_indirect_dma semaphore(%arg11 : memref<!tpu.dma_semaphore, #tpu.memory_space<semaphore_mem>>) src(%dma_wait3A_427 : memref<80x64xf32, #tpu.memory_space<vmem>>) dst(%dma_wait3A_433 : memref<10240x64xf32, #tpu.memory_space<vmem_shared>>)
    %dma_wait3A_434 = arith.constant 2 : i32
    %dma_wait3A_435 = arith.constant 112 : i32
    %dma_wait3A_436 = arith.constant 0 : i32
    %dma_wait3A_437 = arith.constant 0 : i32
    %dma_wait3A_438 = tpu.memref_slice %arg8[%dma_wait3A_434, %dma_wait3A_436, %dma_wait3A_437] : memref<10x80x64xf32, #tpu.memory_space<vmem>> -> memref<1x80x64xf32, #tpu.memory_space<vmem>>
    %dma_wait3A_439 = tpu.memref_squeeze %dma_wait3A_438 : memref<1x80x64xf32, #tpu.memory_space<vmem>> -> memref<80x64xf32, #tpu.memory_space<vmem>>
    %dma_wait3A_440 = arith.constant 0 : i32
    %dma_wait3A_441 = tpu.memref_slice %arg7[%dma_wait3A_435, %dma_wait3A_440] : memref<125x80xi32, #tpu.memory_space<vmem>> -> memref<1x80xi32, #tpu.memory_space<vmem>>
    %dma_wait3A_442 = tpu.memref_squeeze %dma_wait3A_441 : memref<1x80xi32, #tpu.memory_space<vmem>> -> memref<80xi32, #tpu.memory_space<vmem>>
    %dma_wait3A_443 = arith.constant 0 : i32
    %dma_wait3A_444 = arith.constant 0 : i32
    %dma_wait3A_445 = tpu.memref_slice %arg9[%dma_wait3A_443, %dma_wait3A_444] : memref<10240x64xf32, #tpu.memory_space<vmem_shared>> -> memref<10240x64xf32, #tpu.memory_space<vmem_shared>>
    tpu.wait_indirect_dma semaphore(%arg11 : memref<!tpu.dma_semaphore, #tpu.memory_space<semaphore_mem>>) src(%dma_wait3A_439 : memref<80x64xf32, #tpu.memory_space<vmem>>) dst(%dma_wait3A_445 : memref<10240x64xf32, #tpu.memory_space<vmem_shared>>)
    %dma_wait3A_446 = arith.constant 3 : i32
    %dma_wait3A_447 = arith.constant 113 : i32
    %dma_wait3A_448 = arith.constant 0 : i32
    %dma_wait3A_449 = arith.constant 0 : i32
    %dma_wait3A_450 = tpu.memref_slice %arg8[%dma_wait3A_446, %dma_wait3A_448, %dma_wait3A_449] : memref<10x80x64xf32, #tpu.memory_space<vmem>> -> memref<1x80x64xf32, #tpu.memory_space<vmem>>
    %dma_wait3A_451 = tpu.memref_squeeze %dma_wait3A_450 : memref<1x80x64xf32, #tpu.memory_space<vmem>> -> memref<80x64xf32, #tpu.memory_space<vmem>>
    %dma_wait3A_452 = arith.constant 0 : i32
    %dma_wait3A_453 = tpu.memref_slice %arg7[%dma_wait3A_447, %dma_wait3A_452] : memref<125x80xi32, #tpu.memory_space<vmem>> -> memref<1x80xi32, #tpu.memory_space<vmem>>
    %dma_wait3A_454 = tpu.memref_squeeze %dma_wait3A_453 : memref<1x80xi32, #tpu.memory_space<vmem>> -> memref<80xi32, #tpu.memory_space<vmem>>
    %dma_wait3A_455 = arith.constant 0 : i32
    %dma_wait3A_456 = arith.constant 0 : i32
    %dma_wait3A_457 = tpu.memref_slice %arg9[%dma_wait3A_455, %dma_wait3A_456] : memref<10240x64xf32, #tpu.memory_space<vmem_shared>> -> memref<10240x64xf32, #tpu.memory_space<vmem_shared>>
    tpu.wait_indirect_dma semaphore(%arg11 : memref<!tpu.dma_semaphore, #tpu.memory_space<semaphore_mem>>) src(%dma_wait3A_451 : memref<80x64xf32, #tpu.memory_space<vmem>>) dst(%dma_wait3A_457 : memref<10240x64xf32, #tpu.memory_space<vmem_shared>>)
    %dma_wait3A_458 = arith.constant 4 : i32
    %dma_wait3A_459 = arith.constant 114 : i32
    %dma_wait3A_460 = arith.constant 0 : i32
    %dma_wait3A_461 = arith.constant 0 : i32
    %dma_wait3A_462 = tpu.memref_slice %arg8[%dma_wait3A_458, %dma_wait3A_460, %dma_wait3A_461] : memref<10x80x64xf32, #tpu.memory_space<vmem>> -> memref<1x80x64xf32, #tpu.memory_space<vmem>>
    %dma_wait3A_463 = tpu.memref_squeeze %dma_wait3A_462 : memref<1x80x64xf32, #tpu.memory_space<vmem>> -> memref<80x64xf32, #tpu.memory_space<vmem>>
    %dma_wait3A_464 = arith.constant 0 : i32
    %dma_wait3A_465 = tpu.memref_slice %arg7[%dma_wait3A_459, %dma_wait3A_464] : memref<125x80xi32, #tpu.memory_space<vmem>> -> memref<1x80xi32, #tpu.memory_space<vmem>>
    %dma_wait3A_466 = tpu.memref_squeeze %dma_wait3A_465 : memref<1x80xi32, #tpu.memory_space<vmem>> -> memref<80xi32, #tpu.memory_space<vmem>>
    %dma_wait3A_467 = arith.constant 0 : i32
    %dma_wait3A_468 = arith.constant 0 : i32
    %dma_wait3A_469 = tpu.memref_slice %arg9[%dma_wait3A_467, %dma_wait3A_468] : memref<10240x64xf32, #tpu.memory_space<vmem_shared>> -> memref<10240x64xf32, #tpu.memory_space<vmem_shared>>
    tpu.wait_indirect_dma semaphore(%arg11 : memref<!tpu.dma_semaphore, #tpu.memory_space<semaphore_mem>>) src(%dma_wait3A_463 : memref<80x64xf32, #tpu.memory_space<vmem>>) dst(%dma_wait3A_469 : memref<10240x64xf32, #tpu.memory_space<vmem_shared>>)
    %dma_start3A_470 = arith.constant 120 : i32
    %dma_start3A_471 = arith.constant 0 : i32
    %dma_start3A_472 = arith.constant 0 : i32
    %dma_start3A_473 = arith.constant 0 : i32
    %dma_start3A_474 = tpu.memref_slice %arg8[%dma_start3A_471, %dma_start3A_472, %dma_start3A_473] : memref<10x80x64xf32, #tpu.memory_space<vmem>> -> memref<1x80x64xf32, #tpu.memory_space<vmem>>
    %dma_start3A_475 = tpu.memref_squeeze %dma_start3A_474 : memref<1x80x64xf32, #tpu.memory_space<vmem>> -> memref<80x64xf32, #tpu.memory_space<vmem>>
    %dma_start3A_476 = arith.constant 0 : i32
    %dma_start3A_477 = tpu.memref_slice %arg6[%dma_start3A_470, %dma_start3A_476] : memref<125x80xi32, #tpu.memory_space<vmem>> -> memref<1x80xi32, #tpu.memory_space<vmem>>
    %dma_start3A_478 = tpu.memref_squeeze %dma_start3A_477 : memref<1x80xi32, #tpu.memory_space<vmem>> -> memref<80xi32, #tpu.memory_space<vmem>>
    %dma_start3A_479 = arith.constant 0 : i32
    %dma_start3A_480 = arith.constant 0 : i32
    %dma_start3A_481 = tpu.memref_slice %arg2[%dma_start3A_479, %dma_start3A_480] : memref<540000x64xf32, #tpu.memory_space<hbm>> -> memref<540000x64xf32, #tpu.memory_space<hbm>>
    tpu.enqueue_indirect_dma source(%dma_start3A_481 : memref<540000x64xf32, #tpu.memory_space<hbm>>) target(%dma_start3A_475 : memref<80x64xf32, #tpu.memory_space<vmem>>) offsets(%dma_start3A_478 : memref<80xi32, #tpu.memory_space<vmem>>) semaphore(%arg10 : memref<!tpu.dma_semaphore, #tpu.memory_space<semaphore_mem>>)
    %dma_start3A_482 = arith.constant 121 : i32
    %dma_start3A_483 = arith.constant 1 : i32
    %dma_start3A_484 = arith.constant 0 : i32
    %dma_start3A_485 = arith.constant 0 : i32
    %dma_start3A_486 = tpu.memref_slice %arg8[%dma_start3A_483, %dma_start3A_484, %dma_start3A_485] : memref<10x80x64xf32, #tpu.memory_space<vmem>> -> memref<1x80x64xf32, #tpu.memory_space<vmem>>
    %dma_start3A_487 = tpu.memref_squeeze %dma_start3A_486 : memref<1x80x64xf32, #tpu.memory_space<vmem>> -> memref<80x64xf32, #tpu.memory_space<vmem>>
    %dma_start3A_488 = arith.constant 0 : i32
    %dma_start3A_489 = tpu.memref_slice %arg6[%dma_start3A_482, %dma_start3A_488] : memref<125x80xi32, #tpu.memory_space<vmem>> -> memref<1x80xi32, #tpu.memory_space<vmem>>
    %dma_start3A_490 = tpu.memref_squeeze %dma_start3A_489 : memref<1x80xi32, #tpu.memory_space<vmem>> -> memref<80xi32, #tpu.memory_space<vmem>>
    %dma_start3A_491 = arith.constant 0 : i32
    %dma_start3A_492 = arith.constant 0 : i32
    %dma_start3A_493 = tpu.memref_slice %arg2[%dma_start3A_491, %dma_start3A_492] : memref<540000x64xf32, #tpu.memory_space<hbm>> -> memref<540000x64xf32, #tpu.memory_space<hbm>>
    tpu.enqueue_indirect_dma source(%dma_start3A_493 : memref<540000x64xf32, #tpu.memory_space<hbm>>) target(%dma_start3A_487 : memref<80x64xf32, #tpu.memory_space<vmem>>) offsets(%dma_start3A_490 : memref<80xi32, #tpu.memory_space<vmem>>) semaphore(%arg10 : memref<!tpu.dma_semaphore, #tpu.memory_space<semaphore_mem>>)
    %dma_start3A_494 = arith.constant 122 : i32
    %dma_start3A_495 = arith.constant 2 : i32
    %dma_start3A_496 = arith.constant 0 : i32
    %dma_start3A_497 = arith.constant 0 : i32
    %dma_start3A_498 = tpu.memref_slice %arg8[%dma_start3A_495, %dma_start3A_496, %dma_start3A_497] : memref<10x80x64xf32, #tpu.memory_space<vmem>> -> memref<1x80x64xf32, #tpu.memory_space<vmem>>
    %dma_start3A_499 = tpu.memref_squeeze %dma_start3A_498 : memref<1x80x64xf32, #tpu.memory_space<vmem>> -> memref<80x64xf32, #tpu.memory_space<vmem>>
    %dma_start3A_500 = arith.constant 0 : i32
    %dma_start3A_501 = tpu.memref_slice %arg6[%dma_start3A_494, %dma_start3A_500] : memref<125x80xi32, #tpu.memory_space<vmem>> -> memref<1x80xi32, #tpu.memory_space<vmem>>
    %dma_start3A_502 = tpu.memref_squeeze %dma_start3A_501 : memref<1x80xi32, #tpu.memory_space<vmem>> -> memref<80xi32, #tpu.memory_space<vmem>>
    %dma_start3A_503 = arith.constant 0 : i32
    %dma_start3A_504 = arith.constant 0 : i32
    %dma_start3A_505 = tpu.memref_slice %arg2[%dma_start3A_503, %dma_start3A_504] : memref<540000x64xf32, #tpu.memory_space<hbm>> -> memref<540000x64xf32, #tpu.memory_space<hbm>>
    tpu.enqueue_indirect_dma source(%dma_start3A_505 : memref<540000x64xf32, #tpu.memory_space<hbm>>) target(%dma_start3A_499 : memref<80x64xf32, #tpu.memory_space<vmem>>) offsets(%dma_start3A_502 : memref<80xi32, #tpu.memory_space<vmem>>) semaphore(%arg10 : memref<!tpu.dma_semaphore, #tpu.memory_space<semaphore_mem>>)
    %dma_start3A_506 = arith.constant 123 : i32
    %dma_start3A_507 = arith.constant 3 : i32
    %dma_start3A_508 = arith.constant 0 : i32
    %dma_start3A_509 = arith.constant 0 : i32
    %dma_start3A_510 = tpu.memref_slice %arg8[%dma_start3A_507, %dma_start3A_508, %dma_start3A_509] : memref<10x80x64xf32, #tpu.memory_space<vmem>> -> memref<1x80x64xf32, #tpu.memory_space<vmem>>
    %dma_start3A_511 = tpu.memref_squeeze %dma_start3A_510 : memref<1x80x64xf32, #tpu.memory_space<vmem>> -> memref<80x64xf32, #tpu.memory_space<vmem>>
    %dma_start3A_512 = arith.constant 0 : i32
    %dma_start3A_513 = tpu.memref_slice %arg6[%dma_start3A_506, %dma_start3A_512] : memref<125x80xi32, #tpu.memory_space<vmem>> -> memref<1x80xi32, #tpu.memory_space<vmem>>
    %dma_start3A_514 = tpu.memref_squeeze %dma_start3A_513 : memref<1x80xi32, #tpu.memory_space<vmem>> -> memref<80xi32, #tpu.memory_space<vmem>>
    %dma_start3A_515 = arith.constant 0 : i32
    %dma_start3A_516 = arith.constant 0 : i32
    %dma_start3A_517 = tpu.memref_slice %arg2[%dma_start3A_515, %dma_start3A_516] : memref<540000x64xf32, #tpu.memory_space<hbm>> -> memref<540000x64xf32, #tpu.memory_space<hbm>>
    tpu.enqueue_indirect_dma source(%dma_start3A_517 : memref<540000x64xf32, #tpu.memory_space<hbm>>) target(%dma_start3A_511 : memref<80x64xf32, #tpu.memory_space<vmem>>) offsets(%dma_start3A_514 : memref<80xi32, #tpu.memory_space<vmem>>) semaphore(%arg10 : memref<!tpu.dma_semaphore, #tpu.memory_space<semaphore_mem>>)
    %dma_start3A_518 = arith.constant 124 : i32
    %dma_start3A_519 = arith.constant 4 : i32
    %dma_start3A_520 = arith.constant 0 : i32
    %dma_start3A_521 = arith.constant 0 : i32
    %dma_start3A_522 = tpu.memref_slice %arg8[%dma_start3A_519, %dma_start3A_520, %dma_start3A_521] : memref<10x80x64xf32, #tpu.memory_space<vmem>> -> memref<1x80x64xf32, #tpu.memory_space<vmem>>
    %dma_start3A_523 = tpu.memref_squeeze %dma_start3A_522 : memref<1x80x64xf32, #tpu.memory_space<vmem>> -> memref<80x64xf32, #tpu.memory_space<vmem>>
    %dma_start3A_524 = arith.constant 0 : i32
    %dma_start3A_525 = tpu.memref_slice %arg6[%dma_start3A_518, %dma_start3A_524] : memref<125x80xi32, #tpu.memory_space<vmem>> -> memref<1x80xi32, #tpu.memory_space<vmem>>
    %dma_start3A_526 = tpu.memref_squeeze %dma_start3A_525 : memref<1x80xi32, #tpu.memory_space<vmem>> -> memref<80xi32, #tpu.memory_space<vmem>>
    %dma_start3A_527 = arith.constant 0 : i32
    %dma_start3A_528 = arith.constant 0 : i32
    %dma_start3A_529 = tpu.memref_slice %arg2[%dma_start3A_527, %dma_start3A_528] : memref<540000x64xf32, #tpu.memory_space<hbm>> -> memref<540000x64xf32, #tpu.memory_space<hbm>>
    tpu.enqueue_indirect_dma source(%dma_start3A_529 : memref<540000x64xf32, #tpu.memory_space<hbm>>) target(%dma_start3A_523 : memref<80x64xf32, #tpu.memory_space<vmem>>) offsets(%dma_start3A_526 : memref<80xi32, #tpu.memory_space<vmem>>) semaphore(%arg10 : memref<!tpu.dma_semaphore, #tpu.memory_space<semaphore_mem>>)
    %dma_wait3A_530 = arith.constant 120 : i32
    %dma_wait3A_531 = arith.constant 0 : i32
    %dma_wait3A_532 = arith.constant 0 : i32
    %dma_wait3A_533 = arith.constant 0 : i32
    %dma_wait3A_534 = tpu.memref_slice %arg8[%dma_wait3A_531, %dma_wait3A_532, %dma_wait3A_533] : memref<10x80x64xf32, #tpu.memory_space<vmem>> -> memref<1x80x64xf32, #tpu.memory_space<vmem>>
    %dma_wait3A_535 = tpu.memref_squeeze %dma_wait3A_534 : memref<1x80x64xf32, #tpu.memory_space<vmem>> -> memref<80x64xf32, #tpu.memory_space<vmem>>
    %dma_wait3A_536 = arith.constant 0 : i32
    %dma_wait3A_537 = tpu.memref_slice %arg6[%dma_wait3A_530, %dma_wait3A_536] : memref<125x80xi32, #tpu.memory_space<vmem>> -> memref<1x80xi32, #tpu.memory_space<vmem>>
    %dma_wait3A_538 = tpu.memref_squeeze %dma_wait3A_537 : memref<1x80xi32, #tpu.memory_space<vmem>> -> memref<80xi32, #tpu.memory_space<vmem>>
    %dma_wait3A_539 = arith.constant 0 : i32
    %dma_wait3A_540 = arith.constant 0 : i32
    %dma_wait3A_541 = tpu.memref_slice %arg2[%dma_wait3A_539, %dma_wait3A_540] : memref<540000x64xf32, #tpu.memory_space<hbm>> -> memref<540000x64xf32, #tpu.memory_space<hbm>>
    tpu.wait_indirect_dma semaphore(%arg10 : memref<!tpu.dma_semaphore, #tpu.memory_space<semaphore_mem>>) src(%dma_wait3A_541 : memref<540000x64xf32, #tpu.memory_space<hbm>>) dst(%dma_wait3A_535 : memref<80x64xf32, #tpu.memory_space<vmem>>)
    %dma_wait3A_542 = arith.constant 121 : i32
    %dma_wait3A_543 = arith.constant 1 : i32
    %dma_wait3A_544 = arith.constant 0 : i32
    %dma_wait3A_545 = arith.constant 0 : i32
    %dma_wait3A_546 = tpu.memref_slice %arg8[%dma_wait3A_543, %dma_wait3A_544, %dma_wait3A_545] : memref<10x80x64xf32, #tpu.memory_space<vmem>> -> memref<1x80x64xf32, #tpu.memory_space<vmem>>
    %dma_wait3A_547 = tpu.memref_squeeze %dma_wait3A_546 : memref<1x80x64xf32, #tpu.memory_space<vmem>> -> memref<80x64xf32, #tpu.memory_space<vmem>>
    %dma_wait3A_548 = arith.constant 0 : i32
    %dma_wait3A_549 = tpu.memref_slice %arg6[%dma_wait3A_542, %dma_wait3A_548] : memref<125x80xi32, #tpu.memory_space<vmem>> -> memref<1x80xi32, #tpu.memory_space<vmem>>
    %dma_wait3A_550 = tpu.memref_squeeze %dma_wait3A_549 : memref<1x80xi32, #tpu.memory_space<vmem>> -> memref<80xi32, #tpu.memory_space<vmem>>
    %dma_wait3A_551 = arith.constant 0 : i32
    %dma_wait3A_552 = arith.constant 0 : i32
    %dma_wait3A_553 = tpu.memref_slice %arg2[%dma_wait3A_551, %dma_wait3A_552] : memref<540000x64xf32, #tpu.memory_space<hbm>> -> memref<540000x64xf32, #tpu.memory_space<hbm>>
    tpu.wait_indirect_dma semaphore(%arg10 : memref<!tpu.dma_semaphore, #tpu.memory_space<semaphore_mem>>) src(%dma_wait3A_553 : memref<540000x64xf32, #tpu.memory_space<hbm>>) dst(%dma_wait3A_547 : memref<80x64xf32, #tpu.memory_space<vmem>>)
    %dma_wait3A_554 = arith.constant 122 : i32
    %dma_wait3A_555 = arith.constant 2 : i32
    %dma_wait3A_556 = arith.constant 0 : i32
    %dma_wait3A_557 = arith.constant 0 : i32
    %dma_wait3A_558 = tpu.memref_slice %arg8[%dma_wait3A_555, %dma_wait3A_556, %dma_wait3A_557] : memref<10x80x64xf32, #tpu.memory_space<vmem>> -> memref<1x80x64xf32, #tpu.memory_space<vmem>>
    %dma_wait3A_559 = tpu.memref_squeeze %dma_wait3A_558 : memref<1x80x64xf32, #tpu.memory_space<vmem>> -> memref<80x64xf32, #tpu.memory_space<vmem>>
    %dma_wait3A_560 = arith.constant 0 : i32
    %dma_wait3A_561 = tpu.memref_slice %arg6[%dma_wait3A_554, %dma_wait3A_560] : memref<125x80xi32, #tpu.memory_space<vmem>> -> memref<1x80xi32, #tpu.memory_space<vmem>>
    %dma_wait3A_562 = tpu.memref_squeeze %dma_wait3A_561 : memref<1x80xi32, #tpu.memory_space<vmem>> -> memref<80xi32, #tpu.memory_space<vmem>>
    %dma_wait3A_563 = arith.constant 0 : i32
    %dma_wait3A_564 = arith.constant 0 : i32
    %dma_wait3A_565 = tpu.memref_slice %arg2[%dma_wait3A_563, %dma_wait3A_564] : memref<540000x64xf32, #tpu.memory_space<hbm>> -> memref<540000x64xf32, #tpu.memory_space<hbm>>
    tpu.wait_indirect_dma semaphore(%arg10 : memref<!tpu.dma_semaphore, #tpu.memory_space<semaphore_mem>>) src(%dma_wait3A_565 : memref<540000x64xf32, #tpu.memory_space<hbm>>) dst(%dma_wait3A_559 : memref<80x64xf32, #tpu.memory_space<vmem>>)
    %dma_wait3A_566 = arith.constant 123 : i32
    %dma_wait3A_567 = arith.constant 3 : i32
    %dma_wait3A_568 = arith.constant 0 : i32
    %dma_wait3A_569 = arith.constant 0 : i32
    %dma_wait3A_570 = tpu.memref_slice %arg8[%dma_wait3A_567, %dma_wait3A_568, %dma_wait3A_569] : memref<10x80x64xf32, #tpu.memory_space<vmem>> -> memref<1x80x64xf32, #tpu.memory_space<vmem>>
    %dma_wait3A_571 = tpu.memref_squeeze %dma_wait3A_570 : memref<1x80x64xf32, #tpu.memory_space<vmem>> -> memref<80x64xf32, #tpu.memory_space<vmem>>
    %dma_wait3A_572 = arith.constant 0 : i32
    %dma_wait3A_573 = tpu.memref_slice %arg6[%dma_wait3A_566, %dma_wait3A_572] : memref<125x80xi32, #tpu.memory_space<vmem>> -> memref<1x80xi32, #tpu.memory_space<vmem>>
    %dma_wait3A_574 = tpu.memref_squeeze %dma_wait3A_573 : memref<1x80xi32, #tpu.memory_space<vmem>> -> memref<80xi32, #tpu.memory_space<vmem>>
    %dma_wait3A_575 = arith.constant 0 : i32
    %dma_wait3A_576 = arith.constant 0 : i32
    %dma_wait3A_577 = tpu.memref_slice %arg2[%dma_wait3A_575, %dma_wait3A_576] : memref<540000x64xf32, #tpu.memory_space<hbm>> -> memref<540000x64xf32, #tpu.memory_space<hbm>>
    tpu.wait_indirect_dma semaphore(%arg10 : memref<!tpu.dma_semaphore, #tpu.memory_space<semaphore_mem>>) src(%dma_wait3A_577 : memref<540000x64xf32, #tpu.memory_space<hbm>>) dst(%dma_wait3A_571 : memref<80x64xf32, #tpu.memory_space<vmem>>)
    %dma_wait3A_578 = arith.constant 124 : i32
    %dma_wait3A_579 = arith.constant 4 : i32
    %dma_wait3A_580 = arith.constant 0 : i32
    %dma_wait3A_581 = arith.constant 0 : i32
    %dma_wait3A_582 = tpu.memref_slice %arg8[%dma_wait3A_579, %dma_wait3A_580, %dma_wait3A_581] : memref<10x80x64xf32, #tpu.memory_space<vmem>> -> memref<1x80x64xf32, #tpu.memory_space<vmem>>
    %dma_wait3A_583 = tpu.memref_squeeze %dma_wait3A_582 : memref<1x80x64xf32, #tpu.memory_space<vmem>> -> memref<80x64xf32, #tpu.memory_space<vmem>>
    %dma_wait3A_584 = arith.constant 0 : i32
    %dma_wait3A_585 = tpu.memref_slice %arg6[%dma_wait3A_578, %dma_wait3A_584] : memref<125x80xi32, #tpu.memory_space<vmem>> -> memref<1x80xi32, #tpu.memory_space<vmem>>
    %dma_wait3A_586 = tpu.memref_squeeze %dma_wait3A_585 : memref<1x80xi32, #tpu.memory_space<vmem>> -> memref<80xi32, #tpu.memory_space<vmem>>
    %dma_wait3A_587 = arith.constant 0 : i32
    %dma_wait3A_588 = arith.constant 0 : i32
    %dma_wait3A_589 = tpu.memref_slice %arg2[%dma_wait3A_587, %dma_wait3A_588] : memref<540000x64xf32, #tpu.memory_space<hbm>> -> memref<540000x64xf32, #tpu.memory_space<hbm>>
    tpu.wait_indirect_dma semaphore(%arg10 : memref<!tpu.dma_semaphore, #tpu.memory_space<semaphore_mem>>) src(%dma_wait3A_589 : memref<540000x64xf32, #tpu.memory_space<hbm>>) dst(%dma_wait3A_583 : memref<80x64xf32, #tpu.memory_space<vmem>>)
    %dma_start3A_590 = arith.constant 0 : i32
    %dma_start3A_591 = arith.constant 120 : i32
    %dma_start3A_592 = arith.constant 0 : i32
    %dma_start3A_593 = arith.constant 0 : i32
    %dma_start3A_594 = tpu.memref_slice %arg8[%dma_start3A_590, %dma_start3A_592, %dma_start3A_593] : memref<10x80x64xf32, #tpu.memory_space<vmem>> -> memref<1x80x64xf32, #tpu.memory_space<vmem>>
    %dma_start3A_595 = tpu.memref_squeeze %dma_start3A_594 : memref<1x80x64xf32, #tpu.memory_space<vmem>> -> memref<80x64xf32, #tpu.memory_space<vmem>>
    %dma_start3A_596 = arith.constant 0 : i32
    %dma_start3A_597 = tpu.memref_slice %arg7[%dma_start3A_591, %dma_start3A_596] : memref<125x80xi32, #tpu.memory_space<vmem>> -> memref<1x80xi32, #tpu.memory_space<vmem>>
    %dma_start3A_598 = tpu.memref_squeeze %dma_start3A_597 : memref<1x80xi32, #tpu.memory_space<vmem>> -> memref<80xi32, #tpu.memory_space<vmem>>
    %dma_start3A_599 = arith.constant 0 : i32
    %dma_start3A_600 = arith.constant 0 : i32
    %dma_start3A_601 = tpu.memref_slice %arg9[%dma_start3A_599, %dma_start3A_600] : memref<10240x64xf32, #tpu.memory_space<vmem_shared>> -> memref<10240x64xf32, #tpu.memory_space<vmem_shared>>
    tpu.enqueue_indirect_dma source(%dma_start3A_595 : memref<80x64xf32, #tpu.memory_space<vmem>>) target(%dma_start3A_601 : memref<10240x64xf32, #tpu.memory_space<vmem_shared>>) offsets(%dma_start3A_598 : memref<80xi32, #tpu.memory_space<vmem>>) semaphore(%arg11 : memref<!tpu.dma_semaphore, #tpu.memory_space<semaphore_mem>>) {add = true}
    %dma_start3A_602 = arith.constant 1 : i32
    %dma_start3A_603 = arith.constant 121 : i32
    %dma_start3A_604 = arith.constant 0 : i32
    %dma_start3A_605 = arith.constant 0 : i32
    %dma_start3A_606 = tpu.memref_slice %arg8[%dma_start3A_602, %dma_start3A_604, %dma_start3A_605] : memref<10x80x64xf32, #tpu.memory_space<vmem>> -> memref<1x80x64xf32, #tpu.memory_space<vmem>>
    %dma_start3A_607 = tpu.memref_squeeze %dma_start3A_606 : memref<1x80x64xf32, #tpu.memory_space<vmem>> -> memref<80x64xf32, #tpu.memory_space<vmem>>
    %dma_start3A_608 = arith.constant 0 : i32
    %dma_start3A_609 = tpu.memref_slice %arg7[%dma_start3A_603, %dma_start3A_608] : memref<125x80xi32, #tpu.memory_space<vmem>> -> memref<1x80xi32, #tpu.memory_space<vmem>>
    %dma_start3A_610 = tpu.memref_squeeze %dma_start3A_609 : memref<1x80xi32, #tpu.memory_space<vmem>> -> memref<80xi32, #tpu.memory_space<vmem>>
    %dma_start3A_611 = arith.constant 0 : i32
    %dma_start3A_612 = arith.constant 0 : i32
    %dma_start3A_613 = tpu.memref_slice %arg9[%dma_start3A_611, %dma_start3A_612] : memref<10240x64xf32, #tpu.memory_space<vmem_shared>> -> memref<10240x64xf32, #tpu.memory_space<vmem_shared>>
    tpu.enqueue_indirect_dma source(%dma_start3A_607 : memref<80x64xf32, #tpu.memory_space<vmem>>) target(%dma_start3A_613 : memref<10240x64xf32, #tpu.memory_space<vmem_shared>>) offsets(%dma_start3A_610 : memref<80xi32, #tpu.memory_space<vmem>>) semaphore(%arg11 : memref<!tpu.dma_semaphore, #tpu.memory_space<semaphore_mem>>) {add = true}
    %dma_start3A_614 = arith.constant 2 : i32
    %dma_start3A_615 = arith.constant 122 : i32
    %dma_start3A_616 = arith.constant 0 : i32
    %dma_start3A_617 = arith.constant 0 : i32
    %dma_start3A_618 = tpu.memref_slice %arg8[%dma_start3A_614, %dma_start3A_616, %dma_start3A_617] : memref<10x80x64xf32, #tpu.memory_space<vmem>> -> memref<1x80x64xf32, #tpu.memory_space<vmem>>
    %dma_start3A_619 = tpu.memref_squeeze %dma_start3A_618 : memref<1x80x64xf32, #tpu.memory_space<vmem>> -> memref<80x64xf32, #tpu.memory_space<vmem>>
    %dma_start3A_620 = arith.constant 0 : i32
    %dma_start3A_621 = tpu.memref_slice %arg7[%dma_start3A_615, %dma_start3A_620] : memref<125x80xi32, #tpu.memory_space<vmem>> -> memref<1x80xi32, #tpu.memory_space<vmem>>
    %dma_start3A_622 = tpu.memref_squeeze %dma_start3A_621 : memref<1x80xi32, #tpu.memory_space<vmem>> -> memref<80xi32, #tpu.memory_space<vmem>>
    %dma_start3A_623 = arith.constant 0 : i32
    %dma_start3A_624 = arith.constant 0 : i32
    %dma_start3A_625 = tpu.memref_slice %arg9[%dma_start3A_623, %dma_start3A_624] : memref<10240x64xf32, #tpu.memory_space<vmem_shared>> -> memref<10240x64xf32, #tpu.memory_space<vmem_shared>>
    tpu.enqueue_indirect_dma source(%dma_start3A_619 : memref<80x64xf32, #tpu.memory_space<vmem>>) target(%dma_start3A_625 : memref<10240x64xf32, #tpu.memory_space<vmem_shared>>) offsets(%dma_start3A_622 : memref<80xi32, #tpu.memory_space<vmem>>) semaphore(%arg11 : memref<!tpu.dma_semaphore, #tpu.memory_space<semaphore_mem>>) {add = true}
    %dma_start3A_626 = arith.constant 3 : i32
    %dma_start3A_627 = arith.constant 123 : i32
    %dma_start3A_628 = arith.constant 0 : i32
    %dma_start3A_629 = arith.constant 0 : i32
    %dma_start3A_630 = tpu.memref_slice %arg8[%dma_start3A_626, %dma_start3A_628, %dma_start3A_629] : memref<10x80x64xf32, #tpu.memory_space<vmem>> -> memref<1x80x64xf32, #tpu.memory_space<vmem>>
    %dma_start3A_631 = tpu.memref_squeeze %dma_start3A_630 : memref<1x80x64xf32, #tpu.memory_space<vmem>> -> memref<80x64xf32, #tpu.memory_space<vmem>>
    %dma_start3A_632 = arith.constant 0 : i32
    %dma_start3A_633 = tpu.memref_slice %arg7[%dma_start3A_627, %dma_start3A_632] : memref<125x80xi32, #tpu.memory_space<vmem>> -> memref<1x80xi32, #tpu.memory_space<vmem>>
    %dma_start3A_634 = tpu.memref_squeeze %dma_start3A_633 : memref<1x80xi32, #tpu.memory_space<vmem>> -> memref<80xi32, #tpu.memory_space<vmem>>
    %dma_start3A_635 = arith.constant 0 : i32
    %dma_start3A_636 = arith.constant 0 : i32
    %dma_start3A_637 = tpu.memref_slice %arg9[%dma_start3A_635, %dma_start3A_636] : memref<10240x64xf32, #tpu.memory_space<vmem_shared>> -> memref<10240x64xf32, #tpu.memory_space<vmem_shared>>
    tpu.enqueue_indirect_dma source(%dma_start3A_631 : memref<80x64xf32, #tpu.memory_space<vmem>>) target(%dma_start3A_637 : memref<10240x64xf32, #tpu.memory_space<vmem_shared>>) offsets(%dma_start3A_634 : memref<80xi32, #tpu.memory_space<vmem>>) semaphore(%arg11 : memref<!tpu.dma_semaphore, #tpu.memory_space<semaphore_mem>>) {add = true}
    %dma_start3A_638 = arith.constant 4 : i32
    %dma_start3A_639 = arith.constant 124 : i32
    %dma_start3A_640 = arith.constant 0 : i32
    %dma_start3A_641 = arith.constant 0 : i32
    %dma_start3A_642 = tpu.memref_slice %arg8[%dma_start3A_638, %dma_start3A_640, %dma_start3A_641] : memref<10x80x64xf32, #tpu.memory_space<vmem>> -> memref<1x80x64xf32, #tpu.memory_space<vmem>>
    %dma_start3A_643 = tpu.memref_squeeze %dma_start3A_642 : memref<1x80x64xf32, #tpu.memory_space<vmem>> -> memref<80x64xf32, #tpu.memory_space<vmem>>
    %dma_start3A_644 = arith.constant 0 : i32
    %dma_start3A_645 = tpu.memref_slice %arg7[%dma_start3A_639, %dma_start3A_644] : memref<125x80xi32, #tpu.memory_space<vmem>> -> memref<1x80xi32, #tpu.memory_space<vmem>>
    %dma_start3A_646 = tpu.memref_squeeze %dma_start3A_645 : memref<1x80xi32, #tpu.memory_space<vmem>> -> memref<80xi32, #tpu.memory_space<vmem>>
    %dma_start3A_647 = arith.constant 0 : i32
    %dma_start3A_648 = arith.constant 0 : i32
    %dma_start3A_649 = tpu.memref_slice %arg9[%dma_start3A_647, %dma_start3A_648] : memref<10240x64xf32, #tpu.memory_space<vmem_shared>> -> memref<10240x64xf32, #tpu.memory_space<vmem_shared>>
    tpu.enqueue_indirect_dma source(%dma_start3A_643 : memref<80x64xf32, #tpu.memory_space<vmem>>) target(%dma_start3A_649 : memref<10240x64xf32, #tpu.memory_space<vmem_shared>>) offsets(%dma_start3A_646 : memref<80xi32, #tpu.memory_space<vmem>>) semaphore(%arg11 : memref<!tpu.dma_semaphore, #tpu.memory_space<semaphore_mem>>) {add = true}
    %dma_wait3A_650 = arith.constant 5 : i32
    %dma_wait3A_651 = arith.constant 115 : i32
    %dma_wait3A_652 = arith.constant 0 : i32
    %dma_wait3A_653 = arith.constant 0 : i32
    %dma_wait3A_654 = tpu.memref_slice %arg8[%dma_wait3A_650, %dma_wait3A_652, %dma_wait3A_653] : memref<10x80x64xf32, #tpu.memory_space<vmem>> -> memref<1x80x64xf32, #tpu.memory_space<vmem>>
    %dma_wait3A_655 = tpu.memref_squeeze %dma_wait3A_654 : memref<1x80x64xf32, #tpu.memory_space<vmem>> -> memref<80x64xf32, #tpu.memory_space<vmem>>
    %dma_wait3A_656 = arith.constant 0 : i32
    %dma_wait3A_657 = tpu.memref_slice %arg7[%dma_wait3A_651, %dma_wait3A_656] : memref<125x80xi32, #tpu.memory_space<vmem>> -> memref<1x80xi32, #tpu.memory_space<vmem>>
    %dma_wait3A_658 = tpu.memref_squeeze %dma_wait3A_657 : memref<1x80xi32, #tpu.memory_space<vmem>> -> memref<80xi32, #tpu.memory_space<vmem>>
    %dma_wait3A_659 = arith.constant 0 : i32
    %dma_wait3A_660 = arith.constant 0 : i32
    %dma_wait3A_661 = tpu.memref_slice %arg9[%dma_wait3A_659, %dma_wait3A_660] : memref<10240x64xf32, #tpu.memory_space<vmem_shared>> -> memref<10240x64xf32, #tpu.memory_space<vmem_shared>>
    tpu.wait_indirect_dma semaphore(%arg11 : memref<!tpu.dma_semaphore, #tpu.memory_space<semaphore_mem>>) src(%dma_wait3A_655 : memref<80x64xf32, #tpu.memory_space<vmem>>) dst(%dma_wait3A_661 : memref<10240x64xf32, #tpu.memory_space<vmem_shared>>)
    %dma_wait3A_662 = arith.constant 6 : i32
    %dma_wait3A_663 = arith.constant 116 : i32
    %dma_wait3A_664 = arith.constant 0 : i32
    %dma_wait3A_665 = arith.constant 0 : i32
    %dma_wait3A_666 = tpu.memref_slice %arg8[%dma_wait3A_662, %dma_wait3A_664, %dma_wait3A_665] : memref<10x80x64xf32, #tpu.memory_space<vmem>> -> memref<1x80x64xf32, #tpu.memory_space<vmem>>
    %dma_wait3A_667 = tpu.memref_squeeze %dma_wait3A_666 : memref<1x80x64xf32, #tpu.memory_space<vmem>> -> memref<80x64xf32, #tpu.memory_space<vmem>>
    %dma_wait3A_668 = arith.constant 0 : i32
    %dma_wait3A_669 = tpu.memref_slice %arg7[%dma_wait3A_663, %dma_wait3A_668] : memref<125x80xi32, #tpu.memory_space<vmem>> -> memref<1x80xi32, #tpu.memory_space<vmem>>
    %dma_wait3A_670 = tpu.memref_squeeze %dma_wait3A_669 : memref<1x80xi32, #tpu.memory_space<vmem>> -> memref<80xi32, #tpu.memory_space<vmem>>
    %dma_wait3A_671 = arith.constant 0 : i32
    %dma_wait3A_672 = arith.constant 0 : i32
    %dma_wait3A_673 = tpu.memref_slice %arg9[%dma_wait3A_671, %dma_wait3A_672] : memref<10240x64xf32, #tpu.memory_space<vmem_shared>> -> memref<10240x64xf32, #tpu.memory_space<vmem_shared>>
    tpu.wait_indirect_dma semaphore(%arg11 : memref<!tpu.dma_semaphore, #tpu.memory_space<semaphore_mem>>) src(%dma_wait3A_667 : memref<80x64xf32, #tpu.memory_space<vmem>>) dst(%dma_wait3A_673 : memref<10240x64xf32, #tpu.memory_space<vmem_shared>>)
    %dma_wait3A_674 = arith.constant 7 : i32
    %dma_wait3A_675 = arith.constant 117 : i32
    %dma_wait3A_676 = arith.constant 0 : i32
    %dma_wait3A_677 = arith.constant 0 : i32
    %dma_wait3A_678 = tpu.memref_slice %arg8[%dma_wait3A_674, %dma_wait3A_676, %dma_wait3A_677] : memref<10x80x64xf32, #tpu.memory_space<vmem>> -> memref<1x80x64xf32, #tpu.memory_space<vmem>>
    %dma_wait3A_679 = tpu.memref_squeeze %dma_wait3A_678 : memref<1x80x64xf32, #tpu.memory_space<vmem>> -> memref<80x64xf32, #tpu.memory_space<vmem>>
    %dma_wait3A_680 = arith.constant 0 : i32
    %dma_wait3A_681 = tpu.memref_slice %arg7[%dma_wait3A_675, %dma_wait3A_680] : memref<125x80xi32, #tpu.memory_space<vmem>> -> memref<1x80xi32, #tpu.memory_space<vmem>>
    %dma_wait3A_682 = tpu.memref_squeeze %dma_wait3A_681 : memref<1x80xi32, #tpu.memory_space<vmem>> -> memref<80xi32, #tpu.memory_space<vmem>>
    %dma_wait3A_683 = arith.constant 0 : i32
    %dma_wait3A_684 = arith.constant 0 : i32
    %dma_wait3A_685 = tpu.memref_slice %arg9[%dma_wait3A_683, %dma_wait3A_684] : memref<10240x64xf32, #tpu.memory_space<vmem_shared>> -> memref<10240x64xf32, #tpu.memory_space<vmem_shared>>
    tpu.wait_indirect_dma semaphore(%arg11 : memref<!tpu.dma_semaphore, #tpu.memory_space<semaphore_mem>>) src(%dma_wait3A_679 : memref<80x64xf32, #tpu.memory_space<vmem>>) dst(%dma_wait3A_685 : memref<10240x64xf32, #tpu.memory_space<vmem_shared>>)
    %dma_wait3A_686 = arith.constant 8 : i32
    %dma_wait3A_687 = arith.constant 118 : i32
    %dma_wait3A_688 = arith.constant 0 : i32
    %dma_wait3A_689 = arith.constant 0 : i32
    %dma_wait3A_690 = tpu.memref_slice %arg8[%dma_wait3A_686, %dma_wait3A_688, %dma_wait3A_689] : memref<10x80x64xf32, #tpu.memory_space<vmem>> -> memref<1x80x64xf32, #tpu.memory_space<vmem>>
    %dma_wait3A_691 = tpu.memref_squeeze %dma_wait3A_690 : memref<1x80x64xf32, #tpu.memory_space<vmem>> -> memref<80x64xf32, #tpu.memory_space<vmem>>
    %dma_wait3A_692 = arith.constant 0 : i32
    %dma_wait3A_693 = tpu.memref_slice %arg7[%dma_wait3A_687, %dma_wait3A_692] : memref<125x80xi32, #tpu.memory_space<vmem>> -> memref<1x80xi32, #tpu.memory_space<vmem>>
    %dma_wait3A_694 = tpu.memref_squeeze %dma_wait3A_693 : memref<1x80xi32, #tpu.memory_space<vmem>> -> memref<80xi32, #tpu.memory_space<vmem>>
    %dma_wait3A_695 = arith.constant 0 : i32
    %dma_wait3A_696 = arith.constant 0 : i32
    %dma_wait3A_697 = tpu.memref_slice %arg9[%dma_wait3A_695, %dma_wait3A_696] : memref<10240x64xf32, #tpu.memory_space<vmem_shared>> -> memref<10240x64xf32, #tpu.memory_space<vmem_shared>>
    tpu.wait_indirect_dma semaphore(%arg11 : memref<!tpu.dma_semaphore, #tpu.memory_space<semaphore_mem>>) src(%dma_wait3A_691 : memref<80x64xf32, #tpu.memory_space<vmem>>) dst(%dma_wait3A_697 : memref<10240x64xf32, #tpu.memory_space<vmem_shared>>)
    %dma_wait3A_698 = arith.constant 9 : i32
    %dma_wait3A_699 = arith.constant 119 : i32
    %dma_wait3A_700 = arith.constant 0 : i32
    %dma_wait3A_701 = arith.constant 0 : i32
    %dma_wait3A_702 = tpu.memref_slice %arg8[%dma_wait3A_698, %dma_wait3A_700, %dma_wait3A_701] : memref<10x80x64xf32, #tpu.memory_space<vmem>> -> memref<1x80x64xf32, #tpu.memory_space<vmem>>
    %dma_wait3A_703 = tpu.memref_squeeze %dma_wait3A_702 : memref<1x80x64xf32, #tpu.memory_space<vmem>> -> memref<80x64xf32, #tpu.memory_space<vmem>>
    %dma_wait3A_704 = arith.constant 0 : i32
    %dma_wait3A_705 = tpu.memref_slice %arg7[%dma_wait3A_699, %dma_wait3A_704] : memref<125x80xi32, #tpu.memory_space<vmem>> -> memref<1x80xi32, #tpu.memory_space<vmem>>
    %dma_wait3A_706 = tpu.memref_squeeze %dma_wait3A_705 : memref<1x80xi32, #tpu.memory_space<vmem>> -> memref<80xi32, #tpu.memory_space<vmem>>
    %dma_wait3A_707 = arith.constant 0 : i32
    %dma_wait3A_708 = arith.constant 0 : i32
    %dma_wait3A_709 = tpu.memref_slice %arg9[%dma_wait3A_707, %dma_wait3A_708] : memref<10240x64xf32, #tpu.memory_space<vmem_shared>> -> memref<10240x64xf32, #tpu.memory_space<vmem_shared>>
    tpu.wait_indirect_dma semaphore(%arg11 : memref<!tpu.dma_semaphore, #tpu.memory_space<semaphore_mem>>) src(%dma_wait3A_703 : memref<80x64xf32, #tpu.memory_space<vmem>>) dst(%dma_wait3A_709 : memref<10240x64xf32, #tpu.memory_space<vmem_shared>>)
    %dma_wait3A_710 = arith.constant 0 : i32
    %dma_wait3A_711 = arith.constant 120 : i32
    %dma_wait3A_712 = arith.constant 0 : i32
    %dma_wait3A_713 = arith.constant 0 : i32
    %dma_wait3A_714 = tpu.memref_slice %arg8[%dma_wait3A_710, %dma_wait3A_712, %dma_wait3A_713] : memref<10x80x64xf32, #tpu.memory_space<vmem>> -> memref<1x80x64xf32, #tpu.memory_space<vmem>>
    %dma_wait3A_715 = tpu.memref_squeeze %dma_wait3A_714 : memref<1x80x64xf32, #tpu.memory_space<vmem>> -> memref<80x64xf32, #tpu.memory_space<vmem>>
    %dma_wait3A_716 = arith.constant 0 : i32
    %dma_wait3A_717 = tpu.memref_slice %arg7[%dma_wait3A_711, %dma_wait3A_716] : memref<125x80xi32, #tpu.memory_space<vmem>> -> memref<1x80xi32, #tpu.memory_space<vmem>>
    %dma_wait3A_718 = tpu.memref_squeeze %dma_wait3A_717 : memref<1x80xi32, #tpu.memory_space<vmem>> -> memref<80xi32, #tpu.memory_space<vmem>>
    %dma_wait3A_719 = arith.constant 0 : i32
    %dma_wait3A_720 = arith.constant 0 : i32
    %dma_wait3A_721 = tpu.memref_slice %arg9[%dma_wait3A_719, %dma_wait3A_720] : memref<10240x64xf32, #tpu.memory_space<vmem_shared>> -> memref<10240x64xf32, #tpu.memory_space<vmem_shared>>
    tpu.wait_indirect_dma semaphore(%arg11 : memref<!tpu.dma_semaphore, #tpu.memory_space<semaphore_mem>>) src(%dma_wait3A_715 : memref<80x64xf32, #tpu.memory_space<vmem>>) dst(%dma_wait3A_721 : memref<10240x64xf32, #tpu.memory_space<vmem_shared>>)
    %dma_wait3A_722 = arith.constant 1 : i32
    %dma_wait3A_723 = arith.constant 121 : i32
    %dma_wait3A_724 = arith.constant 0 : i32
    %dma_wait3A_725 = arith.constant 0 : i32
    %dma_wait3A_726 = tpu.memref_slice %arg8[%dma_wait3A_722, %dma_wait3A_724, %dma_wait3A_725] : memref<10x80x64xf32, #tpu.memory_space<vmem>> -> memref<1x80x64xf32, #tpu.memory_space<vmem>>
    %dma_wait3A_727 = tpu.memref_squeeze %dma_wait3A_726 : memref<1x80x64xf32, #tpu.memory_space<vmem>> -> memref<80x64xf32, #tpu.memory_space<vmem>>
    %dma_wait3A_728 = arith.constant 0 : i32
    %dma_wait3A_729 = tpu.memref_slice %arg7[%dma_wait3A_723, %dma_wait3A_728] : memref<125x80xi32, #tpu.memory_space<vmem>> -> memref<1x80xi32, #tpu.memory_space<vmem>>
    %dma_wait3A_730 = tpu.memref_squeeze %dma_wait3A_729 : memref<1x80xi32, #tpu.memory_space<vmem>> -> memref<80xi32, #tpu.memory_space<vmem>>
    %dma_wait3A_731 = arith.constant 0 : i32
    %dma_wait3A_732 = arith.constant 0 : i32
    %dma_wait3A_733 = tpu.memref_slice %arg9[%dma_wait3A_731, %dma_wait3A_732] : memref<10240x64xf32, #tpu.memory_space<vmem_shared>> -> memref<10240x64xf32, #tpu.memory_space<vmem_shared>>
    tpu.wait_indirect_dma semaphore(%arg11 : memref<!tpu.dma_semaphore, #tpu.memory_space<semaphore_mem>>) src(%dma_wait3A_727 : memref<80x64xf32, #tpu.memory_space<vmem>>) dst(%dma_wait3A_733 : memref<10240x64xf32, #tpu.memory_space<vmem_shared>>)
    %dma_wait3A_734 = arith.constant 2 : i32
    %dma_wait3A_735 = arith.constant 122 : i32
    %dma_wait3A_736 = arith.constant 0 : i32
    %dma_wait3A_737 = arith.constant 0 : i32
    %dma_wait3A_738 = tpu.memref_slice %arg8[%dma_wait3A_734, %dma_wait3A_736, %dma_wait3A_737] : memref<10x80x64xf32, #tpu.memory_space<vmem>> -> memref<1x80x64xf32, #tpu.memory_space<vmem>>
    %dma_wait3A_739 = tpu.memref_squeeze %dma_wait3A_738 : memref<1x80x64xf32, #tpu.memory_space<vmem>> -> memref<80x64xf32, #tpu.memory_space<vmem>>
    %dma_wait3A_740 = arith.constant 0 : i32
    %dma_wait3A_741 = tpu.memref_slice %arg7[%dma_wait3A_735, %dma_wait3A_740] : memref<125x80xi32, #tpu.memory_space<vmem>> -> memref<1x80xi32, #tpu.memory_space<vmem>>
    %dma_wait3A_742 = tpu.memref_squeeze %dma_wait3A_741 : memref<1x80xi32, #tpu.memory_space<vmem>> -> memref<80xi32, #tpu.memory_space<vmem>>
    %dma_wait3A_743 = arith.constant 0 : i32
    %dma_wait3A_744 = arith.constant 0 : i32
    %dma_wait3A_745 = tpu.memref_slice %arg9[%dma_wait3A_743, %dma_wait3A_744] : memref<10240x64xf32, #tpu.memory_space<vmem_shared>> -> memref<10240x64xf32, #tpu.memory_space<vmem_shared>>
    tpu.wait_indirect_dma semaphore(%arg11 : memref<!tpu.dma_semaphore, #tpu.memory_space<semaphore_mem>>) src(%dma_wait3A_739 : memref<80x64xf32, #tpu.memory_space<vmem>>) dst(%dma_wait3A_745 : memref<10240x64xf32, #tpu.memory_space<vmem_shared>>)
    %dma_wait3A_746 = arith.constant 3 : i32
    %dma_wait3A_747 = arith.constant 123 : i32
    %dma_wait3A_748 = arith.constant 0 : i32
    %dma_wait3A_749 = arith.constant 0 : i32
    %dma_wait3A_750 = tpu.memref_slice %arg8[%dma_wait3A_746, %dma_wait3A_748, %dma_wait3A_749] : memref<10x80x64xf32, #tpu.memory_space<vmem>> -> memref<1x80x64xf32, #tpu.memory_space<vmem>>
    %dma_wait3A_751 = tpu.memref_squeeze %dma_wait3A_750 : memref<1x80x64xf32, #tpu.memory_space<vmem>> -> memref<80x64xf32, #tpu.memory_space<vmem>>
    %dma_wait3A_752 = arith.constant 0 : i32
    %dma_wait3A_753 = tpu.memref_slice %arg7[%dma_wait3A_747, %dma_wait3A_752] : memref<125x80xi32, #tpu.memory_space<vmem>> -> memref<1x80xi32, #tpu.memory_space<vmem>>
    %dma_wait3A_754 = tpu.memref_squeeze %dma_wait3A_753 : memref<1x80xi32, #tpu.memory_space<vmem>> -> memref<80xi32, #tpu.memory_space<vmem>>
    %dma_wait3A_755 = arith.constant 0 : i32
    %dma_wait3A_756 = arith.constant 0 : i32
    %dma_wait3A_757 = tpu.memref_slice %arg9[%dma_wait3A_755, %dma_wait3A_756] : memref<10240x64xf32, #tpu.memory_space<vmem_shared>> -> memref<10240x64xf32, #tpu.memory_space<vmem_shared>>
    tpu.wait_indirect_dma semaphore(%arg11 : memref<!tpu.dma_semaphore, #tpu.memory_space<semaphore_mem>>) src(%dma_wait3A_751 : memref<80x64xf32, #tpu.memory_space<vmem>>) dst(%dma_wait3A_757 : memref<10240x64xf32, #tpu.memory_space<vmem_shared>>)
    %dma_wait3A_758 = arith.constant 4 : i32
    %dma_wait3A_759 = arith.constant 124 : i32
    %dma_wait3A_760 = arith.constant 0 : i32
    %dma_wait3A_761 = arith.constant 0 : i32
    %dma_wait3A_762 = tpu.memref_slice %arg8[%dma_wait3A_758, %dma_wait3A_760, %dma_wait3A_761] : memref<10x80x64xf32, #tpu.memory_space<vmem>> -> memref<1x80x64xf32, #tpu.memory_space<vmem>>
    %dma_wait3A_763 = tpu.memref_squeeze %dma_wait3A_762 : memref<1x80x64xf32, #tpu.memory_space<vmem>> -> memref<80x64xf32, #tpu.memory_space<vmem>>
    %dma_wait3A_764 = arith.constant 0 : i32
    %dma_wait3A_765 = tpu.memref_slice %arg7[%dma_wait3A_759, %dma_wait3A_764] : memref<125x80xi32, #tpu.memory_space<vmem>> -> memref<1x80xi32, #tpu.memory_space<vmem>>
    %dma_wait3A_766 = tpu.memref_squeeze %dma_wait3A_765 : memref<1x80xi32, #tpu.memory_space<vmem>> -> memref<80xi32, #tpu.memory_space<vmem>>
    %dma_wait3A_767 = arith.constant 0 : i32
    %dma_wait3A_768 = arith.constant 0 : i32
    %dma_wait3A_769 = tpu.memref_slice %arg9[%dma_wait3A_767, %dma_wait3A_768] : memref<10240x64xf32, #tpu.memory_space<vmem_shared>> -> memref<10240x64xf32, #tpu.memory_space<vmem_shared>>
    tpu.wait_indirect_dma semaphore(%arg11 : memref<!tpu.dma_semaphore, #tpu.memory_space<semaphore_mem>>) src(%dma_wait3A_763 : memref<80x64xf32, #tpu.memory_space<vmem>>) dst(%dma_wait3A_769 : memref<10240x64xf32, #tpu.memory_space<vmem_shared>>)
    %run_scoped3A_770 = arith.constant 1 : i32
    "tpu.region"() ({
      %run_scoped3A_1532 = tpu.sem_alloc : memref<!tpu.dma_semaphore, #tpu.memory_space<semaphore_mem>>
      %dma_start3A_1533 = arith.constant 0 : i32
      %dma_start3A_1534 = arith.constant 0 : i32
      %dma_start3A_1535 = tpu.memref_slice %arg3[%arg0, %arg1, %run_scoped3A_770, %dma_start3A_1533, %dma_start3A_1534] : memref<2x16x2x125x80xi32, #tpu.memory_space<hbm>> -> memref<1x1x1x125x80xi32, #tpu.memory_space<hbm>>
      %dma_start3A_1536 = tpu.memref_squeeze %dma_start3A_1535 : memref<1x1x1x125x80xi32, #tpu.memory_space<hbm>> -> memref<125x80xi32, #tpu.memory_space<hbm>>
      %dma_start3A_1537 = arith.constant 0 : i32
      %dma_start3A_1538 = arith.constant 0 : i32
      %dma_start3A_1539 = tpu.memref_slice %arg3[%arg0, %arg1, %run_scoped3A_770, %dma_start3A_1537, %dma_start3A_1538] : memref<2x16x2x125x80xi32, #tpu.memory_space<hbm>> -> memref<1x1x1x125x80xi32, #tpu.memory_space<hbm>>
      %dma_start3A_1540 = tpu.memref_squeeze %dma_start3A_1539 : memref<1x1x1x125x80xi32, #tpu.memory_space<hbm>> -> memref<125x80xi32, #tpu.memory_space<hbm>>
      tpu.enqueue_dma source(%dma_start3A_1540 : memref<125x80xi32, #tpu.memory_space<hbm>>) target(%arg6 : memref<125x80xi32, #tpu.memory_space<vmem>>) target_semaphore(%run_scoped3A_1532 : memref<!tpu.dma_semaphore, #tpu.memory_space<semaphore_mem>>)
      %dma_wait3A_1541 = arith.constant 0 : i32
      %dma_wait3A_1542 = arith.constant 0 : i32
      %dma_wait3A_1543 = tpu.memref_slice %arg3[%arg0, %arg1, %run_scoped3A_770, %dma_wait3A_1541, %dma_wait3A_1542] : memref<2x16x2x125x80xi32, #tpu.memory_space<hbm>> -> memref<1x1x1x125x80xi32, #tpu.memory_space<hbm>>
      %dma_wait3A_1544 = tpu.memref_squeeze %dma_wait3A_1543 : memref<1x1x1x125x80xi32, #tpu.memory_space<hbm>> -> memref<125x80xi32, #tpu.memory_space<hbm>>
      %dma_wait3A_1545 = arith.constant 0 : i32
      %dma_wait3A_1546 = arith.constant 0 : i32
      %dma_wait3A_1547 = tpu.memref_slice %arg3[%arg0, %arg1, %run_scoped3A_770, %dma_wait3A_1545, %dma_wait3A_1546] : memref<2x16x2x125x80xi32, #tpu.memory_space<hbm>> -> memref<1x1x1x125x80xi32, #tpu.memory_space<hbm>>
      %dma_wait3A_1548 = tpu.memref_squeeze %dma_wait3A_1547 : memref<1x1x1x125x80xi32, #tpu.memory_space<hbm>> -> memref<125x80xi32, #tpu.memory_space<hbm>>
      tpu.wait_dma2 semaphore(%run_scoped3A_1532 : memref<!tpu.dma_semaphore, #tpu.memory_space<semaphore_mem>>) src(%dma_wait3A_1548 : memref<125x80xi32, #tpu.memory_space<hbm>>) dst(%arg6 : memref<125x80xi32, #tpu.memory_space<vmem>>)
      tpu.yield
    }) : () -> ()
    %run_scoped3A_771 = arith.constant 1 : i32
    "tpu.region"() ({
      %run_scoped3A_1532 = tpu.sem_alloc : memref<!tpu.dma_semaphore, #tpu.memory_space<semaphore_mem>>
      %dma_start3A_1533 = arith.constant 0 : i32
      %dma_start3A_1534 = arith.constant 0 : i32
      %dma_start3A_1535 = tpu.memref_slice %arg4[%arg1, %run_scoped3A_771, %dma_start3A_1533, %dma_start3A_1534] : memref<16x2x125x80xi32, #tpu.memory_space<hbm>> -> memref<1x1x125x80xi32, #tpu.memory_space<hbm>>
      %dma_start3A_1536 = tpu.memref_squeeze %dma_start3A_1535 : memref<1x1x125x80xi32, #tpu.memory_space<hbm>> -> memref<125x80xi32, #tpu.memory_space<hbm>>
      %dma_start3A_1537 = arith.constant 0 : i32
      %dma_start3A_1538 = arith.constant 0 : i32
      %dma_start3A_1539 = tpu.memref_slice %arg4[%arg1, %run_scoped3A_771, %dma_start3A_1537, %dma_start3A_1538] : memref<16x2x125x80xi32, #tpu.memory_space<hbm>> -> memref<1x1x125x80xi32, #tpu.memory_space<hbm>>
      %dma_start3A_1540 = tpu.memref_squeeze %dma_start3A_1539 : memref<1x1x125x80xi32, #tpu.memory_space<hbm>> -> memref<125x80xi32, #tpu.memory_space<hbm>>
      tpu.enqueue_dma source(%dma_start3A_1540 : memref<125x80xi32, #tpu.memory_space<hbm>>) target(%arg7 : memref<125x80xi32, #tpu.memory_space<vmem>>) target_semaphore(%run_scoped3A_1532 : memref<!tpu.dma_semaphore, #tpu.memory_space<semaphore_mem>>)
      %dma_wait3A_1541 = arith.constant 0 : i32
      %dma_wait3A_1542 = arith.constant 0 : i32
      %dma_wait3A_1543 = tpu.memref_slice %arg4[%arg1, %run_scoped3A_771, %dma_wait3A_1541, %dma_wait3A_1542] : memref<16x2x125x80xi32, #tpu.memory_space<hbm>> -> memref<1x1x125x80xi32, #tpu.memory_space<hbm>>
      %dma_wait3A_1544 = tpu.memref_squeeze %dma_wait3A_1543 : memref<1x1x125x80xi32, #tpu.memory_space<hbm>> -> memref<125x80xi32, #tpu.memory_space<hbm>>
      %dma_wait3A_1545 = arith.constant 0 : i32
      %dma_wait3A_1546 = arith.constant 0 : i32
      %dma_wait3A_1547 = tpu.memref_slice %arg4[%arg1, %run_scoped3A_771, %dma_wait3A_1545, %dma_wait3A_1546] : memref<16x2x125x80xi32, #tpu.memory_space<hbm>> -> memref<1x1x125x80xi32, #tpu.memory_space<hbm>>
      %dma_wait3A_1548 = tpu.memref_squeeze %dma_wait3A_1547 : memref<1x1x125x80xi32, #tpu.memory_space<hbm>> -> memref<125x80xi32, #tpu.memory_space<hbm>>
      tpu.wait_dma2 semaphore(%run_scoped3A_1532 : memref<!tpu.dma_semaphore, #tpu.memory_space<semaphore_mem>>) src(%dma_wait3A_1548 : memref<125x80xi32, #tpu.memory_space<hbm>>) dst(%arg7 : memref<125x80xi32, #tpu.memory_space<vmem>>)
      tpu.yield
    }) : () -> ()
    %dma_start3A_772 = arith.constant 0 : i32
    %dma_start3A_773 = arith.constant 0 : i32
    %dma_start3A_774 = arith.constant 0 : i32
    %dma_start3A_775 = arith.constant 0 : i32
    %dma_start3A_776 = tpu.memref_slice %arg8[%dma_start3A_773, %dma_start3A_774, %dma_start3A_775] : memref<10x80x64xf32, #tpu.memory_space<vmem>> -> memref<1x80x64xf32, #tpu.memory_space<vmem>>
    %dma_start3A_777 = tpu.memref_squeeze %dma_start3A_776 : memref<1x80x64xf32, #tpu.memory_space<vmem>> -> memref<80x64xf32, #tpu.memory_space<vmem>>
    %dma_start3A_778 = arith.constant 0 : i32
    %dma_start3A_779 = tpu.memref_slice %arg6[%dma_start3A_772, %dma_start3A_778] : memref<125x80xi32, #tpu.memory_space<vmem>> -> memref<1x80xi32, #tpu.memory_space<vmem>>
    %dma_start3A_780 = tpu.memref_squeeze %dma_start3A_779 : memref<1x80xi32, #tpu.memory_space<vmem>> -> memref<80xi32, #tpu.memory_space<vmem>>
    %dma_start3A_781 = arith.constant 0 : i32
    %dma_start3A_782 = arith.constant 0 : i32
    %dma_start3A_783 = tpu.memref_slice %arg2[%dma_start3A_781, %dma_start3A_782] : memref<540000x64xf32, #tpu.memory_space<hbm>> -> memref<540000x64xf32, #tpu.memory_space<hbm>>
    tpu.enqueue_indirect_dma source(%dma_start3A_783 : memref<540000x64xf32, #tpu.memory_space<hbm>>) target(%dma_start3A_777 : memref<80x64xf32, #tpu.memory_space<vmem>>) offsets(%dma_start3A_780 : memref<80xi32, #tpu.memory_space<vmem>>) semaphore(%arg10 : memref<!tpu.dma_semaphore, #tpu.memory_space<semaphore_mem>>)
    %dma_start3A_784 = arith.constant 1 : i32
    %dma_start3A_785 = arith.constant 1 : i32
    %dma_start3A_786 = arith.constant 0 : i32
    %dma_start3A_787 = arith.constant 0 : i32
    %dma_start3A_788 = tpu.memref_slice %arg8[%dma_start3A_785, %dma_start3A_786, %dma_start3A_787] : memref<10x80x64xf32, #tpu.memory_space<vmem>> -> memref<1x80x64xf32, #tpu.memory_space<vmem>>
    %dma_start3A_789 = tpu.memref_squeeze %dma_start3A_788 : memref<1x80x64xf32, #tpu.memory_space<vmem>> -> memref<80x64xf32, #tpu.memory_space<vmem>>
    %dma_start3A_790 = arith.constant 0 : i32
    %dma_start3A_791 = tpu.memref_slice %arg6[%dma_start3A_784, %dma_start3A_790] : memref<125x80xi32, #tpu.memory_space<vmem>> -> memref<1x80xi32, #tpu.memory_space<vmem>>
    %dma_start3A_792 = tpu.memref_squeeze %dma_start3A_791 : memref<1x80xi32, #tpu.memory_space<vmem>> -> memref<80xi32, #tpu.memory_space<vmem>>
    %dma_start3A_793 = arith.constant 0 : i32
    %dma_start3A_794 = arith.constant 0 : i32
    %dma_start3A_795 = tpu.memref_slice %arg2[%dma_start3A_793, %dma_start3A_794] : memref<540000x64xf32, #tpu.memory_space<hbm>> -> memref<540000x64xf32, #tpu.memory_space<hbm>>
    tpu.enqueue_indirect_dma source(%dma_start3A_795 : memref<540000x64xf32, #tpu.memory_space<hbm>>) target(%dma_start3A_789 : memref<80x64xf32, #tpu.memory_space<vmem>>) offsets(%dma_start3A_792 : memref<80xi32, #tpu.memory_space<vmem>>) semaphore(%arg10 : memref<!tpu.dma_semaphore, #tpu.memory_space<semaphore_mem>>)
    %dma_start3A_796 = arith.constant 2 : i32
    %dma_start3A_797 = arith.constant 2 : i32
    %dma_start3A_798 = arith.constant 0 : i32
    %dma_start3A_799 = arith.constant 0 : i32
    %dma_start3A_800 = tpu.memref_slice %arg8[%dma_start3A_797, %dma_start3A_798, %dma_start3A_799] : memref<10x80x64xf32, #tpu.memory_space<vmem>> -> memref<1x80x64xf32, #tpu.memory_space<vmem>>
    %dma_start3A_801 = tpu.memref_squeeze %dma_start3A_800 : memref<1x80x64xf32, #tpu.memory_space<vmem>> -> memref<80x64xf32, #tpu.memory_space<vmem>>
    %dma_start3A_802 = arith.constant 0 : i32
    %dma_start3A_803 = tpu.memref_slice %arg6[%dma_start3A_796, %dma_start3A_802] : memref<125x80xi32, #tpu.memory_space<vmem>> -> memref<1x80xi32, #tpu.memory_space<vmem>>
    %dma_start3A_804 = tpu.memref_squeeze %dma_start3A_803 : memref<1x80xi32, #tpu.memory_space<vmem>> -> memref<80xi32, #tpu.memory_space<vmem>>
    %dma_start3A_805 = arith.constant 0 : i32
    %dma_start3A_806 = arith.constant 0 : i32
    %dma_start3A_807 = tpu.memref_slice %arg2[%dma_start3A_805, %dma_start3A_806] : memref<540000x64xf32, #tpu.memory_space<hbm>> -> memref<540000x64xf32, #tpu.memory_space<hbm>>
    tpu.enqueue_indirect_dma source(%dma_start3A_807 : memref<540000x64xf32, #tpu.memory_space<hbm>>) target(%dma_start3A_801 : memref<80x64xf32, #tpu.memory_space<vmem>>) offsets(%dma_start3A_804 : memref<80xi32, #tpu.memory_space<vmem>>) semaphore(%arg10 : memref<!tpu.dma_semaphore, #tpu.memory_space<semaphore_mem>>)
    %dma_start3A_808 = arith.constant 3 : i32
    %dma_start3A_809 = arith.constant 3 : i32
    %dma_start3A_810 = arith.constant 0 : i32
    %dma_start3A_811 = arith.constant 0 : i32
    %dma_start3A_812 = tpu.memref_slice %arg8[%dma_start3A_809, %dma_start3A_810, %dma_start3A_811] : memref<10x80x64xf32, #tpu.memory_space<vmem>> -> memref<1x80x64xf32, #tpu.memory_space<vmem>>
    %dma_start3A_813 = tpu.memref_squeeze %dma_start3A_812 : memref<1x80x64xf32, #tpu.memory_space<vmem>> -> memref<80x64xf32, #tpu.memory_space<vmem>>
    %dma_start3A_814 = arith.constant 0 : i32
    %dma_start3A_815 = tpu.memref_slice %arg6[%dma_start3A_808, %dma_start3A_814] : memref<125x80xi32, #tpu.memory_space<vmem>> -> memref<1x80xi32, #tpu.memory_space<vmem>>
    %dma_start3A_816 = tpu.memref_squeeze %dma_start3A_815 : memref<1x80xi32, #tpu.memory_space<vmem>> -> memref<80xi32, #tpu.memory_space<vmem>>
    %dma_start3A_817 = arith.constant 0 : i32
    %dma_start3A_818 = arith.constant 0 : i32
    %dma_start3A_819 = tpu.memref_slice %arg2[%dma_start3A_817, %dma_start3A_818] : memref<540000x64xf32, #tpu.memory_space<hbm>> -> memref<540000x64xf32, #tpu.memory_space<hbm>>
    tpu.enqueue_indirect_dma source(%dma_start3A_819 : memref<540000x64xf32, #tpu.memory_space<hbm>>) target(%dma_start3A_813 : memref<80x64xf32, #tpu.memory_space<vmem>>) offsets(%dma_start3A_816 : memref<80xi32, #tpu.memory_space<vmem>>) semaphore(%arg10 : memref<!tpu.dma_semaphore, #tpu.memory_space<semaphore_mem>>)
    %dma_start3A_820 = arith.constant 4 : i32
    %dma_start3A_821 = arith.constant 4 : i32
    %dma_start3A_822 = arith.constant 0 : i32
    %dma_start3A_823 = arith.constant 0 : i32
    %dma_start3A_824 = tpu.memref_slice %arg8[%dma_start3A_821, %dma_start3A_822, %dma_start3A_823] : memref<10x80x64xf32, #tpu.memory_space<vmem>> -> memref<1x80x64xf32, #tpu.memory_space<vmem>>
    %dma_start3A_825 = tpu.memref_squeeze %dma_start3A_824 : memref<1x80x64xf32, #tpu.memory_space<vmem>> -> memref<80x64xf32, #tpu.memory_space<vmem>>
    %dma_start3A_826 = arith.constant 0 : i32
    %dma_start3A_827 = tpu.memref_slice %arg6[%dma_start3A_820, %dma_start3A_826] : memref<125x80xi32, #tpu.memory_space<vmem>> -> memref<1x80xi32, #tpu.memory_space<vmem>>
    %dma_start3A_828 = tpu.memref_squeeze %dma_start3A_827 : memref<1x80xi32, #tpu.memory_space<vmem>> -> memref<80xi32, #tpu.memory_space<vmem>>
    %dma_start3A_829 = arith.constant 0 : i32
    %dma_start3A_830 = arith.constant 0 : i32
    %dma_start3A_831 = tpu.memref_slice %arg2[%dma_start3A_829, %dma_start3A_830] : memref<540000x64xf32, #tpu.memory_space<hbm>> -> memref<540000x64xf32, #tpu.memory_space<hbm>>
    tpu.enqueue_indirect_dma source(%dma_start3A_831 : memref<540000x64xf32, #tpu.memory_space<hbm>>) target(%dma_start3A_825 : memref<80x64xf32, #tpu.memory_space<vmem>>) offsets(%dma_start3A_828 : memref<80xi32, #tpu.memory_space<vmem>>) semaphore(%arg10 : memref<!tpu.dma_semaphore, #tpu.memory_space<semaphore_mem>>)
    %dma_wait3A_832 = arith.constant 0 : i32
    %dma_wait3A_833 = arith.constant 0 : i32
    %dma_wait3A_834 = arith.constant 0 : i32
    %dma_wait3A_835 = arith.constant 0 : i32
    %dma_wait3A_836 = tpu.memref_slice %arg8[%dma_wait3A_833, %dma_wait3A_834, %dma_wait3A_835] : memref<10x80x64xf32, #tpu.memory_space<vmem>> -> memref<1x80x64xf32, #tpu.memory_space<vmem>>
    %dma_wait3A_837 = tpu.memref_squeeze %dma_wait3A_836 : memref<1x80x64xf32, #tpu.memory_space<vmem>> -> memref<80x64xf32, #tpu.memory_space<vmem>>
    %dma_wait3A_838 = arith.constant 0 : i32
    %dma_wait3A_839 = tpu.memref_slice %arg6[%dma_wait3A_832, %dma_wait3A_838] : memref<125x80xi32, #tpu.memory_space<vmem>> -> memref<1x80xi32, #tpu.memory_space<vmem>>
    %dma_wait3A_840 = tpu.memref_squeeze %dma_wait3A_839 : memref<1x80xi32, #tpu.memory_space<vmem>> -> memref<80xi32, #tpu.memory_space<vmem>>
    %dma_wait3A_841 = arith.constant 0 : i32
    %dma_wait3A_842 = arith.constant 0 : i32
    %dma_wait3A_843 = tpu.memref_slice %arg2[%dma_wait3A_841, %dma_wait3A_842] : memref<540000x64xf32, #tpu.memory_space<hbm>> -> memref<540000x64xf32, #tpu.memory_space<hbm>>
    tpu.wait_indirect_dma semaphore(%arg10 : memref<!tpu.dma_semaphore, #tpu.memory_space<semaphore_mem>>) src(%dma_wait3A_843 : memref<540000x64xf32, #tpu.memory_space<hbm>>) dst(%dma_wait3A_837 : memref<80x64xf32, #tpu.memory_space<vmem>>)
    %dma_wait3A_844 = arith.constant 1 : i32
    %dma_wait3A_845 = arith.constant 1 : i32
    %dma_wait3A_846 = arith.constant 0 : i32
    %dma_wait3A_847 = arith.constant 0 : i32
    %dma_wait3A_848 = tpu.memref_slice %arg8[%dma_wait3A_845, %dma_wait3A_846, %dma_wait3A_847] : memref<10x80x64xf32, #tpu.memory_space<vmem>> -> memref<1x80x64xf32, #tpu.memory_space<vmem>>
    %dma_wait3A_849 = tpu.memref_squeeze %dma_wait3A_848 : memref<1x80x64xf32, #tpu.memory_space<vmem>> -> memref<80x64xf32, #tpu.memory_space<vmem>>
    %dma_wait3A_850 = arith.constant 0 : i32
    %dma_wait3A_851 = tpu.memref_slice %arg6[%dma_wait3A_844, %dma_wait3A_850] : memref<125x80xi32, #tpu.memory_space<vmem>> -> memref<1x80xi32, #tpu.memory_space<vmem>>
    %dma_wait3A_852 = tpu.memref_squeeze %dma_wait3A_851 : memref<1x80xi32, #tpu.memory_space<vmem>> -> memref<80xi32, #tpu.memory_space<vmem>>
    %dma_wait3A_853 = arith.constant 0 : i32
    %dma_wait3A_854 = arith.constant 0 : i32
    %dma_wait3A_855 = tpu.memref_slice %arg2[%dma_wait3A_853, %dma_wait3A_854] : memref<540000x64xf32, #tpu.memory_space<hbm>> -> memref<540000x64xf32, #tpu.memory_space<hbm>>
    tpu.wait_indirect_dma semaphore(%arg10 : memref<!tpu.dma_semaphore, #tpu.memory_space<semaphore_mem>>) src(%dma_wait3A_855 : memref<540000x64xf32, #tpu.memory_space<hbm>>) dst(%dma_wait3A_849 : memref<80x64xf32, #tpu.memory_space<vmem>>)
    %dma_wait3A_856 = arith.constant 2 : i32
    %dma_wait3A_857 = arith.constant 2 : i32
    %dma_wait3A_858 = arith.constant 0 : i32
    %dma_wait3A_859 = arith.constant 0 : i32
    %dma_wait3A_860 = tpu.memref_slice %arg8[%dma_wait3A_857, %dma_wait3A_858, %dma_wait3A_859] : memref<10x80x64xf32, #tpu.memory_space<vmem>> -> memref<1x80x64xf32, #tpu.memory_space<vmem>>
    %dma_wait3A_861 = tpu.memref_squeeze %dma_wait3A_860 : memref<1x80x64xf32, #tpu.memory_space<vmem>> -> memref<80x64xf32, #tpu.memory_space<vmem>>
    %dma_wait3A_862 = arith.constant 0 : i32
    %dma_wait3A_863 = tpu.memref_slice %arg6[%dma_wait3A_856, %dma_wait3A_862] : memref<125x80xi32, #tpu.memory_space<vmem>> -> memref<1x80xi32, #tpu.memory_space<vmem>>
    %dma_wait3A_864 = tpu.memref_squeeze %dma_wait3A_863 : memref<1x80xi32, #tpu.memory_space<vmem>> -> memref<80xi32, #tpu.memory_space<vmem>>
    %dma_wait3A_865 = arith.constant 0 : i32
    %dma_wait3A_866 = arith.constant 0 : i32
    %dma_wait3A_867 = tpu.memref_slice %arg2[%dma_wait3A_865, %dma_wait3A_866] : memref<540000x64xf32, #tpu.memory_space<hbm>> -> memref<540000x64xf32, #tpu.memory_space<hbm>>
    tpu.wait_indirect_dma semaphore(%arg10 : memref<!tpu.dma_semaphore, #tpu.memory_space<semaphore_mem>>) src(%dma_wait3A_867 : memref<540000x64xf32, #tpu.memory_space<hbm>>) dst(%dma_wait3A_861 : memref<80x64xf32, #tpu.memory_space<vmem>>)
    %dma_wait3A_868 = arith.constant 3 : i32
    %dma_wait3A_869 = arith.constant 3 : i32
    %dma_wait3A_870 = arith.constant 0 : i32
    %dma_wait3A_871 = arith.constant 0 : i32
    %dma_wait3A_872 = tpu.memref_slice %arg8[%dma_wait3A_869, %dma_wait3A_870, %dma_wait3A_871] : memref<10x80x64xf32, #tpu.memory_space<vmem>> -> memref<1x80x64xf32, #tpu.memory_space<vmem>>
    %dma_wait3A_873 = tpu.memref_squeeze %dma_wait3A_872 : memref<1x80x64xf32, #tpu.memory_space<vmem>> -> memref<80x64xf32, #tpu.memory_space<vmem>>
    %dma_wait3A_874 = arith.constant 0 : i32
    %dma_wait3A_875 = tpu.memref_slice %arg6[%dma_wait3A_868, %dma_wait3A_874] : memref<125x80xi32, #tpu.memory_space<vmem>> -> memref<1x80xi32, #tpu.memory_space<vmem>>
    %dma_wait3A_876 = tpu.memref_squeeze %dma_wait3A_875 : memref<1x80xi32, #tpu.memory_space<vmem>> -> memref<80xi32, #tpu.memory_space<vmem>>
    %dma_wait3A_877 = arith.constant 0 : i32
    %dma_wait3A_878 = arith.constant 0 : i32
    %dma_wait3A_879 = tpu.memref_slice %arg2[%dma_wait3A_877, %dma_wait3A_878] : memref<540000x64xf32, #tpu.memory_space<hbm>> -> memref<540000x64xf32, #tpu.memory_space<hbm>>
    tpu.wait_indirect_dma semaphore(%arg10 : memref<!tpu.dma_semaphore, #tpu.memory_space<semaphore_mem>>) src(%dma_wait3A_879 : memref<540000x64xf32, #tpu.memory_space<hbm>>) dst(%dma_wait3A_873 : memref<80x64xf32, #tpu.memory_space<vmem>>)
    %dma_wait3A_880 = arith.constant 4 : i32
    %dma_wait3A_881 = arith.constant 4 : i32
    %dma_wait3A_882 = arith.constant 0 : i32
    %dma_wait3A_883 = arith.constant 0 : i32
    %dma_wait3A_884 = tpu.memref_slice %arg8[%dma_wait3A_881, %dma_wait3A_882, %dma_wait3A_883] : memref<10x80x64xf32, #tpu.memory_space<vmem>> -> memref<1x80x64xf32, #tpu.memory_space<vmem>>
    %dma_wait3A_885 = tpu.memref_squeeze %dma_wait3A_884 : memref<1x80x64xf32, #tpu.memory_space<vmem>> -> memref<80x64xf32, #tpu.memory_space<vmem>>
    %dma_wait3A_886 = arith.constant 0 : i32
    %dma_wait3A_887 = tpu.memref_slice %arg6[%dma_wait3A_880, %dma_wait3A_886] : memref<125x80xi32, #tpu.memory_space<vmem>> -> memref<1x80xi32, #tpu.memory_space<vmem>>
    %dma_wait3A_888 = tpu.memref_squeeze %dma_wait3A_887 : memref<1x80xi32, #tpu.memory_space<vmem>> -> memref<80xi32, #tpu.memory_space<vmem>>
    %dma_wait3A_889 = arith.constant 0 : i32
    %dma_wait3A_890 = arith.constant 0 : i32
    %dma_wait3A_891 = tpu.memref_slice %arg2[%dma_wait3A_889, %dma_wait3A_890] : memref<540000x64xf32, #tpu.memory_space<hbm>> -> memref<540000x64xf32, #tpu.memory_space<hbm>>
    tpu.wait_indirect_dma semaphore(%arg10 : memref<!tpu.dma_semaphore, #tpu.memory_space<semaphore_mem>>) src(%dma_wait3A_891 : memref<540000x64xf32, #tpu.memory_space<hbm>>) dst(%dma_wait3A_885 : memref<80x64xf32, #tpu.memory_space<vmem>>)
    %dma_start3A_892 = arith.constant 0 : i32
    %dma_start3A_893 = arith.constant 0 : i32
    %dma_start3A_894 = arith.constant 0 : i32
    %dma_start3A_895 = arith.constant 0 : i32
    %dma_start3A_896 = tpu.memref_slice %arg8[%dma_start3A_892, %dma_start3A_894, %dma_start3A_895] : memref<10x80x64xf32, #tpu.memory_space<vmem>> -> memref<1x80x64xf32, #tpu.memory_space<vmem>>
    %dma_start3A_897 = tpu.memref_squeeze %dma_start3A_896 : memref<1x80x64xf32, #tpu.memory_space<vmem>> -> memref<80x64xf32, #tpu.memory_space<vmem>>
    %dma_start3A_898 = arith.constant 0 : i32
    %dma_start3A_899 = tpu.memref_slice %arg7[%dma_start3A_893, %dma_start3A_898] : memref<125x80xi32, #tpu.memory_space<vmem>> -> memref<1x80xi32, #tpu.memory_space<vmem>>
    %dma_start3A_900 = tpu.memref_squeeze %dma_start3A_899 : memref<1x80xi32, #tpu.memory_space<vmem>> -> memref<80xi32, #tpu.memory_space<vmem>>
    %dma_start3A_901 = arith.constant 0 : i32
    %dma_start3A_902 = arith.constant 0 : i32
    %dma_start3A_903 = tpu.memref_slice %arg9[%dma_start3A_901, %dma_start3A_902] : memref<10240x64xf32, #tpu.memory_space<vmem_shared>> -> memref<10240x64xf32, #tpu.memory_space<vmem_shared>>
    tpu.enqueue_indirect_dma source(%dma_start3A_897 : memref<80x64xf32, #tpu.memory_space<vmem>>) target(%dma_start3A_903 : memref<10240x64xf32, #tpu.memory_space<vmem_shared>>) offsets(%dma_start3A_900 : memref<80xi32, #tpu.memory_space<vmem>>) semaphore(%arg11 : memref<!tpu.dma_semaphore, #tpu.memory_space<semaphore_mem>>) {add = true}
    %dma_start3A_904 = arith.constant 1 : i32
    %dma_start3A_905 = arith.constant 1 : i32
    %dma_start3A_906 = arith.constant 0 : i32
    %dma_start3A_907 = arith.constant 0 : i32
    %dma_start3A_908 = tpu.memref_slice %arg8[%dma_start3A_904, %dma_start3A_906, %dma_start3A_907] : memref<10x80x64xf32, #tpu.memory_space<vmem>> -> memref<1x80x64xf32, #tpu.memory_space<vmem>>
    %dma_start3A_909 = tpu.memref_squeeze %dma_start3A_908 : memref<1x80x64xf32, #tpu.memory_space<vmem>> -> memref<80x64xf32, #tpu.memory_space<vmem>>
    %dma_start3A_910 = arith.constant 0 : i32
    %dma_start3A_911 = tpu.memref_slice %arg7[%dma_start3A_905, %dma_start3A_910] : memref<125x80xi32, #tpu.memory_space<vmem>> -> memref<1x80xi32, #tpu.memory_space<vmem>>
    %dma_start3A_912 = tpu.memref_squeeze %dma_start3A_911 : memref<1x80xi32, #tpu.memory_space<vmem>> -> memref<80xi32, #tpu.memory_space<vmem>>
    %dma_start3A_913 = arith.constant 0 : i32
    %dma_start3A_914 = arith.constant 0 : i32
    %dma_start3A_915 = tpu.memref_slice %arg9[%dma_start3A_913, %dma_start3A_914] : memref<10240x64xf32, #tpu.memory_space<vmem_shared>> -> memref<10240x64xf32, #tpu.memory_space<vmem_shared>>
    tpu.enqueue_indirect_dma source(%dma_start3A_909 : memref<80x64xf32, #tpu.memory_space<vmem>>) target(%dma_start3A_915 : memref<10240x64xf32, #tpu.memory_space<vmem_shared>>) offsets(%dma_start3A_912 : memref<80xi32, #tpu.memory_space<vmem>>) semaphore(%arg11 : memref<!tpu.dma_semaphore, #tpu.memory_space<semaphore_mem>>) {add = true}
    %dma_start3A_916 = arith.constant 2 : i32
    %dma_start3A_917 = arith.constant 2 : i32
    %dma_start3A_918 = arith.constant 0 : i32
    %dma_start3A_919 = arith.constant 0 : i32
    %dma_start3A_920 = tpu.memref_slice %arg8[%dma_start3A_916, %dma_start3A_918, %dma_start3A_919] : memref<10x80x64xf32, #tpu.memory_space<vmem>> -> memref<1x80x64xf32, #tpu.memory_space<vmem>>
    %dma_start3A_921 = tpu.memref_squeeze %dma_start3A_920 : memref<1x80x64xf32, #tpu.memory_space<vmem>> -> memref<80x64xf32, #tpu.memory_space<vmem>>
    %dma_start3A_922 = arith.constant 0 : i32
    %dma_start3A_923 = tpu.memref_slice %arg7[%dma_start3A_917, %dma_start3A_922] : memref<125x80xi32, #tpu.memory_space<vmem>> -> memref<1x80xi32, #tpu.memory_space<vmem>>
    %dma_start3A_924 = tpu.memref_squeeze %dma_start3A_923 : memref<1x80xi32, #tpu.memory_space<vmem>> -> memref<80xi32, #tpu.memory_space<vmem>>
    %dma_start3A_925 = arith.constant 0 : i32
    %dma_start3A_926 = arith.constant 0 : i32
    %dma_start3A_927 = tpu.memref_slice %arg9[%dma_start3A_925, %dma_start3A_926] : memref<10240x64xf32, #tpu.memory_space<vmem_shared>> -> memref<10240x64xf32, #tpu.memory_space<vmem_shared>>
    tpu.enqueue_indirect_dma source(%dma_start3A_921 : memref<80x64xf32, #tpu.memory_space<vmem>>) target(%dma_start3A_927 : memref<10240x64xf32, #tpu.memory_space<vmem_shared>>) offsets(%dma_start3A_924 : memref<80xi32, #tpu.memory_space<vmem>>) semaphore(%arg11 : memref<!tpu.dma_semaphore, #tpu.memory_space<semaphore_mem>>) {add = true}
    %dma_start3A_928 = arith.constant 3 : i32
    %dma_start3A_929 = arith.constant 3 : i32
    %dma_start3A_930 = arith.constant 0 : i32
    %dma_start3A_931 = arith.constant 0 : i32
    %dma_start3A_932 = tpu.memref_slice %arg8[%dma_start3A_928, %dma_start3A_930, %dma_start3A_931] : memref<10x80x64xf32, #tpu.memory_space<vmem>> -> memref<1x80x64xf32, #tpu.memory_space<vmem>>
    %dma_start3A_933 = tpu.memref_squeeze %dma_start3A_932 : memref<1x80x64xf32, #tpu.memory_space<vmem>> -> memref<80x64xf32, #tpu.memory_space<vmem>>
    %dma_start3A_934 = arith.constant 0 : i32
    %dma_start3A_935 = tpu.memref_slice %arg7[%dma_start3A_929, %dma_start3A_934] : memref<125x80xi32, #tpu.memory_space<vmem>> -> memref<1x80xi32, #tpu.memory_space<vmem>>
    %dma_start3A_936 = tpu.memref_squeeze %dma_start3A_935 : memref<1x80xi32, #tpu.memory_space<vmem>> -> memref<80xi32, #tpu.memory_space<vmem>>
    %dma_start3A_937 = arith.constant 0 : i32
    %dma_start3A_938 = arith.constant 0 : i32
    %dma_start3A_939 = tpu.memref_slice %arg9[%dma_start3A_937, %dma_start3A_938] : memref<10240x64xf32, #tpu.memory_space<vmem_shared>> -> memref<10240x64xf32, #tpu.memory_space<vmem_shared>>
    tpu.enqueue_indirect_dma source(%dma_start3A_933 : memref<80x64xf32, #tpu.memory_space<vmem>>) target(%dma_start3A_939 : memref<10240x64xf32, #tpu.memory_space<vmem_shared>>) offsets(%dma_start3A_936 : memref<80xi32, #tpu.memory_space<vmem>>) semaphore(%arg11 : memref<!tpu.dma_semaphore, #tpu.memory_space<semaphore_mem>>) {add = true}
    %dma_start3A_940 = arith.constant 4 : i32
    %dma_start3A_941 = arith.constant 4 : i32
    %dma_start3A_942 = arith.constant 0 : i32
    %dma_start3A_943 = arith.constant 0 : i32
    %dma_start3A_944 = tpu.memref_slice %arg8[%dma_start3A_940, %dma_start3A_942, %dma_start3A_943] : memref<10x80x64xf32, #tpu.memory_space<vmem>> -> memref<1x80x64xf32, #tpu.memory_space<vmem>>
    %dma_start3A_945 = tpu.memref_squeeze %dma_start3A_944 : memref<1x80x64xf32, #tpu.memory_space<vmem>> -> memref<80x64xf32, #tpu.memory_space<vmem>>
    %dma_start3A_946 = arith.constant 0 : i32
    %dma_start3A_947 = tpu.memref_slice %arg7[%dma_start3A_941, %dma_start3A_946] : memref<125x80xi32, #tpu.memory_space<vmem>> -> memref<1x80xi32, #tpu.memory_space<vmem>>
    %dma_start3A_948 = tpu.memref_squeeze %dma_start3A_947 : memref<1x80xi32, #tpu.memory_space<vmem>> -> memref<80xi32, #tpu.memory_space<vmem>>
    %dma_start3A_949 = arith.constant 0 : i32
    %dma_start3A_950 = arith.constant 0 : i32
    %dma_start3A_951 = tpu.memref_slice %arg9[%dma_start3A_949, %dma_start3A_950] : memref<10240x64xf32, #tpu.memory_space<vmem_shared>> -> memref<10240x64xf32, #tpu.memory_space<vmem_shared>>
    tpu.enqueue_indirect_dma source(%dma_start3A_945 : memref<80x64xf32, #tpu.memory_space<vmem>>) target(%dma_start3A_951 : memref<10240x64xf32, #tpu.memory_space<vmem_shared>>) offsets(%dma_start3A_948 : memref<80xi32, #tpu.memory_space<vmem>>) semaphore(%arg11 : memref<!tpu.dma_semaphore, #tpu.memory_space<semaphore_mem>>) {add = true}
    %dma_start3A_952 = arith.constant 5 : i32
    %dma_start3A_953 = arith.constant 5 : i32
    %dma_start3A_954 = arith.constant 0 : i32
    %dma_start3A_955 = arith.constant 0 : i32
    %dma_start3A_956 = tpu.memref_slice %arg8[%dma_start3A_953, %dma_start3A_954, %dma_start3A_955] : memref<10x80x64xf32, #tpu.memory_space<vmem>> -> memref<1x80x64xf32, #tpu.memory_space<vmem>>
    %dma_start3A_957 = tpu.memref_squeeze %dma_start3A_956 : memref<1x80x64xf32, #tpu.memory_space<vmem>> -> memref<80x64xf32, #tpu.memory_space<vmem>>
    %dma_start3A_958 = arith.constant 0 : i32
    %dma_start3A_959 = tpu.memref_slice %arg6[%dma_start3A_952, %dma_start3A_958] : memref<125x80xi32, #tpu.memory_space<vmem>> -> memref<1x80xi32, #tpu.memory_space<vmem>>
    %dma_start3A_960 = tpu.memref_squeeze %dma_start3A_959 : memref<1x80xi32, #tpu.memory_space<vmem>> -> memref<80xi32, #tpu.memory_space<vmem>>
    %dma_start3A_961 = arith.constant 0 : i32
    %dma_start3A_962 = arith.constant 0 : i32
    %dma_start3A_963 = tpu.memref_slice %arg2[%dma_start3A_961, %dma_start3A_962] : memref<540000x64xf32, #tpu.memory_space<hbm>> -> memref<540000x64xf32, #tpu.memory_space<hbm>>
    tpu.enqueue_indirect_dma source(%dma_start3A_963 : memref<540000x64xf32, #tpu.memory_space<hbm>>) target(%dma_start3A_957 : memref<80x64xf32, #tpu.memory_space<vmem>>) offsets(%dma_start3A_960 : memref<80xi32, #tpu.memory_space<vmem>>) semaphore(%arg10 : memref<!tpu.dma_semaphore, #tpu.memory_space<semaphore_mem>>)
    %dma_start3A_964 = arith.constant 6 : i32
    %dma_start3A_965 = arith.constant 6 : i32
    %dma_start3A_966 = arith.constant 0 : i32
    %dma_start3A_967 = arith.constant 0 : i32
    %dma_start3A_968 = tpu.memref_slice %arg8[%dma_start3A_965, %dma_start3A_966, %dma_start3A_967] : memref<10x80x64xf32, #tpu.memory_space<vmem>> -> memref<1x80x64xf32, #tpu.memory_space<vmem>>
    %dma_start3A_969 = tpu.memref_squeeze %dma_start3A_968 : memref<1x80x64xf32, #tpu.memory_space<vmem>> -> memref<80x64xf32, #tpu.memory_space<vmem>>
    %dma_start3A_970 = arith.constant 0 : i32
    %dma_start3A_971 = tpu.memref_slice %arg6[%dma_start3A_964, %dma_start3A_970] : memref<125x80xi32, #tpu.memory_space<vmem>> -> memref<1x80xi32, #tpu.memory_space<vmem>>
    %dma_start3A_972 = tpu.memref_squeeze %dma_start3A_971 : memref<1x80xi32, #tpu.memory_space<vmem>> -> memref<80xi32, #tpu.memory_space<vmem>>
    %dma_start3A_973 = arith.constant 0 : i32
    %dma_start3A_974 = arith.constant 0 : i32
    %dma_start3A_975 = tpu.memref_slice %arg2[%dma_start3A_973, %dma_start3A_974] : memref<540000x64xf32, #tpu.memory_space<hbm>> -> memref<540000x64xf32, #tpu.memory_space<hbm>>
    tpu.enqueue_indirect_dma source(%dma_start3A_975 : memref<540000x64xf32, #tpu.memory_space<hbm>>) target(%dma_start3A_969 : memref<80x64xf32, #tpu.memory_space<vmem>>) offsets(%dma_start3A_972 : memref<80xi32, #tpu.memory_space<vmem>>) semaphore(%arg10 : memref<!tpu.dma_semaphore, #tpu.memory_space<semaphore_mem>>)
    %dma_start3A_976 = arith.constant 7 : i32
    %dma_start3A_977 = arith.constant 7 : i32
    %dma_start3A_978 = arith.constant 0 : i32
    %dma_start3A_979 = arith.constant 0 : i32
    %dma_start3A_980 = tpu.memref_slice %arg8[%dma_start3A_977, %dma_start3A_978, %dma_start3A_979] : memref<10x80x64xf32, #tpu.memory_space<vmem>> -> memref<1x80x64xf32, #tpu.memory_space<vmem>>
    %dma_start3A_981 = tpu.memref_squeeze %dma_start3A_980 : memref<1x80x64xf32, #tpu.memory_space<vmem>> -> memref<80x64xf32, #tpu.memory_space<vmem>>
    %dma_start3A_982 = arith.constant 0 : i32
    %dma_start3A_983 = tpu.memref_slice %arg6[%dma_start3A_976, %dma_start3A_982] : memref<125x80xi32, #tpu.memory_space<vmem>> -> memref<1x80xi32, #tpu.memory_space<vmem>>
    %dma_start3A_984 = tpu.memref_squeeze %dma_start3A_983 : memref<1x80xi32, #tpu.memory_space<vmem>> -> memref<80xi32, #tpu.memory_space<vmem>>
    %dma_start3A_985 = arith.constant 0 : i32
    %dma_start3A_986 = arith.constant 0 : i32
    %dma_start3A_987 = tpu.memref_slice %arg2[%dma_start3A_985, %dma_start3A_986] : memref<540000x64xf32, #tpu.memory_space<hbm>> -> memref<540000x64xf32, #tpu.memory_space<hbm>>
    tpu.enqueue_indirect_dma source(%dma_start3A_987 : memref<540000x64xf32, #tpu.memory_space<hbm>>) target(%dma_start3A_981 : memref<80x64xf32, #tpu.memory_space<vmem>>) offsets(%dma_start3A_984 : memref<80xi32, #tpu.memory_space<vmem>>) semaphore(%arg10 : memref<!tpu.dma_semaphore, #tpu.memory_space<semaphore_mem>>)
    %dma_start3A_988 = arith.constant 8 : i32
    %dma_start3A_989 = arith.constant 8 : i32
    %dma_start3A_990 = arith.constant 0 : i32
    %dma_start3A_991 = arith.constant 0 : i32
    %dma_start3A_992 = tpu.memref_slice %arg8[%dma_start3A_989, %dma_start3A_990, %dma_start3A_991] : memref<10x80x64xf32, #tpu.memory_space<vmem>> -> memref<1x80x64xf32, #tpu.memory_space<vmem>>
    %dma_start3A_993 = tpu.memref_squeeze %dma_start3A_992 : memref<1x80x64xf32, #tpu.memory_space<vmem>> -> memref<80x64xf32, #tpu.memory_space<vmem>>
    %dma_start3A_994 = arith.constant 0 : i32
    %dma_start3A_995 = tpu.memref_slice %arg6[%dma_start3A_988, %dma_start3A_994] : memref<125x80xi32, #tpu.memory_space<vmem>> -> memref<1x80xi32, #tpu.memory_space<vmem>>
    %dma_start3A_996 = tpu.memref_squeeze %dma_start3A_995 : memref<1x80xi32, #tpu.memory_space<vmem>> -> memref<80xi32, #tpu.memory_space<vmem>>
    %dma_start3A_997 = arith.constant 0 : i32
    %dma_start3A_998 = arith.constant 0 : i32
    %dma_start3A_999 = tpu.memref_slice %arg2[%dma_start3A_997, %dma_start3A_998] : memref<540000x64xf32, #tpu.memory_space<hbm>> -> memref<540000x64xf32, #tpu.memory_space<hbm>>
    tpu.enqueue_indirect_dma source(%dma_start3A_999 : memref<540000x64xf32, #tpu.memory_space<hbm>>) target(%dma_start3A_993 : memref<80x64xf32, #tpu.memory_space<vmem>>) offsets(%dma_start3A_996 : memref<80xi32, #tpu.memory_space<vmem>>) semaphore(%arg10 : memref<!tpu.dma_semaphore, #tpu.memory_space<semaphore_mem>>)
    %dma_start3A_1000 = arith.constant 9 : i32
    %dma_start3A_1001 = arith.constant 9 : i32
    %dma_start3A_1002 = arith.constant 0 : i32
    %dma_start3A_1003 = arith.constant 0 : i32
    %dma_start3A_1004 = tpu.memref_slice %arg8[%dma_start3A_1001, %dma_start3A_1002, %dma_start3A_1003] : memref<10x80x64xf32, #tpu.memory_space<vmem>> -> memref<1x80x64xf32, #tpu.memory_space<vmem>>
    %dma_start3A_1005 = tpu.memref_squeeze %dma_start3A_1004 : memref<1x80x64xf32, #tpu.memory_space<vmem>> -> memref<80x64xf32, #tpu.memory_space<vmem>>
    %dma_start3A_1006 = arith.constant 0 : i32
    %dma_start3A_1007 = tpu.memref_slice %arg6[%dma_start3A_1000, %dma_start3A_1006] : memref<125x80xi32, #tpu.memory_space<vmem>> -> memref<1x80xi32, #tpu.memory_space<vmem>>
    %dma_start3A_1008 = tpu.memref_squeeze %dma_start3A_1007 : memref<1x80xi32, #tpu.memory_space<vmem>> -> memref<80xi32, #tpu.memory_space<vmem>>
    %dma_start3A_1009 = arith.constant 0 : i32
    %dma_start3A_1010 = arith.constant 0 : i32
    %dma_start3A_1011 = tpu.memref_slice %arg2[%dma_start3A_1009, %dma_start3A_1010] : memref<540000x64xf32, #tpu.memory_space<hbm>> -> memref<540000x64xf32, #tpu.memory_space<hbm>>
    tpu.enqueue_indirect_dma source(%dma_start3A_1011 : memref<540000x64xf32, #tpu.memory_space<hbm>>) target(%dma_start3A_1005 : memref<80x64xf32, #tpu.memory_space<vmem>>) offsets(%dma_start3A_1008 : memref<80xi32, #tpu.memory_space<vmem>>) semaphore(%arg10 : memref<!tpu.dma_semaphore, #tpu.memory_space<semaphore_mem>>)
    %scan3A_1012 = arith.constant 0 : i32
    %scan3A_1013 = arith.constant 0 : i32
    %scan3A_1014 = arith.constant 11 : i32
    %scan3A_1015 = arith.addi %scan3A_1013, %scan3A_1014 : i32
    %scan3A_1016 = arith.constant 1 : i32
    %scan3A_1017 = scf.for %scan3A_1532 = %scan3A_1013 to %scan3A_1015 step %scan3A_1016 iter_args(%scan3A_1533 = %scan3A_1012) -> (i32)  : i32 {
      %mul3A_1534 = arith.constant 2 : i32
      %mul3A_1535 = arith.muli %mul3A_1534, %scan3A_1532 : i32
      %add3A_1536 = arith.constant 1 : i32
      %add3A_1537 = arith.addi %mul3A_1535, %add3A_1536 : i32
      %mul3A_1538 = arith.constant 5 : i32
      %mul3A_1539 = arith.muli %add3A_1537, %mul3A_1538 : i32
      %add3A_1540 = arith.constant 0 : i32
      %add3A_1541 = arith.addi %mul3A_1539, %add3A_1540 : i32
      %dma_wait3A_1542 = arith.constant 5 : i32
      %dma_wait3A_1543 = arith.constant 0 : i32
      %dma_wait3A_1544 = arith.constant 0 : i32
      %dma_wait3A_1545 = tpu.memref_slice %arg8[%dma_wait3A_1542, %dma_wait3A_1543, %dma_wait3A_1544] : memref<10x80x64xf32, #tpu.memory_space<vmem>> -> memref<1x80x64xf32, #tpu.memory_space<vmem>>
      %dma_wait3A_1546 = tpu.memref_squeeze %dma_wait3A_1545 : memref<1x80x64xf32, #tpu.memory_space<vmem>> -> memref<80x64xf32, #tpu.memory_space<vmem>>
      %dma_wait3A_1547 = arith.constant 0 : i32
      %dma_wait3A_1548 = tpu.memref_slice %arg6[%add3A_1541, %dma_wait3A_1547] : memref<125x80xi32, #tpu.memory_space<vmem>> -> memref<1x80xi32, #tpu.memory_space<vmem>>
      %dma_wait3A_1549 = tpu.memref_squeeze %dma_wait3A_1548 : memref<1x80xi32, #tpu.memory_space<vmem>> -> memref<80xi32, #tpu.memory_space<vmem>>
      %dma_wait3A_1550 = arith.constant 0 : i32
      %dma_wait3A_1551 = arith.constant 0 : i32
      %dma_wait3A_1552 = tpu.memref_slice %arg2[%dma_wait3A_1550, %dma_wait3A_1551] : memref<540000x64xf32, #tpu.memory_space<hbm>> -> memref<540000x64xf32, #tpu.memory_space<hbm>>
      tpu.wait_indirect_dma semaphore(%arg10 : memref<!tpu.dma_semaphore, #tpu.memory_space<semaphore_mem>>) src(%dma_wait3A_1552 : memref<540000x64xf32, #tpu.memory_space<hbm>>) dst(%dma_wait3A_1546 : memref<80x64xf32, #tpu.memory_space<vmem>>)
      %mul3A_1553 = arith.constant 5 : i32
      %mul3A_1554 = arith.muli %add3A_1537, %mul3A_1553 : i32
      %add3A_1555 = arith.constant 1 : i32
      %add3A_1556 = arith.addi %mul3A_1554, %add3A_1555 : i32
      %dma_wait3A_1557 = arith.constant 6 : i32
      %dma_wait3A_1558 = arith.constant 0 : i32
      %dma_wait3A_1559 = arith.constant 0 : i32
      %dma_wait3A_1560 = tpu.memref_slice %arg8[%dma_wait3A_1557, %dma_wait3A_1558, %dma_wait3A_1559] : memref<10x80x64xf32, #tpu.memory_space<vmem>> -> memref<1x80x64xf32, #tpu.memory_space<vmem>>
      %dma_wait3A_1561 = tpu.memref_squeeze %dma_wait3A_1560 : memref<1x80x64xf32, #tpu.memory_space<vmem>> -> memref<80x64xf32, #tpu.memory_space<vmem>>
      %dma_wait3A_1562 = arith.constant 0 : i32
      %dma_wait3A_1563 = tpu.memref_slice %arg6[%add3A_1556, %dma_wait3A_1562] : memref<125x80xi32, #tpu.memory_space<vmem>> -> memref<1x80xi32, #tpu.memory_space<vmem>>
      %dma_wait3A_1564 = tpu.memref_squeeze %dma_wait3A_1563 : memref<1x80xi32, #tpu.memory_space<vmem>> -> memref<80xi32, #tpu.memory_space<vmem>>
      %dma_wait3A_1565 = arith.constant 0 : i32
      %dma_wait3A_1566 = arith.constant 0 : i32
      %dma_wait3A_1567 = tpu.memref_slice %arg2[%dma_wait3A_1565, %dma_wait3A_1566] : memref<540000x64xf32, #tpu.memory_space<hbm>> -> memref<540000x64xf32, #tpu.memory_space<hbm>>
      tpu.wait_indirect_dma semaphore(%arg10 : memref<!tpu.dma_semaphore, #tpu.memory_space<semaphore_mem>>) src(%dma_wait3A_1567 : memref<540000x64xf32, #tpu.memory_space<hbm>>) dst(%dma_wait3A_1561 : memref<80x64xf32, #tpu.memory_space<vmem>>)
      %mul3A_1568 = arith.constant 5 : i32
      %mul3A_1569 = arith.muli %add3A_1537, %mul3A_1568 : i32
      %add3A_1570 = arith.constant 2 : i32
      %add3A_1571 = arith.addi %mul3A_1569, %add3A_1570 : i32
      %dma_wait3A_1572 = arith.constant 7 : i32
      %dma_wait3A_1573 = arith.constant 0 : i32
      %dma_wait3A_1574 = arith.constant 0 : i32
      %dma_wait3A_1575 = tpu.memref_slice %arg8[%dma_wait3A_1572, %dma_wait3A_1573, %dma_wait3A_1574] : memref<10x80x64xf32, #tpu.memory_space<vmem>> -> memref<1x80x64xf32, #tpu.memory_space<vmem>>
      %dma_wait3A_1576 = tpu.memref_squeeze %dma_wait3A_1575 : memref<1x80x64xf32, #tpu.memory_space<vmem>> -> memref<80x64xf32, #tpu.memory_space<vmem>>
      %dma_wait3A_1577 = arith.constant 0 : i32
      %dma_wait3A_1578 = tpu.memref_slice %arg6[%add3A_1571, %dma_wait3A_1577] : memref<125x80xi32, #tpu.memory_space<vmem>> -> memref<1x80xi32, #tpu.memory_space<vmem>>
      %dma_wait3A_1579 = tpu.memref_squeeze %dma_wait3A_1578 : memref<1x80xi32, #tpu.memory_space<vmem>> -> memref<80xi32, #tpu.memory_space<vmem>>
      %dma_wait3A_1580 = arith.constant 0 : i32
      %dma_wait3A_1581 = arith.constant 0 : i32
      %dma_wait3A_1582 = tpu.memref_slice %arg2[%dma_wait3A_1580, %dma_wait3A_1581] : memref<540000x64xf32, #tpu.memory_space<hbm>> -> memref<540000x64xf32, #tpu.memory_space<hbm>>
      tpu.wait_indirect_dma semaphore(%arg10 : memref<!tpu.dma_semaphore, #tpu.memory_space<semaphore_mem>>) src(%dma_wait3A_1582 : memref<540000x64xf32, #tpu.memory_space<hbm>>) dst(%dma_wait3A_1576 : memref<80x64xf32, #tpu.memory_space<vmem>>)
      %mul3A_1583 = arith.constant 5 : i32
      %mul3A_1584 = arith.muli %add3A_1537, %mul3A_1583 : i32
      %add3A_1585 = arith.constant 3 : i32
      %add3A_1586 = arith.addi %mul3A_1584, %add3A_1585 : i32
      %dma_wait3A_1587 = arith.constant 8 : i32
      %dma_wait3A_1588 = arith.constant 0 : i32
      %dma_wait3A_1589 = arith.constant 0 : i32
      %dma_wait3A_1590 = tpu.memref_slice %arg8[%dma_wait3A_1587, %dma_wait3A_1588, %dma_wait3A_1589] : memref<10x80x64xf32, #tpu.memory_space<vmem>> -> memref<1x80x64xf32, #tpu.memory_space<vmem>>
      %dma_wait3A_1591 = tpu.memref_squeeze %dma_wait3A_1590 : memref<1x80x64xf32, #tpu.memory_space<vmem>> -> memref<80x64xf32, #tpu.memory_space<vmem>>
      %dma_wait3A_1592 = arith.constant 0 : i32
      %dma_wait3A_1593 = tpu.memref_slice %arg6[%add3A_1586, %dma_wait3A_1592] : memref<125x80xi32, #tpu.memory_space<vmem>> -> memref<1x80xi32, #tpu.memory_space<vmem>>
      %dma_wait3A_1594 = tpu.memref_squeeze %dma_wait3A_1593 : memref<1x80xi32, #tpu.memory_space<vmem>> -> memref<80xi32, #tpu.memory_space<vmem>>
      %dma_wait3A_1595 = arith.constant 0 : i32
      %dma_wait3A_1596 = arith.constant 0 : i32
      %dma_wait3A_1597 = tpu.memref_slice %arg2[%dma_wait3A_1595, %dma_wait3A_1596] : memref<540000x64xf32, #tpu.memory_space<hbm>> -> memref<540000x64xf32, #tpu.memory_space<hbm>>
      tpu.wait_indirect_dma semaphore(%arg10 : memref<!tpu.dma_semaphore, #tpu.memory_space<semaphore_mem>>) src(%dma_wait3A_1597 : memref<540000x64xf32, #tpu.memory_space<hbm>>) dst(%dma_wait3A_1591 : memref<80x64xf32, #tpu.memory_space<vmem>>)
      %mul3A_1598 = arith.constant 5 : i32
      %mul3A_1599 = arith.muli %add3A_1537, %mul3A_1598 : i32
      %add3A_1600 = arith.constant 4 : i32
      %add3A_1601 = arith.addi %mul3A_1599, %add3A_1600 : i32
      %dma_wait3A_1602 = arith.constant 9 : i32
      %dma_wait3A_1603 = arith.constant 0 : i32
      %dma_wait3A_1604 = arith.constant 0 : i32
      %dma_wait3A_1605 = tpu.memref_slice %arg8[%dma_wait3A_1602, %dma_wait3A_1603, %dma_wait3A_1604] : memref<10x80x64xf32, #tpu.memory_space<vmem>> -> memref<1x80x64xf32, #tpu.memory_space<vmem>>
      %dma_wait3A_1606 = tpu.memref_squeeze %dma_wait3A_1605 : memref<1x80x64xf32, #tpu.memory_space<vmem>> -> memref<80x64xf32, #tpu.memory_space<vmem>>
      %dma_wait3A_1607 = arith.constant 0 : i32
      %dma_wait3A_1608 = tpu.memref_slice %arg6[%add3A_1601, %dma_wait3A_1607] : memref<125x80xi32, #tpu.memory_space<vmem>> -> memref<1x80xi32, #tpu.memory_space<vmem>>
      %dma_wait3A_1609 = tpu.memref_squeeze %dma_wait3A_1608 : memref<1x80xi32, #tpu.memory_space<vmem>> -> memref<80xi32, #tpu.memory_space<vmem>>
      %dma_wait3A_1610 = arith.constant 0 : i32
      %dma_wait3A_1611 = arith.constant 0 : i32
      %dma_wait3A_1612 = tpu.memref_slice %arg2[%dma_wait3A_1610, %dma_wait3A_1611] : memref<540000x64xf32, #tpu.memory_space<hbm>> -> memref<540000x64xf32, #tpu.memory_space<hbm>>
      tpu.wait_indirect_dma semaphore(%arg10 : memref<!tpu.dma_semaphore, #tpu.memory_space<semaphore_mem>>) src(%dma_wait3A_1612 : memref<540000x64xf32, #tpu.memory_space<hbm>>) dst(%dma_wait3A_1606 : memref<80x64xf32, #tpu.memory_space<vmem>>)
      %mul3A_1613 = arith.constant 5 : i32
      %mul3A_1614 = arith.muli %add3A_1537, %mul3A_1613 : i32
      %add3A_1615 = arith.constant 0 : i32
      %add3A_1616 = arith.addi %mul3A_1614, %add3A_1615 : i32
      %dma_start3A_1617 = arith.constant 5 : i32
      %dma_start3A_1618 = arith.constant 0 : i32
      %dma_start3A_1619 = arith.constant 0 : i32
      %dma_start3A_1620 = tpu.memref_slice %arg8[%dma_start3A_1617, %dma_start3A_1618, %dma_start3A_1619] : memref<10x80x64xf32, #tpu.memory_space<vmem>> -> memref<1x80x64xf32, #tpu.memory_space<vmem>>
      %dma_start3A_1621 = tpu.memref_squeeze %dma_start3A_1620 : memref<1x80x64xf32, #tpu.memory_space<vmem>> -> memref<80x64xf32, #tpu.memory_space<vmem>>
      %dma_start3A_1622 = arith.constant 0 : i32
      %dma_start3A_1623 = tpu.memref_slice %arg7[%add3A_1616, %dma_start3A_1622] : memref<125x80xi32, #tpu.memory_space<vmem>> -> memref<1x80xi32, #tpu.memory_space<vmem>>
      %dma_start3A_1624 = tpu.memref_squeeze %dma_start3A_1623 : memref<1x80xi32, #tpu.memory_space<vmem>> -> memref<80xi32, #tpu.memory_space<vmem>>
      %dma_start3A_1625 = arith.constant 0 : i32
      %dma_start3A_1626 = arith.constant 0 : i32
      %dma_start3A_1627 = tpu.memref_slice %arg9[%dma_start3A_1625, %dma_start3A_1626] : memref<10240x64xf32, #tpu.memory_space<vmem_shared>> -> memref<10240x64xf32, #tpu.memory_space<vmem_shared>>
      tpu.enqueue_indirect_dma source(%dma_start3A_1621 : memref<80x64xf32, #tpu.memory_space<vmem>>) target(%dma_start3A_1627 : memref<10240x64xf32, #tpu.memory_space<vmem_shared>>) offsets(%dma_start3A_1624 : memref<80xi32, #tpu.memory_space<vmem>>) semaphore(%arg11 : memref<!tpu.dma_semaphore, #tpu.memory_space<semaphore_mem>>) {add = true}
      %mul3A_1628 = arith.constant 5 : i32
      %mul3A_1629 = arith.muli %add3A_1537, %mul3A_1628 : i32
      %add3A_1630 = arith.constant 1 : i32
      %add3A_1631 = arith.addi %mul3A_1629, %add3A_1630 : i32
      %dma_start3A_1632 = arith.constant 6 : i32
      %dma_start3A_1633 = arith.constant 0 : i32
      %dma_start3A_1634 = arith.constant 0 : i32
      %dma_start3A_1635 = tpu.memref_slice %arg8[%dma_start3A_1632, %dma_start3A_1633, %dma_start3A_1634] : memref<10x80x64xf32, #tpu.memory_space<vmem>> -> memref<1x80x64xf32, #tpu.memory_space<vmem>>
      %dma_start3A_1636 = tpu.memref_squeeze %dma_start3A_1635 : memref<1x80x64xf32, #tpu.memory_space<vmem>> -> memref<80x64xf32, #tpu.memory_space<vmem>>
      %dma_start3A_1637 = arith.constant 0 : i32
      %dma_start3A_1638 = tpu.memref_slice %arg7[%add3A_1631, %dma_start3A_1637] : memref<125x80xi32, #tpu.memory_space<vmem>> -> memref<1x80xi32, #tpu.memory_space<vmem>>
      %dma_start3A_1639 = tpu.memref_squeeze %dma_start3A_1638 : memref<1x80xi32, #tpu.memory_space<vmem>> -> memref<80xi32, #tpu.memory_space<vmem>>
      %dma_start3A_1640 = arith.constant 0 : i32
      %dma_start3A_1641 = arith.constant 0 : i32
      %dma_start3A_1642 = tpu.memref_slice %arg9[%dma_start3A_1640, %dma_start3A_1641] : memref<10240x64xf32, #tpu.memory_space<vmem_shared>> -> memref<10240x64xf32, #tpu.memory_space<vmem_shared>>
      tpu.enqueue_indirect_dma source(%dma_start3A_1636 : memref<80x64xf32, #tpu.memory_space<vmem>>) target(%dma_start3A_1642 : memref<10240x64xf32, #tpu.memory_space<vmem_shared>>) offsets(%dma_start3A_1639 : memref<80xi32, #tpu.memory_space<vmem>>) semaphore(%arg11 : memref<!tpu.dma_semaphore, #tpu.memory_space<semaphore_mem>>) {add = true}
      %mul3A_1643 = arith.constant 5 : i32
      %mul3A_1644 = arith.muli %add3A_1537, %mul3A_1643 : i32
      %add3A_1645 = arith.constant 2 : i32
      %add3A_1646 = arith.addi %mul3A_1644, %add3A_1645 : i32
      %dma_start3A_1647 = arith.constant 7 : i32
      %dma_start3A_1648 = arith.constant 0 : i32
      %dma_start3A_1649 = arith.constant 0 : i32
      %dma_start3A_1650 = tpu.memref_slice %arg8[%dma_start3A_1647, %dma_start3A_1648, %dma_start3A_1649] : memref<10x80x64xf32, #tpu.memory_space<vmem>> -> memref<1x80x64xf32, #tpu.memory_space<vmem>>
      %dma_start3A_1651 = tpu.memref_squeeze %dma_start3A_1650 : memref<1x80x64xf32, #tpu.memory_space<vmem>> -> memref<80x64xf32, #tpu.memory_space<vmem>>
      %dma_start3A_1652 = arith.constant 0 : i32
      %dma_start3A_1653 = tpu.memref_slice %arg7[%add3A_1646, %dma_start3A_1652] : memref<125x80xi32, #tpu.memory_space<vmem>> -> memref<1x80xi32, #tpu.memory_space<vmem>>
      %dma_start3A_1654 = tpu.memref_squeeze %dma_start3A_1653 : memref<1x80xi32, #tpu.memory_space<vmem>> -> memref<80xi32, #tpu.memory_space<vmem>>
      %dma_start3A_1655 = arith.constant 0 : i32
      %dma_start3A_1656 = arith.constant 0 : i32
      %dma_start3A_1657 = tpu.memref_slice %arg9[%dma_start3A_1655, %dma_start3A_1656] : memref<10240x64xf32, #tpu.memory_space<vmem_shared>> -> memref<10240x64xf32, #tpu.memory_space<vmem_shared>>
      tpu.enqueue_indirect_dma source(%dma_start3A_1651 : memref<80x64xf32, #tpu.memory_space<vmem>>) target(%dma_start3A_1657 : memref<10240x64xf32, #tpu.memory_space<vmem_shared>>) offsets(%dma_start3A_1654 : memref<80xi32, #tpu.memory_space<vmem>>) semaphore(%arg11 : memref<!tpu.dma_semaphore, #tpu.memory_space<semaphore_mem>>) {add = true}
      %mul3A_1658 = arith.constant 5 : i32
      %mul3A_1659 = arith.muli %add3A_1537, %mul3A_1658 : i32
      %add3A_1660 = arith.constant 3 : i32
      %add3A_1661 = arith.addi %mul3A_1659, %add3A_1660 : i32
      %dma_start3A_1662 = arith.constant 8 : i32
      %dma_start3A_1663 = arith.constant 0 : i32
      %dma_start3A_1664 = arith.constant 0 : i32
      %dma_start3A_1665 = tpu.memref_slice %arg8[%dma_start3A_1662, %dma_start3A_1663, %dma_start3A_1664] : memref<10x80x64xf32, #tpu.memory_space<vmem>> -> memref<1x80x64xf32, #tpu.memory_space<vmem>>
      %dma_start3A_1666 = tpu.memref_squeeze %dma_start3A_1665 : memref<1x80x64xf32, #tpu.memory_space<vmem>> -> memref<80x64xf32, #tpu.memory_space<vmem>>
      %dma_start3A_1667 = arith.constant 0 : i32
      %dma_start3A_1668 = tpu.memref_slice %arg7[%add3A_1661, %dma_start3A_1667] : memref<125x80xi32, #tpu.memory_space<vmem>> -> memref<1x80xi32, #tpu.memory_space<vmem>>
      %dma_start3A_1669 = tpu.memref_squeeze %dma_start3A_1668 : memref<1x80xi32, #tpu.memory_space<vmem>> -> memref<80xi32, #tpu.memory_space<vmem>>
      %dma_start3A_1670 = arith.constant 0 : i32
      %dma_start3A_1671 = arith.constant 0 : i32
      %dma_start3A_1672 = tpu.memref_slice %arg9[%dma_start3A_1670, %dma_start3A_1671] : memref<10240x64xf32, #tpu.memory_space<vmem_shared>> -> memref<10240x64xf32, #tpu.memory_space<vmem_shared>>
      tpu.enqueue_indirect_dma source(%dma_start3A_1666 : memref<80x64xf32, #tpu.memory_space<vmem>>) target(%dma_start3A_1672 : memref<10240x64xf32, #tpu.memory_space<vmem_shared>>) offsets(%dma_start3A_1669 : memref<80xi32, #tpu.memory_space<vmem>>) semaphore(%arg11 : memref<!tpu.dma_semaphore, #tpu.memory_space<semaphore_mem>>) {add = true}
      %mul3A_1673 = arith.constant 5 : i32
      %mul3A_1674 = arith.muli %add3A_1537, %mul3A_1673 : i32
      %add3A_1675 = arith.constant 4 : i32
      %add3A_1676 = arith.addi %mul3A_1674, %add3A_1675 : i32
      %dma_start3A_1677 = arith.constant 9 : i32
      %dma_start3A_1678 = arith.constant 0 : i32
      %dma_start3A_1679 = arith.constant 0 : i32
      %dma_start3A_1680 = tpu.memref_slice %arg8[%dma_start3A_1677, %dma_start3A_1678, %dma_start3A_1679] : memref<10x80x64xf32, #tpu.memory_space<vmem>> -> memref<1x80x64xf32, #tpu.memory_space<vmem>>
      %dma_start3A_1681 = tpu.memref_squeeze %dma_start3A_1680 : memref<1x80x64xf32, #tpu.memory_space<vmem>> -> memref<80x64xf32, #tpu.memory_space<vmem>>
      %dma_start3A_1682 = arith.constant 0 : i32
      %dma_start3A_1683 = tpu.memref_slice %arg7[%add3A_1676, %dma_start3A_1682] : memref<125x80xi32, #tpu.memory_space<vmem>> -> memref<1x80xi32, #tpu.memory_space<vmem>>
      %dma_start3A_1684 = tpu.memref_squeeze %dma_start3A_1683 : memref<1x80xi32, #tpu.memory_space<vmem>> -> memref<80xi32, #tpu.memory_space<vmem>>
      %dma_start3A_1685 = arith.constant 0 : i32
      %dma_start3A_1686 = arith.constant 0 : i32
      %dma_start3A_1687 = tpu.memref_slice %arg9[%dma_start3A_1685, %dma_start3A_1686] : memref<10240x64xf32, #tpu.memory_space<vmem_shared>> -> memref<10240x64xf32, #tpu.memory_space<vmem_shared>>
      tpu.enqueue_indirect_dma source(%dma_start3A_1681 : memref<80x64xf32, #tpu.memory_space<vmem>>) target(%dma_start3A_1687 : memref<10240x64xf32, #tpu.memory_space<vmem_shared>>) offsets(%dma_start3A_1684 : memref<80xi32, #tpu.memory_space<vmem>>) semaphore(%arg11 : memref<!tpu.dma_semaphore, #tpu.memory_space<semaphore_mem>>) {add = true}
      %sub3A = arith.constant 1 : i32
      %sub3A_1688 = arith.subi %add3A_1537, %sub3A : i32
      %mul3A_1689 = arith.constant 5 : i32
      %mul3A_1690 = arith.muli %sub3A_1688, %mul3A_1689 : i32
      %add3A_1691 = arith.constant 0 : i32
      %add3A_1692 = arith.addi %mul3A_1690, %add3A_1691 : i32
      %dma_wait3A_1693 = arith.constant 0 : i32
      %dma_wait3A_1694 = arith.constant 0 : i32
      %dma_wait3A_1695 = arith.constant 0 : i32
      %dma_wait3A_1696 = tpu.memref_slice %arg8[%dma_wait3A_1693, %dma_wait3A_1694, %dma_wait3A_1695] : memref<10x80x64xf32, #tpu.memory_space<vmem>> -> memref<1x80x64xf32, #tpu.memory_space<vmem>>
      %dma_wait3A_1697 = tpu.memref_squeeze %dma_wait3A_1696 : memref<1x80x64xf32, #tpu.memory_space<vmem>> -> memref<80x64xf32, #tpu.memory_space<vmem>>
      %dma_wait3A_1698 = arith.constant 0 : i32
      %dma_wait3A_1699 = tpu.memref_slice %arg7[%add3A_1692, %dma_wait3A_1698] : memref<125x80xi32, #tpu.memory_space<vmem>> -> memref<1x80xi32, #tpu.memory_space<vmem>>
      %dma_wait3A_1700 = tpu.memref_squeeze %dma_wait3A_1699 : memref<1x80xi32, #tpu.memory_space<vmem>> -> memref<80xi32, #tpu.memory_space<vmem>>
      %dma_wait3A_1701 = arith.constant 0 : i32
      %dma_wait3A_1702 = arith.constant 0 : i32
      %dma_wait3A_1703 = tpu.memref_slice %arg9[%dma_wait3A_1701, %dma_wait3A_1702] : memref<10240x64xf32, #tpu.memory_space<vmem_shared>> -> memref<10240x64xf32, #tpu.memory_space<vmem_shared>>
      tpu.wait_indirect_dma semaphore(%arg11 : memref<!tpu.dma_semaphore, #tpu.memory_space<semaphore_mem>>) src(%dma_wait3A_1697 : memref<80x64xf32, #tpu.memory_space<vmem>>) dst(%dma_wait3A_1703 : memref<10240x64xf32, #tpu.memory_space<vmem_shared>>)
      %mul3A_1704 = arith.constant 5 : i32
      %mul3A_1705 = arith.muli %sub3A_1688, %mul3A_1704 : i32
      %add3A_1706 = arith.constant 1 : i32
      %add3A_1707 = arith.addi %mul3A_1705, %add3A_1706 : i32
      %dma_wait3A_1708 = arith.constant 1 : i32
      %dma_wait3A_1709 = arith.constant 0 : i32
      %dma_wait3A_1710 = arith.constant 0 : i32
      %dma_wait3A_1711 = tpu.memref_slice %arg8[%dma_wait3A_1708, %dma_wait3A_1709, %dma_wait3A_1710] : memref<10x80x64xf32, #tpu.memory_space<vmem>> -> memref<1x80x64xf32, #tpu.memory_space<vmem>>
      %dma_wait3A_1712 = tpu.memref_squeeze %dma_wait3A_1711 : memref<1x80x64xf32, #tpu.memory_space<vmem>> -> memref<80x64xf32, #tpu.memory_space<vmem>>
      %dma_wait3A_1713 = arith.constant 0 : i32
      %dma_wait3A_1714 = tpu.memref_slice %arg7[%add3A_1707, %dma_wait3A_1713] : memref<125x80xi32, #tpu.memory_space<vmem>> -> memref<1x80xi32, #tpu.memory_space<vmem>>
      %dma_wait3A_1715 = tpu.memref_squeeze %dma_wait3A_1714 : memref<1x80xi32, #tpu.memory_space<vmem>> -> memref<80xi32, #tpu.memory_space<vmem>>
      %dma_wait3A_1716 = arith.constant 0 : i32
      %dma_wait3A_1717 = arith.constant 0 : i32
      %dma_wait3A_1718 = tpu.memref_slice %arg9[%dma_wait3A_1716, %dma_wait3A_1717] : memref<10240x64xf32, #tpu.memory_space<vmem_shared>> -> memref<10240x64xf32, #tpu.memory_space<vmem_shared>>
      tpu.wait_indirect_dma semaphore(%arg11 : memref<!tpu.dma_semaphore, #tpu.memory_space<semaphore_mem>>) src(%dma_wait3A_1712 : memref<80x64xf32, #tpu.memory_space<vmem>>) dst(%dma_wait3A_1718 : memref<10240x64xf32, #tpu.memory_space<vmem_shared>>)
      %mul3A_1719 = arith.constant 5 : i32
      %mul3A_1720 = arith.muli %sub3A_1688, %mul3A_1719 : i32
      %add3A_1721 = arith.constant 2 : i32
      %add3A_1722 = arith.addi %mul3A_1720, %add3A_1721 : i32
      %dma_wait3A_1723 = arith.constant 2 : i32
      %dma_wait3A_1724 = arith.constant 0 : i32
      %dma_wait3A_1725 = arith.constant 0 : i32
      %dma_wait3A_1726 = tpu.memref_slice %arg8[%dma_wait3A_1723, %dma_wait3A_1724, %dma_wait3A_1725] : memref<10x80x64xf32, #tpu.memory_space<vmem>> -> memref<1x80x64xf32, #tpu.memory_space<vmem>>
      %dma_wait3A_1727 = tpu.memref_squeeze %dma_wait3A_1726 : memref<1x80x64xf32, #tpu.memory_space<vmem>> -> memref<80x64xf32, #tpu.memory_space<vmem>>
      %dma_wait3A_1728 = arith.constant 0 : i32
      %dma_wait3A_1729 = tpu.memref_slice %arg7[%add3A_1722, %dma_wait3A_1728] : memref<125x80xi32, #tpu.memory_space<vmem>> -> memref<1x80xi32, #tpu.memory_space<vmem>>
      %dma_wait3A_1730 = tpu.memref_squeeze %dma_wait3A_1729 : memref<1x80xi32, #tpu.memory_space<vmem>> -> memref<80xi32, #tpu.memory_space<vmem>>
      %dma_wait3A_1731 = arith.constant 0 : i32
      %dma_wait3A_1732 = arith.constant 0 : i32
      %dma_wait3A_1733 = tpu.memref_slice %arg9[%dma_wait3A_1731, %dma_wait3A_1732] : memref<10240x64xf32, #tpu.memory_space<vmem_shared>> -> memref<10240x64xf32, #tpu.memory_space<vmem_shared>>
      tpu.wait_indirect_dma semaphore(%arg11 : memref<!tpu.dma_semaphore, #tpu.memory_space<semaphore_mem>>) src(%dma_wait3A_1727 : memref<80x64xf32, #tpu.memory_space<vmem>>) dst(%dma_wait3A_1733 : memref<10240x64xf32, #tpu.memory_space<vmem_shared>>)
      %mul3A_1734 = arith.constant 5 : i32
      %mul3A_1735 = arith.muli %sub3A_1688, %mul3A_1734 : i32
      %add3A_1736 = arith.constant 3 : i32
      %add3A_1737 = arith.addi %mul3A_1735, %add3A_1736 : i32
      %dma_wait3A_1738 = arith.constant 3 : i32
      %dma_wait3A_1739 = arith.constant 0 : i32
      %dma_wait3A_1740 = arith.constant 0 : i32
      %dma_wait3A_1741 = tpu.memref_slice %arg8[%dma_wait3A_1738, %dma_wait3A_1739, %dma_wait3A_1740] : memref<10x80x64xf32, #tpu.memory_space<vmem>> -> memref<1x80x64xf32, #tpu.memory_space<vmem>>
      %dma_wait3A_1742 = tpu.memref_squeeze %dma_wait3A_1741 : memref<1x80x64xf32, #tpu.memory_space<vmem>> -> memref<80x64xf32, #tpu.memory_space<vmem>>
      %dma_wait3A_1743 = arith.constant 0 : i32
      %dma_wait3A_1744 = tpu.memref_slice %arg7[%add3A_1737, %dma_wait3A_1743] : memref<125x80xi32, #tpu.memory_space<vmem>> -> memref<1x80xi32, #tpu.memory_space<vmem>>
      %dma_wait3A_1745 = tpu.memref_squeeze %dma_wait3A_1744 : memref<1x80xi32, #tpu.memory_space<vmem>> -> memref<80xi32, #tpu.memory_space<vmem>>
      %dma_wait3A_1746 = arith.constant 0 : i32
      %dma_wait3A_1747 = arith.constant 0 : i32
      %dma_wait3A_1748 = tpu.memref_slice %arg9[%dma_wait3A_1746, %dma_wait3A_1747] : memref<10240x64xf32, #tpu.memory_space<vmem_shared>> -> memref<10240x64xf32, #tpu.memory_space<vmem_shared>>
      tpu.wait_indirect_dma semaphore(%arg11 : memref<!tpu.dma_semaphore, #tpu.memory_space<semaphore_mem>>) src(%dma_wait3A_1742 : memref<80x64xf32, #tpu.memory_space<vmem>>) dst(%dma_wait3A_1748 : memref<10240x64xf32, #tpu.memory_space<vmem_shared>>)
      %mul3A_1749 = arith.constant 5 : i32
      %mul3A_1750 = arith.muli %sub3A_1688, %mul3A_1749 : i32
      %add3A_1751 = arith.constant 4 : i32
      %add3A_1752 = arith.addi %mul3A_1750, %add3A_1751 : i32
      %dma_wait3A_1753 = arith.constant 4 : i32
      %dma_wait3A_1754 = arith.constant 0 : i32
      %dma_wait3A_1755 = arith.constant 0 : i32
      %dma_wait3A_1756 = tpu.memref_slice %arg8[%dma_wait3A_1753, %dma_wait3A_1754, %dma_wait3A_1755] : memref<10x80x64xf32, #tpu.memory_space<vmem>> -> memref<1x80x64xf32, #tpu.memory_space<vmem>>
      %dma_wait3A_1757 = tpu.memref_squeeze %dma_wait3A_1756 : memref<1x80x64xf32, #tpu.memory_space<vmem>> -> memref<80x64xf32, #tpu.memory_space<vmem>>
      %dma_wait3A_1758 = arith.constant 0 : i32
      %dma_wait3A_1759 = tpu.memref_slice %arg7[%add3A_1752, %dma_wait3A_1758] : memref<125x80xi32, #tpu.memory_space<vmem>> -> memref<1x80xi32, #tpu.memory_space<vmem>>
      %dma_wait3A_1760 = tpu.memref_squeeze %dma_wait3A_1759 : memref<1x80xi32, #tpu.memory_space<vmem>> -> memref<80xi32, #tpu.memory_space<vmem>>
      %dma_wait3A_1761 = arith.constant 0 : i32
      %dma_wait3A_1762 = arith.constant 0 : i32
      %dma_wait3A_1763 = tpu.memref_slice %arg9[%dma_wait3A_1761, %dma_wait3A_1762] : memref<10240x64xf32, #tpu.memory_space<vmem_shared>> -> memref<10240x64xf32, #tpu.memory_space<vmem_shared>>
      tpu.wait_indirect_dma semaphore(%arg11 : memref<!tpu.dma_semaphore, #tpu.memory_space<semaphore_mem>>) src(%dma_wait3A_1757 : memref<80x64xf32, #tpu.memory_space<vmem>>) dst(%dma_wait3A_1763 : memref<10240x64xf32, #tpu.memory_space<vmem_shared>>)
      %add3A_1764 = arith.constant 1 : i32
      %add3A_1765 = arith.addi %add3A_1537, %add3A_1764 : i32
      %mul3A_1766 = arith.constant 5 : i32
      %mul3A_1767 = arith.muli %add3A_1765, %mul3A_1766 : i32
      %add3A_1768 = arith.constant 0 : i32
      %add3A_1769 = arith.addi %mul3A_1767, %add3A_1768 : i32
      %dma_start3A_1770 = arith.constant 0 : i32
      %dma_start3A_1771 = arith.constant 0 : i32
      %dma_start3A_1772 = arith.constant 0 : i32
      %dma_start3A_1773 = tpu.memref_slice %arg8[%dma_start3A_1770, %dma_start3A_1771, %dma_start3A_1772] : memref<10x80x64xf32, #tpu.memory_space<vmem>> -> memref<1x80x64xf32, #tpu.memory_space<vmem>>
      %dma_start3A_1774 = tpu.memref_squeeze %dma_start3A_1773 : memref<1x80x64xf32, #tpu.memory_space<vmem>> -> memref<80x64xf32, #tpu.memory_space<vmem>>
      %dma_start3A_1775 = arith.constant 0 : i32
      %dma_start3A_1776 = tpu.memref_slice %arg6[%add3A_1769, %dma_start3A_1775] : memref<125x80xi32, #tpu.memory_space<vmem>> -> memref<1x80xi32, #tpu.memory_space<vmem>>
      %dma_start3A_1777 = tpu.memref_squeeze %dma_start3A_1776 : memref<1x80xi32, #tpu.memory_space<vmem>> -> memref<80xi32, #tpu.memory_space<vmem>>
      %dma_start3A_1778 = arith.constant 0 : i32
      %dma_start3A_1779 = arith.constant 0 : i32
      %dma_start3A_1780 = tpu.memref_slice %arg2[%dma_start3A_1778, %dma_start3A_1779] : memref<540000x64xf32, #tpu.memory_space<hbm>> -> memref<540000x64xf32, #tpu.memory_space<hbm>>
      tpu.enqueue_indirect_dma source(%dma_start3A_1780 : memref<540000x64xf32, #tpu.memory_space<hbm>>) target(%dma_start3A_1774 : memref<80x64xf32, #tpu.memory_space<vmem>>) offsets(%dma_start3A_1777 : memref<80xi32, #tpu.memory_space<vmem>>) semaphore(%arg10 : memref<!tpu.dma_semaphore, #tpu.memory_space<semaphore_mem>>)
      %mul3A_1781 = arith.constant 5 : i32
      %mul3A_1782 = arith.muli %add3A_1765, %mul3A_1781 : i32
      %add3A_1783 = arith.constant 1 : i32
      %add3A_1784 = arith.addi %mul3A_1782, %add3A_1783 : i32
      %dma_start3A_1785 = arith.constant 1 : i32
      %dma_start3A_1786 = arith.constant 0 : i32
      %dma_start3A_1787 = arith.constant 0 : i32
      %dma_start3A_1788 = tpu.memref_slice %arg8[%dma_start3A_1785, %dma_start3A_1786, %dma_start3A_1787] : memref<10x80x64xf32, #tpu.memory_space<vmem>> -> memref<1x80x64xf32, #tpu.memory_space<vmem>>
      %dma_start3A_1789 = tpu.memref_squeeze %dma_start3A_1788 : memref<1x80x64xf32, #tpu.memory_space<vmem>> -> memref<80x64xf32, #tpu.memory_space<vmem>>
      %dma_start3A_1790 = arith.constant 0 : i32
      %dma_start3A_1791 = tpu.memref_slice %arg6[%add3A_1784, %dma_start3A_1790] : memref<125x80xi32, #tpu.memory_space<vmem>> -> memref<1x80xi32, #tpu.memory_space<vmem>>
      %dma_start3A_1792 = tpu.memref_squeeze %dma_start3A_1791 : memref<1x80xi32, #tpu.memory_space<vmem>> -> memref<80xi32, #tpu.memory_space<vmem>>
      %dma_start3A_1793 = arith.constant 0 : i32
      %dma_start3A_1794 = arith.constant 0 : i32
      %dma_start3A_1795 = tpu.memref_slice %arg2[%dma_start3A_1793, %dma_start3A_1794] : memref<540000x64xf32, #tpu.memory_space<hbm>> -> memref<540000x64xf32, #tpu.memory_space<hbm>>
      tpu.enqueue_indirect_dma source(%dma_start3A_1795 : memref<540000x64xf32, #tpu.memory_space<hbm>>) target(%dma_start3A_1789 : memref<80x64xf32, #tpu.memory_space<vmem>>) offsets(%dma_start3A_1792 : memref<80xi32, #tpu.memory_space<vmem>>) semaphore(%arg10 : memref<!tpu.dma_semaphore, #tpu.memory_space<semaphore_mem>>)
      %mul3A_1796 = arith.constant 5 : i32
      %mul3A_1797 = arith.muli %add3A_1765, %mul3A_1796 : i32
      %add3A_1798 = arith.constant 2 : i32
      %add3A_1799 = arith.addi %mul3A_1797, %add3A_1798 : i32
      %dma_start3A_1800 = arith.constant 2 : i32
      %dma_start3A_1801 = arith.constant 0 : i32
      %dma_start3A_1802 = arith.constant 0 : i32
      %dma_start3A_1803 = tpu.memref_slice %arg8[%dma_start3A_1800, %dma_start3A_1801, %dma_start3A_1802] : memref<10x80x64xf32, #tpu.memory_space<vmem>> -> memref<1x80x64xf32, #tpu.memory_space<vmem>>
      %dma_start3A_1804 = tpu.memref_squeeze %dma_start3A_1803 : memref<1x80x64xf32, #tpu.memory_space<vmem>> -> memref<80x64xf32, #tpu.memory_space<vmem>>
      %dma_start3A_1805 = arith.constant 0 : i32
      %dma_start3A_1806 = tpu.memref_slice %arg6[%add3A_1799, %dma_start3A_1805] : memref<125x80xi32, #tpu.memory_space<vmem>> -> memref<1x80xi32, #tpu.memory_space<vmem>>
      %dma_start3A_1807 = tpu.memref_squeeze %dma_start3A_1806 : memref<1x80xi32, #tpu.memory_space<vmem>> -> memref<80xi32, #tpu.memory_space<vmem>>
      %dma_start3A_1808 = arith.constant 0 : i32
      %dma_start3A_1809 = arith.constant 0 : i32
      %dma_start3A_1810 = tpu.memref_slice %arg2[%dma_start3A_1808, %dma_start3A_1809] : memref<540000x64xf32, #tpu.memory_space<hbm>> -> memref<540000x64xf32, #tpu.memory_space<hbm>>
      tpu.enqueue_indirect_dma source(%dma_start3A_1810 : memref<540000x64xf32, #tpu.memory_space<hbm>>) target(%dma_start3A_1804 : memref<80x64xf32, #tpu.memory_space<vmem>>) offsets(%dma_start3A_1807 : memref<80xi32, #tpu.memory_space<vmem>>) semaphore(%arg10 : memref<!tpu.dma_semaphore, #tpu.memory_space<semaphore_mem>>)
      %mul3A_1811 = arith.constant 5 : i32
      %mul3A_1812 = arith.muli %add3A_1765, %mul3A_1811 : i32
      %add3A_1813 = arith.constant 3 : i32
      %add3A_1814 = arith.addi %mul3A_1812, %add3A_1813 : i32
      %dma_start3A_1815 = arith.constant 3 : i32
      %dma_start3A_1816 = arith.constant 0 : i32
      %dma_start3A_1817 = arith.constant 0 : i32
      %dma_start3A_1818 = tpu.memref_slice %arg8[%dma_start3A_1815, %dma_start3A_1816, %dma_start3A_1817] : memref<10x80x64xf32, #tpu.memory_space<vmem>> -> memref<1x80x64xf32, #tpu.memory_space<vmem>>
      %dma_start3A_1819 = tpu.memref_squeeze %dma_start3A_1818 : memref<1x80x64xf32, #tpu.memory_space<vmem>> -> memref<80x64xf32, #tpu.memory_space<vmem>>
      %dma_start3A_1820 = arith.constant 0 : i32
      %dma_start3A_1821 = tpu.memref_slice %arg6[%add3A_1814, %dma_start3A_1820] : memref<125x80xi32, #tpu.memory_space<vmem>> -> memref<1x80xi32, #tpu.memory_space<vmem>>
      %dma_start3A_1822 = tpu.memref_squeeze %dma_start3A_1821 : memref<1x80xi32, #tpu.memory_space<vmem>> -> memref<80xi32, #tpu.memory_space<vmem>>
      %dma_start3A_1823 = arith.constant 0 : i32
      %dma_start3A_1824 = arith.constant 0 : i32
      %dma_start3A_1825 = tpu.memref_slice %arg2[%dma_start3A_1823, %dma_start3A_1824] : memref<540000x64xf32, #tpu.memory_space<hbm>> -> memref<540000x64xf32, #tpu.memory_space<hbm>>
      tpu.enqueue_indirect_dma source(%dma_start3A_1825 : memref<540000x64xf32, #tpu.memory_space<hbm>>) target(%dma_start3A_1819 : memref<80x64xf32, #tpu.memory_space<vmem>>) offsets(%dma_start3A_1822 : memref<80xi32, #tpu.memory_space<vmem>>) semaphore(%arg10 : memref<!tpu.dma_semaphore, #tpu.memory_space<semaphore_mem>>)
      %mul3A_1826 = arith.constant 5 : i32
      %mul3A_1827 = arith.muli %add3A_1765, %mul3A_1826 : i32
      %add3A_1828 = arith.constant 4 : i32
      %add3A_1829 = arith.addi %mul3A_1827, %add3A_1828 : i32
      %dma_start3A_1830 = arith.constant 4 : i32
      %dma_start3A_1831 = arith.constant 0 : i32
      %dma_start3A_1832 = arith.constant 0 : i32
      %dma_start3A_1833 = tpu.memref_slice %arg8[%dma_start3A_1830, %dma_start3A_1831, %dma_start3A_1832] : memref<10x80x64xf32, #tpu.memory_space<vmem>> -> memref<1x80x64xf32, #tpu.memory_space<vmem>>
      %dma_start3A_1834 = tpu.memref_squeeze %dma_start3A_1833 : memref<1x80x64xf32, #tpu.memory_space<vmem>> -> memref<80x64xf32, #tpu.memory_space<vmem>>
      %dma_start3A_1835 = arith.constant 0 : i32
      %dma_start3A_1836 = tpu.memref_slice %arg6[%add3A_1829, %dma_start3A_1835] : memref<125x80xi32, #tpu.memory_space<vmem>> -> memref<1x80xi32, #tpu.memory_space<vmem>>
      %dma_start3A_1837 = tpu.memref_squeeze %dma_start3A_1836 : memref<1x80xi32, #tpu.memory_space<vmem>> -> memref<80xi32, #tpu.memory_space<vmem>>
      %dma_start3A_1838 = arith.constant 0 : i32
      %dma_start3A_1839 = arith.constant 0 : i32
      %dma_start3A_1840 = tpu.memref_slice %arg2[%dma_start3A_1838, %dma_start3A_1839] : memref<540000x64xf32, #tpu.memory_space<hbm>> -> memref<540000x64xf32, #tpu.memory_space<hbm>>
      tpu.enqueue_indirect_dma source(%dma_start3A_1840 : memref<540000x64xf32, #tpu.memory_space<hbm>>) target(%dma_start3A_1834 : memref<80x64xf32, #tpu.memory_space<vmem>>) offsets(%dma_start3A_1837 : memref<80xi32, #tpu.memory_space<vmem>>) semaphore(%arg10 : memref<!tpu.dma_semaphore, #tpu.memory_space<semaphore_mem>>)
      %mul3A_1841 = arith.constant 2 : i32
      %mul3A_1842 = arith.muli %mul3A_1841, %scan3A_1532 : i32
      %add3A_1843 = arith.constant 2 : i32
      %add3A_1844 = arith.addi %mul3A_1842, %add3A_1843 : i32
      %mul3A_1845 = arith.constant 5 : i32
      %mul3A_1846 = arith.muli %add3A_1844, %mul3A_1845 : i32
      %add3A_1847 = arith.constant 0 : i32
      %add3A_1848 = arith.addi %mul3A_1846, %add3A_1847 : i32
      %dma_wait3A_1849 = arith.constant 0 : i32
      %dma_wait3A_1850 = arith.constant 0 : i32
      %dma_wait3A_1851 = arith.constant 0 : i32
      %dma_wait3A_1852 = tpu.memref_slice %arg8[%dma_wait3A_1849, %dma_wait3A_1850, %dma_wait3A_1851] : memref<10x80x64xf32, #tpu.memory_space<vmem>> -> memref<1x80x64xf32, #tpu.memory_space<vmem>>
      %dma_wait3A_1853 = tpu.memref_squeeze %dma_wait3A_1852 : memref<1x80x64xf32, #tpu.memory_space<vmem>> -> memref<80x64xf32, #tpu.memory_space<vmem>>
      %dma_wait3A_1854 = arith.constant 0 : i32
      %dma_wait3A_1855 = tpu.memref_slice %arg6[%add3A_1848, %dma_wait3A_1854] : memref<125x80xi32, #tpu.memory_space<vmem>> -> memref<1x80xi32, #tpu.memory_space<vmem>>
      %dma_wait3A_1856 = tpu.memref_squeeze %dma_wait3A_1855 : memref<1x80xi32, #tpu.memory_space<vmem>> -> memref<80xi32, #tpu.memory_space<vmem>>
      %dma_wait3A_1857 = arith.constant 0 : i32
      %dma_wait3A_1858 = arith.constant 0 : i32
      %dma_wait3A_1859 = tpu.memref_slice %arg2[%dma_wait3A_1857, %dma_wait3A_1858] : memref<540000x64xf32, #tpu.memory_space<hbm>> -> memref<540000x64xf32, #tpu.memory_space<hbm>>
      tpu.wait_indirect_dma semaphore(%arg10 : memref<!tpu.dma_semaphore, #tpu.memory_space<semaphore_mem>>) src(%dma_wait3A_1859 : memref<540000x64xf32, #tpu.memory_space<hbm>>) dst(%dma_wait3A_1853 : memref<80x64xf32, #tpu.memory_space<vmem>>)
      %mul3A_1860 = arith.constant 5 : i32
      %mul3A_1861 = arith.muli %add3A_1844, %mul3A_1860 : i32
      %add3A_1862 = arith.constant 1 : i32
      %add3A_1863 = arith.addi %mul3A_1861, %add3A_1862 : i32
      %dma_wait3A_1864 = arith.constant 1 : i32
      %dma_wait3A_1865 = arith.constant 0 : i32
      %dma_wait3A_1866 = arith.constant 0 : i32
      %dma_wait3A_1867 = tpu.memref_slice %arg8[%dma_wait3A_1864, %dma_wait3A_1865, %dma_wait3A_1866] : memref<10x80x64xf32, #tpu.memory_space<vmem>> -> memref<1x80x64xf32, #tpu.memory_space<vmem>>
      %dma_wait3A_1868 = tpu.memref_squeeze %dma_wait3A_1867 : memref<1x80x64xf32, #tpu.memory_space<vmem>> -> memref<80x64xf32, #tpu.memory_space<vmem>>
      %dma_wait3A_1869 = arith.constant 0 : i32
      %dma_wait3A_1870 = tpu.memref_slice %arg6[%add3A_1863, %dma_wait3A_1869] : memref<125x80xi32, #tpu.memory_space<vmem>> -> memref<1x80xi32, #tpu.memory_space<vmem>>
      %dma_wait3A_1871 = tpu.memref_squeeze %dma_wait3A_1870 : memref<1x80xi32, #tpu.memory_space<vmem>> -> memref<80xi32, #tpu.memory_space<vmem>>
      %dma_wait3A_1872 = arith.constant 0 : i32
      %dma_wait3A_1873 = arith.constant 0 : i32
      %dma_wait3A_1874 = tpu.memref_slice %arg2[%dma_wait3A_1872, %dma_wait3A_1873] : memref<540000x64xf32, #tpu.memory_space<hbm>> -> memref<540000x64xf32, #tpu.memory_space<hbm>>
      tpu.wait_indirect_dma semaphore(%arg10 : memref<!tpu.dma_semaphore, #tpu.memory_space<semaphore_mem>>) src(%dma_wait3A_1874 : memref<540000x64xf32, #tpu.memory_space<hbm>>) dst(%dma_wait3A_1868 : memref<80x64xf32, #tpu.memory_space<vmem>>)
      %mul3A_1875 = arith.constant 5 : i32
      %mul3A_1876 = arith.muli %add3A_1844, %mul3A_1875 : i32
      %add3A_1877 = arith.constant 2 : i32
      %add3A_1878 = arith.addi %mul3A_1876, %add3A_1877 : i32
      %dma_wait3A_1879 = arith.constant 2 : i32
      %dma_wait3A_1880 = arith.constant 0 : i32
      %dma_wait3A_1881 = arith.constant 0 : i32
      %dma_wait3A_1882 = tpu.memref_slice %arg8[%dma_wait3A_1879, %dma_wait3A_1880, %dma_wait3A_1881] : memref<10x80x64xf32, #tpu.memory_space<vmem>> -> memref<1x80x64xf32, #tpu.memory_space<vmem>>
      %dma_wait3A_1883 = tpu.memref_squeeze %dma_wait3A_1882 : memref<1x80x64xf32, #tpu.memory_space<vmem>> -> memref<80x64xf32, #tpu.memory_space<vmem>>
      %dma_wait3A_1884 = arith.constant 0 : i32
      %dma_wait3A_1885 = tpu.memref_slice %arg6[%add3A_1878, %dma_wait3A_1884] : memref<125x80xi32, #tpu.memory_space<vmem>> -> memref<1x80xi32, #tpu.memory_space<vmem>>
      %dma_wait3A_1886 = tpu.memref_squeeze %dma_wait3A_1885 : memref<1x80xi32, #tpu.memory_space<vmem>> -> memref<80xi32, #tpu.memory_space<vmem>>
      %dma_wait3A_1887 = arith.constant 0 : i32
      %dma_wait3A_1888 = arith.constant 0 : i32
      %dma_wait3A_1889 = tpu.memref_slice %arg2[%dma_wait3A_1887, %dma_wait3A_1888] : memref<540000x64xf32, #tpu.memory_space<hbm>> -> memref<540000x64xf32, #tpu.memory_space<hbm>>
      tpu.wait_indirect_dma semaphore(%arg10 : memref<!tpu.dma_semaphore, #tpu.memory_space<semaphore_mem>>) src(%dma_wait3A_1889 : memref<540000x64xf32, #tpu.memory_space<hbm>>) dst(%dma_wait3A_1883 : memref<80x64xf32, #tpu.memory_space<vmem>>)
      %mul3A_1890 = arith.constant 5 : i32
      %mul3A_1891 = arith.muli %add3A_1844, %mul3A_1890 : i32
      %add3A_1892 = arith.constant 3 : i32
      %add3A_1893 = arith.addi %mul3A_1891, %add3A_1892 : i32
      %dma_wait3A_1894 = arith.constant 3 : i32
      %dma_wait3A_1895 = arith.constant 0 : i32
      %dma_wait3A_1896 = arith.constant 0 : i32
      %dma_wait3A_1897 = tpu.memref_slice %arg8[%dma_wait3A_1894, %dma_wait3A_1895, %dma_wait3A_1896] : memref<10x80x64xf32, #tpu.memory_space<vmem>> -> memref<1x80x64xf32, #tpu.memory_space<vmem>>
      %dma_wait3A_1898 = tpu.memref_squeeze %dma_wait3A_1897 : memref<1x80x64xf32, #tpu.memory_space<vmem>> -> memref<80x64xf32, #tpu.memory_space<vmem>>
      %dma_wait3A_1899 = arith.constant 0 : i32
      %dma_wait3A_1900 = tpu.memref_slice %arg6[%add3A_1893, %dma_wait3A_1899] : memref<125x80xi32, #tpu.memory_space<vmem>> -> memref<1x80xi32, #tpu.memory_space<vmem>>
      %dma_wait3A_1901 = tpu.memref_squeeze %dma_wait3A_1900 : memref<1x80xi32, #tpu.memory_space<vmem>> -> memref<80xi32, #tpu.memory_space<vmem>>
      %dma_wait3A_1902 = arith.constant 0 : i32
      %dma_wait3A_1903 = arith.constant 0 : i32
      %dma_wait3A_1904 = tpu.memref_slice %arg2[%dma_wait3A_1902, %dma_wait3A_1903] : memref<540000x64xf32, #tpu.memory_space<hbm>> -> memref<540000x64xf32, #tpu.memory_space<hbm>>
      tpu.wait_indirect_dma semaphore(%arg10 : memref<!tpu.dma_semaphore, #tpu.memory_space<semaphore_mem>>) src(%dma_wait3A_1904 : memref<540000x64xf32, #tpu.memory_space<hbm>>) dst(%dma_wait3A_1898 : memref<80x64xf32, #tpu.memory_space<vmem>>)
      %mul3A_1905 = arith.constant 5 : i32
      %mul3A_1906 = arith.muli %add3A_1844, %mul3A_1905 : i32
      %add3A_1907 = arith.constant 4 : i32
      %add3A_1908 = arith.addi %mul3A_1906, %add3A_1907 : i32
      %dma_wait3A_1909 = arith.constant 4 : i32
      %dma_wait3A_1910 = arith.constant 0 : i32
      %dma_wait3A_1911 = arith.constant 0 : i32
      %dma_wait3A_1912 = tpu.memref_slice %arg8[%dma_wait3A_1909, %dma_wait3A_1910, %dma_wait3A_1911] : memref<10x80x64xf32, #tpu.memory_space<vmem>> -> memref<1x80x64xf32, #tpu.memory_space<vmem>>
      %dma_wait3A_1913 = tpu.memref_squeeze %dma_wait3A_1912 : memref<1x80x64xf32, #tpu.memory_space<vmem>> -> memref<80x64xf32, #tpu.memory_space<vmem>>
      %dma_wait3A_1914 = arith.constant 0 : i32
      %dma_wait3A_1915 = tpu.memref_slice %arg6[%add3A_1908, %dma_wait3A_1914] : memref<125x80xi32, #tpu.memory_space<vmem>> -> memref<1x80xi32, #tpu.memory_space<vmem>>
      %dma_wait3A_1916 = tpu.memref_squeeze %dma_wait3A_1915 : memref<1x80xi32, #tpu.memory_space<vmem>> -> memref<80xi32, #tpu.memory_space<vmem>>
      %dma_wait3A_1917 = arith.constant 0 : i32
      %dma_wait3A_1918 = arith.constant 0 : i32
      %dma_wait3A_1919 = tpu.memref_slice %arg2[%dma_wait3A_1917, %dma_wait3A_1918] : memref<540000x64xf32, #tpu.memory_space<hbm>> -> memref<540000x64xf32, #tpu.memory_space<hbm>>
      tpu.wait_indirect_dma semaphore(%arg10 : memref<!tpu.dma_semaphore, #tpu.memory_space<semaphore_mem>>) src(%dma_wait3A_1919 : memref<540000x64xf32, #tpu.memory_space<hbm>>) dst(%dma_wait3A_1913 : memref<80x64xf32, #tpu.memory_space<vmem>>)
      %mul3A_1920 = arith.constant 5 : i32
      %mul3A_1921 = arith.muli %add3A_1844, %mul3A_1920 : i32
      %add3A_1922 = arith.constant 0 : i32
      %add3A_1923 = arith.addi %mul3A_1921, %add3A_1922 : i32
      %dma_start3A_1924 = arith.constant 0 : i32
      %dma_start3A_1925 = arith.constant 0 : i32
      %dma_start3A_1926 = arith.constant 0 : i32
      %dma_start3A_1927 = tpu.memref_slice %arg8[%dma_start3A_1924, %dma_start3A_1925, %dma_start3A_1926] : memref<10x80x64xf32, #tpu.memory_space<vmem>> -> memref<1x80x64xf32, #tpu.memory_space<vmem>>
      %dma_start3A_1928 = tpu.memref_squeeze %dma_start3A_1927 : memref<1x80x64xf32, #tpu.memory_space<vmem>> -> memref<80x64xf32, #tpu.memory_space<vmem>>
      %dma_start3A_1929 = arith.constant 0 : i32
      %dma_start3A_1930 = tpu.memref_slice %arg7[%add3A_1923, %dma_start3A_1929] : memref<125x80xi32, #tpu.memory_space<vmem>> -> memref<1x80xi32, #tpu.memory_space<vmem>>
      %dma_start3A_1931 = tpu.memref_squeeze %dma_start3A_1930 : memref<1x80xi32, #tpu.memory_space<vmem>> -> memref<80xi32, #tpu.memory_space<vmem>>
      %dma_start3A_1932 = arith.constant 0 : i32
      %dma_start3A_1933 = arith.constant 0 : i32
      %dma_start3A_1934 = tpu.memref_slice %arg9[%dma_start3A_1932, %dma_start3A_1933] : memref<10240x64xf32, #tpu.memory_space<vmem_shared>> -> memref<10240x64xf32, #tpu.memory_space<vmem_shared>>
      tpu.enqueue_indirect_dma source(%dma_start3A_1928 : memref<80x64xf32, #tpu.memory_space<vmem>>) target(%dma_start3A_1934 : memref<10240x64xf32, #tpu.memory_space<vmem_shared>>) offsets(%dma_start3A_1931 : memref<80xi32, #tpu.memory_space<vmem>>) semaphore(%arg11 : memref<!tpu.dma_semaphore, #tpu.memory_space<semaphore_mem>>) {add = true}
      %mul3A_1935 = arith.constant 5 : i32
      %mul3A_1936 = arith.muli %add3A_1844, %mul3A_1935 : i32
      %add3A_1937 = arith.constant 1 : i32
      %add3A_1938 = arith.addi %mul3A_1936, %add3A_1937 : i32
      %dma_start3A_1939 = arith.constant 1 : i32
      %dma_start3A_1940 = arith.constant 0 : i32
      %dma_start3A_1941 = arith.constant 0 : i32
      %dma_start3A_1942 = tpu.memref_slice %arg8[%dma_start3A_1939, %dma_start3A_1940, %dma_start3A_1941] : memref<10x80x64xf32, #tpu.memory_space<vmem>> -> memref<1x80x64xf32, #tpu.memory_space<vmem>>
      %dma_start3A_1943 = tpu.memref_squeeze %dma_start3A_1942 : memref<1x80x64xf32, #tpu.memory_space<vmem>> -> memref<80x64xf32, #tpu.memory_space<vmem>>
      %dma_start3A_1944 = arith.constant 0 : i32
      %dma_start3A_1945 = tpu.memref_slice %arg7[%add3A_1938, %dma_start3A_1944] : memref<125x80xi32, #tpu.memory_space<vmem>> -> memref<1x80xi32, #tpu.memory_space<vmem>>
      %dma_start3A_1946 = tpu.memref_squeeze %dma_start3A_1945 : memref<1x80xi32, #tpu.memory_space<vmem>> -> memref<80xi32, #tpu.memory_space<vmem>>
      %dma_start3A_1947 = arith.constant 0 : i32
      %dma_start3A_1948 = arith.constant 0 : i32
      %dma_start3A_1949 = tpu.memref_slice %arg9[%dma_start3A_1947, %dma_start3A_1948] : memref<10240x64xf32, #tpu.memory_space<vmem_shared>> -> memref<10240x64xf32, #tpu.memory_space<vmem_shared>>
      tpu.enqueue_indirect_dma source(%dma_start3A_1943 : memref<80x64xf32, #tpu.memory_space<vmem>>) target(%dma_start3A_1949 : memref<10240x64xf32, #tpu.memory_space<vmem_shared>>) offsets(%dma_start3A_1946 : memref<80xi32, #tpu.memory_space<vmem>>) semaphore(%arg11 : memref<!tpu.dma_semaphore, #tpu.memory_space<semaphore_mem>>) {add = true}
      %mul3A_1950 = arith.constant 5 : i32
      %mul3A_1951 = arith.muli %add3A_1844, %mul3A_1950 : i32
      %add3A_1952 = arith.constant 2 : i32
      %add3A_1953 = arith.addi %mul3A_1951, %add3A_1952 : i32
      %dma_start3A_1954 = arith.constant 2 : i32
      %dma_start3A_1955 = arith.constant 0 : i32
      %dma_start3A_1956 = arith.constant 0 : i32
      %dma_start3A_1957 = tpu.memref_slice %arg8[%dma_start3A_1954, %dma_start3A_1955, %dma_start3A_1956] : memref<10x80x64xf32, #tpu.memory_space<vmem>> -> memref<1x80x64xf32, #tpu.memory_space<vmem>>
      %dma_start3A_1958 = tpu.memref_squeeze %dma_start3A_1957 : memref<1x80x64xf32, #tpu.memory_space<vmem>> -> memref<80x64xf32, #tpu.memory_space<vmem>>
      %dma_start3A_1959 = arith.constant 0 : i32
      %dma_start3A_1960 = tpu.memref_slice %arg7[%add3A_1953, %dma_start3A_1959] : memref<125x80xi32, #tpu.memory_space<vmem>> -> memref<1x80xi32, #tpu.memory_space<vmem>>
      %dma_start3A_1961 = tpu.memref_squeeze %dma_start3A_1960 : memref<1x80xi32, #tpu.memory_space<vmem>> -> memref<80xi32, #tpu.memory_space<vmem>>
      %dma_start3A_1962 = arith.constant 0 : i32
      %dma_start3A_1963 = arith.constant 0 : i32
      %dma_start3A_1964 = tpu.memref_slice %arg9[%dma_start3A_1962, %dma_start3A_1963] : memref<10240x64xf32, #tpu.memory_space<vmem_shared>> -> memref<10240x64xf32, #tpu.memory_space<vmem_shared>>
      tpu.enqueue_indirect_dma source(%dma_start3A_1958 : memref<80x64xf32, #tpu.memory_space<vmem>>) target(%dma_start3A_1964 : memref<10240x64xf32, #tpu.memory_space<vmem_shared>>) offsets(%dma_start3A_1961 : memref<80xi32, #tpu.memory_space<vmem>>) semaphore(%arg11 : memref<!tpu.dma_semaphore, #tpu.memory_space<semaphore_mem>>) {add = true}
      %mul3A_1965 = arith.constant 5 : i32
      %mul3A_1966 = arith.muli %add3A_1844, %mul3A_1965 : i32
      %add3A_1967 = arith.constant 3 : i32
      %add3A_1968 = arith.addi %mul3A_1966, %add3A_1967 : i32
      %dma_start3A_1969 = arith.constant 3 : i32
      %dma_start3A_1970 = arith.constant 0 : i32
      %dma_start3A_1971 = arith.constant 0 : i32
      %dma_start3A_1972 = tpu.memref_slice %arg8[%dma_start3A_1969, %dma_start3A_1970, %dma_start3A_1971] : memref<10x80x64xf32, #tpu.memory_space<vmem>> -> memref<1x80x64xf32, #tpu.memory_space<vmem>>
      %dma_start3A_1973 = tpu.memref_squeeze %dma_start3A_1972 : memref<1x80x64xf32, #tpu.memory_space<vmem>> -> memref<80x64xf32, #tpu.memory_space<vmem>>
      %dma_start3A_1974 = arith.constant 0 : i32
      %dma_start3A_1975 = tpu.memref_slice %arg7[%add3A_1968, %dma_start3A_1974] : memref<125x80xi32, #tpu.memory_space<vmem>> -> memref<1x80xi32, #tpu.memory_space<vmem>>
      %dma_start3A_1976 = tpu.memref_squeeze %dma_start3A_1975 : memref<1x80xi32, #tpu.memory_space<vmem>> -> memref<80xi32, #tpu.memory_space<vmem>>
      %dma_start3A_1977 = arith.constant 0 : i32
      %dma_start3A_1978 = arith.constant 0 : i32
      %dma_start3A_1979 = tpu.memref_slice %arg9[%dma_start3A_1977, %dma_start3A_1978] : memref<10240x64xf32, #tpu.memory_space<vmem_shared>> -> memref<10240x64xf32, #tpu.memory_space<vmem_shared>>
      tpu.enqueue_indirect_dma source(%dma_start3A_1973 : memref<80x64xf32, #tpu.memory_space<vmem>>) target(%dma_start3A_1979 : memref<10240x64xf32, #tpu.memory_space<vmem_shared>>) offsets(%dma_start3A_1976 : memref<80xi32, #tpu.memory_space<vmem>>) semaphore(%arg11 : memref<!tpu.dma_semaphore, #tpu.memory_space<semaphore_mem>>) {add = true}
      %mul3A_1980 = arith.constant 5 : i32
      %mul3A_1981 = arith.muli %add3A_1844, %mul3A_1980 : i32
      %add3A_1982 = arith.constant 4 : i32
      %add3A_1983 = arith.addi %mul3A_1981, %add3A_1982 : i32
      %dma_start3A_1984 = arith.constant 4 : i32
      %dma_start3A_1985 = arith.constant 0 : i32
      %dma_start3A_1986 = arith.constant 0 : i32
      %dma_start3A_1987 = tpu.memref_slice %arg8[%dma_start3A_1984, %dma_start3A_1985, %dma_start3A_1986] : memref<10x80x64xf32, #tpu.memory_space<vmem>> -> memref<1x80x64xf32, #tpu.memory_space<vmem>>
      %dma_start3A_1988 = tpu.memref_squeeze %dma_start3A_1987 : memref<1x80x64xf32, #tpu.memory_space<vmem>> -> memref<80x64xf32, #tpu.memory_space<vmem>>
      %dma_start3A_1989 = arith.constant 0 : i32
      %dma_start3A_1990 = tpu.memref_slice %arg7[%add3A_1983, %dma_start3A_1989] : memref<125x80xi32, #tpu.memory_space<vmem>> -> memref<1x80xi32, #tpu.memory_space<vmem>>
      %dma_start3A_1991 = tpu.memref_squeeze %dma_start3A_1990 : memref<1x80xi32, #tpu.memory_space<vmem>> -> memref<80xi32, #tpu.memory_space<vmem>>
      %dma_start3A_1992 = arith.constant 0 : i32
      %dma_start3A_1993 = arith.constant 0 : i32
      %dma_start3A_1994 = tpu.memref_slice %arg9[%dma_start3A_1992, %dma_start3A_1993] : memref<10240x64xf32, #tpu.memory_space<vmem_shared>> -> memref<10240x64xf32, #tpu.memory_space<vmem_shared>>
      tpu.enqueue_indirect_dma source(%dma_start3A_1988 : memref<80x64xf32, #tpu.memory_space<vmem>>) target(%dma_start3A_1994 : memref<10240x64xf32, #tpu.memory_space<vmem_shared>>) offsets(%dma_start3A_1991 : memref<80xi32, #tpu.memory_space<vmem>>) semaphore(%arg11 : memref<!tpu.dma_semaphore, #tpu.memory_space<semaphore_mem>>) {add = true}
      %sub3A_1995 = arith.constant 1 : i32
      %sub3A_1996 = arith.subi %add3A_1844, %sub3A_1995 : i32
      %mul3A_1997 = arith.constant 5 : i32
      %mul3A_1998 = arith.muli %sub3A_1996, %mul3A_1997 : i32
      %add3A_1999 = arith.constant 0 : i32
      %add3A_2000 = arith.addi %mul3A_1998, %add3A_1999 : i32
      %dma_wait3A_2001 = arith.constant 5 : i32
      %dma_wait3A_2002 = arith.constant 0 : i32
      %dma_wait3A_2003 = arith.constant 0 : i32
      %dma_wait3A_2004 = tpu.memref_slice %arg8[%dma_wait3A_2001, %dma_wait3A_2002, %dma_wait3A_2003] : memref<10x80x64xf32, #tpu.memory_space<vmem>> -> memref<1x80x64xf32, #tpu.memory_space<vmem>>
      %dma_wait3A_2005 = tpu.memref_squeeze %dma_wait3A_2004 : memref<1x80x64xf32, #tpu.memory_space<vmem>> -> memref<80x64xf32, #tpu.memory_space<vmem>>
      %dma_wait3A_2006 = arith.constant 0 : i32
      %dma_wait3A_2007 = tpu.memref_slice %arg7[%add3A_2000, %dma_wait3A_2006] : memref<125x80xi32, #tpu.memory_space<vmem>> -> memref<1x80xi32, #tpu.memory_space<vmem>>
      %dma_wait3A_2008 = tpu.memref_squeeze %dma_wait3A_2007 : memref<1x80xi32, #tpu.memory_space<vmem>> -> memref<80xi32, #tpu.memory_space<vmem>>
      %dma_wait3A_2009 = arith.constant 0 : i32
      %dma_wait3A_2010 = arith.constant 0 : i32
      %dma_wait3A_2011 = tpu.memref_slice %arg9[%dma_wait3A_2009, %dma_wait3A_2010] : memref<10240x64xf32, #tpu.memory_space<vmem_shared>> -> memref<10240x64xf32, #tpu.memory_space<vmem_shared>>
      tpu.wait_indirect_dma semaphore(%arg11 : memref<!tpu.dma_semaphore, #tpu.memory_space<semaphore_mem>>) src(%dma_wait3A_2005 : memref<80x64xf32, #tpu.memory_space<vmem>>) dst(%dma_wait3A_2011 : memref<10240x64xf32, #tpu.memory_space<vmem_shared>>)
      %mul3A_2012 = arith.constant 5 : i32
      %mul3A_2013 = arith.muli %sub3A_1996, %mul3A_2012 : i32
      %add3A_2014 = arith.constant 1 : i32
      %add3A_2015 = arith.addi %mul3A_2013, %add3A_2014 : i32
      %dma_wait3A_2016 = arith.constant 6 : i32
      %dma_wait3A_2017 = arith.constant 0 : i32
      %dma_wait3A_2018 = arith.constant 0 : i32
      %dma_wait3A_2019 = tpu.memref_slice %arg8[%dma_wait3A_2016, %dma_wait3A_2017, %dma_wait3A_2018] : memref<10x80x64xf32, #tpu.memory_space<vmem>> -> memref<1x80x64xf32, #tpu.memory_space<vmem>>
      %dma_wait3A_2020 = tpu.memref_squeeze %dma_wait3A_2019 : memref<1x80x64xf32, #tpu.memory_space<vmem>> -> memref<80x64xf32, #tpu.memory_space<vmem>>
      %dma_wait3A_2021 = arith.constant 0 : i32
      %dma_wait3A_2022 = tpu.memref_slice %arg7[%add3A_2015, %dma_wait3A_2021] : memref<125x80xi32, #tpu.memory_space<vmem>> -> memref<1x80xi32, #tpu.memory_space<vmem>>
      %dma_wait3A_2023 = tpu.memref_squeeze %dma_wait3A_2022 : memref<1x80xi32, #tpu.memory_space<vmem>> -> memref<80xi32, #tpu.memory_space<vmem>>
      %dma_wait3A_2024 = arith.constant 0 : i32
      %dma_wait3A_2025 = arith.constant 0 : i32
      %dma_wait3A_2026 = tpu.memref_slice %arg9[%dma_wait3A_2024, %dma_wait3A_2025] : memref<10240x64xf32, #tpu.memory_space<vmem_shared>> -> memref<10240x64xf32, #tpu.memory_space<vmem_shared>>
      tpu.wait_indirect_dma semaphore(%arg11 : memref<!tpu.dma_semaphore, #tpu.memory_space<semaphore_mem>>) src(%dma_wait3A_2020 : memref<80x64xf32, #tpu.memory_space<vmem>>) dst(%dma_wait3A_2026 : memref<10240x64xf32, #tpu.memory_space<vmem_shared>>)
      %mul3A_2027 = arith.constant 5 : i32
      %mul3A_2028 = arith.muli %sub3A_1996, %mul3A_2027 : i32
      %add3A_2029 = arith.constant 2 : i32
      %add3A_2030 = arith.addi %mul3A_2028, %add3A_2029 : i32
      %dma_wait3A_2031 = arith.constant 7 : i32
      %dma_wait3A_2032 = arith.constant 0 : i32
      %dma_wait3A_2033 = arith.constant 0 : i32
      %dma_wait3A_2034 = tpu.memref_slice %arg8[%dma_wait3A_2031, %dma_wait3A_2032, %dma_wait3A_2033] : memref<10x80x64xf32, #tpu.memory_space<vmem>> -> memref<1x80x64xf32, #tpu.memory_space<vmem>>
      %dma_wait3A_2035 = tpu.memref_squeeze %dma_wait3A_2034 : memref<1x80x64xf32, #tpu.memory_space<vmem>> -> memref<80x64xf32, #tpu.memory_space<vmem>>
      %dma_wait3A_2036 = arith.constant 0 : i32
      %dma_wait3A_2037 = tpu.memref_slice %arg7[%add3A_2030, %dma_wait3A_2036] : memref<125x80xi32, #tpu.memory_space<vmem>> -> memref<1x80xi32, #tpu.memory_space<vmem>>
      %dma_wait3A_2038 = tpu.memref_squeeze %dma_wait3A_2037 : memref<1x80xi32, #tpu.memory_space<vmem>> -> memref<80xi32, #tpu.memory_space<vmem>>
      %dma_wait3A_2039 = arith.constant 0 : i32
      %dma_wait3A_2040 = arith.constant 0 : i32
      %dma_wait3A_2041 = tpu.memref_slice %arg9[%dma_wait3A_2039, %dma_wait3A_2040] : memref<10240x64xf32, #tpu.memory_space<vmem_shared>> -> memref<10240x64xf32, #tpu.memory_space<vmem_shared>>
      tpu.wait_indirect_dma semaphore(%arg11 : memref<!tpu.dma_semaphore, #tpu.memory_space<semaphore_mem>>) src(%dma_wait3A_2035 : memref<80x64xf32, #tpu.memory_space<vmem>>) dst(%dma_wait3A_2041 : memref<10240x64xf32, #tpu.memory_space<vmem_shared>>)
      %mul3A_2042 = arith.constant 5 : i32
      %mul3A_2043 = arith.muli %sub3A_1996, %mul3A_2042 : i32
      %add3A_2044 = arith.constant 3 : i32
      %add3A_2045 = arith.addi %mul3A_2043, %add3A_2044 : i32
      %dma_wait3A_2046 = arith.constant 8 : i32
      %dma_wait3A_2047 = arith.constant 0 : i32
      %dma_wait3A_2048 = arith.constant 0 : i32
      %dma_wait3A_2049 = tpu.memref_slice %arg8[%dma_wait3A_2046, %dma_wait3A_2047, %dma_wait3A_2048] : memref<10x80x64xf32, #tpu.memory_space<vmem>> -> memref<1x80x64xf32, #tpu.memory_space<vmem>>
      %dma_wait3A_2050 = tpu.memref_squeeze %dma_wait3A_2049 : memref<1x80x64xf32, #tpu.memory_space<vmem>> -> memref<80x64xf32, #tpu.memory_space<vmem>>
      %dma_wait3A_2051 = arith.constant 0 : i32
      %dma_wait3A_2052 = tpu.memref_slice %arg7[%add3A_2045, %dma_wait3A_2051] : memref<125x80xi32, #tpu.memory_space<vmem>> -> memref<1x80xi32, #tpu.memory_space<vmem>>
      %dma_wait3A_2053 = tpu.memref_squeeze %dma_wait3A_2052 : memref<1x80xi32, #tpu.memory_space<vmem>> -> memref<80xi32, #tpu.memory_space<vmem>>
      %dma_wait3A_2054 = arith.constant 0 : i32
      %dma_wait3A_2055 = arith.constant 0 : i32
      %dma_wait3A_2056 = tpu.memref_slice %arg9[%dma_wait3A_2054, %dma_wait3A_2055] : memref<10240x64xf32, #tpu.memory_space<vmem_shared>> -> memref<10240x64xf32, #tpu.memory_space<vmem_shared>>
      tpu.wait_indirect_dma semaphore(%arg11 : memref<!tpu.dma_semaphore, #tpu.memory_space<semaphore_mem>>) src(%dma_wait3A_2050 : memref<80x64xf32, #tpu.memory_space<vmem>>) dst(%dma_wait3A_2056 : memref<10240x64xf32, #tpu.memory_space<vmem_shared>>)
      %mul3A_2057 = arith.constant 5 : i32
      %mul3A_2058 = arith.muli %sub3A_1996, %mul3A_2057 : i32
      %add3A_2059 = arith.constant 4 : i32
      %add3A_2060 = arith.addi %mul3A_2058, %add3A_2059 : i32
      %dma_wait3A_2061 = arith.constant 9 : i32
      %dma_wait3A_2062 = arith.constant 0 : i32
      %dma_wait3A_2063 = arith.constant 0 : i32
      %dma_wait3A_2064 = tpu.memref_slice %arg8[%dma_wait3A_2061, %dma_wait3A_2062, %dma_wait3A_2063] : memref<10x80x64xf32, #tpu.memory_space<vmem>> -> memref<1x80x64xf32, #tpu.memory_space<vmem>>
      %dma_wait3A_2065 = tpu.memref_squeeze %dma_wait3A_2064 : memref<1x80x64xf32, #tpu.memory_space<vmem>> -> memref<80x64xf32, #tpu.memory_space<vmem>>
      %dma_wait3A_2066 = arith.constant 0 : i32
      %dma_wait3A_2067 = tpu.memref_slice %arg7[%add3A_2060, %dma_wait3A_2066] : memref<125x80xi32, #tpu.memory_space<vmem>> -> memref<1x80xi32, #tpu.memory_space<vmem>>
      %dma_wait3A_2068 = tpu.memref_squeeze %dma_wait3A_2067 : memref<1x80xi32, #tpu.memory_space<vmem>> -> memref<80xi32, #tpu.memory_space<vmem>>
      %dma_wait3A_2069 = arith.constant 0 : i32
      %dma_wait3A_2070 = arith.constant 0 : i32
      %dma_wait3A_2071 = tpu.memref_slice %arg9[%dma_wait3A_2069, %dma_wait3A_2070] : memref<10240x64xf32, #tpu.memory_space<vmem_shared>> -> memref<10240x64xf32, #tpu.memory_space<vmem_shared>>
      tpu.wait_indirect_dma semaphore(%arg11 : memref<!tpu.dma_semaphore, #tpu.memory_space<semaphore_mem>>) src(%dma_wait3A_2065 : memref<80x64xf32, #tpu.memory_space<vmem>>) dst(%dma_wait3A_2071 : memref<10240x64xf32, #tpu.memory_space<vmem_shared>>)
      %add3A_2072 = arith.constant 1 : i32
      %add3A_2073 = arith.addi %add3A_1844, %add3A_2072 : i32
      %mul3A_2074 = arith.constant 5 : i32
      %mul3A_2075 = arith.muli %add3A_2073, %mul3A_2074 : i32
      %add3A_2076 = arith.constant 0 : i32
      %add3A_2077 = arith.addi %mul3A_2075, %add3A_2076 : i32
      %dma_start3A_2078 = arith.constant 5 : i32
      %dma_start3A_2079 = arith.constant 0 : i32
      %dma_start3A_2080 = arith.constant 0 : i32
      %dma_start3A_2081 = tpu.memref_slice %arg8[%dma_start3A_2078, %dma_start3A_2079, %dma_start3A_2080] : memref<10x80x64xf32, #tpu.memory_space<vmem>> -> memref<1x80x64xf32, #tpu.memory_space<vmem>>
      %dma_start3A_2082 = tpu.memref_squeeze %dma_start3A_2081 : memref<1x80x64xf32, #tpu.memory_space<vmem>> -> memref<80x64xf32, #tpu.memory_space<vmem>>
      %dma_start3A_2083 = arith.constant 0 : i32
      %dma_start3A_2084 = tpu.memref_slice %arg6[%add3A_2077, %dma_start3A_2083] : memref<125x80xi32, #tpu.memory_space<vmem>> -> memref<1x80xi32, #tpu.memory_space<vmem>>
      %dma_start3A_2085 = tpu.memref_squeeze %dma_start3A_2084 : memref<1x80xi32, #tpu.memory_space<vmem>> -> memref<80xi32, #tpu.memory_space<vmem>>
      %dma_start3A_2086 = arith.constant 0 : i32
      %dma_start3A_2087 = arith.constant 0 : i32
      %dma_start3A_2088 = tpu.memref_slice %arg2[%dma_start3A_2086, %dma_start3A_2087] : memref<540000x64xf32, #tpu.memory_space<hbm>> -> memref<540000x64xf32, #tpu.memory_space<hbm>>
      tpu.enqueue_indirect_dma source(%dma_start3A_2088 : memref<540000x64xf32, #tpu.memory_space<hbm>>) target(%dma_start3A_2082 : memref<80x64xf32, #tpu.memory_space<vmem>>) offsets(%dma_start3A_2085 : memref<80xi32, #tpu.memory_space<vmem>>) semaphore(%arg10 : memref<!tpu.dma_semaphore, #tpu.memory_space<semaphore_mem>>)
      %mul3A_2089 = arith.constant 5 : i32
      %mul3A_2090 = arith.muli %add3A_2073, %mul3A_2089 : i32
      %add3A_2091 = arith.constant 1 : i32
      %add3A_2092 = arith.addi %mul3A_2090, %add3A_2091 : i32
      %dma_start3A_2093 = arith.constant 6 : i32
      %dma_start3A_2094 = arith.constant 0 : i32
      %dma_start3A_2095 = arith.constant 0 : i32
      %dma_start3A_2096 = tpu.memref_slice %arg8[%dma_start3A_2093, %dma_start3A_2094, %dma_start3A_2095] : memref<10x80x64xf32, #tpu.memory_space<vmem>> -> memref<1x80x64xf32, #tpu.memory_space<vmem>>
      %dma_start3A_2097 = tpu.memref_squeeze %dma_start3A_2096 : memref<1x80x64xf32, #tpu.memory_space<vmem>> -> memref<80x64xf32, #tpu.memory_space<vmem>>
      %dma_start3A_2098 = arith.constant 0 : i32
      %dma_start3A_2099 = tpu.memref_slice %arg6[%add3A_2092, %dma_start3A_2098] : memref<125x80xi32, #tpu.memory_space<vmem>> -> memref<1x80xi32, #tpu.memory_space<vmem>>
      %dma_start3A_2100 = tpu.memref_squeeze %dma_start3A_2099 : memref<1x80xi32, #tpu.memory_space<vmem>> -> memref<80xi32, #tpu.memory_space<vmem>>
      %dma_start3A_2101 = arith.constant 0 : i32
      %dma_start3A_2102 = arith.constant 0 : i32
      %dma_start3A_2103 = tpu.memref_slice %arg2[%dma_start3A_2101, %dma_start3A_2102] : memref<540000x64xf32, #tpu.memory_space<hbm>> -> memref<540000x64xf32, #tpu.memory_space<hbm>>
      tpu.enqueue_indirect_dma source(%dma_start3A_2103 : memref<540000x64xf32, #tpu.memory_space<hbm>>) target(%dma_start3A_2097 : memref<80x64xf32, #tpu.memory_space<vmem>>) offsets(%dma_start3A_2100 : memref<80xi32, #tpu.memory_space<vmem>>) semaphore(%arg10 : memref<!tpu.dma_semaphore, #tpu.memory_space<semaphore_mem>>)
      %mul3A_2104 = arith.constant 5 : i32
      %mul3A_2105 = arith.muli %add3A_2073, %mul3A_2104 : i32
      %add3A_2106 = arith.constant 2 : i32
      %add3A_2107 = arith.addi %mul3A_2105, %add3A_2106 : i32
      %dma_start3A_2108 = arith.constant 7 : i32
      %dma_start3A_2109 = arith.constant 0 : i32
      %dma_start3A_2110 = arith.constant 0 : i32
      %dma_start3A_2111 = tpu.memref_slice %arg8[%dma_start3A_2108, %dma_start3A_2109, %dma_start3A_2110] : memref<10x80x64xf32, #tpu.memory_space<vmem>> -> memref<1x80x64xf32, #tpu.memory_space<vmem>>
      %dma_start3A_2112 = tpu.memref_squeeze %dma_start3A_2111 : memref<1x80x64xf32, #tpu.memory_space<vmem>> -> memref<80x64xf32, #tpu.memory_space<vmem>>
      %dma_start3A_2113 = arith.constant 0 : i32
      %dma_start3A_2114 = tpu.memref_slice %arg6[%add3A_2107, %dma_start3A_2113] : memref<125x80xi32, #tpu.memory_space<vmem>> -> memref<1x80xi32, #tpu.memory_space<vmem>>
      %dma_start3A_2115 = tpu.memref_squeeze %dma_start3A_2114 : memref<1x80xi32, #tpu.memory_space<vmem>> -> memref<80xi32, #tpu.memory_space<vmem>>
      %dma_start3A_2116 = arith.constant 0 : i32
      %dma_start3A_2117 = arith.constant 0 : i32
      %dma_start3A_2118 = tpu.memref_slice %arg2[%dma_start3A_2116, %dma_start3A_2117] : memref<540000x64xf32, #tpu.memory_space<hbm>> -> memref<540000x64xf32, #tpu.memory_space<hbm>>
      tpu.enqueue_indirect_dma source(%dma_start3A_2118 : memref<540000x64xf32, #tpu.memory_space<hbm>>) target(%dma_start3A_2112 : memref<80x64xf32, #tpu.memory_space<vmem>>) offsets(%dma_start3A_2115 : memref<80xi32, #tpu.memory_space<vmem>>) semaphore(%arg10 : memref<!tpu.dma_semaphore, #tpu.memory_space<semaphore_mem>>)
      %mul3A_2119 = arith.constant 5 : i32
      %mul3A_2120 = arith.muli %add3A_2073, %mul3A_2119 : i32
      %add3A_2121 = arith.constant 3 : i32
      %add3A_2122 = arith.addi %mul3A_2120, %add3A_2121 : i32
      %dma_start3A_2123 = arith.constant 8 : i32
      %dma_start3A_2124 = arith.constant 0 : i32
      %dma_start3A_2125 = arith.constant 0 : i32
      %dma_start3A_2126 = tpu.memref_slice %arg8[%dma_start3A_2123, %dma_start3A_2124, %dma_start3A_2125] : memref<10x80x64xf32, #tpu.memory_space<vmem>> -> memref<1x80x64xf32, #tpu.memory_space<vmem>>
      %dma_start3A_2127 = tpu.memref_squeeze %dma_start3A_2126 : memref<1x80x64xf32, #tpu.memory_space<vmem>> -> memref<80x64xf32, #tpu.memory_space<vmem>>
      %dma_start3A_2128 = arith.constant 0 : i32
      %dma_start3A_2129 = tpu.memref_slice %arg6[%add3A_2122, %dma_start3A_2128] : memref<125x80xi32, #tpu.memory_space<vmem>> -> memref<1x80xi32, #tpu.memory_space<vmem>>
      %dma_start3A_2130 = tpu.memref_squeeze %dma_start3A_2129 : memref<1x80xi32, #tpu.memory_space<vmem>> -> memref<80xi32, #tpu.memory_space<vmem>>
      %dma_start3A_2131 = arith.constant 0 : i32
      %dma_start3A_2132 = arith.constant 0 : i32
      %dma_start3A_2133 = tpu.memref_slice %arg2[%dma_start3A_2131, %dma_start3A_2132] : memref<540000x64xf32, #tpu.memory_space<hbm>> -> memref<540000x64xf32, #tpu.memory_space<hbm>>
      tpu.enqueue_indirect_dma source(%dma_start3A_2133 : memref<540000x64xf32, #tpu.memory_space<hbm>>) target(%dma_start3A_2127 : memref<80x64xf32, #tpu.memory_space<vmem>>) offsets(%dma_start3A_2130 : memref<80xi32, #tpu.memory_space<vmem>>) semaphore(%arg10 : memref<!tpu.dma_semaphore, #tpu.memory_space<semaphore_mem>>)
      %mul3A_2134 = arith.constant 5 : i32
      %mul3A_2135 = arith.muli %add3A_2073, %mul3A_2134 : i32
      %add3A_2136 = arith.constant 4 : i32
      %add3A_2137 = arith.addi %mul3A_2135, %add3A_2136 : i32
      %dma_start3A_2138 = arith.constant 9 : i32
      %dma_start3A_2139 = arith.constant 0 : i32
      %dma_start3A_2140 = arith.constant 0 : i32
      %dma_start3A_2141 = tpu.memref_slice %arg8[%dma_start3A_2138, %dma_start3A_2139, %dma_start3A_2140] : memref<10x80x64xf32, #tpu.memory_space<vmem>> -> memref<1x80x64xf32, #tpu.memory_space<vmem>>
      %dma_start3A_2142 = tpu.memref_squeeze %dma_start3A_2141 : memref<1x80x64xf32, #tpu.memory_space<vmem>> -> memref<80x64xf32, #tpu.memory_space<vmem>>
      %dma_start3A_2143 = arith.constant 0 : i32
      %dma_start3A_2144 = tpu.memref_slice %arg6[%add3A_2137, %dma_start3A_2143] : memref<125x80xi32, #tpu.memory_space<vmem>> -> memref<1x80xi32, #tpu.memory_space<vmem>>
      %dma_start3A_2145 = tpu.memref_squeeze %dma_start3A_2144 : memref<1x80xi32, #tpu.memory_space<vmem>> -> memref<80xi32, #tpu.memory_space<vmem>>
      %dma_start3A_2146 = arith.constant 0 : i32
      %dma_start3A_2147 = arith.constant 0 : i32
      %dma_start3A_2148 = tpu.memref_slice %arg2[%dma_start3A_2146, %dma_start3A_2147] : memref<540000x64xf32, #tpu.memory_space<hbm>> -> memref<540000x64xf32, #tpu.memory_space<hbm>>
      tpu.enqueue_indirect_dma source(%dma_start3A_2148 : memref<540000x64xf32, #tpu.memory_space<hbm>>) target(%dma_start3A_2142 : memref<80x64xf32, #tpu.memory_space<vmem>>) offsets(%dma_start3A_2145 : memref<80xi32, #tpu.memory_space<vmem>>) semaphore(%arg10 : memref<!tpu.dma_semaphore, #tpu.memory_space<semaphore_mem>>)
      %scan3A_2149 = arith.constant 0 : i32
      scf.yield %scan3A_2149 : i32
    }
    %scan3A_1018 = arith.constant 11 : i32
    %dma_wait3A_1019 = arith.constant 115 : i32
    %dma_wait3A_1020 = arith.constant 5 : i32
    %dma_wait3A_1021 = arith.constant 0 : i32
    %dma_wait3A_1022 = arith.constant 0 : i32
    %dma_wait3A_1023 = tpu.memref_slice %arg8[%dma_wait3A_1020, %dma_wait3A_1021, %dma_wait3A_1022] : memref<10x80x64xf32, #tpu.memory_space<vmem>> -> memref<1x80x64xf32, #tpu.memory_space<vmem>>
    %dma_wait3A_1024 = tpu.memref_squeeze %dma_wait3A_1023 : memref<1x80x64xf32, #tpu.memory_space<vmem>> -> memref<80x64xf32, #tpu.memory_space<vmem>>
    %dma_wait3A_1025 = arith.constant 0 : i32
    %dma_wait3A_1026 = tpu.memref_slice %arg6[%dma_wait3A_1019, %dma_wait3A_1025] : memref<125x80xi32, #tpu.memory_space<vmem>> -> memref<1x80xi32, #tpu.memory_space<vmem>>
    %dma_wait3A_1027 = tpu.memref_squeeze %dma_wait3A_1026 : memref<1x80xi32, #tpu.memory_space<vmem>> -> memref<80xi32, #tpu.memory_space<vmem>>
    %dma_wait3A_1028 = arith.constant 0 : i32
    %dma_wait3A_1029 = arith.constant 0 : i32
    %dma_wait3A_1030 = tpu.memref_slice %arg2[%dma_wait3A_1028, %dma_wait3A_1029] : memref<540000x64xf32, #tpu.memory_space<hbm>> -> memref<540000x64xf32, #tpu.memory_space<hbm>>
    tpu.wait_indirect_dma semaphore(%arg10 : memref<!tpu.dma_semaphore, #tpu.memory_space<semaphore_mem>>) src(%dma_wait3A_1030 : memref<540000x64xf32, #tpu.memory_space<hbm>>) dst(%dma_wait3A_1024 : memref<80x64xf32, #tpu.memory_space<vmem>>)
    %dma_wait3A_1031 = arith.constant 116 : i32
    %dma_wait3A_1032 = arith.constant 6 : i32
    %dma_wait3A_1033 = arith.constant 0 : i32
    %dma_wait3A_1034 = arith.constant 0 : i32
    %dma_wait3A_1035 = tpu.memref_slice %arg8[%dma_wait3A_1032, %dma_wait3A_1033, %dma_wait3A_1034] : memref<10x80x64xf32, #tpu.memory_space<vmem>> -> memref<1x80x64xf32, #tpu.memory_space<vmem>>
    %dma_wait3A_1036 = tpu.memref_squeeze %dma_wait3A_1035 : memref<1x80x64xf32, #tpu.memory_space<vmem>> -> memref<80x64xf32, #tpu.memory_space<vmem>>
    %dma_wait3A_1037 = arith.constant 0 : i32
    %dma_wait3A_1038 = tpu.memref_slice %arg6[%dma_wait3A_1031, %dma_wait3A_1037] : memref<125x80xi32, #tpu.memory_space<vmem>> -> memref<1x80xi32, #tpu.memory_space<vmem>>
    %dma_wait3A_1039 = tpu.memref_squeeze %dma_wait3A_1038 : memref<1x80xi32, #tpu.memory_space<vmem>> -> memref<80xi32, #tpu.memory_space<vmem>>
    %dma_wait3A_1040 = arith.constant 0 : i32
    %dma_wait3A_1041 = arith.constant 0 : i32
    %dma_wait3A_1042 = tpu.memref_slice %arg2[%dma_wait3A_1040, %dma_wait3A_1041] : memref<540000x64xf32, #tpu.memory_space<hbm>> -> memref<540000x64xf32, #tpu.memory_space<hbm>>
    tpu.wait_indirect_dma semaphore(%arg10 : memref<!tpu.dma_semaphore, #tpu.memory_space<semaphore_mem>>) src(%dma_wait3A_1042 : memref<540000x64xf32, #tpu.memory_space<hbm>>) dst(%dma_wait3A_1036 : memref<80x64xf32, #tpu.memory_space<vmem>>)
    %dma_wait3A_1043 = arith.constant 117 : i32
    %dma_wait3A_1044 = arith.constant 7 : i32
    %dma_wait3A_1045 = arith.constant 0 : i32
    %dma_wait3A_1046 = arith.constant 0 : i32
    %dma_wait3A_1047 = tpu.memref_slice %arg8[%dma_wait3A_1044, %dma_wait3A_1045, %dma_wait3A_1046] : memref<10x80x64xf32, #tpu.memory_space<vmem>> -> memref<1x80x64xf32, #tpu.memory_space<vmem>>
    %dma_wait3A_1048 = tpu.memref_squeeze %dma_wait3A_1047 : memref<1x80x64xf32, #tpu.memory_space<vmem>> -> memref<80x64xf32, #tpu.memory_space<vmem>>
    %dma_wait3A_1049 = arith.constant 0 : i32
    %dma_wait3A_1050 = tpu.memref_slice %arg6[%dma_wait3A_1043, %dma_wait3A_1049] : memref<125x80xi32, #tpu.memory_space<vmem>> -> memref<1x80xi32, #tpu.memory_space<vmem>>
    %dma_wait3A_1051 = tpu.memref_squeeze %dma_wait3A_1050 : memref<1x80xi32, #tpu.memory_space<vmem>> -> memref<80xi32, #tpu.memory_space<vmem>>
    %dma_wait3A_1052 = arith.constant 0 : i32
    %dma_wait3A_1053 = arith.constant 0 : i32
    %dma_wait3A_1054 = tpu.memref_slice %arg2[%dma_wait3A_1052, %dma_wait3A_1053] : memref<540000x64xf32, #tpu.memory_space<hbm>> -> memref<540000x64xf32, #tpu.memory_space<hbm>>
    tpu.wait_indirect_dma semaphore(%arg10 : memref<!tpu.dma_semaphore, #tpu.memory_space<semaphore_mem>>) src(%dma_wait3A_1054 : memref<540000x64xf32, #tpu.memory_space<hbm>>) dst(%dma_wait3A_1048 : memref<80x64xf32, #tpu.memory_space<vmem>>)
    %dma_wait3A_1055 = arith.constant 118 : i32
    %dma_wait3A_1056 = arith.constant 8 : i32
    %dma_wait3A_1057 = arith.constant 0 : i32
    %dma_wait3A_1058 = arith.constant 0 : i32
    %dma_wait3A_1059 = tpu.memref_slice %arg8[%dma_wait3A_1056, %dma_wait3A_1057, %dma_wait3A_1058] : memref<10x80x64xf32, #tpu.memory_space<vmem>> -> memref<1x80x64xf32, #tpu.memory_space<vmem>>
    %dma_wait3A_1060 = tpu.memref_squeeze %dma_wait3A_1059 : memref<1x80x64xf32, #tpu.memory_space<vmem>> -> memref<80x64xf32, #tpu.memory_space<vmem>>
    %dma_wait3A_1061 = arith.constant 0 : i32
    %dma_wait3A_1062 = tpu.memref_slice %arg6[%dma_wait3A_1055, %dma_wait3A_1061] : memref<125x80xi32, #tpu.memory_space<vmem>> -> memref<1x80xi32, #tpu.memory_space<vmem>>
    %dma_wait3A_1063 = tpu.memref_squeeze %dma_wait3A_1062 : memref<1x80xi32, #tpu.memory_space<vmem>> -> memref<80xi32, #tpu.memory_space<vmem>>
    %dma_wait3A_1064 = arith.constant 0 : i32
    %dma_wait3A_1065 = arith.constant 0 : i32
    %dma_wait3A_1066 = tpu.memref_slice %arg2[%dma_wait3A_1064, %dma_wait3A_1065] : memref<540000x64xf32, #tpu.memory_space<hbm>> -> memref<540000x64xf32, #tpu.memory_space<hbm>>
    tpu.wait_indirect_dma semaphore(%arg10 : memref<!tpu.dma_semaphore, #tpu.memory_space<semaphore_mem>>) src(%dma_wait3A_1066 : memref<540000x64xf32, #tpu.memory_space<hbm>>) dst(%dma_wait3A_1060 : memref<80x64xf32, #tpu.memory_space<vmem>>)
    %dma_wait3A_1067 = arith.constant 119 : i32
    %dma_wait3A_1068 = arith.constant 9 : i32
    %dma_wait3A_1069 = arith.constant 0 : i32
    %dma_wait3A_1070 = arith.constant 0 : i32
    %dma_wait3A_1071 = tpu.memref_slice %arg8[%dma_wait3A_1068, %dma_wait3A_1069, %dma_wait3A_1070] : memref<10x80x64xf32, #tpu.memory_space<vmem>> -> memref<1x80x64xf32, #tpu.memory_space<vmem>>
    %dma_wait3A_1072 = tpu.memref_squeeze %dma_wait3A_1071 : memref<1x80x64xf32, #tpu.memory_space<vmem>> -> memref<80x64xf32, #tpu.memory_space<vmem>>
    %dma_wait3A_1073 = arith.constant 0 : i32
    %dma_wait3A_1074 = tpu.memref_slice %arg6[%dma_wait3A_1067, %dma_wait3A_1073] : memref<125x80xi32, #tpu.memory_space<vmem>> -> memref<1x80xi32, #tpu.memory_space<vmem>>
    %dma_wait3A_1075 = tpu.memref_squeeze %dma_wait3A_1074 : memref<1x80xi32, #tpu.memory_space<vmem>> -> memref<80xi32, #tpu.memory_space<vmem>>
    %dma_wait3A_1076 = arith.constant 0 : i32
    %dma_wait3A_1077 = arith.constant 0 : i32
    %dma_wait3A_1078 = tpu.memref_slice %arg2[%dma_wait3A_1076, %dma_wait3A_1077] : memref<540000x64xf32, #tpu.memory_space<hbm>> -> memref<540000x64xf32, #tpu.memory_space<hbm>>
    tpu.wait_indirect_dma semaphore(%arg10 : memref<!tpu.dma_semaphore, #tpu.memory_space<semaphore_mem>>) src(%dma_wait3A_1078 : memref<540000x64xf32, #tpu.memory_space<hbm>>) dst(%dma_wait3A_1072 : memref<80x64xf32, #tpu.memory_space<vmem>>)
    %dma_start3A_1079 = arith.constant 5 : i32
    %dma_start3A_1080 = arith.constant 115 : i32
    %dma_start3A_1081 = arith.constant 0 : i32
    %dma_start3A_1082 = arith.constant 0 : i32
    %dma_start3A_1083 = tpu.memref_slice %arg8[%dma_start3A_1079, %dma_start3A_1081, %dma_start3A_1082] : memref<10x80x64xf32, #tpu.memory_space<vmem>> -> memref<1x80x64xf32, #tpu.memory_space<vmem>>
    %dma_start3A_1084 = tpu.memref_squeeze %dma_start3A_1083 : memref<1x80x64xf32, #tpu.memory_space<vmem>> -> memref<80x64xf32, #tpu.memory_space<vmem>>
    %dma_start3A_1085 = arith.constant 0 : i32
    %dma_start3A_1086 = tpu.memref_slice %arg7[%dma_start3A_1080, %dma_start3A_1085] : memref<125x80xi32, #tpu.memory_space<vmem>> -> memref<1x80xi32, #tpu.memory_space<vmem>>
    %dma_start3A_1087 = tpu.memref_squeeze %dma_start3A_1086 : memref<1x80xi32, #tpu.memory_space<vmem>> -> memref<80xi32, #tpu.memory_space<vmem>>
    %dma_start3A_1088 = arith.constant 0 : i32
    %dma_start3A_1089 = arith.constant 0 : i32
    %dma_start3A_1090 = tpu.memref_slice %arg9[%dma_start3A_1088, %dma_start3A_1089] : memref<10240x64xf32, #tpu.memory_space<vmem_shared>> -> memref<10240x64xf32, #tpu.memory_space<vmem_shared>>
    tpu.enqueue_indirect_dma source(%dma_start3A_1084 : memref<80x64xf32, #tpu.memory_space<vmem>>) target(%dma_start3A_1090 : memref<10240x64xf32, #tpu.memory_space<vmem_shared>>) offsets(%dma_start3A_1087 : memref<80xi32, #tpu.memory_space<vmem>>) semaphore(%arg11 : memref<!tpu.dma_semaphore, #tpu.memory_space<semaphore_mem>>) {add = true}
    %dma_start3A_1091 = arith.constant 6 : i32
    %dma_start3A_1092 = arith.constant 116 : i32
    %dma_start3A_1093 = arith.constant 0 : i32
    %dma_start3A_1094 = arith.constant 0 : i32
    %dma_start3A_1095 = tpu.memref_slice %arg8[%dma_start3A_1091, %dma_start3A_1093, %dma_start3A_1094] : memref<10x80x64xf32, #tpu.memory_space<vmem>> -> memref<1x80x64xf32, #tpu.memory_space<vmem>>
    %dma_start3A_1096 = tpu.memref_squeeze %dma_start3A_1095 : memref<1x80x64xf32, #tpu.memory_space<vmem>> -> memref<80x64xf32, #tpu.memory_space<vmem>>
    %dma_start3A_1097 = arith.constant 0 : i32
    %dma_start3A_1098 = tpu.memref_slice %arg7[%dma_start3A_1092, %dma_start3A_1097] : memref<125x80xi32, #tpu.memory_space<vmem>> -> memref<1x80xi32, #tpu.memory_space<vmem>>
    %dma_start3A_1099 = tpu.memref_squeeze %dma_start3A_1098 : memref<1x80xi32, #tpu.memory_space<vmem>> -> memref<80xi32, #tpu.memory_space<vmem>>
    %dma_start3A_1100 = arith.constant 0 : i32
    %dma_start3A_1101 = arith.constant 0 : i32
    %dma_start3A_1102 = tpu.memref_slice %arg9[%dma_start3A_1100, %dma_start3A_1101] : memref<10240x64xf32, #tpu.memory_space<vmem_shared>> -> memref<10240x64xf32, #tpu.memory_space<vmem_shared>>
    tpu.enqueue_indirect_dma source(%dma_start3A_1096 : memref<80x64xf32, #tpu.memory_space<vmem>>) target(%dma_start3A_1102 : memref<10240x64xf32, #tpu.memory_space<vmem_shared>>) offsets(%dma_start3A_1099 : memref<80xi32, #tpu.memory_space<vmem>>) semaphore(%arg11 : memref<!tpu.dma_semaphore, #tpu.memory_space<semaphore_mem>>) {add = true}
    %dma_start3A_1103 = arith.constant 7 : i32
    %dma_start3A_1104 = arith.constant 117 : i32
    %dma_start3A_1105 = arith.constant 0 : i32
    %dma_start3A_1106 = arith.constant 0 : i32
    %dma_start3A_1107 = tpu.memref_slice %arg8[%dma_start3A_1103, %dma_start3A_1105, %dma_start3A_1106] : memref<10x80x64xf32, #tpu.memory_space<vmem>> -> memref<1x80x64xf32, #tpu.memory_space<vmem>>
    %dma_start3A_1108 = tpu.memref_squeeze %dma_start3A_1107 : memref<1x80x64xf32, #tpu.memory_space<vmem>> -> memref<80x64xf32, #tpu.memory_space<vmem>>
    %dma_start3A_1109 = arith.constant 0 : i32
    %dma_start3A_1110 = tpu.memref_slice %arg7[%dma_start3A_1104, %dma_start3A_1109] : memref<125x80xi32, #tpu.memory_space<vmem>> -> memref<1x80xi32, #tpu.memory_space<vmem>>
    %dma_start3A_1111 = tpu.memref_squeeze %dma_start3A_1110 : memref<1x80xi32, #tpu.memory_space<vmem>> -> memref<80xi32, #tpu.memory_space<vmem>>
    %dma_start3A_1112 = arith.constant 0 : i32
    %dma_start3A_1113 = arith.constant 0 : i32
    %dma_start3A_1114 = tpu.memref_slice %arg9[%dma_start3A_1112, %dma_start3A_1113] : memref<10240x64xf32, #tpu.memory_space<vmem_shared>> -> memref<10240x64xf32, #tpu.memory_space<vmem_shared>>
    tpu.enqueue_indirect_dma source(%dma_start3A_1108 : memref<80x64xf32, #tpu.memory_space<vmem>>) target(%dma_start3A_1114 : memref<10240x64xf32, #tpu.memory_space<vmem_shared>>) offsets(%dma_start3A_1111 : memref<80xi32, #tpu.memory_space<vmem>>) semaphore(%arg11 : memref<!tpu.dma_semaphore, #tpu.memory_space<semaphore_mem>>) {add = true}
    %dma_start3A_1115 = arith.constant 8 : i32
    %dma_start3A_1116 = arith.constant 118 : i32
    %dma_start3A_1117 = arith.constant 0 : i32
    %dma_start3A_1118 = arith.constant 0 : i32
    %dma_start3A_1119 = tpu.memref_slice %arg8[%dma_start3A_1115, %dma_start3A_1117, %dma_start3A_1118] : memref<10x80x64xf32, #tpu.memory_space<vmem>> -> memref<1x80x64xf32, #tpu.memory_space<vmem>>
    %dma_start3A_1120 = tpu.memref_squeeze %dma_start3A_1119 : memref<1x80x64xf32, #tpu.memory_space<vmem>> -> memref<80x64xf32, #tpu.memory_space<vmem>>
    %dma_start3A_1121 = arith.constant 0 : i32
    %dma_start3A_1122 = tpu.memref_slice %arg7[%dma_start3A_1116, %dma_start3A_1121] : memref<125x80xi32, #tpu.memory_space<vmem>> -> memref<1x80xi32, #tpu.memory_space<vmem>>
    %dma_start3A_1123 = tpu.memref_squeeze %dma_start3A_1122 : memref<1x80xi32, #tpu.memory_space<vmem>> -> memref<80xi32, #tpu.memory_space<vmem>>
    %dma_start3A_1124 = arith.constant 0 : i32
    %dma_start3A_1125 = arith.constant 0 : i32
    %dma_start3A_1126 = tpu.memref_slice %arg9[%dma_start3A_1124, %dma_start3A_1125] : memref<10240x64xf32, #tpu.memory_space<vmem_shared>> -> memref<10240x64xf32, #tpu.memory_space<vmem_shared>>
    tpu.enqueue_indirect_dma source(%dma_start3A_1120 : memref<80x64xf32, #tpu.memory_space<vmem>>) target(%dma_start3A_1126 : memref<10240x64xf32, #tpu.memory_space<vmem_shared>>) offsets(%dma_start3A_1123 : memref<80xi32, #tpu.memory_space<vmem>>) semaphore(%arg11 : memref<!tpu.dma_semaphore, #tpu.memory_space<semaphore_mem>>) {add = true}
    %dma_start3A_1127 = arith.constant 9 : i32
    %dma_start3A_1128 = arith.constant 119 : i32
    %dma_start3A_1129 = arith.constant 0 : i32
    %dma_start3A_1130 = arith.constant 0 : i32
    %dma_start3A_1131 = tpu.memref_slice %arg8[%dma_start3A_1127, %dma_start3A_1129, %dma_start3A_1130] : memref<10x80x64xf32, #tpu.memory_space<vmem>> -> memref<1x80x64xf32, #tpu.memory_space<vmem>>
    %dma_start3A_1132 = tpu.memref_squeeze %dma_start3A_1131 : memref<1x80x64xf32, #tpu.memory_space<vmem>> -> memref<80x64xf32, #tpu.memory_space<vmem>>
    %dma_start3A_1133 = arith.constant 0 : i32
    %dma_start3A_1134 = tpu.memref_slice %arg7[%dma_start3A_1128, %dma_start3A_1133] : memref<125x80xi32, #tpu.memory_space<vmem>> -> memref<1x80xi32, #tpu.memory_space<vmem>>
    %dma_start3A_1135 = tpu.memref_squeeze %dma_start3A_1134 : memref<1x80xi32, #tpu.memory_space<vmem>> -> memref<80xi32, #tpu.memory_space<vmem>>
    %dma_start3A_1136 = arith.constant 0 : i32
    %dma_start3A_1137 = arith.constant 0 : i32
    %dma_start3A_1138 = tpu.memref_slice %arg9[%dma_start3A_1136, %dma_start3A_1137] : memref<10240x64xf32, #tpu.memory_space<vmem_shared>> -> memref<10240x64xf32, #tpu.memory_space<vmem_shared>>
    tpu.enqueue_indirect_dma source(%dma_start3A_1132 : memref<80x64xf32, #tpu.memory_space<vmem>>) target(%dma_start3A_1138 : memref<10240x64xf32, #tpu.memory_space<vmem_shared>>) offsets(%dma_start3A_1135 : memref<80xi32, #tpu.memory_space<vmem>>) semaphore(%arg11 : memref<!tpu.dma_semaphore, #tpu.memory_space<semaphore_mem>>) {add = true}
    %dma_wait3A_1139 = arith.constant 0 : i32
    %dma_wait3A_1140 = arith.constant 110 : i32
    %dma_wait3A_1141 = arith.constant 0 : i32
    %dma_wait3A_1142 = arith.constant 0 : i32
    %dma_wait3A_1143 = tpu.memref_slice %arg8[%dma_wait3A_1139, %dma_wait3A_1141, %dma_wait3A_1142] : memref<10x80x64xf32, #tpu.memory_space<vmem>> -> memref<1x80x64xf32, #tpu.memory_space<vmem>>
    %dma_wait3A_1144 = tpu.memref_squeeze %dma_wait3A_1143 : memref<1x80x64xf32, #tpu.memory_space<vmem>> -> memref<80x64xf32, #tpu.memory_space<vmem>>
    %dma_wait3A_1145 = arith.constant 0 : i32
    %dma_wait3A_1146 = tpu.memref_slice %arg7[%dma_wait3A_1140, %dma_wait3A_1145] : memref<125x80xi32, #tpu.memory_space<vmem>> -> memref<1x80xi32, #tpu.memory_space<vmem>>
    %dma_wait3A_1147 = tpu.memref_squeeze %dma_wait3A_1146 : memref<1x80xi32, #tpu.memory_space<vmem>> -> memref<80xi32, #tpu.memory_space<vmem>>
    %dma_wait3A_1148 = arith.constant 0 : i32
    %dma_wait3A_1149 = arith.constant 0 : i32
    %dma_wait3A_1150 = tpu.memref_slice %arg9[%dma_wait3A_1148, %dma_wait3A_1149] : memref<10240x64xf32, #tpu.memory_space<vmem_shared>> -> memref<10240x64xf32, #tpu.memory_space<vmem_shared>>
    tpu.wait_indirect_dma semaphore(%arg11 : memref<!tpu.dma_semaphore, #tpu.memory_space<semaphore_mem>>) src(%dma_wait3A_1144 : memref<80x64xf32, #tpu.memory_space<vmem>>) dst(%dma_wait3A_1150 : memref<10240x64xf32, #tpu.memory_space<vmem_shared>>)
    %dma_wait3A_1151 = arith.constant 1 : i32
    %dma_wait3A_1152 = arith.constant 111 : i32
    %dma_wait3A_1153 = arith.constant 0 : i32
    %dma_wait3A_1154 = arith.constant 0 : i32
    %dma_wait3A_1155 = tpu.memref_slice %arg8[%dma_wait3A_1151, %dma_wait3A_1153, %dma_wait3A_1154] : memref<10x80x64xf32, #tpu.memory_space<vmem>> -> memref<1x80x64xf32, #tpu.memory_space<vmem>>
    %dma_wait3A_1156 = tpu.memref_squeeze %dma_wait3A_1155 : memref<1x80x64xf32, #tpu.memory_space<vmem>> -> memref<80x64xf32, #tpu.memory_space<vmem>>
    %dma_wait3A_1157 = arith.constant 0 : i32
    %dma_wait3A_1158 = tpu.memref_slice %arg7[%dma_wait3A_1152, %dma_wait3A_1157] : memref<125x80xi32, #tpu.memory_space<vmem>> -> memref<1x80xi32, #tpu.memory_space<vmem>>
    %dma_wait3A_1159 = tpu.memref_squeeze %dma_wait3A_1158 : memref<1x80xi32, #tpu.memory_space<vmem>> -> memref<80xi32, #tpu.memory_space<vmem>>
    %dma_wait3A_1160 = arith.constant 0 : i32
    %dma_wait3A_1161 = arith.constant 0 : i32
    %dma_wait3A_1162 = tpu.memref_slice %arg9[%dma_wait3A_1160, %dma_wait3A_1161] : memref<10240x64xf32, #tpu.memory_space<vmem_shared>> -> memref<10240x64xf32, #tpu.memory_space<vmem_shared>>
    tpu.wait_indirect_dma semaphore(%arg11 : memref<!tpu.dma_semaphore, #tpu.memory_space<semaphore_mem>>) src(%dma_wait3A_1156 : memref<80x64xf32, #tpu.memory_space<vmem>>) dst(%dma_wait3A_1162 : memref<10240x64xf32, #tpu.memory_space<vmem_shared>>)
    %dma_wait3A_1163 = arith.constant 2 : i32
    %dma_wait3A_1164 = arith.constant 112 : i32
    %dma_wait3A_1165 = arith.constant 0 : i32
    %dma_wait3A_1166 = arith.constant 0 : i32
    %dma_wait3A_1167 = tpu.memref_slice %arg8[%dma_wait3A_1163, %dma_wait3A_1165, %dma_wait3A_1166] : memref<10x80x64xf32, #tpu.memory_space<vmem>> -> memref<1x80x64xf32, #tpu.memory_space<vmem>>
    %dma_wait3A_1168 = tpu.memref_squeeze %dma_wait3A_1167 : memref<1x80x64xf32, #tpu.memory_space<vmem>> -> memref<80x64xf32, #tpu.memory_space<vmem>>
    %dma_wait3A_1169 = arith.constant 0 : i32
    %dma_wait3A_1170 = tpu.memref_slice %arg7[%dma_wait3A_1164, %dma_wait3A_1169] : memref<125x80xi32, #tpu.memory_space<vmem>> -> memref<1x80xi32, #tpu.memory_space<vmem>>
    %dma_wait3A_1171 = tpu.memref_squeeze %dma_wait3A_1170 : memref<1x80xi32, #tpu.memory_space<vmem>> -> memref<80xi32, #tpu.memory_space<vmem>>
    %dma_wait3A_1172 = arith.constant 0 : i32
    %dma_wait3A_1173 = arith.constant 0 : i32
    %dma_wait3A_1174 = tpu.memref_slice %arg9[%dma_wait3A_1172, %dma_wait3A_1173] : memref<10240x64xf32, #tpu.memory_space<vmem_shared>> -> memref<10240x64xf32, #tpu.memory_space<vmem_shared>>
    tpu.wait_indirect_dma semaphore(%arg11 : memref<!tpu.dma_semaphore, #tpu.memory_space<semaphore_mem>>) src(%dma_wait3A_1168 : memref<80x64xf32, #tpu.memory_space<vmem>>) dst(%dma_wait3A_1174 : memref<10240x64xf32, #tpu.memory_space<vmem_shared>>)
    %dma_wait3A_1175 = arith.constant 3 : i32
    %dma_wait3A_1176 = arith.constant 113 : i32
    %dma_wait3A_1177 = arith.constant 0 : i32
    %dma_wait3A_1178 = arith.constant 0 : i32
    %dma_wait3A_1179 = tpu.memref_slice %arg8[%dma_wait3A_1175, %dma_wait3A_1177, %dma_wait3A_1178] : memref<10x80x64xf32, #tpu.memory_space<vmem>> -> memref<1x80x64xf32, #tpu.memory_space<vmem>>
    %dma_wait3A_1180 = tpu.memref_squeeze %dma_wait3A_1179 : memref<1x80x64xf32, #tpu.memory_space<vmem>> -> memref<80x64xf32, #tpu.memory_space<vmem>>
    %dma_wait3A_1181 = arith.constant 0 : i32
    %dma_wait3A_1182 = tpu.memref_slice %arg7[%dma_wait3A_1176, %dma_wait3A_1181] : memref<125x80xi32, #tpu.memory_space<vmem>> -> memref<1x80xi32, #tpu.memory_space<vmem>>
    %dma_wait3A_1183 = tpu.memref_squeeze %dma_wait3A_1182 : memref<1x80xi32, #tpu.memory_space<vmem>> -> memref<80xi32, #tpu.memory_space<vmem>>
    %dma_wait3A_1184 = arith.constant 0 : i32
    %dma_wait3A_1185 = arith.constant 0 : i32
    %dma_wait3A_1186 = tpu.memref_slice %arg9[%dma_wait3A_1184, %dma_wait3A_1185] : memref<10240x64xf32, #tpu.memory_space<vmem_shared>> -> memref<10240x64xf32, #tpu.memory_space<vmem_shared>>
    tpu.wait_indirect_dma semaphore(%arg11 : memref<!tpu.dma_semaphore, #tpu.memory_space<semaphore_mem>>) src(%dma_wait3A_1180 : memref<80x64xf32, #tpu.memory_space<vmem>>) dst(%dma_wait3A_1186 : memref<10240x64xf32, #tpu.memory_space<vmem_shared>>)
    %dma_wait3A_1187 = arith.constant 4 : i32
    %dma_wait3A_1188 = arith.constant 114 : i32
    %dma_wait3A_1189 = arith.constant 0 : i32
    %dma_wait3A_1190 = arith.constant 0 : i32
    %dma_wait3A_1191 = tpu.memref_slice %arg8[%dma_wait3A_1187, %dma_wait3A_1189, %dma_wait3A_1190] : memref<10x80x64xf32, #tpu.memory_space<vmem>> -> memref<1x80x64xf32, #tpu.memory_space<vmem>>
    %dma_wait3A_1192 = tpu.memref_squeeze %dma_wait3A_1191 : memref<1x80x64xf32, #tpu.memory_space<vmem>> -> memref<80x64xf32, #tpu.memory_space<vmem>>
    %dma_wait3A_1193 = arith.constant 0 : i32
    %dma_wait3A_1194 = tpu.memref_slice %arg7[%dma_wait3A_1188, %dma_wait3A_1193] : memref<125x80xi32, #tpu.memory_space<vmem>> -> memref<1x80xi32, #tpu.memory_space<vmem>>
    %dma_wait3A_1195 = tpu.memref_squeeze %dma_wait3A_1194 : memref<1x80xi32, #tpu.memory_space<vmem>> -> memref<80xi32, #tpu.memory_space<vmem>>
    %dma_wait3A_1196 = arith.constant 0 : i32
    %dma_wait3A_1197 = arith.constant 0 : i32
    %dma_wait3A_1198 = tpu.memref_slice %arg9[%dma_wait3A_1196, %dma_wait3A_1197] : memref<10240x64xf32, #tpu.memory_space<vmem_shared>> -> memref<10240x64xf32, #tpu.memory_space<vmem_shared>>
    tpu.wait_indirect_dma semaphore(%arg11 : memref<!tpu.dma_semaphore, #tpu.memory_space<semaphore_mem>>) src(%dma_wait3A_1192 : memref<80x64xf32, #tpu.memory_space<vmem>>) dst(%dma_wait3A_1198 : memref<10240x64xf32, #tpu.memory_space<vmem_shared>>)
    %dma_start3A_1199 = arith.constant 120 : i32
    %dma_start3A_1200 = arith.constant 0 : i32
    %dma_start3A_1201 = arith.constant 0 : i32
    %dma_start3A_1202 = arith.constant 0 : i32
    %dma_start3A_1203 = tpu.memref_slice %arg8[%dma_start3A_1200, %dma_start3A_1201, %dma_start3A_1202] : memref<10x80x64xf32, #tpu.memory_space<vmem>> -> memref<1x80x64xf32, #tpu.memory_space<vmem>>
    %dma_start3A_1204 = tpu.memref_squeeze %dma_start3A_1203 : memref<1x80x64xf32, #tpu.memory_space<vmem>> -> memref<80x64xf32, #tpu.memory_space<vmem>>
    %dma_start3A_1205 = arith.constant 0 : i32
    %dma_start3A_1206 = tpu.memref_slice %arg6[%dma_start3A_1199, %dma_start3A_1205] : memref<125x80xi32, #tpu.memory_space<vmem>> -> memref<1x80xi32, #tpu.memory_space<vmem>>
    %dma_start3A_1207 = tpu.memref_squeeze %dma_start3A_1206 : memref<1x80xi32, #tpu.memory_space<vmem>> -> memref<80xi32, #tpu.memory_space<vmem>>
    %dma_start3A_1208 = arith.constant 0 : i32
    %dma_start3A_1209 = arith.constant 0 : i32
    %dma_start3A_1210 = tpu.memref_slice %arg2[%dma_start3A_1208, %dma_start3A_1209] : memref<540000x64xf32, #tpu.memory_space<hbm>> -> memref<540000x64xf32, #tpu.memory_space<hbm>>
    tpu.enqueue_indirect_dma source(%dma_start3A_1210 : memref<540000x64xf32, #tpu.memory_space<hbm>>) target(%dma_start3A_1204 : memref<80x64xf32, #tpu.memory_space<vmem>>) offsets(%dma_start3A_1207 : memref<80xi32, #tpu.memory_space<vmem>>) semaphore(%arg10 : memref<!tpu.dma_semaphore, #tpu.memory_space<semaphore_mem>>)
    %dma_start3A_1211 = arith.constant 121 : i32
    %dma_start3A_1212 = arith.constant 1 : i32
    %dma_start3A_1213 = arith.constant 0 : i32
    %dma_start3A_1214 = arith.constant 0 : i32
    %dma_start3A_1215 = tpu.memref_slice %arg8[%dma_start3A_1212, %dma_start3A_1213, %dma_start3A_1214] : memref<10x80x64xf32, #tpu.memory_space<vmem>> -> memref<1x80x64xf32, #tpu.memory_space<vmem>>
    %dma_start3A_1216 = tpu.memref_squeeze %dma_start3A_1215 : memref<1x80x64xf32, #tpu.memory_space<vmem>> -> memref<80x64xf32, #tpu.memory_space<vmem>>
    %dma_start3A_1217 = arith.constant 0 : i32
    %dma_start3A_1218 = tpu.memref_slice %arg6[%dma_start3A_1211, %dma_start3A_1217] : memref<125x80xi32, #tpu.memory_space<vmem>> -> memref<1x80xi32, #tpu.memory_space<vmem>>
    %dma_start3A_1219 = tpu.memref_squeeze %dma_start3A_1218 : memref<1x80xi32, #tpu.memory_space<vmem>> -> memref<80xi32, #tpu.memory_space<vmem>>
    %dma_start3A_1220 = arith.constant 0 : i32
    %dma_start3A_1221 = arith.constant 0 : i32
    %dma_start3A_1222 = tpu.memref_slice %arg2[%dma_start3A_1220, %dma_start3A_1221] : memref<540000x64xf32, #tpu.memory_space<hbm>> -> memref<540000x64xf32, #tpu.memory_space<hbm>>
    tpu.enqueue_indirect_dma source(%dma_start3A_1222 : memref<540000x64xf32, #tpu.memory_space<hbm>>) target(%dma_start3A_1216 : memref<80x64xf32, #tpu.memory_space<vmem>>) offsets(%dma_start3A_1219 : memref<80xi32, #tpu.memory_space<vmem>>) semaphore(%arg10 : memref<!tpu.dma_semaphore, #tpu.memory_space<semaphore_mem>>)
    %dma_start3A_1223 = arith.constant 122 : i32
    %dma_start3A_1224 = arith.constant 2 : i32
    %dma_start3A_1225 = arith.constant 0 : i32
    %dma_start3A_1226 = arith.constant 0 : i32
    %dma_start3A_1227 = tpu.memref_slice %arg8[%dma_start3A_1224, %dma_start3A_1225, %dma_start3A_1226] : memref<10x80x64xf32, #tpu.memory_space<vmem>> -> memref<1x80x64xf32, #tpu.memory_space<vmem>>
    %dma_start3A_1228 = tpu.memref_squeeze %dma_start3A_1227 : memref<1x80x64xf32, #tpu.memory_space<vmem>> -> memref<80x64xf32, #tpu.memory_space<vmem>>
    %dma_start3A_1229 = arith.constant 0 : i32
    %dma_start3A_1230 = tpu.memref_slice %arg6[%dma_start3A_1223, %dma_start3A_1229] : memref<125x80xi32, #tpu.memory_space<vmem>> -> memref<1x80xi32, #tpu.memory_space<vmem>>
    %dma_start3A_1231 = tpu.memref_squeeze %dma_start3A_1230 : memref<1x80xi32, #tpu.memory_space<vmem>> -> memref<80xi32, #tpu.memory_space<vmem>>
    %dma_start3A_1232 = arith.constant 0 : i32
    %dma_start3A_1233 = arith.constant 0 : i32
    %dma_start3A_1234 = tpu.memref_slice %arg2[%dma_start3A_1232, %dma_start3A_1233] : memref<540000x64xf32, #tpu.memory_space<hbm>> -> memref<540000x64xf32, #tpu.memory_space<hbm>>
    tpu.enqueue_indirect_dma source(%dma_start3A_1234 : memref<540000x64xf32, #tpu.memory_space<hbm>>) target(%dma_start3A_1228 : memref<80x64xf32, #tpu.memory_space<vmem>>) offsets(%dma_start3A_1231 : memref<80xi32, #tpu.memory_space<vmem>>) semaphore(%arg10 : memref<!tpu.dma_semaphore, #tpu.memory_space<semaphore_mem>>)
    %dma_start3A_1235 = arith.constant 123 : i32
    %dma_start3A_1236 = arith.constant 3 : i32
    %dma_start3A_1237 = arith.constant 0 : i32
    %dma_start3A_1238 = arith.constant 0 : i32
    %dma_start3A_1239 = tpu.memref_slice %arg8[%dma_start3A_1236, %dma_start3A_1237, %dma_start3A_1238] : memref<10x80x64xf32, #tpu.memory_space<vmem>> -> memref<1x80x64xf32, #tpu.memory_space<vmem>>
    %dma_start3A_1240 = tpu.memref_squeeze %dma_start3A_1239 : memref<1x80x64xf32, #tpu.memory_space<vmem>> -> memref<80x64xf32, #tpu.memory_space<vmem>>
    %dma_start3A_1241 = arith.constant 0 : i32
    %dma_start3A_1242 = tpu.memref_slice %arg6[%dma_start3A_1235, %dma_start3A_1241] : memref<125x80xi32, #tpu.memory_space<vmem>> -> memref<1x80xi32, #tpu.memory_space<vmem>>
    %dma_start3A_1243 = tpu.memref_squeeze %dma_start3A_1242 : memref<1x80xi32, #tpu.memory_space<vmem>> -> memref<80xi32, #tpu.memory_space<vmem>>
    %dma_start3A_1244 = arith.constant 0 : i32
    %dma_start3A_1245 = arith.constant 0 : i32
    %dma_start3A_1246 = tpu.memref_slice %arg2[%dma_start3A_1244, %dma_start3A_1245] : memref<540000x64xf32, #tpu.memory_space<hbm>> -> memref<540000x64xf32, #tpu.memory_space<hbm>>
    tpu.enqueue_indirect_dma source(%dma_start3A_1246 : memref<540000x64xf32, #tpu.memory_space<hbm>>) target(%dma_start3A_1240 : memref<80x64xf32, #tpu.memory_space<vmem>>) offsets(%dma_start3A_1243 : memref<80xi32, #tpu.memory_space<vmem>>) semaphore(%arg10 : memref<!tpu.dma_semaphore, #tpu.memory_space<semaphore_mem>>)
    %dma_start3A_1247 = arith.constant 124 : i32
    %dma_start3A_1248 = arith.constant 4 : i32
    %dma_start3A_1249 = arith.constant 0 : i32
    %dma_start3A_1250 = arith.constant 0 : i32
    %dma_start3A_1251 = tpu.memref_slice %arg8[%dma_start3A_1248, %dma_start3A_1249, %dma_start3A_1250] : memref<10x80x64xf32, #tpu.memory_space<vmem>> -> memref<1x80x64xf32, #tpu.memory_space<vmem>>
    %dma_start3A_1252 = tpu.memref_squeeze %dma_start3A_1251 : memref<1x80x64xf32, #tpu.memory_space<vmem>> -> memref<80x64xf32, #tpu.memory_space<vmem>>
    %dma_start3A_1253 = arith.constant 0 : i32
    %dma_start3A_1254 = tpu.memref_slice %arg6[%dma_start3A_1247, %dma_start3A_1253] : memref<125x80xi32, #tpu.memory_space<vmem>> -> memref<1x80xi32, #tpu.memory_space<vmem>>
    %dma_start3A_1255 = tpu.memref_squeeze %dma_start3A_1254 : memref<1x80xi32, #tpu.memory_space<vmem>> -> memref<80xi32, #tpu.memory_space<vmem>>
    %dma_start3A_1256 = arith.constant 0 : i32
    %dma_start3A_1257 = arith.constant 0 : i32
    %dma_start3A_1258 = tpu.memref_slice %arg2[%dma_start3A_1256, %dma_start3A_1257] : memref<540000x64xf32, #tpu.memory_space<hbm>> -> memref<540000x64xf32, #tpu.memory_space<hbm>>
    tpu.enqueue_indirect_dma source(%dma_start3A_1258 : memref<540000x64xf32, #tpu.memory_space<hbm>>) target(%dma_start3A_1252 : memref<80x64xf32, #tpu.memory_space<vmem>>) offsets(%dma_start3A_1255 : memref<80xi32, #tpu.memory_space<vmem>>) semaphore(%arg10 : memref<!tpu.dma_semaphore, #tpu.memory_space<semaphore_mem>>)
    %dma_wait3A_1259 = arith.constant 120 : i32
    %dma_wait3A_1260 = arith.constant 0 : i32
    %dma_wait3A_1261 = arith.constant 0 : i32
    %dma_wait3A_1262 = arith.constant 0 : i32
    %dma_wait3A_1263 = tpu.memref_slice %arg8[%dma_wait3A_1260, %dma_wait3A_1261, %dma_wait3A_1262] : memref<10x80x64xf32, #tpu.memory_space<vmem>> -> memref<1x80x64xf32, #tpu.memory_space<vmem>>
    %dma_wait3A_1264 = tpu.memref_squeeze %dma_wait3A_1263 : memref<1x80x64xf32, #tpu.memory_space<vmem>> -> memref<80x64xf32, #tpu.memory_space<vmem>>
    %dma_wait3A_1265 = arith.constant 0 : i32
    %dma_wait3A_1266 = tpu.memref_slice %arg6[%dma_wait3A_1259, %dma_wait3A_1265] : memref<125x80xi32, #tpu.memory_space<vmem>> -> memref<1x80xi32, #tpu.memory_space<vmem>>
    %dma_wait3A_1267 = tpu.memref_squeeze %dma_wait3A_1266 : memref<1x80xi32, #tpu.memory_space<vmem>> -> memref<80xi32, #tpu.memory_space<vmem>>
    %dma_wait3A_1268 = arith.constant 0 : i32
    %dma_wait3A_1269 = arith.constant 0 : i32
    %dma_wait3A_1270 = tpu.memref_slice %arg2[%dma_wait3A_1268, %dma_wait3A_1269] : memref<540000x64xf32, #tpu.memory_space<hbm>> -> memref<540000x64xf32, #tpu.memory_space<hbm>>
    tpu.wait_indirect_dma semaphore(%arg10 : memref<!tpu.dma_semaphore, #tpu.memory_space<semaphore_mem>>) src(%dma_wait3A_1270 : memref<540000x64xf32, #tpu.memory_space<hbm>>) dst(%dma_wait3A_1264 : memref<80x64xf32, #tpu.memory_space<vmem>>)
    %dma_wait3A_1271 = arith.constant 121 : i32
    %dma_wait3A_1272 = arith.constant 1 : i32
    %dma_wait3A_1273 = arith.constant 0 : i32
    %dma_wait3A_1274 = arith.constant 0 : i32
    %dma_wait3A_1275 = tpu.memref_slice %arg8[%dma_wait3A_1272, %dma_wait3A_1273, %dma_wait3A_1274] : memref<10x80x64xf32, #tpu.memory_space<vmem>> -> memref<1x80x64xf32, #tpu.memory_space<vmem>>
    %dma_wait3A_1276 = tpu.memref_squeeze %dma_wait3A_1275 : memref<1x80x64xf32, #tpu.memory_space<vmem>> -> memref<80x64xf32, #tpu.memory_space<vmem>>
    %dma_wait3A_1277 = arith.constant 0 : i32
    %dma_wait3A_1278 = tpu.memref_slice %arg6[%dma_wait3A_1271, %dma_wait3A_1277] : memref<125x80xi32, #tpu.memory_space<vmem>> -> memref<1x80xi32, #tpu.memory_space<vmem>>
    %dma_wait3A_1279 = tpu.memref_squeeze %dma_wait3A_1278 : memref<1x80xi32, #tpu.memory_space<vmem>> -> memref<80xi32, #tpu.memory_space<vmem>>
    %dma_wait3A_1280 = arith.constant 0 : i32
    %dma_wait3A_1281 = arith.constant 0 : i32
    %dma_wait3A_1282 = tpu.memref_slice %arg2[%dma_wait3A_1280, %dma_wait3A_1281] : memref<540000x64xf32, #tpu.memory_space<hbm>> -> memref<540000x64xf32, #tpu.memory_space<hbm>>
    tpu.wait_indirect_dma semaphore(%arg10 : memref<!tpu.dma_semaphore, #tpu.memory_space<semaphore_mem>>) src(%dma_wait3A_1282 : memref<540000x64xf32, #tpu.memory_space<hbm>>) dst(%dma_wait3A_1276 : memref<80x64xf32, #tpu.memory_space<vmem>>)
    %dma_wait3A_1283 = arith.constant 122 : i32
    %dma_wait3A_1284 = arith.constant 2 : i32
    %dma_wait3A_1285 = arith.constant 0 : i32
    %dma_wait3A_1286 = arith.constant 0 : i32
    %dma_wait3A_1287 = tpu.memref_slice %arg8[%dma_wait3A_1284, %dma_wait3A_1285, %dma_wait3A_1286] : memref<10x80x64xf32, #tpu.memory_space<vmem>> -> memref<1x80x64xf32, #tpu.memory_space<vmem>>
    %dma_wait3A_1288 = tpu.memref_squeeze %dma_wait3A_1287 : memref<1x80x64xf32, #tpu.memory_space<vmem>> -> memref<80x64xf32, #tpu.memory_space<vmem>>
    %dma_wait3A_1289 = arith.constant 0 : i32
    %dma_wait3A_1290 = tpu.memref_slice %arg6[%dma_wait3A_1283, %dma_wait3A_1289] : memref<125x80xi32, #tpu.memory_space<vmem>> -> memref<1x80xi32, #tpu.memory_space<vmem>>
    %dma_wait3A_1291 = tpu.memref_squeeze %dma_wait3A_1290 : memref<1x80xi32, #tpu.memory_space<vmem>> -> memref<80xi32, #tpu.memory_space<vmem>>
    %dma_wait3A_1292 = arith.constant 0 : i32
    %dma_wait3A_1293 = arith.constant 0 : i32
    %dma_wait3A_1294 = tpu.memref_slice %arg2[%dma_wait3A_1292, %dma_wait3A_1293] : memref<540000x64xf32, #tpu.memory_space<hbm>> -> memref<540000x64xf32, #tpu.memory_space<hbm>>
    tpu.wait_indirect_dma semaphore(%arg10 : memref<!tpu.dma_semaphore, #tpu.memory_space<semaphore_mem>>) src(%dma_wait3A_1294 : memref<540000x64xf32, #tpu.memory_space<hbm>>) dst(%dma_wait3A_1288 : memref<80x64xf32, #tpu.memory_space<vmem>>)
    %dma_wait3A_1295 = arith.constant 123 : i32
    %dma_wait3A_1296 = arith.constant 3 : i32
    %dma_wait3A_1297 = arith.constant 0 : i32
    %dma_wait3A_1298 = arith.constant 0 : i32
    %dma_wait3A_1299 = tpu.memref_slice %arg8[%dma_wait3A_1296, %dma_wait3A_1297, %dma_wait3A_1298] : memref<10x80x64xf32, #tpu.memory_space<vmem>> -> memref<1x80x64xf32, #tpu.memory_space<vmem>>
    %dma_wait3A_1300 = tpu.memref_squeeze %dma_wait3A_1299 : memref<1x80x64xf32, #tpu.memory_space<vmem>> -> memref<80x64xf32, #tpu.memory_space<vmem>>
    %dma_wait3A_1301 = arith.constant 0 : i32
    %dma_wait3A_1302 = tpu.memref_slice %arg6[%dma_wait3A_1295, %dma_wait3A_1301] : memref<125x80xi32, #tpu.memory_space<vmem>> -> memref<1x80xi32, #tpu.memory_space<vmem>>
    %dma_wait3A_1303 = tpu.memref_squeeze %dma_wait3A_1302 : memref<1x80xi32, #tpu.memory_space<vmem>> -> memref<80xi32, #tpu.memory_space<vmem>>
    %dma_wait3A_1304 = arith.constant 0 : i32
    %dma_wait3A_1305 = arith.constant 0 : i32
    %dma_wait3A_1306 = tpu.memref_slice %arg2[%dma_wait3A_1304, %dma_wait3A_1305] : memref<540000x64xf32, #tpu.memory_space<hbm>> -> memref<540000x64xf32, #tpu.memory_space<hbm>>
    tpu.wait_indirect_dma semaphore(%arg10 : memref<!tpu.dma_semaphore, #tpu.memory_space<semaphore_mem>>) src(%dma_wait3A_1306 : memref<540000x64xf32, #tpu.memory_space<hbm>>) dst(%dma_wait3A_1300 : memref<80x64xf32, #tpu.memory_space<vmem>>)
    %dma_wait3A_1307 = arith.constant 124 : i32
    %dma_wait3A_1308 = arith.constant 4 : i32
    %dma_wait3A_1309 = arith.constant 0 : i32
    %dma_wait3A_1310 = arith.constant 0 : i32
    %dma_wait3A_1311 = tpu.memref_slice %arg8[%dma_wait3A_1308, %dma_wait3A_1309, %dma_wait3A_1310] : memref<10x80x64xf32, #tpu.memory_space<vmem>> -> memref<1x80x64xf32, #tpu.memory_space<vmem>>
    %dma_wait3A_1312 = tpu.memref_squeeze %dma_wait3A_1311 : memref<1x80x64xf32, #tpu.memory_space<vmem>> -> memref<80x64xf32, #tpu.memory_space<vmem>>
    %dma_wait3A_1313 = arith.constant 0 : i32
    %dma_wait3A_1314 = tpu.memref_slice %arg6[%dma_wait3A_1307, %dma_wait3A_1313] : memref<125x80xi32, #tpu.memory_space<vmem>> -> memref<1x80xi32, #tpu.memory_space<vmem>>
    %dma_wait3A_1315 = tpu.memref_squeeze %dma_wait3A_1314 : memref<1x80xi32, #tpu.memory_space<vmem>> -> memref<80xi32, #tpu.memory_space<vmem>>
    %dma_wait3A_1316 = arith.constant 0 : i32
    %dma_wait3A_1317 = arith.constant 0 : i32
    %dma_wait3A_1318 = tpu.memref_slice %arg2[%dma_wait3A_1316, %dma_wait3A_1317] : memref<540000x64xf32, #tpu.memory_space<hbm>> -> memref<540000x64xf32, #tpu.memory_space<hbm>>
    tpu.wait_indirect_dma semaphore(%arg10 : memref<!tpu.dma_semaphore, #tpu.memory_space<semaphore_mem>>) src(%dma_wait3A_1318 : memref<540000x64xf32, #tpu.memory_space<hbm>>) dst(%dma_wait3A_1312 : memref<80x64xf32, #tpu.memory_space<vmem>>)
    %dma_start3A_1319 = arith.constant 0 : i32
    %dma_start3A_1320 = arith.constant 120 : i32
    %dma_start3A_1321 = arith.constant 0 : i32
    %dma_start3A_1322 = arith.constant 0 : i32
    %dma_start3A_1323 = tpu.memref_slice %arg8[%dma_start3A_1319, %dma_start3A_1321, %dma_start3A_1322] : memref<10x80x64xf32, #tpu.memory_space<vmem>> -> memref<1x80x64xf32, #tpu.memory_space<vmem>>
    %dma_start3A_1324 = tpu.memref_squeeze %dma_start3A_1323 : memref<1x80x64xf32, #tpu.memory_space<vmem>> -> memref<80x64xf32, #tpu.memory_space<vmem>>
    %dma_start3A_1325 = arith.constant 0 : i32
    %dma_start3A_1326 = tpu.memref_slice %arg7[%dma_start3A_1320, %dma_start3A_1325] : memref<125x80xi32, #tpu.memory_space<vmem>> -> memref<1x80xi32, #tpu.memory_space<vmem>>
    %dma_start3A_1327 = tpu.memref_squeeze %dma_start3A_1326 : memref<1x80xi32, #tpu.memory_space<vmem>> -> memref<80xi32, #tpu.memory_space<vmem>>
    %dma_start3A_1328 = arith.constant 0 : i32
    %dma_start3A_1329 = arith.constant 0 : i32
    %dma_start3A_1330 = tpu.memref_slice %arg9[%dma_start3A_1328, %dma_start3A_1329] : memref<10240x64xf32, #tpu.memory_space<vmem_shared>> -> memref<10240x64xf32, #tpu.memory_space<vmem_shared>>
    tpu.enqueue_indirect_dma source(%dma_start3A_1324 : memref<80x64xf32, #tpu.memory_space<vmem>>) target(%dma_start3A_1330 : memref<10240x64xf32, #tpu.memory_space<vmem_shared>>) offsets(%dma_start3A_1327 : memref<80xi32, #tpu.memory_space<vmem>>) semaphore(%arg11 : memref<!tpu.dma_semaphore, #tpu.memory_space<semaphore_mem>>) {add = true}
    %dma_start3A_1331 = arith.constant 1 : i32
    %dma_start3A_1332 = arith.constant 121 : i32
    %dma_start3A_1333 = arith.constant 0 : i32
    %dma_start3A_1334 = arith.constant 0 : i32
    %dma_start3A_1335 = tpu.memref_slice %arg8[%dma_start3A_1331, %dma_start3A_1333, %dma_start3A_1334] : memref<10x80x64xf32, #tpu.memory_space<vmem>> -> memref<1x80x64xf32, #tpu.memory_space<vmem>>
    %dma_start3A_1336 = tpu.memref_squeeze %dma_start3A_1335 : memref<1x80x64xf32, #tpu.memory_space<vmem>> -> memref<80x64xf32, #tpu.memory_space<vmem>>
    %dma_start3A_1337 = arith.constant 0 : i32
    %dma_start3A_1338 = tpu.memref_slice %arg7[%dma_start3A_1332, %dma_start3A_1337] : memref<125x80xi32, #tpu.memory_space<vmem>> -> memref<1x80xi32, #tpu.memory_space<vmem>>
    %dma_start3A_1339 = tpu.memref_squeeze %dma_start3A_1338 : memref<1x80xi32, #tpu.memory_space<vmem>> -> memref<80xi32, #tpu.memory_space<vmem>>
    %dma_start3A_1340 = arith.constant 0 : i32
    %dma_start3A_1341 = arith.constant 0 : i32
    %dma_start3A_1342 = tpu.memref_slice %arg9[%dma_start3A_1340, %dma_start3A_1341] : memref<10240x64xf32, #tpu.memory_space<vmem_shared>> -> memref<10240x64xf32, #tpu.memory_space<vmem_shared>>
    tpu.enqueue_indirect_dma source(%dma_start3A_1336 : memref<80x64xf32, #tpu.memory_space<vmem>>) target(%dma_start3A_1342 : memref<10240x64xf32, #tpu.memory_space<vmem_shared>>) offsets(%dma_start3A_1339 : memref<80xi32, #tpu.memory_space<vmem>>) semaphore(%arg11 : memref<!tpu.dma_semaphore, #tpu.memory_space<semaphore_mem>>) {add = true}
    %dma_start3A_1343 = arith.constant 2 : i32
    %dma_start3A_1344 = arith.constant 122 : i32
    %dma_start3A_1345 = arith.constant 0 : i32
    %dma_start3A_1346 = arith.constant 0 : i32
    %dma_start3A_1347 = tpu.memref_slice %arg8[%dma_start3A_1343, %dma_start3A_1345, %dma_start3A_1346] : memref<10x80x64xf32, #tpu.memory_space<vmem>> -> memref<1x80x64xf32, #tpu.memory_space<vmem>>
    %dma_start3A_1348 = tpu.memref_squeeze %dma_start3A_1347 : memref<1x80x64xf32, #tpu.memory_space<vmem>> -> memref<80x64xf32, #tpu.memory_space<vmem>>
    %dma_start3A_1349 = arith.constant 0 : i32
    %dma_start3A_1350 = tpu.memref_slice %arg7[%dma_start3A_1344, %dma_start3A_1349] : memref<125x80xi32, #tpu.memory_space<vmem>> -> memref<1x80xi32, #tpu.memory_space<vmem>>
    %dma_start3A_1351 = tpu.memref_squeeze %dma_start3A_1350 : memref<1x80xi32, #tpu.memory_space<vmem>> -> memref<80xi32, #tpu.memory_space<vmem>>
    %dma_start3A_1352 = arith.constant 0 : i32
    %dma_start3A_1353 = arith.constant 0 : i32
    %dma_start3A_1354 = tpu.memref_slice %arg9[%dma_start3A_1352, %dma_start3A_1353] : memref<10240x64xf32, #tpu.memory_space<vmem_shared>> -> memref<10240x64xf32, #tpu.memory_space<vmem_shared>>
    tpu.enqueue_indirect_dma source(%dma_start3A_1348 : memref<80x64xf32, #tpu.memory_space<vmem>>) target(%dma_start3A_1354 : memref<10240x64xf32, #tpu.memory_space<vmem_shared>>) offsets(%dma_start3A_1351 : memref<80xi32, #tpu.memory_space<vmem>>) semaphore(%arg11 : memref<!tpu.dma_semaphore, #tpu.memory_space<semaphore_mem>>) {add = true}
    %dma_start3A_1355 = arith.constant 3 : i32
    %dma_start3A_1356 = arith.constant 123 : i32
    %dma_start3A_1357 = arith.constant 0 : i32
    %dma_start3A_1358 = arith.constant 0 : i32
    %dma_start3A_1359 = tpu.memref_slice %arg8[%dma_start3A_1355, %dma_start3A_1357, %dma_start3A_1358] : memref<10x80x64xf32, #tpu.memory_space<vmem>> -> memref<1x80x64xf32, #tpu.memory_space<vmem>>
    %dma_start3A_1360 = tpu.memref_squeeze %dma_start3A_1359 : memref<1x80x64xf32, #tpu.memory_space<vmem>> -> memref<80x64xf32, #tpu.memory_space<vmem>>
    %dma_start3A_1361 = arith.constant 0 : i32
    %dma_start3A_1362 = tpu.memref_slice %arg7[%dma_start3A_1356, %dma_start3A_1361] : memref<125x80xi32, #tpu.memory_space<vmem>> -> memref<1x80xi32, #tpu.memory_space<vmem>>
    %dma_start3A_1363 = tpu.memref_squeeze %dma_start3A_1362 : memref<1x80xi32, #tpu.memory_space<vmem>> -> memref<80xi32, #tpu.memory_space<vmem>>
    %dma_start3A_1364 = arith.constant 0 : i32
    %dma_start3A_1365 = arith.constant 0 : i32
    %dma_start3A_1366 = tpu.memref_slice %arg9[%dma_start3A_1364, %dma_start3A_1365] : memref<10240x64xf32, #tpu.memory_space<vmem_shared>> -> memref<10240x64xf32, #tpu.memory_space<vmem_shared>>
    tpu.enqueue_indirect_dma source(%dma_start3A_1360 : memref<80x64xf32, #tpu.memory_space<vmem>>) target(%dma_start3A_1366 : memref<10240x64xf32, #tpu.memory_space<vmem_shared>>) offsets(%dma_start3A_1363 : memref<80xi32, #tpu.memory_space<vmem>>) semaphore(%arg11 : memref<!tpu.dma_semaphore, #tpu.memory_space<semaphore_mem>>) {add = true}
    %dma_start3A_1367 = arith.constant 4 : i32
    %dma_start3A_1368 = arith.constant 124 : i32
    %dma_start3A_1369 = arith.constant 0 : i32
    %dma_start3A_1370 = arith.constant 0 : i32
    %dma_start3A_1371 = tpu.memref_slice %arg8[%dma_start3A_1367, %dma_start3A_1369, %dma_start3A_1370] : memref<10x80x64xf32, #tpu.memory_space<vmem>> -> memref<1x80x64xf32, #tpu.memory_space<vmem>>
    %dma_start3A_1372 = tpu.memref_squeeze %dma_start3A_1371 : memref<1x80x64xf32, #tpu.memory_space<vmem>> -> memref<80x64xf32, #tpu.memory_space<vmem>>
    %dma_start3A_1373 = arith.constant 0 : i32
    %dma_start3A_1374 = tpu.memref_slice %arg7[%dma_start3A_1368, %dma_start3A_1373] : memref<125x80xi32, #tpu.memory_space<vmem>> -> memref<1x80xi32, #tpu.memory_space<vmem>>
    %dma_start3A_1375 = tpu.memref_squeeze %dma_start3A_1374 : memref<1x80xi32, #tpu.memory_space<vmem>> -> memref<80xi32, #tpu.memory_space<vmem>>
    %dma_start3A_1376 = arith.constant 0 : i32
    %dma_start3A_1377 = arith.constant 0 : i32
    %dma_start3A_1378 = tpu.memref_slice %arg9[%dma_start3A_1376, %dma_start3A_1377] : memref<10240x64xf32, #tpu.memory_space<vmem_shared>> -> memref<10240x64xf32, #tpu.memory_space<vmem_shared>>
    tpu.enqueue_indirect_dma source(%dma_start3A_1372 : memref<80x64xf32, #tpu.memory_space<vmem>>) target(%dma_start3A_1378 : memref<10240x64xf32, #tpu.memory_space<vmem_shared>>) offsets(%dma_start3A_1375 : memref<80xi32, #tpu.memory_space<vmem>>) semaphore(%arg11 : memref<!tpu.dma_semaphore, #tpu.memory_space<semaphore_mem>>) {add = true}
    %dma_wait3A_1379 = arith.constant 5 : i32
    %dma_wait3A_1380 = arith.constant 115 : i32
    %dma_wait3A_1381 = arith.constant 0 : i32
    %dma_wait3A_1382 = arith.constant 0 : i32
    %dma_wait3A_1383 = tpu.memref_slice %arg8[%dma_wait3A_1379, %dma_wait3A_1381, %dma_wait3A_1382] : memref<10x80x64xf32, #tpu.memory_space<vmem>> -> memref<1x80x64xf32, #tpu.memory_space<vmem>>
    %dma_wait3A_1384 = tpu.memref_squeeze %dma_wait3A_1383 : memref<1x80x64xf32, #tpu.memory_space<vmem>> -> memref<80x64xf32, #tpu.memory_space<vmem>>
    %dma_wait3A_1385 = arith.constant 0 : i32
    %dma_wait3A_1386 = tpu.memref_slice %arg7[%dma_wait3A_1380, %dma_wait3A_1385] : memref<125x80xi32, #tpu.memory_space<vmem>> -> memref<1x80xi32, #tpu.memory_space<vmem>>
    %dma_wait3A_1387 = tpu.memref_squeeze %dma_wait3A_1386 : memref<1x80xi32, #tpu.memory_space<vmem>> -> memref<80xi32, #tpu.memory_space<vmem>>
    %dma_wait3A_1388 = arith.constant 0 : i32
    %dma_wait3A_1389 = arith.constant 0 : i32
    %dma_wait3A_1390 = tpu.memref_slice %arg9[%dma_wait3A_1388, %dma_wait3A_1389] : memref<10240x64xf32, #tpu.memory_space<vmem_shared>> -> memref<10240x64xf32, #tpu.memory_space<vmem_shared>>
    tpu.wait_indirect_dma semaphore(%arg11 : memref<!tpu.dma_semaphore, #tpu.memory_space<semaphore_mem>>) src(%dma_wait3A_1384 : memref<80x64xf32, #tpu.memory_space<vmem>>) dst(%dma_wait3A_1390 : memref<10240x64xf32, #tpu.memory_space<vmem_shared>>)
    %dma_wait3A_1391 = arith.constant 6 : i32
    %dma_wait3A_1392 = arith.constant 116 : i32
    %dma_wait3A_1393 = arith.constant 0 : i32
    %dma_wait3A_1394 = arith.constant 0 : i32
    %dma_wait3A_1395 = tpu.memref_slice %arg8[%dma_wait3A_1391, %dma_wait3A_1393, %dma_wait3A_1394] : memref<10x80x64xf32, #tpu.memory_space<vmem>> -> memref<1x80x64xf32, #tpu.memory_space<vmem>>
    %dma_wait3A_1396 = tpu.memref_squeeze %dma_wait3A_1395 : memref<1x80x64xf32, #tpu.memory_space<vmem>> -> memref<80x64xf32, #tpu.memory_space<vmem>>
    %dma_wait3A_1397 = arith.constant 0 : i32
    %dma_wait3A_1398 = tpu.memref_slice %arg7[%dma_wait3A_1392, %dma_wait3A_1397] : memref<125x80xi32, #tpu.memory_space<vmem>> -> memref<1x80xi32, #tpu.memory_space<vmem>>
    %dma_wait3A_1399 = tpu.memref_squeeze %dma_wait3A_1398 : memref<1x80xi32, #tpu.memory_space<vmem>> -> memref<80xi32, #tpu.memory_space<vmem>>
    %dma_wait3A_1400 = arith.constant 0 : i32
    %dma_wait3A_1401 = arith.constant 0 : i32
    %dma_wait3A_1402 = tpu.memref_slice %arg9[%dma_wait3A_1400, %dma_wait3A_1401] : memref<10240x64xf32, #tpu.memory_space<vmem_shared>> -> memref<10240x64xf32, #tpu.memory_space<vmem_shared>>
    tpu.wait_indirect_dma semaphore(%arg11 : memref<!tpu.dma_semaphore, #tpu.memory_space<semaphore_mem>>) src(%dma_wait3A_1396 : memref<80x64xf32, #tpu.memory_space<vmem>>) dst(%dma_wait3A_1402 : memref<10240x64xf32, #tpu.memory_space<vmem_shared>>)
    %dma_wait3A_1403 = arith.constant 7 : i32
    %dma_wait3A_1404 = arith.constant 117 : i32
    %dma_wait3A_1405 = arith.constant 0 : i32
    %dma_wait3A_1406 = arith.constant 0 : i32
    %dma_wait3A_1407 = tpu.memref_slice %arg8[%dma_wait3A_1403, %dma_wait3A_1405, %dma_wait3A_1406] : memref<10x80x64xf32, #tpu.memory_space<vmem>> -> memref<1x80x64xf32, #tpu.memory_space<vmem>>
    %dma_wait3A_1408 = tpu.memref_squeeze %dma_wait3A_1407 : memref<1x80x64xf32, #tpu.memory_space<vmem>> -> memref<80x64xf32, #tpu.memory_space<vmem>>
    %dma_wait3A_1409 = arith.constant 0 : i32
    %dma_wait3A_1410 = tpu.memref_slice %arg7[%dma_wait3A_1404, %dma_wait3A_1409] : memref<125x80xi32, #tpu.memory_space<vmem>> -> memref<1x80xi32, #tpu.memory_space<vmem>>
    %dma_wait3A_1411 = tpu.memref_squeeze %dma_wait3A_1410 : memref<1x80xi32, #tpu.memory_space<vmem>> -> memref<80xi32, #tpu.memory_space<vmem>>
    %dma_wait3A_1412 = arith.constant 0 : i32
    %dma_wait3A_1413 = arith.constant 0 : i32
    %dma_wait3A_1414 = tpu.memref_slice %arg9[%dma_wait3A_1412, %dma_wait3A_1413] : memref<10240x64xf32, #tpu.memory_space<vmem_shared>> -> memref<10240x64xf32, #tpu.memory_space<vmem_shared>>
    tpu.wait_indirect_dma semaphore(%arg11 : memref<!tpu.dma_semaphore, #tpu.memory_space<semaphore_mem>>) src(%dma_wait3A_1408 : memref<80x64xf32, #tpu.memory_space<vmem>>) dst(%dma_wait3A_1414 : memref<10240x64xf32, #tpu.memory_space<vmem_shared>>)
    %dma_wait3A_1415 = arith.constant 8 : i32
    %dma_wait3A_1416 = arith.constant 118 : i32
    %dma_wait3A_1417 = arith.constant 0 : i32
    %dma_wait3A_1418 = arith.constant 0 : i32
    %dma_wait3A_1419 = tpu.memref_slice %arg8[%dma_wait3A_1415, %dma_wait3A_1417, %dma_wait3A_1418] : memref<10x80x64xf32, #tpu.memory_space<vmem>> -> memref<1x80x64xf32, #tpu.memory_space<vmem>>
    %dma_wait3A_1420 = tpu.memref_squeeze %dma_wait3A_1419 : memref<1x80x64xf32, #tpu.memory_space<vmem>> -> memref<80x64xf32, #tpu.memory_space<vmem>>
    %dma_wait3A_1421 = arith.constant 0 : i32
    %dma_wait3A_1422 = tpu.memref_slice %arg7[%dma_wait3A_1416, %dma_wait3A_1421] : memref<125x80xi32, #tpu.memory_space<vmem>> -> memref<1x80xi32, #tpu.memory_space<vmem>>
    %dma_wait3A_1423 = tpu.memref_squeeze %dma_wait3A_1422 : memref<1x80xi32, #tpu.memory_space<vmem>> -> memref<80xi32, #tpu.memory_space<vmem>>
    %dma_wait3A_1424 = arith.constant 0 : i32
    %dma_wait3A_1425 = arith.constant 0 : i32
    %dma_wait3A_1426 = tpu.memref_slice %arg9[%dma_wait3A_1424, %dma_wait3A_1425] : memref<10240x64xf32, #tpu.memory_space<vmem_shared>> -> memref<10240x64xf32, #tpu.memory_space<vmem_shared>>
    tpu.wait_indirect_dma semaphore(%arg11 : memref<!tpu.dma_semaphore, #tpu.memory_space<semaphore_mem>>) src(%dma_wait3A_1420 : memref<80x64xf32, #tpu.memory_space<vmem>>) dst(%dma_wait3A_1426 : memref<10240x64xf32, #tpu.memory_space<vmem_shared>>)
    %dma_wait3A_1427 = arith.constant 9 : i32
    %dma_wait3A_1428 = arith.constant 119 : i32
    %dma_wait3A_1429 = arith.constant 0 : i32
    %dma_wait3A_1430 = arith.constant 0 : i32
    %dma_wait3A_1431 = tpu.memref_slice %arg8[%dma_wait3A_1427, %dma_wait3A_1429, %dma_wait3A_1430] : memref<10x80x64xf32, #tpu.memory_space<vmem>> -> memref<1x80x64xf32, #tpu.memory_space<vmem>>
    %dma_wait3A_1432 = tpu.memref_squeeze %dma_wait3A_1431 : memref<1x80x64xf32, #tpu.memory_space<vmem>> -> memref<80x64xf32, #tpu.memory_space<vmem>>
    %dma_wait3A_1433 = arith.constant 0 : i32
    %dma_wait3A_1434 = tpu.memref_slice %arg7[%dma_wait3A_1428, %dma_wait3A_1433] : memref<125x80xi32, #tpu.memory_space<vmem>> -> memref<1x80xi32, #tpu.memory_space<vmem>>
    %dma_wait3A_1435 = tpu.memref_squeeze %dma_wait3A_1434 : memref<1x80xi32, #tpu.memory_space<vmem>> -> memref<80xi32, #tpu.memory_space<vmem>>
    %dma_wait3A_1436 = arith.constant 0 : i32
    %dma_wait3A_1437 = arith.constant 0 : i32
    %dma_wait3A_1438 = tpu.memref_slice %arg9[%dma_wait3A_1436, %dma_wait3A_1437] : memref<10240x64xf32, #tpu.memory_space<vmem_shared>> -> memref<10240x64xf32, #tpu.memory_space<vmem_shared>>
    tpu.wait_indirect_dma semaphore(%arg11 : memref<!tpu.dma_semaphore, #tpu.memory_space<semaphore_mem>>) src(%dma_wait3A_1432 : memref<80x64xf32, #tpu.memory_space<vmem>>) dst(%dma_wait3A_1438 : memref<10240x64xf32, #tpu.memory_space<vmem_shared>>)
    %dma_wait3A_1439 = arith.constant 0 : i32
    %dma_wait3A_1440 = arith.constant 120 : i32
    %dma_wait3A_1441 = arith.constant 0 : i32
    %dma_wait3A_1442 = arith.constant 0 : i32
    %dma_wait3A_1443 = tpu.memref_slice %arg8[%dma_wait3A_1439, %dma_wait3A_1441, %dma_wait3A_1442] : memref<10x80x64xf32, #tpu.memory_space<vmem>> -> memref<1x80x64xf32, #tpu.memory_space<vmem>>
    %dma_wait3A_1444 = tpu.memref_squeeze %dma_wait3A_1443 : memref<1x80x64xf32, #tpu.memory_space<vmem>> -> memref<80x64xf32, #tpu.memory_space<vmem>>
    %dma_wait3A_1445 = arith.constant 0 : i32
    %dma_wait3A_1446 = tpu.memref_slice %arg7[%dma_wait3A_1440, %dma_wait3A_1445] : memref<125x80xi32, #tpu.memory_space<vmem>> -> memref<1x80xi32, #tpu.memory_space<vmem>>
    %dma_wait3A_1447 = tpu.memref_squeeze %dma_wait3A_1446 : memref<1x80xi32, #tpu.memory_space<vmem>> -> memref<80xi32, #tpu.memory_space<vmem>>
    %dma_wait3A_1448 = arith.constant 0 : i32
    %dma_wait3A_1449 = arith.constant 0 : i32
    %dma_wait3A_1450 = tpu.memref_slice %arg9[%dma_wait3A_1448, %dma_wait3A_1449] : memref<10240x64xf32, #tpu.memory_space<vmem_shared>> -> memref<10240x64xf32, #tpu.memory_space<vmem_shared>>
    tpu.wait_indirect_dma semaphore(%arg11 : memref<!tpu.dma_semaphore, #tpu.memory_space<semaphore_mem>>) src(%dma_wait3A_1444 : memref<80x64xf32, #tpu.memory_space<vmem>>) dst(%dma_wait3A_1450 : memref<10240x64xf32, #tpu.memory_space<vmem_shared>>)
    %dma_wait3A_1451 = arith.constant 1 : i32
    %dma_wait3A_1452 = arith.constant 121 : i32
    %dma_wait3A_1453 = arith.constant 0 : i32
    %dma_wait3A_1454 = arith.constant 0 : i32
    %dma_wait3A_1455 = tpu.memref_slice %arg8[%dma_wait3A_1451, %dma_wait3A_1453, %dma_wait3A_1454] : memref<10x80x64xf32, #tpu.memory_space<vmem>> -> memref<1x80x64xf32, #tpu.memory_space<vmem>>
    %dma_wait3A_1456 = tpu.memref_squeeze %dma_wait3A_1455 : memref<1x80x64xf32, #tpu.memory_space<vmem>> -> memref<80x64xf32, #tpu.memory_space<vmem>>
    %dma_wait3A_1457 = arith.constant 0 : i32
    %dma_wait3A_1458 = tpu.memref_slice %arg7[%dma_wait3A_1452, %dma_wait3A_1457] : memref<125x80xi32, #tpu.memory_space<vmem>> -> memref<1x80xi32, #tpu.memory_space<vmem>>
    %dma_wait3A_1459 = tpu.memref_squeeze %dma_wait3A_1458 : memref<1x80xi32, #tpu.memory_space<vmem>> -> memref<80xi32, #tpu.memory_space<vmem>>
    %dma_wait3A_1460 = arith.constant 0 : i32
    %dma_wait3A_1461 = arith.constant 0 : i32
    %dma_wait3A_1462 = tpu.memref_slice %arg9[%dma_wait3A_1460, %dma_wait3A_1461] : memref<10240x64xf32, #tpu.memory_space<vmem_shared>> -> memref<10240x64xf32, #tpu.memory_space<vmem_shared>>
    tpu.wait_indirect_dma semaphore(%arg11 : memref<!tpu.dma_semaphore, #tpu.memory_space<semaphore_mem>>) src(%dma_wait3A_1456 : memref<80x64xf32, #tpu.memory_space<vmem>>) dst(%dma_wait3A_1462 : memref<10240x64xf32, #tpu.memory_space<vmem_shared>>)
    %dma_wait3A_1463 = arith.constant 2 : i32
    %dma_wait3A_1464 = arith.constant 122 : i32
    %dma_wait3A_1465 = arith.constant 0 : i32
    %dma_wait3A_1466 = arith.constant 0 : i32
    %dma_wait3A_1467 = tpu.memref_slice %arg8[%dma_wait3A_1463, %dma_wait3A_1465, %dma_wait3A_1466] : memref<10x80x64xf32, #tpu.memory_space<vmem>> -> memref<1x80x64xf32, #tpu.memory_space<vmem>>
    %dma_wait3A_1468 = tpu.memref_squeeze %dma_wait3A_1467 : memref<1x80x64xf32, #tpu.memory_space<vmem>> -> memref<80x64xf32, #tpu.memory_space<vmem>>
    %dma_wait3A_1469 = arith.constant 0 : i32
    %dma_wait3A_1470 = tpu.memref_slice %arg7[%dma_wait3A_1464, %dma_wait3A_1469] : memref<125x80xi32, #tpu.memory_space<vmem>> -> memref<1x80xi32, #tpu.memory_space<vmem>>
    %dma_wait3A_1471 = tpu.memref_squeeze %dma_wait3A_1470 : memref<1x80xi32, #tpu.memory_space<vmem>> -> memref<80xi32, #tpu.memory_space<vmem>>
    %dma_wait3A_1472 = arith.constant 0 : i32
    %dma_wait3A_1473 = arith.constant 0 : i32
    %dma_wait3A_1474 = tpu.memref_slice %arg9[%dma_wait3A_1472, %dma_wait3A_1473] : memref<10240x64xf32, #tpu.memory_space<vmem_shared>> -> memref<10240x64xf32, #tpu.memory_space<vmem_shared>>
    tpu.wait_indirect_dma semaphore(%arg11 : memref<!tpu.dma_semaphore, #tpu.memory_space<semaphore_mem>>) src(%dma_wait3A_1468 : memref<80x64xf32, #tpu.memory_space<vmem>>) dst(%dma_wait3A_1474 : memref<10240x64xf32, #tpu.memory_space<vmem_shared>>)
    %dma_wait3A_1475 = arith.constant 3 : i32
    %dma_wait3A_1476 = arith.constant 123 : i32
    %dma_wait3A_1477 = arith.constant 0 : i32
    %dma_wait3A_1478 = arith.constant 0 : i32
    %dma_wait3A_1479 = tpu.memref_slice %arg8[%dma_wait3A_1475, %dma_wait3A_1477, %dma_wait3A_1478] : memref<10x80x64xf32, #tpu.memory_space<vmem>> -> memref<1x80x64xf32, #tpu.memory_space<vmem>>
    %dma_wait3A_1480 = tpu.memref_squeeze %dma_wait3A_1479 : memref<1x80x64xf32, #tpu.memory_space<vmem>> -> memref<80x64xf32, #tpu.memory_space<vmem>>
    %dma_wait3A_1481 = arith.constant 0 : i32
    %dma_wait3A_1482 = tpu.memref_slice %arg7[%dma_wait3A_1476, %dma_wait3A_1481] : memref<125x80xi32, #tpu.memory_space<vmem>> -> memref<1x80xi32, #tpu.memory_space<vmem>>
    %dma_wait3A_1483 = tpu.memref_squeeze %dma_wait3A_1482 : memref<1x80xi32, #tpu.memory_space<vmem>> -> memref<80xi32, #tpu.memory_space<vmem>>
    %dma_wait3A_1484 = arith.constant 0 : i32
    %dma_wait3A_1485 = arith.constant 0 : i32
    %dma_wait3A_1486 = tpu.memref_slice %arg9[%dma_wait3A_1484, %dma_wait3A_1485] : memref<10240x64xf32, #tpu.memory_space<vmem_shared>> -> memref<10240x64xf32, #tpu.memory_space<vmem_shared>>
    tpu.wait_indirect_dma semaphore(%arg11 : memref<!tpu.dma_semaphore, #tpu.memory_space<semaphore_mem>>) src(%dma_wait3A_1480 : memref<80x64xf32, #tpu.memory_space<vmem>>) dst(%dma_wait3A_1486 : memref<10240x64xf32, #tpu.memory_space<vmem_shared>>)
    %dma_wait3A_1487 = arith.constant 4 : i32
    %dma_wait3A_1488 = arith.constant 124 : i32
    %dma_wait3A_1489 = arith.constant 0 : i32
    %dma_wait3A_1490 = arith.constant 0 : i32
    %dma_wait3A_1491 = tpu.memref_slice %arg8[%dma_wait3A_1487, %dma_wait3A_1489, %dma_wait3A_1490] : memref<10x80x64xf32, #tpu.memory_space<vmem>> -> memref<1x80x64xf32, #tpu.memory_space<vmem>>
    %dma_wait3A_1492 = tpu.memref_squeeze %dma_wait3A_1491 : memref<1x80x64xf32, #tpu.memory_space<vmem>> -> memref<80x64xf32, #tpu.memory_space<vmem>>
    %dma_wait3A_1493 = arith.constant 0 : i32
    %dma_wait3A_1494 = tpu.memref_slice %arg7[%dma_wait3A_1488, %dma_wait3A_1493] : memref<125x80xi32, #tpu.memory_space<vmem>> -> memref<1x80xi32, #tpu.memory_space<vmem>>
    %dma_wait3A_1495 = tpu.memref_squeeze %dma_wait3A_1494 : memref<1x80xi32, #tpu.memory_space<vmem>> -> memref<80xi32, #tpu.memory_space<vmem>>
    %dma_wait3A_1496 = arith.constant 0 : i32
    %dma_wait3A_1497 = arith.constant 0 : i32
    %dma_wait3A_1498 = tpu.memref_slice %arg9[%dma_wait3A_1496, %dma_wait3A_1497] : memref<10240x64xf32, #tpu.memory_space<vmem_shared>> -> memref<10240x64xf32, #tpu.memory_space<vmem_shared>>
    tpu.wait_indirect_dma semaphore(%arg11 : memref<!tpu.dma_semaphore, #tpu.memory_space<semaphore_mem>>) src(%dma_wait3A_1492 : memref<80x64xf32, #tpu.memory_space<vmem>>) dst(%dma_wait3A_1498 : memref<10240x64xf32, #tpu.memory_space<vmem_shared>>)
    %barrier3A_1499 = arith.constant 0 : index
    tpu.barrier barrier_id(%barrier3A_1499)
    %mul3A_1500 = arith.constant 640 : i32
    %mul3A_1501 = arith.muli %arg1, %mul3A_1500 : i32
    %add3A_1502 = arith.constant 0 : i32
    %add3A_1503 = arith.addi %mul3A_1501, %add3A_1502 : i32
    "tpu.region"() ({
      %run_scoped3A_1532 = tpu.sem_alloc : memref<!tpu.dma_semaphore, #tpu.memory_space<semaphore_mem>>
      %dma_start3A_1533 = arith.constant 0 : i32
      %dma_start3A_1534 = tpu.memref_slice %arg5[%arg0, %add3A_1503, %dma_start3A_1533] : memref<2x10240x64xf32, #tpu.memory_space<hbm>> -> memref<1x80x64xf32, #tpu.memory_space<hbm>>
      %dma_start3A_1535 = tpu.memref_squeeze %dma_start3A_1534 : memref<1x80x64xf32, #tpu.memory_space<hbm>> -> memref<80x64xf32, #tpu.memory_space<hbm>>
      %dma_start3A_1536 = arith.constant 0 : i32
      %dma_start3A_1537 = tpu.memref_slice %arg9[%add3A_1503, %dma_start3A_1536] : memref<10240x64xf32, #tpu.memory_space<vmem_shared>> -> memref<80x64xf32, #tpu.memory_space<vmem_shared>>
      tpu.enqueue_dma source(%dma_start3A_1537 : memref<80x64xf32, #tpu.memory_space<vmem_shared>>) target(%dma_start3A_1535 : memref<80x64xf32, #tpu.memory_space<hbm>>) target_semaphore(%run_scoped3A_1532 : memref<!tpu.dma_semaphore, #tpu.memory_space<semaphore_mem>>)
      %dma_wait3A_1538 = arith.constant 0 : i32
      %dma_wait3A_1539 = tpu.memref_slice %arg5[%arg0, %add3A_1503, %dma_wait3A_1538] : memref<2x10240x64xf32, #tpu.memory_space<hbm>> -> memref<1x80x64xf32, #tpu.memory_space<hbm>>
      %dma_wait3A_1540 = tpu.memref_squeeze %dma_wait3A_1539 : memref<1x80x64xf32, #tpu.memory_space<hbm>> -> memref<80x64xf32, #tpu.memory_space<hbm>>
      %dma_wait3A_1541 = arith.constant 0 : i32
      %dma_wait3A_1542 = tpu.memref_slice %arg9[%add3A_1503, %dma_wait3A_1541] : memref<10240x64xf32, #tpu.memory_space<vmem_shared>> -> memref<80x64xf32, #tpu.memory_space<vmem_shared>>
      tpu.wait_dma2 semaphore(%run_scoped3A_1532 : memref<!tpu.dma_semaphore, #tpu.memory_space<semaphore_mem>>) src(%dma_wait3A_1542 : memref<80x64xf32, #tpu.memory_space<vmem_shared>>) dst(%dma_wait3A_1540 : memref<80x64xf32, #tpu.memory_space<hbm>>)
      tpu.yield
    }) : () -> ()
    %mul3A_1504 = arith.constant 640 : i32
    %mul3A_1505 = arith.muli %arg1, %mul3A_1504 : i32
    %add3A_1506 = arith.constant 80 : i32
    %add3A_1507 = arith.addi %mul3A_1505, %add3A_1506 : i32
    "tpu.region"() ({
      %run_scoped3A_1532 = tpu.sem_alloc : memref<!tpu.dma_semaphore, #tpu.memory_space<semaphore_mem>>
      %dma_start3A_1533 = arith.constant 0 : i32
      %dma_start3A_1534 = tpu.memref_slice %arg5[%arg0, %add3A_1507, %dma_start3A_1533] : memref<2x10240x64xf32, #tpu.memory_space<hbm>> -> memref<1x80x64xf32, #tpu.memory_space<hbm>>
      %dma_start3A_1535 = tpu.memref_squeeze %dma_start3A_1534 : memref<1x80x64xf32, #tpu.memory_space<hbm>> -> memref<80x64xf32, #tpu.memory_space<hbm>>
      %dma_start3A_1536 = arith.constant 0 : i32
      %dma_start3A_1537 = tpu.memref_slice %arg9[%add3A_1507, %dma_start3A_1536] : memref<10240x64xf32, #tpu.memory_space<vmem_shared>> -> memref<80x64xf32, #tpu.memory_space<vmem_shared>>
      tpu.enqueue_dma source(%dma_start3A_1537 : memref<80x64xf32, #tpu.memory_space<vmem_shared>>) target(%dma_start3A_1535 : memref<80x64xf32, #tpu.memory_space<hbm>>) target_semaphore(%run_scoped3A_1532 : memref<!tpu.dma_semaphore, #tpu.memory_space<semaphore_mem>>)
      %dma_wait3A_1538 = arith.constant 0 : i32
      %dma_wait3A_1539 = tpu.memref_slice %arg5[%arg0, %add3A_1507, %dma_wait3A_1538] : memref<2x10240x64xf32, #tpu.memory_space<hbm>> -> memref<1x80x64xf32, #tpu.memory_space<hbm>>
      %dma_wait3A_1540 = tpu.memref_squeeze %dma_wait3A_1539 : memref<1x80x64xf32, #tpu.memory_space<hbm>> -> memref<80x64xf32, #tpu.memory_space<hbm>>
      %dma_wait3A_1541 = arith.constant 0 : i32
      %dma_wait3A_1542 = tpu.memref_slice %arg9[%add3A_1507, %dma_wait3A_1541] : memref<10240x64xf32, #tpu.memory_space<vmem_shared>> -> memref<80x64xf32, #tpu.memory_space<vmem_shared>>
      tpu.wait_dma2 semaphore(%run_scoped3A_1532 : memref<!tpu.dma_semaphore, #tpu.memory_space<semaphore_mem>>) src(%dma_wait3A_1542 : memref<80x64xf32, #tpu.memory_space<vmem_shared>>) dst(%dma_wait3A_1540 : memref<80x64xf32, #tpu.memory_space<hbm>>)
      tpu.yield
    }) : () -> ()
    %mul3A_1508 = arith.constant 640 : i32
    %mul3A_1509 = arith.muli %arg1, %mul3A_1508 : i32
    %add3A_1510 = arith.constant 160 : i32
    %add3A_1511 = arith.addi %mul3A_1509, %add3A_1510 : i32
    "tpu.region"() ({
      %run_scoped3A_1532 = tpu.sem_alloc : memref<!tpu.dma_semaphore, #tpu.memory_space<semaphore_mem>>
      %dma_start3A_1533 = arith.constant 0 : i32
      %dma_start3A_1534 = tpu.memref_slice %arg5[%arg0, %add3A_1511, %dma_start3A_1533] : memref<2x10240x64xf32, #tpu.memory_space<hbm>> -> memref<1x80x64xf32, #tpu.memory_space<hbm>>
      %dma_start3A_1535 = tpu.memref_squeeze %dma_start3A_1534 : memref<1x80x64xf32, #tpu.memory_space<hbm>> -> memref<80x64xf32, #tpu.memory_space<hbm>>
      %dma_start3A_1536 = arith.constant 0 : i32
      %dma_start3A_1537 = tpu.memref_slice %arg9[%add3A_1511, %dma_start3A_1536] : memref<10240x64xf32, #tpu.memory_space<vmem_shared>> -> memref<80x64xf32, #tpu.memory_space<vmem_shared>>
      tpu.enqueue_dma source(%dma_start3A_1537 : memref<80x64xf32, #tpu.memory_space<vmem_shared>>) target(%dma_start3A_1535 : memref<80x64xf32, #tpu.memory_space<hbm>>) target_semaphore(%run_scoped3A_1532 : memref<!tpu.dma_semaphore, #tpu.memory_space<semaphore_mem>>)
      %dma_wait3A_1538 = arith.constant 0 : i32
      %dma_wait3A_1539 = tpu.memref_slice %arg5[%arg0, %add3A_1511, %dma_wait3A_1538] : memref<2x10240x64xf32, #tpu.memory_space<hbm>> -> memref<1x80x64xf32, #tpu.memory_space<hbm>>
      %dma_wait3A_1540 = tpu.memref_squeeze %dma_wait3A_1539 : memref<1x80x64xf32, #tpu.memory_space<hbm>> -> memref<80x64xf32, #tpu.memory_space<hbm>>
      %dma_wait3A_1541 = arith.constant 0 : i32
      %dma_wait3A_1542 = tpu.memref_slice %arg9[%add3A_1511, %dma_wait3A_1541] : memref<10240x64xf32, #tpu.memory_space<vmem_shared>> -> memref<80x64xf32, #tpu.memory_space<vmem_shared>>
      tpu.wait_dma2 semaphore(%run_scoped3A_1532 : memref<!tpu.dma_semaphore, #tpu.memory_space<semaphore_mem>>) src(%dma_wait3A_1542 : memref<80x64xf32, #tpu.memory_space<vmem_shared>>) dst(%dma_wait3A_1540 : memref<80x64xf32, #tpu.memory_space<hbm>>)
      tpu.yield
    }) : () -> ()
    %mul3A_1512 = arith.constant 640 : i32
    %mul3A_1513 = arith.muli %arg1, %mul3A_1512 : i32
    %add3A_1514 = arith.constant 240 : i32
    %add3A_1515 = arith.addi %mul3A_1513, %add3A_1514 : i32
    "tpu.region"() ({
      %run_scoped3A_1532 = tpu.sem_alloc : memref<!tpu.dma_semaphore, #tpu.memory_space<semaphore_mem>>
      %dma_start3A_1533 = arith.constant 0 : i32
      %dma_start3A_1534 = tpu.memref_slice %arg5[%arg0, %add3A_1515, %dma_start3A_1533] : memref<2x10240x64xf32, #tpu.memory_space<hbm>> -> memref<1x80x64xf32, #tpu.memory_space<hbm>>
      %dma_start3A_1535 = tpu.memref_squeeze %dma_start3A_1534 : memref<1x80x64xf32, #tpu.memory_space<hbm>> -> memref<80x64xf32, #tpu.memory_space<hbm>>
      %dma_start3A_1536 = arith.constant 0 : i32
      %dma_start3A_1537 = tpu.memref_slice %arg9[%add3A_1515, %dma_start3A_1536] : memref<10240x64xf32, #tpu.memory_space<vmem_shared>> -> memref<80x64xf32, #tpu.memory_space<vmem_shared>>
      tpu.enqueue_dma source(%dma_start3A_1537 : memref<80x64xf32, #tpu.memory_space<vmem_shared>>) target(%dma_start3A_1535 : memref<80x64xf32, #tpu.memory_space<hbm>>) target_semaphore(%run_scoped3A_1532 : memref<!tpu.dma_semaphore, #tpu.memory_space<semaphore_mem>>)
      %dma_wait3A_1538 = arith.constant 0 : i32
      %dma_wait3A_1539 = tpu.memref_slice %arg5[%arg0, %add3A_1515, %dma_wait3A_1538] : memref<2x10240x64xf32, #tpu.memory_space<hbm>> -> memref<1x80x64xf32, #tpu.memory_space<hbm>>
      %dma_wait3A_1540 = tpu.memref_squeeze %dma_wait3A_1539 : memref<1x80x64xf32, #tpu.memory_space<hbm>> -> memref<80x64xf32, #tpu.memory_space<hbm>>
      %dma_wait3A_1541 = arith.constant 0 : i32
      %dma_wait3A_1542 = tpu.memref_slice %arg9[%add3A_1515, %dma_wait3A_1541] : memref<10240x64xf32, #tpu.memory_space<vmem_shared>> -> memref<80x64xf32, #tpu.memory_space<vmem_shared>>
      tpu.wait_dma2 semaphore(%run_scoped3A_1532 : memref<!tpu.dma_semaphore, #tpu.memory_space<semaphore_mem>>) src(%dma_wait3A_1542 : memref<80x64xf32, #tpu.memory_space<vmem_shared>>) dst(%dma_wait3A_1540 : memref<80x64xf32, #tpu.memory_space<hbm>>)
      tpu.yield
    }) : () -> ()
    %mul3A_1516 = arith.constant 640 : i32
    %mul3A_1517 = arith.muli %arg1, %mul3A_1516 : i32
    %add3A_1518 = arith.constant 320 : i32
    %add3A_1519 = arith.addi %mul3A_1517, %add3A_1518 : i32
    "tpu.region"() ({
      %run_scoped3A_1532 = tpu.sem_alloc : memref<!tpu.dma_semaphore, #tpu.memory_space<semaphore_mem>>
      %dma_start3A_1533 = arith.constant 0 : i32
      %dma_start3A_1534 = tpu.memref_slice %arg5[%arg0, %add3A_1519, %dma_start3A_1533] : memref<2x10240x64xf32, #tpu.memory_space<hbm>> -> memref<1x80x64xf32, #tpu.memory_space<hbm>>
      %dma_start3A_1535 = tpu.memref_squeeze %dma_start3A_1534 : memref<1x80x64xf32, #tpu.memory_space<hbm>> -> memref<80x64xf32, #tpu.memory_space<hbm>>
      %dma_start3A_1536 = arith.constant 0 : i32
      %dma_start3A_1537 = tpu.memref_slice %arg9[%add3A_1519, %dma_start3A_1536] : memref<10240x64xf32, #tpu.memory_space<vmem_shared>> -> memref<80x64xf32, #tpu.memory_space<vmem_shared>>
      tpu.enqueue_dma source(%dma_start3A_1537 : memref<80x64xf32, #tpu.memory_space<vmem_shared>>) target(%dma_start3A_1535 : memref<80x64xf32, #tpu.memory_space<hbm>>) target_semaphore(%run_scoped3A_1532 : memref<!tpu.dma_semaphore, #tpu.memory_space<semaphore_mem>>)
      %dma_wait3A_1538 = arith.constant 0 : i32
      %dma_wait3A_1539 = tpu.memref_slice %arg5[%arg0, %add3A_1519, %dma_wait3A_1538] : memref<2x10240x64xf32, #tpu.memory_space<hbm>> -> memref<1x80x64xf32, #tpu.memory_space<hbm>>
      %dma_wait3A_1540 = tpu.memref_squeeze %dma_wait3A_1539 : memref<1x80x64xf32, #tpu.memory_space<hbm>> -> memref<80x64xf32, #tpu.memory_space<hbm>>
      %dma_wait3A_1541 = arith.constant 0 : i32
      %dma_wait3A_1542 = tpu.memref_slice %arg9[%add3A_1519, %dma_wait3A_1541] : memref<10240x64xf32, #tpu.memory_space<vmem_shared>> -> memref<80x64xf32, #tpu.memory_space<vmem_shared>>
      tpu.wait_dma2 semaphore(%run_scoped3A_1532 : memref<!tpu.dma_semaphore, #tpu.memory_space<semaphore_mem>>) src(%dma_wait3A_1542 : memref<80x64xf32, #tpu.memory_space<vmem_shared>>) dst(%dma_wait3A_1540 : memref<80x64xf32, #tpu.memory_space<hbm>>)
      tpu.yield
    }) : () -> ()
    %mul3A_1520 = arith.constant 640 : i32
    %mul3A_1521 = arith.muli %arg1, %mul3A_1520 : i32
    %add3A_1522 = arith.constant 400 : i32
    %add3A_1523 = arith.addi %mul3A_1521, %add3A_1522 : i32
    "tpu.region"() ({
      %run_scoped3A_1532 = tpu.sem_alloc : memref<!tpu.dma_semaphore, #tpu.memory_space<semaphore_mem>>
      %dma_start3A_1533 = arith.constant 0 : i32
      %dma_start3A_1534 = tpu.memref_slice %arg5[%arg0, %add3A_1523, %dma_start3A_1533] : memref<2x10240x64xf32, #tpu.memory_space<hbm>> -> memref<1x80x64xf32, #tpu.memory_space<hbm>>
      %dma_start3A_1535 = tpu.memref_squeeze %dma_start3A_1534 : memref<1x80x64xf32, #tpu.memory_space<hbm>> -> memref<80x64xf32, #tpu.memory_space<hbm>>
      %dma_start3A_1536 = arith.constant 0 : i32
      %dma_start3A_1537 = tpu.memref_slice %arg9[%add3A_1523, %dma_start3A_1536] : memref<10240x64xf32, #tpu.memory_space<vmem_shared>> -> memref<80x64xf32, #tpu.memory_space<vmem_shared>>
      tpu.enqueue_dma source(%dma_start3A_1537 : memref<80x64xf32, #tpu.memory_space<vmem_shared>>) target(%dma_start3A_1535 : memref<80x64xf32, #tpu.memory_space<hbm>>) target_semaphore(%run_scoped3A_1532 : memref<!tpu.dma_semaphore, #tpu.memory_space<semaphore_mem>>)
      %dma_wait3A_1538 = arith.constant 0 : i32
      %dma_wait3A_1539 = tpu.memref_slice %arg5[%arg0, %add3A_1523, %dma_wait3A_1538] : memref<2x10240x64xf32, #tpu.memory_space<hbm>> -> memref<1x80x64xf32, #tpu.memory_space<hbm>>
      %dma_wait3A_1540 = tpu.memref_squeeze %dma_wait3A_1539 : memref<1x80x64xf32, #tpu.memory_space<hbm>> -> memref<80x64xf32, #tpu.memory_space<hbm>>
      %dma_wait3A_1541 = arith.constant 0 : i32
      %dma_wait3A_1542 = tpu.memref_slice %arg9[%add3A_1523, %dma_wait3A_1541] : memref<10240x64xf32, #tpu.memory_space<vmem_shared>> -> memref<80x64xf32, #tpu.memory_space<vmem_shared>>
      tpu.wait_dma2 semaphore(%run_scoped3A_1532 : memref<!tpu.dma_semaphore, #tpu.memory_space<semaphore_mem>>) src(%dma_wait3A_1542 : memref<80x64xf32, #tpu.memory_space<vmem_shared>>) dst(%dma_wait3A_1540 : memref<80x64xf32, #tpu.memory_space<hbm>>)
      tpu.yield
    }) : () -> ()
    %mul3A_1524 = arith.constant 640 : i32
    %mul3A_1525 = arith.muli %arg1, %mul3A_1524 : i32
    %add3A_1526 = arith.constant 480 : i32
    %add3A_1527 = arith.addi %mul3A_1525, %add3A_1526 : i32
    "tpu.region"() ({
      %run_scoped3A_1532 = tpu.sem_alloc : memref<!tpu.dma_semaphore, #tpu.memory_space<semaphore_mem>>
      %dma_start3A_1533 = arith.constant 0 : i32
      %dma_start3A_1534 = tpu.memref_slice %arg5[%arg0, %add3A_1527, %dma_start3A_1533] : memref<2x10240x64xf32, #tpu.memory_space<hbm>> -> memref<1x80x64xf32, #tpu.memory_space<hbm>>
      %dma_start3A_1535 = tpu.memref_squeeze %dma_start3A_1534 : memref<1x80x64xf32, #tpu.memory_space<hbm>> -> memref<80x64xf32, #tpu.memory_space<hbm>>
      %dma_start3A_1536 = arith.constant 0 : i32
      %dma_start3A_1537 = tpu.memref_slice %arg9[%add3A_1527, %dma_start3A_1536] : memref<10240x64xf32, #tpu.memory_space<vmem_shared>> -> memref<80x64xf32, #tpu.memory_space<vmem_shared>>
      tpu.enqueue_dma source(%dma_start3A_1537 : memref<80x64xf32, #tpu.memory_space<vmem_shared>>) target(%dma_start3A_1535 : memref<80x64xf32, #tpu.memory_space<hbm>>) target_semaphore(%run_scoped3A_1532 : memref<!tpu.dma_semaphore, #tpu.memory_space<semaphore_mem>>)
      %dma_wait3A_1538 = arith.constant 0 : i32
      %dma_wait3A_1539 = tpu.memref_slice %arg5[%arg0, %add3A_1527, %dma_wait3A_1538] : memref<2x10240x64xf32, #tpu.memory_space<hbm>> -> memref<1x80x64xf32, #tpu.memory_space<hbm>>
      %dma_wait3A_1540 = tpu.memref_squeeze %dma_wait3A_1539 : memref<1x80x64xf32, #tpu.memory_space<hbm>> -> memref<80x64xf32, #tpu.memory_space<hbm>>
      %dma_wait3A_1541 = arith.constant 0 : i32
      %dma_wait3A_1542 = tpu.memref_slice %arg9[%add3A_1527, %dma_wait3A_1541] : memref<10240x64xf32, #tpu.memory_space<vmem_shared>> -> memref<80x64xf32, #tpu.memory_space<vmem_shared>>
      tpu.wait_dma2 semaphore(%run_scoped3A_1532 : memref<!tpu.dma_semaphore, #tpu.memory_space<semaphore_mem>>) src(%dma_wait3A_1542 : memref<80x64xf32, #tpu.memory_space<vmem_shared>>) dst(%dma_wait3A_1540 : memref<80x64xf32, #tpu.memory_space<hbm>>)
      tpu.yield
    }) : () -> ()
    %mul3A_1528 = arith.constant 640 : i32
    %mul3A_1529 = arith.muli %arg1, %mul3A_1528 : i32
    %add3A_1530 = arith.constant 560 : i32
    %add3A_1531 = arith.addi %mul3A_1529, %add3A_1530 : i32
    "tpu.region"() ({
      %run_scoped3A_1532 = tpu.sem_alloc : memref<!tpu.dma_semaphore, #tpu.memory_space<semaphore_mem>>
      %dma_start3A_1533 = arith.constant 0 : i32
      %dma_start3A_1534 = tpu.memref_slice %arg5[%arg0, %add3A_1531, %dma_start3A_1533] : memref<2x10240x64xf32, #tpu.memory_space<hbm>> -> memref<1x80x64xf32, #tpu.memory_space<hbm>>
      %dma_start3A_1535 = tpu.memref_squeeze %dma_start3A_1534 : memref<1x80x64xf32, #tpu.memory_space<hbm>> -> memref<80x64xf32, #tpu.memory_space<hbm>>
      %dma_start3A_1536 = arith.constant 0 : i32
      %dma_start3A_1537 = tpu.memref_slice %arg9[%add3A_1531, %dma_start3A_1536] : memref<10240x64xf32, #tpu.memory_space<vmem_shared>> -> memref<80x64xf32, #tpu.memory_space<vmem_shared>>
      tpu.enqueue_dma source(%dma_start3A_1537 : memref<80x64xf32, #tpu.memory_space<vmem_shared>>) target(%dma_start3A_1535 : memref<80x64xf32, #tpu.memory_space<hbm>>) target_semaphore(%run_scoped3A_1532 : memref<!tpu.dma_semaphore, #tpu.memory_space<semaphore_mem>>)
      %dma_wait3A_1538 = arith.constant 0 : i32
      %dma_wait3A_1539 = tpu.memref_slice %arg5[%arg0, %add3A_1531, %dma_wait3A_1538] : memref<2x10240x64xf32, #tpu.memory_space<hbm>> -> memref<1x80x64xf32, #tpu.memory_space<hbm>>
      %dma_wait3A_1540 = tpu.memref_squeeze %dma_wait3A_1539 : memref<1x80x64xf32, #tpu.memory_space<hbm>> -> memref<80x64xf32, #tpu.memory_space<hbm>>
      %dma_wait3A_1541 = arith.constant 0 : i32
      %dma_wait3A_1542 = tpu.memref_slice %arg9[%add3A_1531, %dma_wait3A_1541] : memref<10240x64xf32, #tpu.memory_space<vmem_shared>> -> memref<80x64xf32, #tpu.memory_space<vmem_shared>>
      tpu.wait_dma2 semaphore(%run_scoped3A_1532 : memref<!tpu.dma_semaphore, #tpu.memory_space<semaphore_mem>>) src(%dma_wait3A_1542 : memref<80x64xf32, #tpu.memory_space<vmem_shared>>) dst(%dma_wait3A_1540 : memref<80x64xf32, #tpu.memory_space<hbm>>)
      tpu.yield
    }) : () -> ()
    return
  }
}

module attributes {stable_mosaic.version = 14 : i64} {
  func.func @_xw_body(%arg0: i32, %arg1: memref<10000x128xf32, #tpu.memory_space<vmem>>, %arg2: memref<1x128x128xf32, #tpu.memory_space<vmem>>, %arg3: memref<1x10000x128xf32, #tpu.memory_space<vmem>>) attributes {dimension_semantics = [#tpu.dimension_semantics<arbitrary>], iteration_bounds = array<i64: 27>, scalar_prefetch = 0 : i64, scratch_operands = 0 : i64, tpu.core_type = #tpu.core_type<tc>, window_params = [{pipeline_mode = #tpu.pipeline_mode<synchronous>, transform_indices = @transform_0, window_bounds = array<i64: 10000, 128>}, {transform_indices = @transform_1, window_bounds = array<i64: 1, 128, 128>}, {transform_indices = @transform_2, window_bounds = array<i64: 1, 10000, 128>}]} {
    %get3A = arith.constant 0 : index
    %get3A_0 = arith.constant 0 : index
    %get3A_1 = vector.load %arg1[%get3A, %get3A_0] : memref<10000x128xf32, #tpu.memory_space<vmem>>, vector<10000x128xf32>
    %get3A_2 = arith.constant 0 : index
    %get3A_3 = arith.constant 0 : index
    %get3A_4 = arith.constant 0 : index
    %get3A_5 = vector.load %arg2[%get3A_2, %get3A_3, %get3A_4] : memref<1x128x128xf32, #tpu.memory_space<vmem>>, vector<1x128x128xf32>
    %get3A_6 = vector.shape_cast %get3A_5 : vector<1x128x128xf32> to vector<128x128xf32>
    %dot_general3A = arith.constant dense<0.000000e+00> : vector<10000x128xf32>
    %dot_general3A_7 = tpu.matmul %get3A_1, %get3A_6, %dot_general3A {dimension_numbers = #tpu.dot_dimension_numbers<[1], [0], [0], [1], [0, 0, 1, 1], [], []>, transpose_lhs_hint = false} : vector<10000x128xf32>, vector<128x128xf32>, vector<10000x128xf32> -> vector<10000x128xf32>
    %swap3A = arith.constant 0 : index
    %swap3A_8 = arith.constant 0 : index
    %swap3A_9 = arith.constant 0 : index
    %swap3A_10 = vector.load %arg3[%swap3A, %swap3A_8, %swap3A_9] : memref<1x10000x128xf32, #tpu.memory_space<vmem>>, vector<1x10000x128xf32>
    %swap3A_11 = vector.shape_cast %swap3A_10 : vector<1x10000x128xf32> to vector<10000x128xf32>
    %swap3A_12 = vector.shape_cast %dot_general3A_7 : vector<10000x128xf32> to vector<1x10000x128xf32>
    tpu.vector_store %arg3[%swap3A, %swap3A_8, %swap3A_9], %swap3A_12 {strides = array<i32>} : memref<1x10000x128xf32, #tpu.memory_space<vmem>>, vector<1x10000x128xf32>,
    return
  }
  func.func @transform_0(%arg0: i32) -> (i32, i32) {
    %c0_i32 = arith.constant 0 : i32
    %c0_i32_0 = arith.constant 0 : i32
    %c0_i32_1 = arith.constant 0 : i32
    return %c0_i32, %c0_i32_0 : i32, i32
  }
  func.func @transform_1(%arg0: i32) -> (i32, i32, i32) {
    %c0_i32 = arith.constant 0 : i32
    %c0_i32_0 = arith.constant 0 : i32
    %c0_i32_1 = arith.constant 0 : i32
    return %arg0, %c0_i32, %c0_i32_0 : i32, i32, i32
  }
  func.func @transform_2(%arg0: i32) -> (i32, i32, i32) {
    %c0_i32 = arith.constant 0 : i32
    %c0_i32_0 = arith.constant 0 : i32
    %c0_i32_1 = arith.constant 0 : i32
    return %arg0, %c0_i32, %c0_i32_0 : i32, i32, i32
  }
}

module attributes {stable_mosaic.version = 14 : i64} {
  func.func @_bn_body(%arg0: i32, %arg1: memref<2x10000x64xf32, #tpu.memory_space<vmem>>, %arg2: memref<1x128xf32, #tpu.memory_space<vmem>>, %arg3: memref<1x128xf32, #tpu.memory_space<vmem>>, %arg4: memref<10000x128xf32, #tpu.memory_space<vmem>>) attributes {dimension_semantics = [#tpu.dimension_semantics<arbitrary>], iteration_bounds = array<i64: 1>, scalar_prefetch = 0 : i64, scratch_operands = 0 : i64, tpu.core_type = #tpu.core_type<tc>, window_params = [{transform_indices = @transform_0, window_bounds = array<i64: 2, 10000, 64>}, {pipeline_mode = #tpu.pipeline_mode<synchronous>, transform_indices = @transform_1, window_bounds = array<i64: 1, 128>}, {pipeline_mode = #tpu.pipeline_mode<synchronous>, transform_indices = @transform_2, window_bounds = array<i64: 1, 128>}, {pipeline_mode = #tpu.pipeline_mode<synchronous>, transform_indices = @transform_3, window_bounds = array<i64: 10000, 128>}]} {
    %get3A = arith.constant 0 : index
    %get3A_0 = arith.constant 0 : index
    %get3A_1 = arith.constant 0 : index
    %get3A_2 = vector.load %arg1[%get3A, %get3A_0, %get3A_1] : memref<2x10000x64xf32, #tpu.memory_space<vmem>>, vector<1x10000x64xf32>
    %get3A_3 = vector.shape_cast %get3A_2 : vector<1x10000x64xf32> to vector<10000x64xf32>
    %get3A_4 = arith.constant 1 : index
    %get3A_5 = arith.constant 0 : index
    %get3A_6 = arith.constant 0 : index
    %get3A_7 = vector.load %arg1[%get3A_4, %get3A_5, %get3A_6] : memref<2x10000x64xf32, #tpu.memory_space<vmem>>, vector<1x10000x64xf32>
    %get3A_8 = vector.shape_cast %get3A_7 : vector<1x10000x64xf32> to vector<10000x64xf32>
    %concatenate3A = tpu.concatenate %get3A_3, %get3A_8 in 1 : vector<10000x64xf32>, vector<10000x64xf32> -> vector<10000x128xf32>
    %reduce_sum3A = arith.constant dense<0.000000e+00> : vector<128xf32>
    %reduce_sum3A_9 = vector.multi_reduction <add>, %concatenate3A, %reduce_sum3A [0] : vector<10000x128xf32> to vector<128xf32>
    %broadcast_in_dim3A = vector.shape_cast %reduce_sum3A_9 : vector<128xf32> to vector<1x128xf32>
    %div3A = arith.constant 1.000000e+04 : f32
    %div3A_10 = vector.broadcast %div3A : f32 to vector<1x128xf32>
    %div3A_11 = arith.divf %broadcast_in_dim3A, %div3A_10 : vector<1x128xf32>
    %sub3A = vector.broadcast %div3A_11 : vector<1x128xf32> to vector<10000x128xf32>
    %sub3A_12 = arith.subf %concatenate3A, %sub3A : vector<10000x128xf32>
    %mul3A = arith.mulf %sub3A_12, %sub3A_12 : vector<10000x128xf32>
    %reduce_sum3A_13 = arith.constant dense<0.000000e+00> : vector<128xf32>
    %reduce_sum3A_14 = vector.multi_reduction <add>, %mul3A, %reduce_sum3A_13 [0] : vector<10000x128xf32> to vector<128xf32>
    %broadcast_in_dim3A_15 = vector.shape_cast %reduce_sum3A_14 : vector<128xf32> to vector<1x128xf32>
    %div3A_16 = arith.constant 1.000000e+04 : f32
    %div3A_17 = vector.broadcast %div3A_16 : f32 to vector<1x128xf32>
    %div3A_18 = arith.divf %broadcast_in_dim3A_15, %div3A_17 : vector<1x128xf32>
    %add3A = arith.constant 9.99999974E-6 : f32
    %add3A_19 = vector.broadcast %add3A : f32 to vector<1x128xf32>
    %add3A_20 = arith.addf %div3A_18, %add3A_19 : vector<1x128xf32>
    %rsqrt3A = math.rsqrt %add3A_20 : vector<1x128xf32>
    %mul3A_21 = vector.broadcast %rsqrt3A : vector<1x128xf32> to vector<10000x128xf32>
    %mul3A_22 = arith.mulf %sub3A_12, %mul3A_21 : vector<10000x128xf32>
    %get3A_23 = arith.constant 0 : index
    %get3A_24 = arith.constant 0 : index
    %get3A_25 = vector.load %arg2[%get3A_23, %get3A_24] : memref<1x128xf32, #tpu.memory_space<vmem>>, vector<1x128xf32>
    %mul3A_26 = vector.broadcast %get3A_25 : vector<1x128xf32> to vector<10000x128xf32>
    %mul3A_27 = arith.mulf %mul3A_22, %mul3A_26 : vector<10000x128xf32>
    %get3A_28 = arith.constant 0 : index
    %get3A_29 = arith.constant 0 : index
    %get3A_30 = vector.load %arg3[%get3A_28, %get3A_29] : memref<1x128xf32, #tpu.memory_space<vmem>>, vector<1x128xf32>
    %add3A_31 = vector.broadcast %get3A_30 : vector<1x128xf32> to vector<10000x128xf32>
    %add3A_32 = arith.addf %mul3A_27, %add3A_31 : vector<10000x128xf32>
    %max3A = arith.constant 0.000000e+00 : f32
    %max3A_33 = vector.broadcast %max3A : f32 to vector<10000x128xf32>
    %max3A_34 = arith.maximumf %add3A_32, %max3A_33 : vector<10000x128xf32>
    %swap3A = arith.constant 0 : index
    %swap3A_35 = arith.constant 0 : index
    %swap3A_36 = vector.load %arg4[%swap3A, %swap3A_35] : memref<10000x128xf32, #tpu.memory_space<vmem>>, vector<10000x128xf32>
    tpu.vector_store %arg4[%swap3A, %swap3A_35], %max3A_34 {strides = array<i32>} : memref<10000x128xf32, #tpu.memory_space<vmem>>, vector<10000x128xf32>,
    return
  }
  func.func @transform_0(%arg0: i32) -> (i32, i32, i32) {
    %c0_i32 = arith.constant 0 : i32
    %c0_i32_0 = arith.constant 0 : i32
    %c0_i32_1 = arith.constant 0 : i32
    %c0_i32_2 = arith.constant 0 : i32
    return %c0_i32, %c0_i32_0, %c0_i32_1 : i32, i32, i32
  }
  func.func @transform_1(%arg0: i32) -> (i32, i32) {
    %c0_i32 = arith.constant 0 : i32
    %c0_i32_0 = arith.constant 0 : i32
    %c0_i32_1 = arith.constant 0 : i32
    return %c0_i32, %c0_i32_0 : i32, i32
  }
  func.func @transform_2(%arg0: i32) -> (i32, i32) {
    %c0_i32 = arith.constant 0 : i32
    %c0_i32_0 = arith.constant 0 : i32
    %c0_i32_1 = arith.constant 0 : i32
    return %c0_i32, %c0_i32_0 : i32, i32
  }
  func.func @transform_3(%arg0: i32) -> (i32, i32) {
    %c0_i32 = arith.constant 0 : i32
    %c0_i32_0 = arith.constant 0 : i32
    %c0_i32_1 = arith.constant 0 : i32
    return %c0_i32, %c0_i32_0 : i32, i32
  }
}

</mosaic_0001>

<sc_bundles>
// kernel: kernel.5.cloned.1.call-start
scs
__scs_entry_jumppad:
0x0: {  	(pc) =	sbr.rel $0x88, $3  }
0x1: {  	(tag) =	ssettag $0x0;
	lr =	simm.s32 $0x1  }
0x2: {  	[smem:$0x3F9B] =	sst lr;
	_ =	strace $0xD0000000  }
0x3: {  	_ = 	snop  }
0x4: {  	_ = 	snop  }
0x5: {  	_ = 	snop  }
0x6: {  	_ = 	snop  }
0x7: {  	_ = 	snop  }
__scs_overlays_trampoline_lowered:
0x8: {  	[smem:$0x3FAA] =	sst s0  }
0x9: {  	[smem:$0x3FAB] =	sst s1  }
0xa: {  	[smem:$0x3FAC] =	sst s2  }
0xb: {  	[smem:$0x3FAD] =	sst s3  }
0xc: {  	[smem:$0x3FAE] =	sst s4  }
0xd: {  	[smem:$0x3FAF] =	sst s5  }
0xe: {  	[smem:$0x3FB0] =	sst s6  }
0xf: {  	[smem:$0x3FB1] =	sst s7  }
0x10: {  	[smem:$0x3FB2] =	sst s8  }
0x11: {  	[smem:$0x3FB3] =	sst s9;
	s0 =	simm.s32 @!p0 $0x0  }
0x12: {  	s1 =	sld [smem:$0x3F99];
	s0 =	simm.s32 @p0 $0x1  }
0x13: {  	[smem:$0x3FB4] =	sst s0;
	s0 =	simm.s32 @!p1 $0x0  }
0x14: {  	s2 =	sld [smem:$0x3F98];
	s0 =	simm.s32 @p1 $0x1  }
0x15: {  	[smem:$0x3FB5] =	sst s0;
	s0 =	simm.s32 @!p2 $0x0  }
0x16: {  	s3 =	sld [smem:$0x3FDB];
	s0 =	simm.s32 @p2 $0x1  }
0x17: {  	s4 =	simm.s32 $0x1BF5;
	[smem:$0x3FB7] =	sst s0  }
0x18: {  	s0 =	sld [smem:$0x3F9A];
	_ =	swait.ge [sflag:s4], $0x0  }
0x19: {  	s7 =	sld [smem:$0x3F9B]  }
0x1a: {  	s8 =	sadd.s32 $0xFFFFE003, lr  }
0x1b: {  	s9 =	sadd.s32 $0xFFFFFEF7, lr;
	s5 =	simm.s32 $0xFFFFFFFF;
	p2 =	slt.u32 s8, $0xFFFFF086  }
0x1c: {  	p1 =	slt.u32 s9, $0xF7A;
	s5 =	simm.s32 @!p2 $0x0  }
0x1d: {  	s5 =	simm.s32 @p1 $0x1;
	p0 =	seq.s32 s7, s2  }
0x1e: {  	s7 =	smul.u32 @!p0 $0xF7A, s2;
	p2 =	seq.s32 @!p0 s5, $0x0  }
0x1f: {  	s9 =	smul.u32 $0xF7A, s1;
	s8 =	simm.s32 @!p0 $0x1BF5;
	p2 =	por !p2, p0  }
0x20: {  	[sflag:s8] =	ssyncset.s32 @!p0 $0xFFFFF086;
	s6 =	sadd.s32 @!p0 s3, s7;
	s7 =	simm.s32 @!p0 $0x108  }
0x21: {  	s3 =	sadd.s32 s3, s9;
	s6 =	sadd.s32 @!p0 $0x88, s6;
	s7 =	simm.s32 @p2 $0x1082  }
0x22: {  	[simem:s7], [sflag:s8] =	dma.local @!p0 [hbm:s6], $0xF7A  }
0x23: {  	s9 =	sor.u32 $0xD0000000, s2;
	s6 =	simm.s32 $0x108;
	_ =	swait.ge @!p0 [sflag:s8], $0x0  }
0x24: {  	s3 =	sadd.s32 $0x88, s3;
	s6 =	simm.s32 @!p1 $0x1082;
	[sflag:s4] =	ssyncset.s32 $0xFFFFF086  }
0x25: {  	[simem:s6], [sflag:s4] =	dma.local [hbm:s3], $0xF7A  }
0x26: {  	[smem:$0x3F9B] =	sst s1;
	(tag) =	ssettag s2;
	_ =	strace s9  }
0x27: {  	s1 =	sld [smem:$0x3FAB]  }
0x28: {  	s2 =	sld [smem:$0x3FAC]  }
0x29: {  	s4 =	sld [smem:$0x3FAE]  }
0x2a: {  	p0 =	seq.s32 s5, $0x0;
	s5 =	sld [smem:$0x3FAF]  }
0x2b: {  	s6 =	sld [smem:$0x3FB0]  }
0x2c: {  	s7 =	sld [smem:$0x3FB1]  }
0x2d: {  	s3 =	simm.s32 $0x108;
	s8 =	sld [smem:$0x3FB2]  }
0x2e: {  	s3 =	simm.s32 @!p0 $0x1082;
	s9 =	sld [smem:$0x3FB3]  }
0x2f: {  	lr =	sadd.s32 s0, s3;
	s0 =	sld [smem:$0x3FAA]  }
0x30: {  	s3 =	sld [smem:$0x3FAD]  }
0x31: {  	[smem:$0x3FB6] =	sst s10  }
0x32: {  	s10 =	sld [smem:$0x3FB4];
	_ =	sdelay $0x3  }
0x33: {  	p0 =	seq.s32 s10, $0x1;
	s10 =	sld [smem:$0x3FB6];
	_ =	sdelay $0x3  }
0x34: {  	[smem:$0x3FB6] =	sst s10  }
0x35: {  	s10 =	sld [smem:$0x3FB5];
	_ =	sdelay $0x3  }
0x36: {  	p1 =	seq.s32 s10, $0x1;
	s10 =	sld [smem:$0x3FB6];
	_ =	sdelay $0x3  }
0x37: {  	[smem:$0x3FB6] =	sst s10  }
0x38: {  	s10 =	sld [smem:$0x3FB7]  }
0x39: {  	_ = 	snop;
	(pc) =	sbr.ind lr, $3  }
0x3a: {  	_ = 	snop  }
0x3b: {  	_ = 	snop  }
0x3c: {  	p2 =	seq.s32 s10, $0x1;
	s10 =	sld [smem:$0x3FB6]  }
0x3d: {  	_ =	shalt  }
0x3e: {  	_ =	shalt  }
0x3f: {  	_ =	shalt  }
0x40: {  	_ =	shalt  }
0x41: {  	_ =	shalt  }
0x42: {  	_ =	shalt  }
0x43: {  	_ =	shalt  }
0x44: {  	_ =	shalt  }
0x45: {  	_ =	shalt  }
0x46: {  	_ =	shalt  }
0x47: {  	_ =	shalt  }
0x48: {  	_ =	shalt  }
0x49: {  	_ =	shalt  }
0x4a: {  	_ =	shalt  }
0x4b: {  	_ =	shalt  }
0x4c: {  	_ =	shalt  }
0x4d: {  	_ =	shalt  }
0x4e: {  	_ =	shalt  }
0x4f: {  	_ =	shalt  }
0x50: {  	_ =	shalt  }
0x51: {  	_ =	shalt  }
0x52: {  	_ =	shalt  }
0x53: {  	_ =	shalt  }
0x54: {  	_ =	shalt  }
0x55: {  	_ =	shalt  }
0x56: {  	_ =	shalt  }
0x57: {  	_ =	shalt  }
0x58: {  	_ =	shalt  }
0x59: {  	_ =	shalt  }
0x5a: {  	_ =	shalt  }
0x5b: {  	_ =	shalt  }
0x5c: {  	_ =	shalt  }
0x5d: {  	_ =	shalt  }
0x5e: {  	_ =	shalt  }
0x5f: {  	_ =	shalt  }
0x60: {  	_ =	shalt  }
0x61: {  	_ =	shalt  }
0x62: {  	_ =	shalt  }
0x63: {  	_ =	shalt  }
0x64: {  	_ =	shalt  }
0x65: {  	_ =	shalt  }
0x66: {  	_ =	shalt  }
0x67: {  	_ =	shalt  }
0x68: {  	_ =	shalt  }
0x69: {  	_ =	shalt  }
0x6a: {  	_ =	shalt  }
0x6b: {  	_ =	shalt  }
0x6c: {  	_ =	shalt  }
0x6d: {  	_ =	shalt  }
0x6e: {  	_ =	shalt  }
0x6f: {  	_ =	shalt  }
0x70: {  	_ =	shalt  }
0x71: {  	_ =	shalt  }
0x72: {  	_ =	shalt  }
0x73: {  	_ =	shalt  }
0x74: {  	_ =	shalt  }
0x75: {  	_ =	shalt  }
0x76: {  	_ =	shalt  }
0x77: {  	_ =	shalt  }
0x78: {  	_ =	shalt  }
0x79: {  	_ =	shalt  }
0x7a: {  	_ =	shalt  }
0x7b: {  	_ =	shalt  }
0x7c: {  	_ =	shalt  }
0x7d: {  	_ =	shalt  }
0x7e: {  	_ =	shalt  }
0x7f: {  	_ =	shalt  }
0x80: {  	_ =	shalt  }
0x81: {  	_ =	shalt  }
0x82: {  	_ =	shalt  }
0x83: {  	_ =	shalt  }
0x84: {  	_ =	shalt  }
0x85: {  	_ =	shalt  }
0x86: {  	_ =	shalt  }
0x87: {  	_ =	shalt  }
.Lfunc_end0:
.L_simem_size_0:
called_computation_lowered:
.L_overlay_start_0:
0x88: {  	s2 =	sld [smem:$0x3FD9]  }
0x89: {  	s3 =	sld [smem:$0x3FFE];
	_ =	sdelay $0x1  }
0x8a: {  	s1 =	srdreg.scid  }
0x8b: {  	s0 =	sand.u32 $0x1, s1  }
0x8c: {  	s17 =	sshll.u32 s0, $0xA;
	s2 =	sadd.s32 s3, s2  }
0x8d: {  	s2 =	sadd.s32 s2, s17  }
0x8e: {  	[smem:$0x3FC2] =	sst s2  }
0x8f: {  	_ = 	snop  }
0x90: {  	s2 =	sld [smem:$0x3FD0];
	(tm) =	ssettm $0x1  }
0x91: {  	s18 =	sld [smem:$0x3FFB];
	_ =	sdelay $0x3  }
0x92: {  	_ =	strace s18  }
0x93: {  	s3 =	sld [smem:$0x3FFC];
	_ =	sdelay $0x3  }
0x94: {  	_ =	strace s3  }
0x95: {  	s3 =	sld [smem:$0x3FFD];
	_ =	sdelay $0x3  }
0x96: {  	_ =	strace s3  }
0x97: {  	_ =	strace $0x8FFFFFFF  }
0x98: {  	s19 =	sld [smem:$0x3FDB];
	_ =	sdelay $0x1  }
0x99: {  	s4 =	simm.s32 $_scs_section_size  }
0x9a: {  	s5 =	simm.s32 $_size__tile_overlayer_lowered;
	s6 =	simm.s32 $_tile_overlayer_lowered  }
0x9b: {  	s22 =	simm.s32 $0x1BFF;
	s21 =	sshll.u32 s6, $0x1;
	s3 =	sadd.s32 s4, s19  }
0x9c: {  	s7 =	simm.s32 $0x0;
	s20 =	sshll.u32 s5, $0x1;
	s5 =	sadd.s32 s21, s3  }
0x9d: {  	[timem:s7], [sflag:s22] =	dma.local [hbm:s5], s20  }
0x9e: {  	_ =	swait.ge [sflag:s22], s20  }
0x9f: {  	s4 =	ssub.s32 $0x0, s20;
	[sflag:s22] =	ssyncset.done $0x0  }
0xa0: {  	[sflag:s22] =	ssyncadd.s32 s4;
	_ =	sdelay $0x1  }
0xa1: {  	s23 =	simm.s32 $0x1B8B  }
0xa2: {  	_ =	swait.ge [sflag:s23], $0x1  }
0xa3: {  	[sflag:s23] =	ssyncset.done $0x0  }
0xa4: {  	s25 =	simm.s32 $0x1B8E;
	s24 =	sld [smem:$0x3FFE];
	[sflag:s23] =	ssyncadd.s32 $0xFFFFFFFF  }
0xa5: {  	s26 =	simm.s32 $execute0_lowered;
	[smem:$0x3FD2] =	sst s25  }
0xa6: {  	s5 =	sshll.u32 s26, $0x1;
	_ =	strace $0x80000046;
	[dreg:$0x1] =	wrdreg $0xFFFFFFFF  }
0xa7: {  	s28 =	simm.s32 $_size_execute0_lowered;
	s3 =	sadd.s32 s3, s5;
	[dreg:$0x0] =	wrdreg $0x0  }
0xa8: {  	s5 =	sshll.u32 s28, $0x1;
	[dreg:$0x2] =	wrdreg s3  }
0xa9: {  	[dreg:$0x3] =	wrdreg s5  }
0xaa: {  	[dreg:$0x4] =	wrdreg $0xC0  }
0xab: {  	_ =	task [dreg:s7], $0x5FFFF  }
0xac: {  	[dreg:$0x1] =	wrdreg $0xFFFFFFFF  }
0xad: {  	[dreg:$0x0] =	wrdreg $0x60  }
0xae: {  	[dreg:$0x2] =	wrdreg s24  }
0xaf: {  	[dreg:$0x3] =	wrdreg s2  }
0xb0: {  	[dreg:$0x4] =	wrdreg $0x116200  }
0xb1: {  	[dreg:$0x5] =	wrdreg $0x9  }
0xb2: {  	_ =	task.clear_ibuf [dreg:s7], $0x6FFFF;
	_ =	strace $0x90000046  }
0xb3: {  	s29 =	simm.s32 $0x9;
	_ =	strace $0x80000048  }
0xb4: {  	_ =	swait.ge [sflag:s29], $0x1  }
0xb5: {  	[sflag:s29] =	ssyncadd.s32 $0xFFFFFFFF  }
0xb6: {  	_ =	strace $0x90000048  }
0xb7: {  	_ =	sfence  }
0xb8: {  	s30 =	sld [smem:$0x0];
	_ =	sdelay $0x2  }
0xb9: {  	s31 =	sshll.u32 s1, $0xD;
	s1 =	sshrl.u32 s1, $0x2  }
0xba: {  	s3 =	sand.u32 $0x4000, s31;
	s1 =	sadd.s32 s1, s30  }
0xbb: {  	s0 =	sor.u32 s3, s0;
	s1 =	sshll.u32 s1, $0x11  }
0xbc: {  	s0 =	sor.u32 s1, s0  }
0xbd: {  	s0 =	sadd.s32 $0x8F2B, s0  }
0xbe: {  	[sflag:s0] =	ssyncadd.remote.s32 $0x1  }
0xbf: {  	_ =	sfence.sel $0xFFFF  }
0xc0: {  	[dreg:$0x0] =	wrdreg $0xFFFFFFFF;
	(pc) =	sbr.abs _section_cstart, $3  }
0xc1: {  	[dreg:$0x1] =	wrdreg $0xFFFFFFFF  }
0xc2: {  	_ =	task.clear_ibuf [dreg:s7], $0x2FFFF;
	_ =	strace $0x9FFFFFFF  }
0xc3: {  	(tm) =	ssettm $0x7FFFFFFF  }
tec
execute0_lowered:
.L_overlay_start_1:
0x0: {  	(tag) =	ssettag $0x1  }
0x1: {  	s0 =	rddreg [dreg:$0x0]  }
0x2: {  	s1 =	rddreg [dreg:$0x1]  }
0x3: {  	s2 =	rddreg [dreg:$0x2]  }
0x4: {  	s3 =	simm.s32 $0x0;
	s8 =	stileid.u32;
	s4 =	srdreg.scid  }
0x5: {  	s28 =	simm.s32 $0x3;
	s29 =	simm.s32 $0x2710;
	s30 =	simm.s32 $0x50  }
0x6: {  	s31 =	simm.s32 $0x6220;
	[smem:$0x7FF] =	sst s3;
	s11 =	smul.u32 $0x4E20, s8  }
0x7: {  	s12 =	sand.u32 $0x1, s4;
	s4 =	sadd.s32 $0xAC00, s0;
	s13 =	smul.u32 $0xA000, s8  }
0x8: {  	_ =	strace $0x80000047;
	s5 =	ssub.s32 $0x2, s12;
	s21 =	smul.u32 $0x4E200, s12  }
0x9: {  	s12 =	smul.u32 $0xA0000, s12;
	s6 =	sshrl.u32 s11, $0x3;
	s7 =	sshrl.u32 s5, $0x1  }
0xa: {  	s16 =	sor.u32 $0x1400, s13;
	s17 =	sadd.s32 $0x2800, s13;
	s18 =	sadd.s32 $0x3C00, s13  }
0xb: {  	s19 =	sadd.s32 $0x5000, s13;
	s20 =	sadd.s32 $0x6400, s13;
	s22 =	sadd.s32 $0x7800, s13  }
0xc: {  	s23 =	sadd.s32 $0x8C00, s13;
	s14 =	sadd.s32 s6, s0;
	s0 =	sadd.s32 $0x429800, s0  }
0xd: {  	s15 =	ssub.s32 s5, s7;
	s5 =	sadd.s32 s13, s2;
	s6 =	sadd.s32 s16, s2  }
0xe: {  	s7 =	sadd.s32 s17, s2;
	s8 =	sadd.s32 s18, s2;
	s9 =	sadd.s32 s19, s2  }
0xf: {  	s10 =	sadd.s32 s20, s2;
	s21 =	sadd.s32 s11, s21;
	s11 =	sadd.s32 s22, s2  }
0x10: {  	s25 =	sadd.s32 s13, s12;
	s16 =	sadd.s32 s12, s16;
	s13 =	sadd.s32 s23, s2  }
0x11: {  	s17 =	sadd.s32 s12, s17;
	s18 =	sadd.s32 s12, s18;
	s19 =	sadd.s32 s12, s19  }
0x12: {  	s20 =	sadd.s32 s12, s20;
	s21 =	sshrl.u32 s21, $0x3;
	s16 =	sshrl.u32 s16, $0x3  }
0x13: {  	s26 =	sadd.s32 $0xE00, s14;
	s20 =	sshrl.u32 s20, $0x3;
	s24 =	sadd.s32 s1, s21  }
0x14: {  	s1 =	sshrl.u32 s25, $0x3;
	s21 =	sadd.s32 s12, s22;
	s12 =	sadd.s32 s12, s23  }
0x15: {  	[dreg:$0x5] =	wrdreg s26;
	s22 =	sadd.s32 s0, s16;
	s23 =	sshrl.u32 s17, $0x3  }
0x16: {  	s25 =	sshrl.u32 s18, $0x3;
	s26 =	sshrl.u32 s19, $0x3;
	s17 =	simm.s32 $0x9E20  }
0x17: {  	s16 =	simm.s32 $0x10220;
	s1 =	sadd.s32 s0, s1;
	[dreg:$0x7] =	wrdreg s22  }
0x18: {  	s18 =	sadd.s32 s0, s25;
	s19 =	sadd.s32 s0, s26;
	[dreg:$0x4] =	wrdreg s24  }
0x19: {  	s22 =	sshrl.u32 s21, $0x3;
	s12 =	sshrl.u32 s12, $0x3;
	[dreg:$0x6] =	wrdreg s1  }
0x1a: {  	s24 =	sadd.s32 $0x4E2, s24;
	s25 =	sadd.s32 $0x12E2, s14;
	[dreg:$0x9] =	wrdreg s18  }
0x1b: {  	s26 =	smax.u32 s15, $0x1;
	s15 =	simm.s32 $0x8A20;
	[dreg:$0xa] =	wrdreg s19  }
0x1c: {  	s21 =	simm.s32 $0xB220;
	s14 =	simm.s32 $0xEE20;
	[dreg:$0xe] =	wrdreg s24  }
0x1d: {  	s1 =	sadd.s32 s0, s23;
	s23 =	sadd.s32 s0, s22;
	[dreg:$0xf] =	wrdreg s25  }
0x1e: {  	[dreg:$0x10] =	wrdreg s26;
	s26 =	simm.s32 $0x4E20;
	s18 =	simm.s32 $0x1  }
0x1f: {  	s19 =	simm.s32 $0xDA20;
	s24 =	simm.s32 $0x4D80;
	[dreg:$0x8] =	wrdreg s1  }
0x20: {  	s25 =	simm.s32 $0x4DD0;
	s1 =	sadd.s32 s0, s20;
	[dreg:$0xc] =	wrdreg s23  }
0x21: {  	s0 =	sadd.s32 s0, s12;
	s20 =	simm.s32 $0x2;
	[dreg:$0xb] =	wrdreg s1  }
0x22: {  	v0 =	vimm.f32 $0.0e+00;
	[dreg:$0xd] =	wrdreg s0;
	s1 =	simm.s32 $0x7620;
	s0 =	simm.s32 $0xC620  }
.LBB2_1:
0x23: {  	s22 =	simm.s32 $0x100;
	s12 =	simm.s32 $0x0  }
.LBB2_2:
0x24: {  	p0 =	sne.s32 s22, $0x4F00;
	[tilespmem:s12+$0x4E50] =	vst v0;
	s23 =	smov.u32 s22;
	s22 =	sadd.s32 $0x100, s22  }
.Ltmp0:
0x25: {  	[tilespmem:s12+$0x4E40] =	vst v0;
	(pc) =	sbr.rel @p0 .LBB2_2-.Ltmp0, $3  }
0x26: {  	[tilespmem:s12+$0x4E20] =	vst v0  }
0x27: {  	[tilespmem:s12+$0x4E30] =	vst v0;
	_ =	sdelay $0x1  }
0x28: {  	s12 =	sshra.s32 s23, $0x2  }
0x29: {  	[tilespmem:s12+$0x4E50] =	vst v0  }
0x2a: {  	[tilespmem:s12+$0x4E40] =	vst v0  }
0x2b: {  	[tilespmem:s12+$0x4E20] =	vst v0  }
0x2c: {  	[tilespmem:s12+$0x4E30] =	vst v0  }
0x2d: {  	[spmem:s5] =	stream.linear.scatter [tilespmem:s26], [sflag:$0x3], $0x1400, $0x38;
	[tilespmem:$0x1B620] =	vst v63  }
0x2e: {  	_ =	swait.ge [sflag:s28], $0x1400  }
0x2f: {  	[sflag:s28] =	ssyncset.done $0x0  }
0x30: {  	[sflag:s28] =	ssyncadd.s32 $0xFFFFEC00  }
0x31: {  	[spmem:s6] =	stream.linear.scatter [tilespmem:s26], [sflag:$0x3], $0x1400, $0x38;
	[tilespmem:$0x1B620] =	vst v63  }
0x32: {  	_ =	swait.ge [sflag:s28], $0x1400  }
0x33: {  	[sflag:s28] =	ssyncset.done $0x0  }
0x34: {  	[sflag:s28] =	ssyncadd.s32 $0xFFFFEC00  }
0x35: {  	[spmem:s7] =	stream.linear.scatter [tilespmem:s26], [sflag:$0x3], $0x1400, $0x38;
	[tilespmem:$0x1B620] =	vst v63  }
0x36: {  	_ =	swait.ge [sflag:s28], $0x1400  }
0x37: {  	[sflag:s28] =	ssyncset.done $0x0  }
0x38: {  	[sflag:s28] =	ssyncadd.s32 $0xFFFFEC00  }
0x39: {  	[spmem:s8] =	stream.linear.scatter [tilespmem:s26], [sflag:$0x3], $0x1400, $0x38;
	[tilespmem:$0x1B620] =	vst v63  }
0x3a: {  	_ =	swait.ge [sflag:s28], $0x1400  }
0x3b: {  	[sflag:s28] =	ssyncset.done $0x0  }
0x3c: {  	[sflag:s28] =	ssyncadd.s32 $0xFFFFEC00  }
0x3d: {  	[spmem:s9] =	stream.linear.scatter [tilespmem:s26], [sflag:$0x3], $0x1400, $0x38;
	[tilespmem:$0x1B620] =	vst v63  }
0x3e: {  	_ =	swait.ge [sflag:s28], $0x1400  }
0x3f: {  	[sflag:s28] =	ssyncset.done $0x0  }
0x40: {  	[sflag:s28] =	ssyncadd.s32 $0xFFFFEC00  }
0x41: {  	[spmem:s10] =	stream.linear.scatter [tilespmem:s26], [sflag:$0x3], $0x1400, $0x38;
	[tilespmem:$0x1B620] =	vst v63  }
0x42: {  	_ =	swait.ge [sflag:s28], $0x1400  }
0x43: {  	[sflag:s28] =	ssyncset.done $0x0  }
0x44: {  	[sflag:s28] =	ssyncadd.s32 $0xFFFFEC00  }
0x45: {  	[spmem:s11] =	stream.linear.scatter [tilespmem:s26], [sflag:$0x3], $0x1400, $0x38;
	[tilespmem:$0x1B620] =	vst v63  }
0x46: {  	_ =	swait.ge [sflag:s28], $0x1400  }
0x47: {  	[sflag:s28] =	ssyncset.done $0x0  }
0x48: {  	[sflag:s28] =	ssyncadd.s32 $0xFFFFEC00  }
0x49: {  	[spmem:s13] =	stream.linear.scatter [tilespmem:s26], [sflag:$0x3], $0x1400, $0x38;
	[tilespmem:$0x1B620] =	vst v63  }
0x4a: {  	_ =	swait.ge [sflag:s28], $0x1400  }
0x4b: {  	[sflag:s28] =	ssyncset.done $0x0  }
0x4c: {  	[sflag:s28] =	ssyncadd.s32 $0xFFFFEC00  }
0x4d: {  	[bflag:$0x0] =	sbarrier.arrive $0xFFFF  }
0x4e: {  	s12 =	simm.s32 $0x0;
	s22 =	rddreg [dreg:$0x4]  }
0x4f: {  	[tilespmem:s12], [sflag:$0x3] =	stream.linear.gather [hbm4b:s22+s12], $0x2710, $0x38;
	[tilespmem:$0x1B620] =	vst v63  }
0x50: {  	_ =	swait.ge [sflag:s28], $0x2710  }
0x51: {  	[sflag:s28] =	ssyncset.done $0x0  }
0x52: {  	s23 =	rddreg [dreg:$0x5];
	[sflag:s28] =	ssyncadd.s32 $0xFFFFD8F0  }
0x53: {  	[tilespmem:s29], [sflag:$0x3] =	stream.linear.gather [hbm4b:s23+s12], $0x2710, $0x38;
	[tilespmem:$0x1B620] =	vst v63  }
0x54: {  	_ =	swait.ge [sflag:s28], $0x2710  }
0x55: {  	[sflag:s28] =	ssyncset.done $0x0  }
0x56: {  	[sflag:s28] =	ssyncadd.s32 $0xFFFFD8F0  }
0x57: {  	[tilespmem:s26], [sflag:$0x1] =	stream.indirect.gather [hbm4b:s4+s30], $0x40, s12, s30, $0xb8;
	[tilespmem:$0x1B620] =	vst v63  }
0x58: {  	_ = 	snop  }
0x59: {  	[tilespmem:s31], [sflag:$0x1] =	stream.indirect.gather [hbm4b:s4+s30], $0x40, s30, s30, $0xb8;
	[tilespmem:$0x1B620] =	vst v63  }
0x5a: {  	s23 =	simm.s32 $0xA0  }
0x5b: {  	[tilespmem:s1], [sflag:$0x1] =	stream.indirect.gather [hbm4b:s4+s30], $0x40, s23, s30, $0xb8;
	[tilespmem:$0x1B620] =	vst v63  }
0x5c: {  	s22 =	simm.s32 $0xF0  }
0x5d: {  	[tilespmem:s15], [sflag:$0x1] =	stream.indirect.gather [hbm4b:s4+s30], $0x40, s22, s30, $0xb8;
	[tilespmem:$0x1B620] =	vst v63  }
0x5e: {  	s23 =	simm.s32 $0x140  }
0x5f: {  	[tilespmem:s17], [sflag:$0x1] =	stream.indirect.gather [hbm4b:s4+s30], $0x40, s23, s30, $0xb8;
	[tilespmem:$0x1B620] =	vst v63  }
0x60: {  	_ =	swait.ge [sflag:s18], $0x1400  }
0x61: {  	[sflag:s18] =	ssyncset.done $0x0  }
0x62: {  	[sflag:s18] =	ssyncadd.s32 $0xFFFFEC00  }
0x63: {  	_ =	swait.ge [sflag:s18], $0x1400  }
0x64: {  	[sflag:s18] =	ssyncset.done $0x0  }
0x65: {  	[sflag:s18] =	ssyncadd.s32 $0xFFFFEC00  }
0x66: {  	_ =	swait.ge [sflag:s18], $0x1400  }
0x67: {  	[sflag:s18] =	ssyncset.done $0x0  }
0x68: {  	[sflag:s18] =	ssyncadd.s32 $0xFFFFEC00  }
0x69: {  	_ =	swait.ge [sflag:s18], $0x1400  }
0x6a: {  	[sflag:s18] =	ssyncset.done $0x0  }
0x6b: {  	[sflag:s18] =	ssyncadd.s32 $0xFFFFEC00  }
0x6c: {  	_ =	swait.ge [sflag:s18], $0x1400  }
0x6d: {  	[sflag:s18] =	ssyncset.done $0x0  }
0x6e: {  	[sflag:s18] =	ssyncadd.s32 $0xFFFFEC00  }
0x6f: {  	[spmem:s2] =	stream.indirect.scatter.add.f32 [tilespmem:s26], [sflag:$0x2], $0x40, s29, s30, $0xb8;
	[tilespmem:$0x1B620] =	vst v63  }
0x70: {  	s22 =	simm.s32 $0x2760  }
0x71: {  	[spmem:s2] =	stream.indirect.scatter.add.f32 [tilespmem:s31], [sflag:$0x2], $0x40, s22, s30, $0xb8;
	[tilespmem:$0x1B620] =	vst v63  }
0x72: {  	s23 =	simm.s32 $0x27B0  }
0x73: {  	[spmem:s2] =	stream.indirect.scatter.add.f32 [tilespmem:s1], [sflag:$0x2], $0x40, s23, s30, $0xb8;
	[tilespmem:$0x1B620] =	vst v63  }
0x74: {  	s22 =	simm.s32 $0x2800  }
0x75: {  	[spmem:s2] =	stream.indirect.scatter.add.f32 [tilespmem:s15], [sflag:$0x2], $0x40, s22, s30, $0xb8;
	[tilespmem:$0x1B620] =	vst v63  }
0x76: {  	s23 =	simm.s32 $0x2850  }
0x77: {  	[spmem:s2] =	stream.indirect.scatter.add.f32 [tilespmem:s17], [sflag:$0x2], $0x40, s23, s30, $0xb8;
	[tilespmem:$0x1B620] =	vst v63  }
0x78: {  	s22 =	simm.s32 $0x190  }
0x79: {  	[tilespmem:s21], [sflag:$0x1] =	stream.indirect.gather [hbm4b:s4+s30], $0x40, s22, s30, $0xb8;
	[tilespmem:$0x1B620] =	vst v63  }
0x7a: {  	s23 =	simm.s32 $0x1E0  }
0x7b: {  	[tilespmem:s0], [sflag:$0x1] =	stream.indirect.gather [hbm4b:s4+s30], $0x40, s23, s30, $0xb8;
	[tilespmem:$0x1B620] =	vst v63  }
0x7c: {  	s22 =	simm.s32 $0x230  }
0x7d: {  	[tilespmem:s19], [sflag:$0x1] =	stream.indirect.gather [hbm4b:s4+s30], $0x40, s22, s30, $0xb8;
	[tilespmem:$0x1B620] =	vst v63  }
0x7e: {  	s23 =	simm.s32 $0x280  }
0x7f: {  	[tilespmem:s14], [sflag:$0x1] =	stream.indirect.gather [hbm4b:s4+s30], $0x40, s23, s30, $0xb8;
	[tilespmem:$0x1B620] =	vst v63  }
0x80: {  	s22 =	simm.s32 $0x2D0  }
0x81: {  	[tilespmem:s16], [sflag:$0x1] =	stream.indirect.gather [hbm4b:s4+s30], $0x40, s22, s30, $0xb8;
	[tilespmem:$0x1B620] =	vst v63  }
0x82: {  	_ =	swait.ge [sflag:s18], $0x1400  }
0x83: {  	[sflag:s18] =	ssyncset.done $0x0  }
0x84: {  	[sflag:s18] =	ssyncadd.s32 $0xFFFFEC00  }
0x85: {  	_ =	swait.ge [sflag:s18], $0x1400  }
0x86: {  	[sflag:s18] =	ssyncset.done $0x0  }
0x87: {  	[sflag:s18] =	ssyncadd.s32 $0xFFFFEC00  }
0x88: {  	_ =	swait.ge [sflag:s18], $0x1400  }
0x89: {  	[sflag:s18] =	ssyncset.done $0x0  }
0x8a: {  	[sflag:s18] =	ssyncadd.s32 $0xFFFFEC00  }
0x8b: {  	_ =	swait.ge [sflag:s18], $0x1400  }
0x8c: {  	[sflag:s18] =	ssyncset.done $0x0  }
0x8d: {  	[sflag:s18] =	ssyncadd.s32 $0xFFFFEC00  }
0x8e: {  	_ =	swait.ge [sflag:s18], $0x1400  }
0x8f: {  	[sflag:s18] =	ssyncset.done $0x0  }
0x90: {  	s23 =	simm.s32 $0x28A0;
	[sflag:s18] =	ssyncadd.s32 $0xFFFFEC00  }
0x91: {  	[spmem:s2] =	stream.indirect.scatter.add.f32 [tilespmem:s21], [sflag:$0x2], $0x40, s23, s30, $0xb8;
	[tilespmem:$0x1B620] =	vst v63  }
0x92: {  	s22 =	simm.s32 $0x28F0  }
0x93: {  	[spmem:s2] =	stream.indirect.scatter.add.f32 [tilespmem:s0], [sflag:$0x2], $0x40, s22, s30, $0xb8;
	[tilespmem:$0x1B620] =	vst v63  }
0x94: {  	s23 =	simm.s32 $0x2940  }
0x95: {  	[spmem:s2] =	stream.indirect.scatter.add.f32 [tilespmem:s19], [sflag:$0x2], $0x40, s23, s30, $0xb8;
	[tilespmem:$0x1B620] =	vst v63  }
0x96: {  	s22 =	simm.s32 $0x2990  }
0x97: {  	[spmem:s2] =	stream.indirect.scatter.add.f32 [tilespmem:s14], [sflag:$0x2], $0x40, s22, s30, $0xb8;
	[tilespmem:$0x1B620] =	vst v63  }
0x98: {  	s23 =	simm.s32 $0x29E0  }
0x99: {  	[spmem:s2] =	stream.indirect.scatter.add.f32 [tilespmem:s16], [sflag:$0x2], $0x40, s23, s30, $0xb8;
	[tilespmem:$0x1B620] =	vst v63  }
0x9a: {  	_ =	swait.ge [sflag:s20], $0x1400  }
0x9b: {  	[sflag:s20] =	ssyncset.done $0x0  }
0x9c: {  	[sflag:s20] =	ssyncadd.s32 $0xFFFFEC00  }
0x9d: {  	_ =	swait.ge [sflag:s20], $0x1400  }
0x9e: {  	[sflag:s20] =	ssyncset.done $0x0  }
0x9f: {  	[sflag:s20] =	ssyncadd.s32 $0xFFFFEC00  }
0xa0: {  	_ =	swait.ge [sflag:s20], $0x1400  }
0xa1: {  	[sflag:s20] =	ssyncset.done $0x0  }
0xa2: {  	[sflag:s20] =	ssyncadd.s32 $0xFFFFEC00  }
0xa3: {  	_ =	swait.ge [sflag:s20], $0x1400  }
0xa4: {  	[sflag:s20] =	ssyncset.done $0x0  }
0xa5: {  	[sflag:s20] =	ssyncadd.s32 $0xFFFFEC00  }
0xa6: {  	_ =	swait.ge [sflag:s20], $0x1400  }
0xa7: {  	[sflag:s20] =	ssyncset.done $0x0  }
0xa8: {  	s22 =	simm.s32 $0x320;
	[sflag:s20] =	ssyncadd.s32 $0xFFFFEC00  }
0xa9: {  	[tilespmem:s26], [sflag:$0x1] =	stream.indirect.gather [hbm4b:s4+s30], $0x40, s22, s30, $0xb8;
	[tilespmem:$0x1B620] =	vst v63  }
0xaa: {  	s23 =	simm.s32 $0x370  }
0xab: {  	[tilespmem:s31], [sflag:$0x1] =	stream.indirect.gather [hbm4b:s4+s30], $0x40, s23, s30, $0xb8;
	[tilespmem:$0x1B620] =	vst v63  }
0xac: {  	s22 =	simm.s32 $0x3C0  }
0xad: {  	[tilespmem:s1], [sflag:$0x1] =	stream.indirect.gather [hbm4b:s4+s30], $0x40, s22, s30, $0xb8;
	[tilespmem:$0x1B620] =	vst v63  }
0xae: {  	s23 =	simm.s32 $0x410  }
0xaf: {  	[tilespmem:s15], [sflag:$0x1] =	stream.indirect.gather [hbm4b:s4+s30], $0x40, s23, s30, $0xb8;
	[tilespmem:$0x1B620] =	vst v63  }
0xb0: {  	s22 =	simm.s32 $0x460  }
0xb1: {  	[tilespmem:s17], [sflag:$0x1] =	stream.indirect.gather [hbm4b:s4+s30], $0x40, s22, s30, $0xb8;
	[tilespmem:$0x1B620] =	vst v63  }
0xb2: {  	_ =	swait.ge [sflag:s18], $0x1400  }
0xb3: {  	[sflag:s18] =	ssyncset.done $0x0  }
0xb4: {  	[sflag:s18] =	ssyncadd.s32 $0xFFFFEC00  }
0xb5: {  	_ =	swait.ge [sflag:s18], $0x1400  }
0xb6: {  	[sflag:s18] =	ssyncset.done $0x0  }
0xb7: {  	[sflag:s18] =	ssyncadd.s32 $0xFFFFEC00  }
0xb8: {  	_ =	swait.ge [sflag:s18], $0x1400  }
0xb9: {  	[sflag:s18] =	ssyncset.done $0x0  }
0xba: {  	[sflag:s18] =	ssyncadd.s32 $0xFFFFEC00  }
0xbb: {  	_ =	swait.ge [sflag:s18], $0x1400  }
0xbc: {  	[sflag:s18] =	ssyncset.done $0x0  }
0xbd: {  	[sflag:s18] =	ssyncadd.s32 $0xFFFFEC00  }
0xbe: {  	_ =	swait.ge [sflag:s18], $0x1400  }
0xbf: {  	[sflag:s18] =	ssyncset.done $0x0  }
0xc0: {  	s23 =	simm.s32 $0x2A30;
	[sflag:s18] =	ssyncadd.s32 $0xFFFFEC00  }
0xc1: {  	[spmem:s2] =	stream.indirect.scatter.add.f32 [tilespmem:s26], [sflag:$0x2], $0x40, s23, s30, $0xb8;
	[tilespmem:$0x1B620] =	vst v63  }
0xc2: {  	s22 =	simm.s32 $0x2A80  }
0xc3: {  	[spmem:s2] =	stream.indirect.scatter.add.f32 [tilespmem:s31], [sflag:$0x2], $0x40, s22, s30, $0xb8;
	[tilespmem:$0x1B620] =	vst v63  }
0xc4: {  	s23 =	simm.s32 $0x2AD0  }
0xc5: {  	[spmem:s2] =	stream.indirect.scatter.add.f32 [tilespmem:s1], [sflag:$0x2], $0x40, s23, s30, $0xb8;
	[tilespmem:$0x1B620] =	vst v63  }
0xc6: {  	s22 =	simm.s32 $0x2B20  }
0xc7: {  	[spmem:s2] =	stream.indirect.scatter.add.f32 [tilespmem:s15], [sflag:$0x2], $0x40, s22, s30, $0xb8;
	[tilespmem:$0x1B620] =	vst v63  }
0xc8: {  	s23 =	simm.s32 $0x2B70  }
0xc9: {  	[spmem:s2] =	stream.indirect.scatter.add.f32 [tilespmem:s17], [sflag:$0x2], $0x40, s23, s30, $0xb8;
	[tilespmem:$0x1B620] =	vst v63  }
0xca: {  	_ =	swait.ge [sflag:s20], $0x1400  }
0xcb: {  	[sflag:s20] =	ssyncset.done $0x0  }
0xcc: {  	[sflag:s20] =	ssyncadd.s32 $0xFFFFEC00  }
0xcd: {  	_ =	swait.ge [sflag:s20], $0x1400  }
0xce: {  	[sflag:s20] =	ssyncset.done $0x0  }
0xcf: {  	[sflag:s20] =	ssyncadd.s32 $0xFFFFEC00  }
0xd0: {  	_ =	swait.ge [sflag:s20], $0x1400  }
0xd1: {  	[sflag:s20] =	ssyncset.done $0x0  }
0xd2: {  	[sflag:s20] =	ssyncadd.s32 $0xFFFFEC00  }
0xd3: {  	_ =	swait.ge [sflag:s20], $0x1400  }
0xd4: {  	[sflag:s20] =	ssyncset.done $0x0  }
0xd5: {  	[sflag:s20] =	ssyncadd.s32 $0xFFFFEC00  }
0xd6: {  	_ =	swait.ge [sflag:s20], $0x1400  }
0xd7: {  	[sflag:s20] =	ssyncset.done $0x0  }
0xd8: {  	s22 =	simm.s32 $0x4B0;
	[sflag:s20] =	ssyncadd.s32 $0xFFFFEC00  }
0xd9: {  	[tilespmem:s21], [sflag:$0x1] =	stream.indirect.gather [hbm4b:s4+s30], $0x40, s22, s30, $0xb8;
	[tilespmem:$0x1B620] =	vst v63  }
0xda: {  	s23 =	simm.s32 $0x500  }
0xdb: {  	[tilespmem:s0], [sflag:$0x1] =	stream.indirect.gather [hbm4b:s4+s30], $0x40, s23, s30, $0xb8;
	[tilespmem:$0x1B620] =	vst v63  }
0xdc: {  	s22 =	simm.s32 $0x550  }
0xdd: {  	[tilespmem:s19], [sflag:$0x1] =	stream.indirect.gather [hbm4b:s4+s30], $0x40, s22, s30, $0xb8;
	[tilespmem:$0x1B620] =	vst v63  }
0xde: {  	s12 =	simm.s32 $0xC80;
	s23 =	simm.s32 $0x5A0;
	s22 =	simm.s32 $0x5F0  }
0xdf: {  	[tilespmem:s14], [sflag:$0x1] =	stream.indirect.gather [hbm4b:s4+s30], $0x40, s23, s30, $0xb8;
	[tilespmem:$0x1B620] =	vst v63  }
.LBB2_4:
0xe0: {  	[tilespmem:s16], [sflag:$0x1] =	stream.indirect.gather [hbm4b:s4+s30], $0x40, s22, s30, $0xb8;
	[tilespmem:$0x1B620] =	vst v63  }
0xe1: {  	s22 =	smov.u32 s12  }
0xe2: {  	p0 =	sne.s32 s12, $0x7D00;
	s12 =	sadd.s32 $0xC80, s12;
	_ =	swait.ge [sflag:s18], $0x1400  }
0xe3: {  	[sflag:s18] =	ssyncset.done $0x0  }
0xe4: {  	[sflag:s18] =	ssyncadd.s32 $0xFFFFEC00  }
0xe5: {  	_ =	swait.ge [sflag:s18], $0x1400  }
0xe6: {  	[sflag:s18] =	ssyncset.done $0x0  }
0xe7: {  	[sflag:s18] =	ssyncadd.s32 $0xFFFFEC00  }
0xe8: {  	_ =	swait.ge [sflag:s18], $0x1400  }
0xe9: {  	[sflag:s18] =	ssyncset.done $0x0  }
0xea: {  	[sflag:s18] =	ssyncadd.s32 $0xFFFFEC00  }
0xeb: {  	_ =	swait.ge [sflag:s18], $0x1400  }
0xec: {  	[sflag:s18] =	ssyncset.done $0x0  }
0xed: {  	[sflag:s18] =	ssyncadd.s32 $0xFFFFEC00  }
0xee: {  	_ =	swait.ge [sflag:s18], $0x1400  }
0xef: {  	s22 =	sshra.s32 s22, $0x2;
	[sflag:s18] =	ssyncset.done $0x0  }
0xf0: {  	s23 =	sadd.s32 $0x28A0, s22;
	[sflag:s18] =	ssyncadd.s32 $0xFFFFEC00  }
0xf1: {  	[spmem:s2] =	stream.indirect.scatter.add.f32 [tilespmem:s21], [sflag:$0x2], $0x40, s23, s30, $0xb8;
	[tilespmem:$0x1B620] =	vst v63  }
0xf2: {  	s23 =	sadd.s32 $0x28F0, s22  }
0xf3: {  	[spmem:s2] =	stream.indirect.scatter.add.f32 [tilespmem:s0], [sflag:$0x2], $0x40, s23, s30, $0xb8;
	[tilespmem:$0x1B620] =	vst v63  }
0xf4: {  	s23 =	sadd.s32 $0x2940, s22  }
0xf5: {  	[spmem:s2] =	stream.indirect.scatter.add.f32 [tilespmem:s19], [sflag:$0x2], $0x40, s23, s30, $0xb8;
	[tilespmem:$0x1B620] =	vst v63  }
0xf6: {  	s23 =	sadd.s32 $0x2990, s22  }
0xf7: {  	[spmem:s2] =	stream.indirect.scatter.add.f32 [tilespmem:s14], [sflag:$0x2], $0x40, s23, s30, $0xb8;
	[tilespmem:$0x1B620] =	vst v63  }
0xf8: {  	s23 =	sadd.s32 $0x29E0, s22  }
0xf9: {  	[spmem:s2] =	stream.indirect.scatter.add.f32 [tilespmem:s16], [sflag:$0x2], $0x40, s23, s30, $0xb8;
	[tilespmem:$0x1B620] =	vst v63  }
0xfa: {  	_ =	swait.ge [sflag:s20], $0x1400  }
0xfb: {  	[sflag:s20] =	ssyncset.done $0x0  }
0xfc: {  	[sflag:s20] =	ssyncadd.s32 $0xFFFFEC00  }
0xfd: {  	_ =	swait.ge [sflag:s20], $0x1400  }
0xfe: {  	[sflag:s20] =	ssyncset.done $0x0  }
0xff: {  	[sflag:s20] =	ssyncadd.s32 $0xFFFFEC00  }
0x100: {  	_ =	swait.ge [sflag:s20], $0x1400  }
0x101: {  	[sflag:s20] =	ssyncset.done $0x0  }
0x102: {  	[sflag:s20] =	ssyncadd.s32 $0xFFFFEC00  }
0x103: {  	_ =	swait.ge [sflag:s20], $0x1400  }
0x104: {  	[sflag:s20] =	ssyncset.done $0x0  }
0x105: {  	[sflag:s20] =	ssyncadd.s32 $0xFFFFEC00  }
0x106: {  	_ =	swait.ge [sflag:s20], $0x1400  }
0x107: {  	[sflag:s20] =	ssyncset.done $0x0  }
0x108: {  	s23 =	sadd.s32 $0x320, s22;
	[sflag:s20] =	ssyncadd.s32 $0xFFFFEC00  }
0x109: {  	[tilespmem:s26], [sflag:$0x1] =	stream.indirect.gather [hbm4b:s4+s30], $0x40, s23, s30, $0xb8;
	[tilespmem:$0x1B620] =	vst v63  }
0x10a: {  	s23 =	sadd.s32 $0x370, s22  }
0x10b: {  	[tilespmem:s31], [sflag:$0x1] =	stream.indirect.gather [hbm4b:s4+s30], $0x40, s23, s30, $0xb8;
	[tilespmem:$0x1B620] =	vst v63  }
0x10c: {  	s23 =	sadd.s32 $0x3C0, s22  }
0x10d: {  	[tilespmem:s1], [sflag:$0x1] =	stream.indirect.gather [hbm4b:s4+s30], $0x40, s23, s30, $0xb8;
	[tilespmem:$0x1B620] =	vst v63  }
0x10e: {  	s23 =	sadd.s32 $0x410, s22  }
0x10f: {  	[tilespmem:s15], [sflag:$0x1] =	stream.indirect.gather [hbm4b:s4+s30], $0x40, s23, s30, $0xb8;
	[tilespmem:$0x1B620] =	vst v63  }
0x110: {  	s23 =	sadd.s32 $0x460, s22  }
0x111: {  	[tilespmem:s17], [sflag:$0x1] =	stream.indirect.gather [hbm4b:s4+s30], $0x40, s23, s30, $0xb8;
	[tilespmem:$0x1B620] =	vst v63  }
0x112: {  	_ =	swait.ge [sflag:s18], $0x1400  }
0x113: {  	[sflag:s18] =	ssyncset.done $0x0  }
0x114: {  	[sflag:s18] =	ssyncadd.s32 $0xFFFFEC00  }
0x115: {  	_ =	swait.ge [sflag:s18], $0x1400  }
0x116: {  	[sflag:s18] =	ssyncset.done $0x0  }
0x117: {  	[sflag:s18] =	ssyncadd.s32 $0xFFFFEC00  }
0x118: {  	_ =	swait.ge [sflag:s18], $0x1400  }
0x119: {  	[sflag:s18] =	ssyncset.done $0x0  }
0x11a: {  	[sflag:s18] =	ssyncadd.s32 $0xFFFFEC00  }
0x11b: {  	_ =	swait.ge [sflag:s18], $0x1400  }
0x11c: {  	[sflag:s18] =	ssyncset.done $0x0  }
0x11d: {  	[sflag:s18] =	ssyncadd.s32 $0xFFFFEC00  }
0x11e: {  	_ =	swait.ge [sflag:s18], $0x1400  }
0x11f: {  	[sflag:s18] =	ssyncset.done $0x0  }
0x120: {  	s23 =	sadd.s32 $0x2A30, s22;
	[sflag:s18] =	ssyncadd.s32 $0xFFFFEC00  }
0x121: {  	[spmem:s2] =	stream.indirect.scatter.add.f32 [tilespmem:s26], [sflag:$0x2], $0x40, s23, s30, $0xb8;
	[tilespmem:$0x1B620] =	vst v63  }
0x122: {  	s23 =	sadd.s32 $0x2A80, s22  }
0x123: {  	[spmem:s2] =	stream.indirect.scatter.add.f32 [tilespmem:s31], [sflag:$0x2], $0x40, s23, s30, $0xb8;
	[tilespmem:$0x1B620] =	vst v63  }
0x124: {  	s23 =	sadd.s32 $0x2AD0, s22  }
0x125: {  	[spmem:s2] =	stream.indirect.scatter.add.f32 [tilespmem:s1], [sflag:$0x2], $0x40, s23, s30, $0xb8;
	[tilespmem:$0x1B620] =	vst v63  }
0x126: {  	s23 =	sadd.s32 $0x2B20, s22  }
0x127: {  	[spmem:s2] =	stream.indirect.scatter.add.f32 [tilespmem:s15], [sflag:$0x2], $0x40, s23, s30, $0xb8;
	[tilespmem:$0x1B620] =	vst v63  }
0x128: {  	s23 =	sadd.s32 $0x2B70, s22  }
0x129: {  	[spmem:s2] =	stream.indirect.scatter.add.f32 [tilespmem:s17], [sflag:$0x2], $0x40, s23, s30, $0xb8;
	[tilespmem:$0x1B620] =	vst v63  }
0x12a: {  	_ =	swait.ge [sflag:s20], $0x1400  }
0x12b: {  	[sflag:s20] =	ssyncset.done $0x0  }
0x12c: {  	[sflag:s20] =	ssyncadd.s32 $0xFFFFEC00  }
0x12d: {  	_ =	swait.ge [sflag:s20], $0x1400  }
0x12e: {  	[sflag:s20] =	ssyncset.done $0x0  }
0x12f: {  	[sflag:s20] =	ssyncadd.s32 $0xFFFFEC00  }
0x130: {  	_ =	swait.ge [sflag:s20], $0x1400  }
0x131: {  	[sflag:s20] =	ssyncset.done $0x0  }
0x132: {  	[sflag:s20] =	ssyncadd.s32 $0xFFFFEC00  }
0x133: {  	_ =	swait.ge [sflag:s20], $0x1400  }
0x134: {  	[sflag:s20] =	ssyncset.done $0x0  }
0x135: {  	[sflag:s20] =	ssyncadd.s32 $0xFFFFEC00  }
0x136: {  	_ =	swait.ge [sflag:s20], $0x1400  }
0x137: {  	[sflag:s20] =	ssyncset.done $0x0  }
0x138: {  	s23 =	sadd.s32 $0x4B0, s22;
	[sflag:s20] =	ssyncadd.s32 $0xFFFFEC00  }
0x139: {  	[tilespmem:s21], [sflag:$0x1] =	stream.indirect.gather [hbm4b:s4+s30], $0x40, s23, s30, $0xb8;
	[tilespmem:$0x1B620] =	vst v63  }
0x13a: {  	s23 =	sadd.s32 $0x500, s22  }
0x13b: {  	[tilespmem:s0], [sflag:$0x1] =	stream.indirect.gather [hbm4b:s4+s30], $0x40, s23, s30, $0xb8;
	[tilespmem:$0x1B620] =	vst v63  }
.Ltmp1:
0x13c: {  	s23 =	sadd.s32 $0x550, s22;
	(pc) =	sbr.rel @p0 .LBB2_4-.Ltmp1, $4  }
0x13d: {  	[tilespmem:s19], [sflag:$0x1] =	stream.indirect.gather [hbm4b:s4+s30], $0x40, s23, s30, $0xb8;
	[tilespmem:$0x1B620] =	vst v63  }
0x13e: {  	s23 =	sadd.s32 $0x5A0, s22  }
0x13f: {  	[tilespmem:s14], [sflag:$0x1] =	stream.indirect.gather [hbm4b:s4+s30], $0x40, s23, s30, $0xb8;
	[tilespmem:$0x1B620] =	vst v63  }
0x140: {  	s22 =	sadd.s32 $0x5F0, s22  }
0x141: {  	[tilespmem:s16], [sflag:$0x1] =	stream.indirect.gather [hbm4b:s4+s30], $0x40, s22, s30, $0xb8;
	[tilespmem:$0x1B620] =	vst v63  }
0x142: {  	_ =	swait.ge [sflag:s18], $0x1400  }
0x143: {  	[sflag:s18] =	ssyncset.done $0x0  }
0x144: {  	[sflag:s18] =	ssyncadd.s32 $0xFFFFEC00  }
0x145: {  	_ =	swait.ge [sflag:s18], $0x1400  }
0x146: {  	[sflag:s18] =	ssyncset.done $0x0  }
0x147: {  	[sflag:s18] =	ssyncadd.s32 $0xFFFFEC00  }
0x148: {  	_ =	swait.ge [sflag:s18], $0x1400  }
0x149: {  	[sflag:s18] =	ssyncset.done $0x0  }
0x14a: {  	[sflag:s18] =	ssyncadd.s32 $0xFFFFEC00  }
0x14b: {  	_ =	swait.ge [sflag:s18], $0x1400  }
0x14c: {  	[sflag:s18] =	ssyncset.done $0x0  }
0x14d: {  	[sflag:s18] =	ssyncadd.s32 $0xFFFFEC00  }
0x14e: {  	_ =	swait.ge [sflag:s18], $0x1400  }
0x14f: {  	[sflag:s18] =	ssyncset.done $0x0  }
0x150: {  	s12 =	simm.s32 $0x4B00;
	[sflag:s18] =	ssyncadd.s32 $0xFFFFEC00  }
0x151: {  	[spmem:s2] =	stream.indirect.scatter.add.f32 [tilespmem:s21], [sflag:$0x2], $0x40, s12, s30, $0xb8;
	[tilespmem:$0x1B620] =	vst v63  }
0x152: {  	s23 =	simm.s32 $0x4B50  }
0x153: {  	[spmem:s2] =	stream.indirect.scatter.add.f32 [tilespmem:s0], [sflag:$0x2], $0x40, s23, s30, $0xb8;
	[tilespmem:$0x1B620] =	vst v63  }
0x154: {  	s22 =	simm.s32 $0x4BA0  }
0x155: {  	[spmem:s2] =	stream.indirect.scatter.add.f32 [tilespmem:s19], [sflag:$0x2], $0x40, s22, s30, $0xb8;
	[tilespmem:$0x1B620] =	vst v63  }
0x156: {  	s23 =	simm.s32 $0x4BF0  }
0x157: {  	[spmem:s2] =	stream.indirect.scatter.add.f32 [tilespmem:s14], [sflag:$0x2], $0x40, s23, s30, $0xb8;
	[tilespmem:$0x1B620] =	vst v63  }
0x158: {  	s22 =	simm.s32 $0x4C40  }
0x159: {  	[spmem:s2] =	stream.indirect.scatter.add.f32 [tilespmem:s16], [sflag:$0x2], $0x40, s22, s30, $0xb8;
	[tilespmem:$0x1B620] =	vst v63  }
0x15a: {  	_ =	swait.ge [sflag:s20], $0x1400  }
0x15b: {  	[sflag:s20] =	ssyncset.done $0x0  }
0x15c: {  	[sflag:s20] =	ssyncadd.s32 $0xFFFFEC00  }
0x15d: {  	_ =	swait.ge [sflag:s20], $0x1400  }
0x15e: {  	[sflag:s20] =	ssyncset.done $0x0  }
0x15f: {  	[sflag:s20] =	ssyncadd.s32 $0xFFFFEC00  }
0x160: {  	_ =	swait.ge [sflag:s20], $0x1400  }
0x161: {  	[sflag:s20] =	ssyncset.done $0x0  }
0x162: {  	[sflag:s20] =	ssyncadd.s32 $0xFFFFEC00  }
0x163: {  	_ =	swait.ge [sflag:s20], $0x1400  }
0x164: {  	[sflag:s20] =	ssyncset.done $0x0  }
0x165: {  	[sflag:s20] =	ssyncadd.s32 $0xFFFFEC00  }
0x166: {  	_ =	swait.ge [sflag:s20], $0x1400  }
0x167: {  	[sflag:s20] =	ssyncset.done $0x0  }
0x168: {  	s23 =	simm.s32 $0x2580;
	[sflag:s20] =	ssyncadd.s32 $0xFFFFEC00  }
0x169: {  	[tilespmem:s26], [sflag:$0x1] =	stream.indirect.gather [hbm4b:s4+s30], $0x40, s23, s30, $0xb8;
	[tilespmem:$0x1B620] =	vst v63  }
0x16a: {  	s22 =	simm.s32 $0x25D0  }
0x16b: {  	[tilespmem:s31], [sflag:$0x1] =	stream.indirect.gather [hbm4b:s4+s30], $0x40, s22, s30, $0xb8;
	[tilespmem:$0x1B620] =	vst v63  }
0x16c: {  	s23 =	simm.s32 $0x2620  }
0x16d: {  	[tilespmem:s1], [sflag:$0x1] =	stream.indirect.gather [hbm4b:s4+s30], $0x40, s23, s30, $0xb8;
	[tilespmem:$0x1B620] =	vst v63  }
0x16e: {  	s22 =	simm.s32 $0x2670  }
0x16f: {  	[tilespmem:s15], [sflag:$0x1] =	stream.indirect.gather [hbm4b:s4+s30], $0x40, s22, s30, $0xb8;
	[tilespmem:$0x1B620] =	vst v63  }
0x170: {  	s23 =	simm.s32 $0x26C0  }
0x171: {  	[tilespmem:s17], [sflag:$0x1] =	stream.indirect.gather [hbm4b:s4+s30], $0x40, s23, s30, $0xb8;
	[tilespmem:$0x1B620] =	vst v63  }
0x172: {  	_ =	swait.ge [sflag:s18], $0x1400  }
0x173: {  	[sflag:s18] =	ssyncset.done $0x0  }
0x174: {  	[sflag:s18] =	ssyncadd.s32 $0xFFFFEC00  }
0x175: {  	_ =	swait.ge [sflag:s18], $0x1400  }
0x176: {  	[sflag:s18] =	ssyncset.done $0x0  }
0x177: {  	[sflag:s18] =	ssyncadd.s32 $0xFFFFEC00  }
0x178: {  	_ =	swait.ge [sflag:s18], $0x1400  }
0x179: {  	[sflag:s18] =	ssyncset.done $0x0  }
0x17a: {  	[sflag:s18] =	ssyncadd.s32 $0xFFFFEC00  }
0x17b: {  	_ =	swait.ge [sflag:s18], $0x1400  }
0x17c: {  	[sflag:s18] =	ssyncset.done $0x0  }
0x17d: {  	[sflag:s18] =	ssyncadd.s32 $0xFFFFEC00  }
0x17e: {  	_ =	swait.ge [sflag:s18], $0x1400  }
0x17f: {  	[sflag:s18] =	ssyncset.done $0x0  }
0x180: {  	s22 =	simm.s32 $0x4C90;
	[sflag:s18] =	ssyncadd.s32 $0xFFFFEC00  }
0x181: {  	[spmem:s2] =	stream.indirect.scatter.add.f32 [tilespmem:s26], [sflag:$0x2], $0x40, s22, s30, $0xb8;
	[tilespmem:$0x1B620] =	vst v63  }
0x182: {  	s23 =	simm.s32 $0x4CE0  }
0x183: {  	[spmem:s2] =	stream.indirect.scatter.add.f32 [tilespmem:s31], [sflag:$0x2], $0x40, s23, s30, $0xb8;
	[tilespmem:$0x1B620] =	vst v63  }
0x184: {  	s22 =	simm.s32 $0x4D30  }
0x185: {  	[spmem:s2] =	stream.indirect.scatter.add.f32 [tilespmem:s1], [sflag:$0x2], $0x40, s22, s30, $0xb8;
	[tilespmem:$0x1B620] =	vst v63  }
0x186: {  	_ = 	snop  }
0x187: {  	[spmem:s2] =	stream.indirect.scatter.add.f32 [tilespmem:s15], [sflag:$0x2], $0x40, s24, s30, $0xb8;
	[tilespmem:$0x1B620] =	vst v63  }
0x188: {  	_ = 	snop  }
0x189: {  	[spmem:s2] =	stream.indirect.scatter.add.f32 [tilespmem:s17], [sflag:$0x2], $0x40, s25, s30, $0xb8;
	[tilespmem:$0x1B620] =	vst v63  }
0x18a: {  	_ =	swait.ge [sflag:s20], $0x1400  }
0x18b: {  	[sflag:s20] =	ssyncset.done $0x0  }
0x18c: {  	[sflag:s20] =	ssyncadd.s32 $0xFFFFEC00  }
0x18d: {  	_ =	swait.ge [sflag:s20], $0x1400  }
0x18e: {  	[sflag:s20] =	ssyncset.done $0x0  }
0x18f: {  	[sflag:s20] =	ssyncadd.s32 $0xFFFFEC00  }
0x190: {  	_ =	swait.ge [sflag:s20], $0x1400  }
0x191: {  	[sflag:s20] =	ssyncset.done $0x0  }
0x192: {  	[sflag:s20] =	ssyncadd.s32 $0xFFFFEC00  }
0x193: {  	_ =	swait.ge [sflag:s20], $0x1400  }
0x194: {  	[sflag:s20] =	ssyncset.done $0x0  }
0x195: {  	[sflag:s20] =	ssyncadd.s32 $0xFFFFEC00  }
0x196: {  	_ =	swait.ge [sflag:s20], $0x1400  }
0x197: {  	[sflag:s20] =	ssyncset.done $0x0  }
0x198: {  	[sflag:s20] =	ssyncadd.s32 $0xFFFFEC00  }
0x199: {  	_ =	swait.ge [sflag:s20], $0x1400  }
0x19a: {  	[sflag:s20] =	ssyncset.done $0x0  }
0x19b: {  	[sflag:s20] =	ssyncadd.s32 $0xFFFFEC00  }
0x19c: {  	_ =	swait.ge [sflag:s20], $0x1400  }
0x19d: {  	[sflag:s20] =	ssyncset.done $0x0  }
0x19e: {  	[sflag:s20] =	ssyncadd.s32 $0xFFFFEC00  }
0x19f: {  	_ =	swait.ge [sflag:s20], $0x1400  }
0x1a0: {  	[sflag:s20] =	ssyncset.done $0x0  }
0x1a1: {  	[sflag:s20] =	ssyncadd.s32 $0xFFFFEC00  }
0x1a2: {  	_ =	swait.ge [sflag:s20], $0x1400  }
0x1a3: {  	[sflag:s20] =	ssyncset.done $0x0  }
0x1a4: {  	[sflag:s20] =	ssyncadd.s32 $0xFFFFEC00  }
0x1a5: {  	_ =	swait.ge [sflag:s20], $0x1400  }
0x1a6: {  	[sflag:s20] =	ssyncset.done $0x0  }
0x1a7: {  	s12 =	simm.s32 $0x0;
	s23 =	rddreg [dreg:$0xe];
	[sflag:s20] =	ssyncadd.s32 $0xFFFFEC00  }
0x1a8: {  	[tilespmem:s12], [sflag:$0x3] =	stream.linear.gather [hbm4b:s23+s12], $0x2710, $0x38;
	[tilespmem:$0x1B620] =	vst v63  }
0x1a9: {  	_ =	swait.ge [sflag:s28], $0x2710  }
0x1aa: {  	[sflag:s28] =	ssyncset.done $0x0  }
0x1ab: {  	s23 =	rddreg [dreg:$0xf];
	[sflag:s28] =	ssyncadd.s32 $0xFFFFD8F0  }
0x1ac: {  	[tilespmem:s29], [sflag:$0x3] =	stream.linear.gather [hbm4b:s23+s12], $0x2710, $0x38;
	[tilespmem:$0x1B620] =	vst v63  }
0x1ad: {  	_ =	swait.ge [sflag:s28], $0x2710  }
0x1ae: {  	[sflag:s28] =	ssyncset.done $0x0  }
0x1af: {  	[sflag:s28] =	ssyncadd.s32 $0xFFFFD8F0  }
0x1b0: {  	[tilespmem:s26], [sflag:$0x1] =	stream.indirect.gather [hbm4b:s4+s30], $0x40, s12, s30, $0xb8;
	[tilespmem:$0x1B620] =	vst v63  }
0x1b1: {  	_ = 	snop  }
0x1b2: {  	[tilespmem:s31], [sflag:$0x1] =	stream.indirect.gather [hbm4b:s4+s30], $0x40, s30, s30, $0xb8;
	[tilespmem:$0x1B620] =	vst v63  }
0x1b3: {  	s23 =	simm.s32 $0xA0  }
0x1b4: {  	[tilespmem:s1], [sflag:$0x1] =	stream.indirect.gather [hbm4b:s4+s30], $0x40, s23, s30, $0xb8;
	[tilespmem:$0x1B620] =	vst v63  }
0x1b5: {  	s22 =	simm.s32 $0xF0  }
0x1b6: {  	[tilespmem:s15], [sflag:$0x1] =	stream.indirect.gather [hbm4b:s4+s30], $0x40, s22, s30, $0xb8;
	[tilespmem:$0x1B620] =	vst v63  }
0x1b7: {  	s23 =	simm.s32 $0x140  }
0x1b8: {  	[tilespmem:s17], [sflag:$0x1] =	stream.indirect.gather [hbm4b:s4+s30], $0x40, s23, s30, $0xb8;
	[tilespmem:$0x1B620] =	vst v63  }
0x1b9: {  	_ =	swait.ge [sflag:s18], $0x1400  }
0x1ba: {  	[sflag:s18] =	ssyncset.done $0x0  }
0x1bb: {  	[sflag:s18] =	ssyncadd.s32 $0xFFFFEC00  }
0x1bc: {  	_ =	swait.ge [sflag:s18], $0x1400  }
0x1bd: {  	[sflag:s18] =	ssyncset.done $0x0  }
0x1be: {  	[sflag:s18] =	ssyncadd.s32 $0xFFFFEC00  }
0x1bf: {  	_ =	swait.ge [sflag:s18], $0x1400  }
0x1c0: {  	[sflag:s18] =	ssyncset.done $0x0  }
0x1c1: {  	[sflag:s18] =	ssyncadd.s32 $0xFFFFEC00  }
0x1c2: {  	_ =	swait.ge [sflag:s18], $0x1400  }
0x1c3: {  	[sflag:s18] =	ssyncset.done $0x0  }
0x1c4: {  	[sflag:s18] =	ssyncadd.s32 $0xFFFFEC00  }
0x1c5: {  	_ =	swait.ge [sflag:s18], $0x1400  }
0x1c6: {  	[sflag:s18] =	ssyncset.done $0x0  }
0x1c7: {  	[sflag:s18] =	ssyncadd.s32 $0xFFFFEC00  }
0x1c8: {  	[spmem:s2] =	stream.indirect.scatter.add.f32 [tilespmem:s26], [sflag:$0x2], $0x40, s29, s30, $0xb8;
	[tilespmem:$0x1B620] =	vst v63  }
0x1c9: {  	s22 =	simm.s32 $0x2760  }
0x1ca: {  	[spmem:s2] =	stream.indirect.scatter.add.f32 [tilespmem:s31], [sflag:$0x2], $0x40, s22, s30, $0xb8;
	[tilespmem:$0x1B620] =	vst v63  }
0x1cb: {  	s23 =	simm.s32 $0x27B0  }
0x1cc: {  	[spmem:s2] =	stream.indirect.scatter.add.f32 [tilespmem:s1], [sflag:$0x2], $0x40, s23, s30, $0xb8;
	[tilespmem:$0x1B620] =	vst v63  }
0x1cd: {  	s22 =	simm.s32 $0x2800  }
0x1ce: {  	[spmem:s2] =	stream.indirect.scatter.add.f32 [tilespmem:s15], [sflag:$0x2], $0x40, s22, s30, $0xb8;
	[tilespmem:$0x1B620] =	vst v63  }
0x1cf: {  	s23 =	simm.s32 $0x2850  }
0x1d0: {  	[spmem:s2] =	stream.indirect.scatter.add.f32 [tilespmem:s17], [sflag:$0x2], $0x40, s23, s30, $0xb8;
	[tilespmem:$0x1B620] =	vst v63  }
0x1d1: {  	s22 =	simm.s32 $0x190  }
0x1d2: {  	[tilespmem:s21], [sflag:$0x1] =	stream.indirect.gather [hbm4b:s4+s30], $0x40, s22, s30, $0xb8;
	[tilespmem:$0x1B620] =	vst v63  }
0x1d3: {  	s23 =	simm.s32 $0x1E0  }
0x1d4: {  	[tilespmem:s0], [sflag:$0x1] =	stream.indirect.gather [hbm4b:s4+s30], $0x40, s23, s30, $0xb8;
	[tilespmem:$0x1B620] =	vst v63  }
0x1d5: {  	s22 =	simm.s32 $0x230  }
0x1d6: {  	[tilespmem:s19], [sflag:$0x1] =	stream.indirect.gather [hbm4b:s4+s30], $0x40, s22, s30, $0xb8;
	[tilespmem:$0x1B620] =	vst v63  }
0x1d7: {  	s23 =	simm.s32 $0x280  }
0x1d8: {  	[tilespmem:s14], [sflag:$0x1] =	stream.indirect.gather [hbm4b:s4+s30], $0x40, s23, s30, $0xb8;
	[tilespmem:$0x1B620] =	vst v63  }
0x1d9: {  	s22 =	simm.s32 $0x2D0  }
0x1da: {  	[tilespmem:s16], [sflag:$0x1] =	stream.indirect.gather [hbm4b:s4+s30], $0x40, s22, s30, $0xb8;
	[tilespmem:$0x1B620] =	vst v63  }
0x1db: {  	_ =	swait.ge [sflag:s18], $0x1400  }
0x1dc: {  	[sflag:s18] =	ssyncset.done $0x0  }
0x1dd: {  	[sflag:s18] =	ssyncadd.s32 $0xFFFFEC00  }
0x1de: {  	_ =	swait.ge [sflag:s18], $0x1400  }
0x1df: {  	[sflag:s18] =	ssyncset.done $0x0  }
0x1e0: {  	[sflag:s18] =	ssyncadd.s32 $0xFFFFEC00  }
0x1e1: {  	_ =	swait.ge [sflag:s18], $0x1400  }
0x1e2: {  	[sflag:s18] =	ssyncset.done $0x0  }
0x1e3: {  	[sflag:s18] =	ssyncadd.s32 $0xFFFFEC00  }
0x1e4: {  	_ =	swait.ge [sflag:s18], $0x1400  }
0x1e5: {  	[sflag:s18] =	ssyncset.done $0x0  }
0x1e6: {  	[sflag:s18] =	ssyncadd.s32 $0xFFFFEC00  }
0x1e7: {  	_ =	swait.ge [sflag:s18], $0x1400  }
0x1e8: {  	[sflag:s18] =	ssyncset.done $0x0  }
0x1e9: {  	s23 =	simm.s32 $0x28A0;
	[sflag:s18] =	ssyncadd.s32 $0xFFFFEC00  }
0x1ea: {  	[spmem:s2] =	stream.indirect.scatter.add.f32 [tilespmem:s21], [sflag:$0x2], $0x40, s23, s30, $0xb8;
	[tilespmem:$0x1B620] =	vst v63  }
0x1eb: {  	s22 =	simm.s32 $0x28F0  }
0x1ec: {  	[spmem:s2] =	stream.indirect.scatter.add.f32 [tilespmem:s0], [sflag:$0x2], $0x40, s22, s30, $0xb8;
	[tilespmem:$0x1B620] =	vst v63  }
0x1ed: {  	s23 =	simm.s32 $0x2940  }
0x1ee: {  	[spmem:s2] =	stream.indirect.scatter.add.f32 [tilespmem:s19], [sflag:$0x2], $0x40, s23, s30, $0xb8;
	[tilespmem:$0x1B620] =	vst v63  }
0x1ef: {  	s22 =	simm.s32 $0x2990  }
0x1f0: {  	[spmem:s2] =	stream.indirect.scatter.add.f32 [tilespmem:s14], [sflag:$0x2], $0x40, s22, s30, $0xb8;
	[tilespmem:$0x1B620] =	vst v63  }
0x1f1: {  	s23 =	simm.s32 $0x29E0  }
0x1f2: {  	[spmem:s2] =	stream.indirect.scatter.add.f32 [tilespmem:s16], [sflag:$0x2], $0x40, s23, s30, $0xb8;
	[tilespmem:$0x1B620] =	vst v63  }
0x1f3: {  	_ =	swait.ge [sflag:s20], $0x1400  }
0x1f4: {  	[sflag:s20] =	ssyncset.done $0x0  }
0x1f5: {  	[sflag:s20] =	ssyncadd.s32 $0xFFFFEC00  }
0x1f6: {  	_ =	swait.ge [sflag:s20], $0x1400  }
0x1f7: {  	[sflag:s20] =	ssyncset.done $0x0  }
0x1f8: {  	[sflag:s20] =	ssyncadd.s32 $0xFFFFEC00  }
0x1f9: {  	_ =	swait.ge [sflag:s20], $0x1400  }
0x1fa: {  	[sflag:s20] =	ssyncset.done $0x0  }
0x1fb: {  	[sflag:s20] =	ssyncadd.s32 $0xFFFFEC00  }
0x1fc: {  	_ =	swait.ge [sflag:s20], $0x1400  }
0x1fd: {  	[sflag:s20] =	ssyncset.done $0x0  }
0x1fe: {  	[sflag:s20] =	ssyncadd.s32 $0xFFFFEC00  }
0x1ff: {  	_ =	swait.ge [sflag:s20], $0x1400  }
0x200: {  	[sflag:s20] =	ssyncset.done $0x0  }
0x201: {  	s22 =	simm.s32 $0x320;
	[sflag:s20] =	ssyncadd.s32 $0xFFFFEC00  }
0x202: {  	[tilespmem:s26], [sflag:$0x1] =	stream.indirect.gather [hbm4b:s4+s30], $0x40, s22, s30, $0xb8;
	[tilespmem:$0x1B620] =	vst v63  }
0x203: {  	s23 =	simm.s32 $0x370  }
0x204: {  	[tilespmem:s31], [sflag:$0x1] =	stream.indirect.gather [hbm4b:s4+s30], $0x40, s23, s30, $0xb8;
	[tilespmem:$0x1B620] =	vst v63  }
0x205: {  	s22 =	simm.s32 $0x3C0  }
0x206: {  	[tilespmem:s1], [sflag:$0x1] =	stream.indirect.gather [hbm4b:s4+s30], $0x40, s22, s30, $0xb8;
	[tilespmem:$0x1B620] =	vst v63  }
0x207: {  	s23 =	simm.s32 $0x410  }
0x208: {  	[tilespmem:s15], [sflag:$0x1] =	stream.indirect.gather [hbm4b:s4+s30], $0x40, s23, s30, $0xb8;
	[tilespmem:$0x1B620] =	vst v63  }
0x209: {  	s22 =	simm.s32 $0x460  }
0x20a: {  	[tilespmem:s17], [sflag:$0x1] =	stream.indirect.gather [hbm4b:s4+s30], $0x40, s22, s30, $0xb8;
	[tilespmem:$0x1B620] =	vst v63  }
0x20b: {  	_ =	swait.ge [sflag:s18], $0x1400  }
0x20c: {  	[sflag:s18] =	ssyncset.done $0x0  }
0x20d: {  	[sflag:s18] =	ssyncadd.s32 $0xFFFFEC00  }
0x20e: {  	_ =	swait.ge [sflag:s18], $0x1400  }
0x20f: {  	[sflag:s18] =	ssyncset.done $0x0  }
0x210: {  	[sflag:s18] =	ssyncadd.s32 $0xFFFFEC00  }
0x211: {  	_ =	swait.ge [sflag:s18], $0x1400  }
0x212: {  	[sflag:s18] =	ssyncset.done $0x0  }
0x213: {  	[sflag:s18] =	ssyncadd.s32 $0xFFFFEC00  }
0x214: {  	_ =	swait.ge [sflag:s18], $0x1400  }
0x215: {  	[sflag:s18] =	ssyncset.done $0x0  }
0x216: {  	[sflag:s18] =	ssyncadd.s32 $0xFFFFEC00  }
0x217: {  	_ =	swait.ge [sflag:s18], $0x1400  }
0x218: {  	[sflag:s18] =	ssyncset.done $0x0  }
0x219: {  	s23 =	simm.s32 $0x2A30;
	[sflag:s18] =	ssyncadd.s32 $0xFFFFEC00  }
0x21a: {  	[spmem:s2] =	stream.indirect.scatter.add.f32 [tilespmem:s26], [sflag:$0x2], $0x40, s23, s30, $0xb8;
	[tilespmem:$0x1B620] =	vst v63  }
0x21b: {  	s22 =	simm.s32 $0x2A80  }
0x21c: {  	[spmem:s2] =	stream.indirect.scatter.add.f32 [tilespmem:s31], [sflag:$0x2], $0x40, s22, s30, $0xb8;
	[tilespmem:$0x1B620] =	vst v63  }
0x21d: {  	s23 =	simm.s32 $0x2AD0  }
0x21e: {  	[spmem:s2] =	stream.indirect.scatter.add.f32 [tilespmem:s1], [sflag:$0x2], $0x40, s23, s30, $0xb8;
	[tilespmem:$0x1B620] =	vst v63  }
0x21f: {  	s22 =	simm.s32 $0x2B20  }
0x220: {  	[spmem:s2] =	stream.indirect.scatter.add.f32 [tilespmem:s15], [sflag:$0x2], $0x40, s22, s30, $0xb8;
	[tilespmem:$0x1B620] =	vst v63  }
0x221: {  	s23 =	simm.s32 $0x2B70  }
0x222: {  	[spmem:s2] =	stream.indirect.scatter.add.f32 [tilespmem:s17], [sflag:$0x2], $0x40, s23, s30, $0xb8;
	[tilespmem:$0x1B620] =	vst v63  }
0x223: {  	_ =	swait.ge [sflag:s20], $0x1400  }
0x224: {  	[sflag:s20] =	ssyncset.done $0x0  }
0x225: {  	[sflag:s20] =	ssyncadd.s32 $0xFFFFEC00  }
0x226: {  	_ =	swait.ge [sflag:s20], $0x1400  }
0x227: {  	[sflag:s20] =	ssyncset.done $0x0  }
0x228: {  	[sflag:s20] =	ssyncadd.s32 $0xFFFFEC00  }
0x229: {  	_ =	swait.ge [sflag:s20], $0x1400  }
0x22a: {  	[sflag:s20] =	ssyncset.done $0x0  }
0x22b: {  	[sflag:s20] =	ssyncadd.s32 $0xFFFFEC00  }
0x22c: {  	_ =	swait.ge [sflag:s20], $0x1400  }
0x22d: {  	[sflag:s20] =	ssyncset.done $0x0  }
0x22e: {  	[sflag:s20] =	ssyncadd.s32 $0xFFFFEC00  }
0x22f: {  	_ =	swait.ge [sflag:s20], $0x1400  }
0x230: {  	[sflag:s20] =	ssyncset.done $0x0  }
0x231: {  	s22 =	simm.s32 $0x4B0;
	[sflag:s20] =	ssyncadd.s32 $0xFFFFEC00  }
0x232: {  	[tilespmem:s21], [sflag:$0x1] =	stream.indirect.gather [hbm4b:s4+s30], $0x40, s22, s30, $0xb8;
	[tilespmem:$0x1B620] =	vst v63  }
0x233: {  	s23 =	simm.s32 $0x500  }
0x234: {  	[tilespmem:s0], [sflag:$0x1] =	stream.indirect.gather [hbm4b:s4+s30], $0x40, s23, s30, $0xb8;
	[tilespmem:$0x1B620] =	vst v63  }
0x235: {  	s22 =	simm.s32 $0x550  }
0x236: {  	[tilespmem:s19], [sflag:$0x1] =	stream.indirect.gather [hbm4b:s4+s30], $0x40, s22, s30, $0xb8;
	[tilespmem:$0x1B620] =	vst v63  }
0x237: {  	s12 =	simm.s32 $0xC80;
	s23 =	simm.s32 $0x5A0;
	s22 =	simm.s32 $0x5F0  }
0x238: {  	[tilespmem:s14], [sflag:$0x1] =	stream.indirect.gather [hbm4b:s4+s30], $0x40, s23, s30, $0xb8;
	[tilespmem:$0x1B620] =	vst v63  }
.LBB2_6:
0x239: {  	[tilespmem:s16], [sflag:$0x1] =	stream.indirect.gather [hbm4b:s4+s30], $0x40, s22, s30, $0xb8;
	[tilespmem:$0x1B620] =	vst v63  }
0x23a: {  	s22 =	smov.u32 s12  }
0x23b: {  	p0 =	sne.s32 s12, $0x7D00;
	s12 =	sadd.s32 $0xC80, s12;
	_ =	swait.ge [sflag:s18], $0x1400  }
0x23c: {  	[sflag:s18] =	ssyncset.done $0x0  }
0x23d: {  	[sflag:s18] =	ssyncadd.s32 $0xFFFFEC00  }
0x23e: {  	_ =	swait.ge [sflag:s18], $0x1400  }
0x23f: {  	[sflag:s18] =	ssyncset.done $0x0  }
0x240: {  	[sflag:s18] =	ssyncadd.s32 $0xFFFFEC00  }
0x241: {  	_ =	swait.ge [sflag:s18], $0x1400  }
0x242: {  	[sflag:s18] =	ssyncset.done $0x0  }
0x243: {  	[sflag:s18] =	ssyncadd.s32 $0xFFFFEC00  }
0x244: {  	_ =	swait.ge [sflag:s18], $0x1400  }
0x245: {  	[sflag:s18] =	ssyncset.done $0x0  }
0x246: {  	[sflag:s18] =	ssyncadd.s32 $0xFFFFEC00  }
0x247: {  	_ =	swait.ge [sflag:s18], $0x1400  }
0x248: {  	s22 =	sshra.s32 s22, $0x2;
	[sflag:s18] =	ssyncset.done $0x0  }
0x249: {  	s23 =	sadd.s32 $0x28A0, s22;
	[sflag:s18] =	ssyncadd.s32 $0xFFFFEC00  }
0x24a: {  	[spmem:s2] =	stream.indirect.scatter.add.f32 [tilespmem:s21], [sflag:$0x2], $0x40, s23, s30, $0xb8;
	[tilespmem:$0x1B620] =	vst v63  }
0x24b: {  	s23 =	sadd.s32 $0x28F0, s22  }
0x24c: {  	[spmem:s2] =	stream.indirect.scatter.add.f32 [tilespmem:s0], [sflag:$0x2], $0x40, s23, s30, $0xb8;
	[tilespmem:$0x1B620] =	vst v63  }
0x24d: {  	s23 =	sadd.s32 $0x2940, s22  }
0x24e: {  	[spmem:s2] =	stream.indirect.scatter.add.f32 [tilespmem:s19], [sflag:$0x2], $0x40, s23, s30, $0xb8;
	[tilespmem:$0x1B620] =	vst v63  }
0x24f: {  	s23 =	sadd.s32 $0x2990, s22  }
0x250: {  	[spmem:s2] =	stream.indirect.scatter.add.f32 [tilespmem:s14], [sflag:$0x2], $0x40, s23, s30, $0xb8;
	[tilespmem:$0x1B620] =	vst v63  }
0x251: {  	s23 =	sadd.s32 $0x29E0, s22  }
0x252: {  	[spmem:s2] =	stream.indirect.scatter.add.f32 [tilespmem:s16], [sflag:$0x2], $0x40, s23, s30, $0xb8;
	[tilespmem:$0x1B620] =	vst v63  }
0x253: {  	_ =	swait.ge [sflag:s20], $0x1400  }
0x254: {  	[sflag:s20] =	ssyncset.done $0x0  }
0x255: {  	[sflag:s20] =	ssyncadd.s32 $0xFFFFEC00  }
0x256: {  	_ =	swait.ge [sflag:s20], $0x1400  }
0x257: {  	[sflag:s20] =	ssyncset.done $0x0  }
0x258: {  	[sflag:s20] =	ssyncadd.s32 $0xFFFFEC00  }
0x259: {  	_ =	swait.ge [sflag:s20], $0x1400  }
0x25a: {  	[sflag:s20] =	ssyncset.done $0x0  }
0x25b: {  	[sflag:s20] =	ssyncadd.s32 $0xFFFFEC00  }
0x25c: {  	_ =	swait.ge [sflag:s20], $0x1400  }
0x25d: {  	[sflag:s20] =	ssyncset.done $0x0  }
0x25e: {  	[sflag:s20] =	ssyncadd.s32 $0xFFFFEC00  }
0x25f: {  	_ =	swait.ge [sflag:s20], $0x1400  }
0x260: {  	[sflag:s20] =	ssyncset.done $0x0  }
0x261: {  	s23 =	sadd.s32 $0x320, s22;
	[sflag:s20] =	ssyncadd.s32 $0xFFFFEC00  }
0x262: {  	[tilespmem:s26], [sflag:$0x1] =	stream.indirect.gather [hbm4b:s4+s30], $0x40, s23, s30, $0xb8;
	[tilespmem:$0x1B620] =	vst v63  }
0x263: {  	s23 =	sadd.s32 $0x370, s22  }
0x264: {  	[tilespmem:s31], [sflag:$0x1] =	stream.indirect.gather [hbm4b:s4+s30], $0x40, s23, s30, $0xb8;
	[tilespmem:$0x1B620] =	vst v63  }
0x265: {  	s23 =	sadd.s32 $0x3C0, s22  }
0x266: {  	[tilespmem:s1], [sflag:$0x1] =	stream.indirect.gather [hbm4b:s4+s30], $0x40, s23, s30, $0xb8;
	[tilespmem:$0x1B620] =	vst v63  }
0x267: {  	s23 =	sadd.s32 $0x410, s22  }
0x268: {  	[tilespmem:s15], [sflag:$0x1] =	stream.indirect.gather [hbm4b:s4+s30], $0x40, s23, s30, $0xb8;
	[tilespmem:$0x1B620] =	vst v63  }
0x269: {  	s23 =	sadd.s32 $0x460, s22  }
0x26a: {  	[tilespmem:s17], [sflag:$0x1] =	stream.indirect.gather [hbm4b:s4+s30], $0x40, s23, s30, $0xb8;
	[tilespmem:$0x1B620] =	vst v63  }
0x26b: {  	_ =	swait.ge [sflag:s18], $0x1400  }
0x26c: {  	[sflag:s18] =	ssyncset.done $0x0  }
0x26d: {  	[sflag:s18] =	ssyncadd.s32 $0xFFFFEC00  }
0x26e: {  	_ =	swait.ge [sflag:s18], $0x1400  }
0x26f: {  	[sflag:s18] =	ssyncset.done $0x0  }
0x270: {  	[sflag:s18] =	ssyncadd.s32 $0xFFFFEC00  }
0x271: {  	_ =	swait.ge [sflag:s18], $0x1400  }
0x272: {  	[sflag:s18] =	ssyncset.done $0x0  }
0x273: {  	[sflag:s18] =	ssyncadd.s32 $0xFFFFEC00  }
0x274: {  	_ =	swait.ge [sflag:s18], $0x1400  }
0x275: {  	[sflag:s18] =	ssyncset.done $0x0  }
0x276: {  	[sflag:s18] =	ssyncadd.s32 $0xFFFFEC00  }
0x277: {  	_ =	swait.ge [sflag:s18], $0x1400  }
0x278: {  	[sflag:s18] =	ssyncset.done $0x0  }
0x279: {  	s23 =	sadd.s32 $0x2A30, s22;
	[sflag:s18] =	ssyncadd.s32 $0xFFFFEC00  }
0x27a: {  	[spmem:s2] =	stream.indirect.scatter.add.f32 [tilespmem:s26], [sflag:$0x2], $0x40, s23, s30, $0xb8;
	[tilespmem:$0x1B620] =	vst v63  }
0x27b: {  	s23 =	sadd.s32 $0x2A80, s22  }
0x27c: {  	[spmem:s2] =	stream.indirect.scatter.add.f32 [tilespmem:s31], [sflag:$0x2], $0x40, s23, s30, $0xb8;
	[tilespmem:$0x1B620] =	vst v63  }
0x27d: {  	s23 =	sadd.s32 $0x2AD0, s22  }
0x27e: {  	[spmem:s2] =	stream.indirect.scatter.add.f32 [tilespmem:s1], [sflag:$0x2], $0x40, s23, s30, $0xb8;
	[tilespmem:$0x1B620] =	vst v63  }
0x27f: {  	s23 =	sadd.s32 $0x2B20, s22  }
0x280: {  	[spmem:s2] =	stream.indirect.scatter.add.f32 [tilespmem:s15], [sflag:$0x2], $0x40, s23, s30, $0xb8;
	[tilespmem:$0x1B620] =	vst v63  }
0x281: {  	s23 =	sadd.s32 $0x2B70, s22  }
0x282: {  	[spmem:s2] =	stream.indirect.scatter.add.f32 [tilespmem:s17], [sflag:$0x2], $0x40, s23, s30, $0xb8;
	[tilespmem:$0x1B620] =	vst v63  }
0x283: {  	_ =	swait.ge [sflag:s20], $0x1400  }
0x284: {  	[sflag:s20] =	ssyncset.done $0x0  }
0x285: {  	[sflag:s20] =	ssyncadd.s32 $0xFFFFEC00  }
0x286: {  	_ =	swait.ge [sflag:s20], $0x1400  }
0x287: {  	[sflag:s20] =	ssyncset.done $0x0  }
0x288: {  	[sflag:s20] =	ssyncadd.s32 $0xFFFFEC00  }
0x289: {  	_ =	swait.ge [sflag:s20], $0x1400  }
0x28a: {  	[sflag:s20] =	ssyncset.done $0x0  }
0x28b: {  	[sflag:s20] =	ssyncadd.s32 $0xFFFFEC00  }
0x28c: {  	_ =	swait.ge [sflag:s20], $0x1400  }
0x28d: {  	[sflag:s20] =	ssyncset.done $0x0  }
0x28e: {  	[sflag:s20] =	ssyncadd.s32 $0xFFFFEC00  }
0x28f: {  	_ =	swait.ge [sflag:s20], $0x1400  }
0x290: {  	[sflag:s20] =	ssyncset.done $0x0  }
0x291: {  	s23 =	sadd.s32 $0x4B0, s22;
	[sflag:s20] =	ssyncadd.s32 $0xFFFFEC00  }
0x292: {  	[tilespmem:s21], [sflag:$0x1] =	stream.indirect.gather [hbm4b:s4+s30], $0x40, s23, s30, $0xb8;
	[tilespmem:$0x1B620] =	vst v63  }
0x293: {  	s23 =	sadd.s32 $0x500, s22  }
0x294: {  	[tilespmem:s0], [sflag:$0x1] =	stream.indirect.gather [hbm4b:s4+s30], $0x40, s23, s30, $0xb8;
	[tilespmem:$0x1B620] =	vst v63  }
.Ltmp2:
0x295: {  	s23 =	sadd.s32 $0x550, s22;
	(pc) =	sbr.rel @p0 .LBB2_6-.Ltmp2, $4  }
0x296: {  	[tilespmem:s19], [sflag:$0x1] =	stream.indirect.gather [hbm4b:s4+s30], $0x40, s23, s30, $0xb8;
	[tilespmem:$0x1B620] =	vst v63  }
0x297: {  	s23 =	sadd.s32 $0x5A0, s22  }
0x298: {  	[tilespmem:s14], [sflag:$0x1] =	stream.indirect.gather [hbm4b:s4+s30], $0x40, s23, s30, $0xb8;
	[tilespmem:$0x1B620] =	vst v63  }
0x299: {  	s22 =	sadd.s32 $0x5F0, s22  }
0x29a: {  	[tilespmem:s16], [sflag:$0x1] =	stream.indirect.gather [hbm4b:s4+s30], $0x40, s22, s30, $0xb8;
	[tilespmem:$0x1B620] =	vst v63  }
0x29b: {  	_ =	swait.ge [sflag:s18], $0x1400  }
0x29c: {  	[sflag:s18] =	ssyncset.done $0x0  }
0x29d: {  	[sflag:s18] =	ssyncadd.s32 $0xFFFFEC00  }
0x29e: {  	_ =	swait.ge [sflag:s18], $0x1400  }
0x29f: {  	[sflag:s18] =	ssyncset.done $0x0  }
0x2a0: {  	[sflag:s18] =	ssyncadd.s32 $0xFFFFEC00  }
0x2a1: {  	_ =	swait.ge [sflag:s18], $0x1400  }
0x2a2: {  	[sflag:s18] =	ssyncset.done $0x0  }
0x2a3: {  	[sflag:s18] =	ssyncadd.s32 $0xFFFFEC00  }
0x2a4: {  	_ =	swait.ge [sflag:s18], $0x1400  }
0x2a5: {  	[sflag:s18] =	ssyncset.done $0x0  }
0x2a6: {  	[sflag:s18] =	ssyncadd.s32 $0xFFFFEC00  }
0x2a7: {  	_ =	swait.ge [sflag:s18], $0x1400  }
0x2a8: {  	[sflag:s18] =	ssyncset.done $0x0  }
0x2a9: {  	s12 =	simm.s32 $0x4B00;
	[sflag:s18] =	ssyncadd.s32 $0xFFFFEC00  }
0x2aa: {  	[spmem:s2] =	stream.indirect.scatter.add.f32 [tilespmem:s21], [sflag:$0x2], $0x40, s12, s30, $0xb8;
	[tilespmem:$0x1B620] =	vst v63  }
0x2ab: {  	s22 =	simm.s32 $0x4B50  }
0x2ac: {  	[spmem:s2] =	stream.indirect.scatter.add.f32 [tilespmem:s0], [sflag:$0x2], $0x40, s22, s30, $0xb8;
	[tilespmem:$0x1B620] =	vst v63  }
0x2ad: {  	s23 =	simm.s32 $0x4BA0  }
0x2ae: {  	[spmem:s2] =	stream.indirect.scatter.add.f32 [tilespmem:s19], [sflag:$0x2], $0x40, s23, s30, $0xb8;
	[tilespmem:$0x1B620] =	vst v63  }
0x2af: {  	s22 =	simm.s32 $0x4BF0  }
0x2b0: {  	[spmem:s2] =	stream.indirect.scatter.add.f32 [tilespmem:s14], [sflag:$0x2], $0x40, s22, s30, $0xb8;
	[tilespmem:$0x1B620] =	vst v63  }
0x2b1: {  	s23 =	simm.s32 $0x4C40  }
0x2b2: {  	[spmem:s2] =	stream.indirect.scatter.add.f32 [tilespmem:s16], [sflag:$0x2], $0x40, s23, s30, $0xb8;
	[tilespmem:$0x1B620] =	vst v63  }
0x2b3: {  	_ =	swait.ge [sflag:s20], $0x1400  }
0x2b4: {  	[sflag:s20] =	ssyncset.done $0x0  }
0x2b5: {  	[sflag:s20] =	ssyncadd.s32 $0xFFFFEC00  }
0x2b6: {  	_ =	swait.ge [sflag:s20], $0x1400  }
0x2b7: {  	[sflag:s20] =	ssyncset.done $0x0  }
0x2b8: {  	[sflag:s20] =	ssyncadd.s32 $0xFFFFEC00  }
0x2b9: {  	_ =	swait.ge [sflag:s20], $0x1400  }
0x2ba: {  	[sflag:s20] =	ssyncset.done $0x0  }
0x2bb: {  	[sflag:s20] =	ssyncadd.s32 $0xFFFFEC00  }
0x2bc: {  	_ =	swait.ge [sflag:s20], $0x1400  }
0x2bd: {  	[sflag:s20] =	ssyncset.done $0x0  }
0x2be: {  	[sflag:s20] =	ssyncadd.s32 $0xFFFFEC00  }
0x2bf: {  	_ =	swait.ge [sflag:s20], $0x1400  }
0x2c0: {  	[sflag:s20] =	ssyncset.done $0x0  }
0x2c1: {  	s22 =	simm.s32 $0x2580;
	[sflag:s20] =	ssyncadd.s32 $0xFFFFEC00  }
0x2c2: {  	[tilespmem:s26], [sflag:$0x1] =	stream.indirect.gather [hbm4b:s4+s30], $0x40, s22, s30, $0xb8;
	[tilespmem:$0x1B620] =	vst v63  }
0x2c3: {  	s23 =	simm.s32 $0x25D0  }
0x2c4: {  	[tilespmem:s31], [sflag:$0x1] =	stream.indirect.gather [hbm4b:s4+s30], $0x40, s23, s30, $0xb8;
	[tilespmem:$0x1B620] =	vst v63  }
0x2c5: {  	s22 =	simm.s32 $0x2620  }
0x2c6: {  	[tilespmem:s1], [sflag:$0x1] =	stream.indirect.gather [hbm4b:s4+s30], $0x40, s22, s30, $0xb8;
	[tilespmem:$0x1B620] =	vst v63  }
0x2c7: {  	s23 =	simm.s32 $0x2670  }
0x2c8: {  	[tilespmem:s15], [sflag:$0x1] =	stream.indirect.gather [hbm4b:s4+s30], $0x40, s23, s30, $0xb8;
	[tilespmem:$0x1B620] =	vst v63  }
0x2c9: {  	s22 =	simm.s32 $0x26C0  }
0x2ca: {  	[tilespmem:s17], [sflag:$0x1] =	stream.indirect.gather [hbm4b:s4+s30], $0x40, s22, s30, $0xb8;
	[tilespmem:$0x1B620] =	vst v63  }
0x2cb: {  	_ =	swait.ge [sflag:s18], $0x1400  }
0x2cc: {  	[sflag:s18] =	ssyncset.done $0x0  }
0x2cd: {  	[sflag:s18] =	ssyncadd.s32 $0xFFFFEC00  }
0x2ce: {  	_ =	swait.ge [sflag:s18], $0x1400  }
0x2cf: {  	[sflag:s18] =	ssyncset.done $0x0  }
0x2d0: {  	[sflag:s18] =	ssyncadd.s32 $0xFFFFEC00  }
0x2d1: {  	_ =	swait.ge [sflag:s18], $0x1400  }
0x2d2: {  	[sflag:s18] =	ssyncset.done $0x0  }
0x2d3: {  	[sflag:s18] =	ssyncadd.s32 $0xFFFFEC00  }
0x2d4: {  	_ =	swait.ge [sflag:s18], $0x1400  }
0x2d5: {  	[sflag:s18] =	ssyncset.done $0x0  }
0x2d6: {  	[sflag:s18] =	ssyncadd.s32 $0xFFFFEC00  }
0x2d7: {  	_ =	swait.ge [sflag:s18], $0x1400  }
0x2d8: {  	[sflag:s18] =	ssyncset.done $0x0  }
0x2d9: {  	s23 =	simm.s32 $0x4C90;
	[sflag:s18] =	ssyncadd.s32 $0xFFFFEC00  }
0x2da: {  	[spmem:s2] =	stream.indirect.scatter.add.f32 [tilespmem:s26], [sflag:$0x2], $0x40, s23, s30, $0xb8;
	[tilespmem:$0x1B620] =	vst v63  }
0x2db: {  	s22 =	simm.s32 $0x4CE0  }
0x2dc: {  	[spmem:s2] =	stream.indirect.scatter.add.f32 [tilespmem:s31], [sflag:$0x2], $0x40, s22, s30, $0xb8;
	[tilespmem:$0x1B620] =	vst v63  }
0x2dd: {  	s23 =	simm.s32 $0x4D30  }
0x2de: {  	[spmem:s2] =	stream.indirect.scatter.add.f32 [tilespmem:s1], [sflag:$0x2], $0x40, s23, s30, $0xb8;
	[tilespmem:$0x1B620] =	vst v63  }
0x2df: {  	_ = 	snop  }
0x2e0: {  	[spmem:s2] =	stream.indirect.scatter.add.f32 [tilespmem:s15], [sflag:$0x2], $0x40, s24, s30, $0xb8;
	[tilespmem:$0x1B620] =	vst v63  }
0x2e1: {  	_ = 	snop  }
0x2e2: {  	[spmem:s2] =	stream.indirect.scatter.add.f32 [tilespmem:s17], [sflag:$0x2], $0x40, s25, s30, $0xb8;
	[tilespmem:$0x1B620] =	vst v63  }
0x2e3: {  	_ =	swait.ge [sflag:s20], $0x1400  }
0x2e4: {  	[sflag:s20] =	ssyncset.done $0x0  }
0x2e5: {  	[sflag:s20] =	ssyncadd.s32 $0xFFFFEC00  }
0x2e6: {  	_ =	swait.ge [sflag:s20], $0x1400  }
0x2e7: {  	[sflag:s20] =	ssyncset.done $0x0  }
0x2e8: {  	[sflag:s20] =	ssyncadd.s32 $0xFFFFEC00  }
0x2e9: {  	_ =	swait.ge [sflag:s20], $0x1400  }
0x2ea: {  	[sflag:s20] =	ssyncset.done $0x0  }
0x2eb: {  	[sflag:s20] =	ssyncadd.s32 $0xFFFFEC00  }
0x2ec: {  	_ =	swait.ge [sflag:s20], $0x1400  }
0x2ed: {  	[sflag:s20] =	ssyncset.done $0x0  }
0x2ee: {  	[sflag:s20] =	ssyncadd.s32 $0xFFFFEC00  }
0x2ef: {  	_ =	swait.ge [sflag:s20], $0x1400  }
0x2f0: {  	[sflag:s20] =	ssyncset.done $0x0  }
0x2f1: {  	[sflag:s20] =	ssyncadd.s32 $0xFFFFEC00  }
0x2f2: {  	_ =	swait.ge [sflag:s20], $0x1400  }
0x2f3: {  	[sflag:s20] =	ssyncset.done $0x0  }
0x2f4: {  	[sflag:s20] =	ssyncadd.s32 $0xFFFFEC00  }
0x2f5: {  	_ =	swait.ge [sflag:s20], $0x1400  }
0x2f6: {  	[sflag:s20] =	ssyncset.done $0x0  }
0x2f7: {  	[sflag:s20] =	ssyncadd.s32 $0xFFFFEC00  }
0x2f8: {  	_ =	swait.ge [sflag:s20], $0x1400  }
0x2f9: {  	[sflag:s20] =	ssyncset.done $0x0  }
0x2fa: {  	[sflag:s20] =	ssyncadd.s32 $0xFFFFEC00  }
0x2fb: {  	_ =	swait.ge [sflag:s20], $0x1400  }
0x2fc: {  	[sflag:s20] =	ssyncset.done $0x0  }
0x2fd: {  	[sflag:s20] =	ssyncadd.s32 $0xFFFFEC00  }
0x2fe: {  	_ =	swait.ge [sflag:s20], $0x1400  }
0x2ff: {  	[sflag:s20] =	ssyncset.done $0x0  }
0x300: {  	s22 =	stileid.u32;
	[sflag:s20] =	ssyncadd.s32 $0xFFFFEC00  }
0x301: {  	s12 =	sshll.u32 s22, $0x6;
	[bflag:$0x0] =	sbarrier.arrive $0xFFFF  }
0x302: {  	s22 =	sshrl.u32 s5, $0x3;
	s12 =	sor.u32 $0x1C03, s12;
	s23 =	rddreg [dreg:$0x6]  }
0x303: {  	[hbm:s23], [sflag:s12] =	dma.local [spmem:s22], $0x280  }
0x304: {  	_ =	swait.ge [sflag:s28], $0x280  }
0x305: {  	[sflag:s28] =	ssyncset.done $0x0  }
0x306: {  	s22 =	sshrl.u32 s6, $0x3;
	s23 =	rddreg [dreg:$0x7];
	[sflag:s28] =	ssyncadd.s32 $0xFFFFFD80  }
0x307: {  	[hbm:s23], [sflag:s12] =	dma.local [spmem:s22], $0x280  }
0x308: {  	_ =	swait.ge [sflag:s28], $0x280  }
0x309: {  	[sflag:s28] =	ssyncset.done $0x0  }
0x30a: {  	s22 =	sshrl.u32 s7, $0x3;
	s23 =	rddreg [dreg:$0x8];
	[sflag:s28] =	ssyncadd.s32 $0xFFFFFD80  }
0x30b: {  	[hbm:s23], [sflag:s12] =	dma.local [spmem:s22], $0x280  }
0x30c: {  	_ =	swait.ge [sflag:s28], $0x280  }
0x30d: {  	[sflag:s28] =	ssyncset.done $0x0  }
0x30e: {  	s22 =	sshrl.u32 s8, $0x3;
	s23 =	rddreg [dreg:$0x9];
	[sflag:s28] =	ssyncadd.s32 $0xFFFFFD80  }
0x30f: {  	[hbm:s23], [sflag:s12] =	dma.local [spmem:s22], $0x280  }
0x310: {  	_ =	swait.ge [sflag:s28], $0x280  }
0x311: {  	[sflag:s28] =	ssyncset.done $0x0  }
0x312: {  	s22 =	sshrl.u32 s9, $0x3;
	s23 =	rddreg [dreg:$0xa];
	[sflag:s28] =	ssyncadd.s32 $0xFFFFFD80  }
0x313: {  	[hbm:s23], [sflag:s12] =	dma.local [spmem:s22], $0x280  }
0x314: {  	_ =	swait.ge [sflag:s28], $0x280  }
0x315: {  	[sflag:s28] =	ssyncset.done $0x0  }
0x316: {  	s22 =	sshrl.u32 s10, $0x3;
	s23 =	rddreg [dreg:$0xb];
	[sflag:s28] =	ssyncadd.s32 $0xFFFFFD80  }
0x317: {  	[hbm:s23], [sflag:s12] =	dma.local [spmem:s22], $0x280  }
0x318: {  	_ =	swait.ge [sflag:s28], $0x280  }
0x319: {  	[sflag:s28] =	ssyncset.done $0x0  }
0x31a: {  	s22 =	sshrl.u32 s11, $0x3;
	s23 =	rddreg [dreg:$0xc];
	[sflag:s28] =	ssyncadd.s32 $0xFFFFFD80  }
0x31b: {  	[hbm:s23], [sflag:s12] =	dma.local [spmem:s22], $0x280  }
0x31c: {  	_ =	swait.ge [sflag:s28], $0x280  }
0x31d: {  	[sflag:s28] =	ssyncset.done $0x0  }
0x31e: {  	s22 =	sshrl.u32 s13, $0x3;
	s23 =	rddreg [dreg:$0xd];
	[sflag:s28] =	ssyncadd.s32 $0xFFFFFD80  }
0x31f: {  	[hbm:s23], [sflag:s12] =	dma.local [spmem:s22], $0x280  }
0x320: {  	_ =	swait.ge [sflag:s28], $0x280  }
0x321: {  	s3 =	sadd.s32 $0x1, s3;
	s23 =	rddreg [dreg:$0x10]  }
0x322: {  	p0 =	sne.s32 s3, s23  }
.Ltmp3:
0x323: {  	_ = 	snop;
	(pc) =	sbr.rel @p0 .LBB2_1-.Ltmp3, $3  }
0x324: {  	_ =	sdelay $0x1  }
0x325: {  	[sflag:s28] =	ssyncset.done $0x0  }
0x326: {  	[sflag:s28] =	ssyncadd.s32 $0xFFFFFD80  }
0x327: {  	_ =	sfence.sel $0x180000  }
0x328: {  	[bflag:$0x0] =	sbarrier.arrive $0xFFFF  }
0x329: {  	_ =	strace $0x90000047  }
0x32a: {  	s0 =	stileid.u32;
	[bflag:$0x2] =	sbarrier.arrive $0xFFFF  }
0x32b: {  	p0 =	sne.s32 s0, $0x0;
	s0 =	rddreg [dreg:$0x3]  }
0x32c: {  	s0 =	sadd.s32 @!p0 $0x100000, s0  }
0x32d: {  	[sflag:s0] =	ssyncadd.tile.s32 @!p0 $0x1;
	_ =	shalt  }
.Lfunc_end2:
_tile_overlayer_lowered:
.L_overlay_start_2:
0x32e: {  	(tag) =	ssettag $0x2  }
0x32f: {  	s0 =	rddreg [dreg:$0x0];
	s2 =	stileid.u32  }
0x330: {  	s1 =	rddreg [dreg:$0x1];
	p0 =	sne.s32 s2, $0x0  }
0x331: {  	s3 =	rddreg [dreg:$0x2];
	[bflag:$0x3] =	sbarrier.arrive $0xFFFF;
	s2 =	simm.s32 @!p0 $0x1C03  }
0x332: {  	[timem:s3], [sflag:s2] =	dma.local @!p0 [hbm:s0], s1  }
0x333: {  	s0 =	simm.s32 @!p0 $0x3  }
0x334: {  	_ =	swait.ge @!p0 [sflag:s0], s1  }
0x335: {  	s1 =	ssub.s32 @!p0 $0x0, s1;
	[sflag:s0] =	ssyncset.done @!p0 $0x0  }
0x336: {  	[sflag:s0] =	ssyncadd.s32 @!p0 s1  }
0x337: {  	[bflag:$0x3] =	sbarrier.arrive $0xFFFF  }
0x338: {  	_ =	shalt  }

</sc_bundles>
